<compile_context>
chip_gen: v7x
topology: tpu7x:2x2x1
jax: 0.10.2.dev20260603
libtpu: 0.0.44.dev20260713+nightly
codegen_flags: <defaults>
</compile_context>

<pallas_src>
import jax
import jax.numpy as jnp
from jax import lax
from jax.experimental import pallas as pl
from jax.experimental.pallas import tpu as pltpu
from jax.experimental.pallas import tpu_sc as plsc

N = 5000
NP = 5120
NSUB = 16
CH = NP // NSUB
VPC = CH // 16
IOU_T = 0.3
SCORE_T = 0.05


def _iou_sup(lx1, ly1, lx2, ly2, la, x1, y1, x2, y2, a):
    xx1 = jnp.maximum(x1, lx1)
    yy1 = jnp.maximum(y1, ly1)
    xx2 = jnp.minimum(x2, lx2)
    yy2 = jnp.minimum(y2, ly2)
    w = jnp.maximum(0.0, xx2 - xx1 + 1.0)
    h = jnp.maximum(0.0, yy2 - yy1 + 1.0)
    inter = w * h
    iou = inter / (la + a - inter)
    return iou > IOU_T


def _nms_body(x1h, y1h, x2h, y2h, ah, vh, outh,
              x1v, y1v, x2v, y2v, av, pending, keep, lead, shared):
    sid = lax.axis_index("s")
    base = sid * CH
    lanes = lax.broadcasted_iota(jnp.int32, (16,), 0)

    pltpu.sync_copy(x1h, x1v)
    pltpu.sync_copy(y1h, y1v)
    pltpu.sync_copy(x2h, x2v)
    pltpu.sync_copy(y2h, y2v)
    pltpu.sync_copy(ah, av)
    pltpu.sync_copy(vh.at[pl.ds(base, CH)], pending)

    def zero_body(w, _):
        keep[pl.ds(w * 16, 16)] = jnp.zeros((16,), jnp.int32)
        return 0

    lax.fori_loop(0, VPC, zero_body, 0)

    def boxes_at(off):
        return (x1v[pl.ds(off, 16)], y1v[pl.ds(off, 16)],
                x2v[pl.ds(off, 16)], y2v[pl.ds(off, 16)], av[pl.ds(off, 16)])

    def leader_coords(off, lane):
        gidx = lane + off
        return tuple(plsc.load_gather(ref, [gidx])
                     for ref in (x1v, y1v, x2v, y2v, av))

    def suppress_chunk(coords, vmin):
        lx1, ly1, lx2, ly2, la = coords
        for w in range(VPC):
            sup = _iou_sup(lx1, ly1, lx2, ly2, la, *boxes_at(base + w * 16))
            pv = pending[pl.ds(w * 16, 16)]
            newpv = jnp.where(sup, 0, pv)
            pending[pl.ds(w * 16, 16)] = jnp.where(w > vmin, newpv, pv)

    def resolve():
        def vloop(v, _):
            def kloop(k, _):
                pvec = pending[pl.ds(v * 16, 16)] != 0
                is_leader = jnp.any(jnp.logical_and(pvec, lanes == k))

                @pl.when(is_leader)
                def _():
                    lane = jnp.full((16,), 0, jnp.int32) + k
                    coords = leader_coords(base + v * 16, lane)
                    keep[pl.ds(v * 16, 16)] = jnp.where(
                        lanes == k, 1, keep[pl.ds(v * 16, 16)])
                    sup = _iou_sup(*coords, *boxes_at(base + v * 16))
                    pv = pending[pl.ds(v * 16, 16)]
                    keep_lane = jnp.logical_or(lanes <= k,
                                               jnp.logical_not(sup))
                    pending[pl.ds(v * 16, 16)] = jnp.where(keep_lane, pv, 0)
                    suppress_chunk(coords, v)

                return 0

            lax.fori_loop(0, 16, kloop, 0)
            return 0

        lax.fori_loop(0, VPC, vloop, 0)

    def apply_leaders(c):
        pltpu.sync_copy(shared.at[c], lead)

        def vloop(kv, _):
            def kloop(k, _):
                lvec = lead[pl.ds(kv * 16, 16)] != 0
                is_leader = jnp.any(jnp.logical_and(lvec, lanes == k))

                @pl.when(is_leader)
                def _():
                    lane = jnp.full((16,), 0, jnp.int32) + k
                    coords = leader_coords(c * CH + kv * 16, lane)
                    suppress_chunk(coords, -1)

                return 0

            lax.fori_loop(0, 16, kloop, 0)
            return 0

        lax.fori_loop(0, VPC, vloop, 0)

    def phase(c, _):
        @pl.when(sid == c)
        def _():
            resolve()
            pltpu.sync_copy(keep, shared.at[c])

        plsc.subcore_barrier()

        @pl.when(sid > c)
        def _():
            apply_leaders(c)

        return 0

    lax.fori_loop(0, NSUB, phase, 0)
    pltpu.sync_copy(keep, outh.at[pl.ds(base, CH)])


_mesh = plsc.VectorSubcoreMesh(
    core_axis_name="c", subcore_axis_name="s", num_cores=1)

_nms = pl.kernel(
    _nms_body,
    out_type=jax.ShapeDtypeStruct((NP,), jnp.int32),
    mesh=_mesh,
    scratch_types=[
        pltpu.VMEM((NP,), jnp.float32),
        pltpu.VMEM((NP,), jnp.float32),
        pltpu.VMEM((NP,), jnp.float32),
        pltpu.VMEM((NP,), jnp.float32),
        pltpu.VMEM((NP,), jnp.float32),
        pltpu.VMEM((CH,), jnp.int32),
        pltpu.VMEM((CH,), jnp.int32),
        pltpu.VMEM((CH,), jnp.int32),
        pltpu.VMEM_SHARED((NSUB, CH), jnp.int32),
    ],
    compiler_params=pltpu.CompilerParams(needs_layout_passes=False),
)


def kernel(boxes, scores):
    valid = scores >= SCORE_T
    sort_key = jnp.where(valid, scores, -jnp.inf)
    order = jnp.argsort(-sort_key)
    b = jnp.take(boxes, order, axis=0)
    s = jnp.take(scores, order, axis=0)
    v = jnp.take(valid, order, axis=0)

    x1, y1, x2, y2 = b[:, 0], b[:, 1], b[:, 2], b[:, 3]
    area = (x2 - x1 + 1.0) * (y2 - y1 + 1.0)

    pad = NP - N
    x1p = jnp.pad(x1, (0, pad))
    y1p = jnp.pad(y1, (0, pad))
    x2p = jnp.pad(x2, (0, pad))
    y2p = jnp.pad(y2, (0, pad))
    ap = jnp.pad(area, (0, pad), constant_values=1.0)
    vp = jnp.pad(v.astype(jnp.int32), (0, pad))

    keep_i = _nms(x1p, y1p, x2p, y2p, ap, vp)
    keep = keep_i[:N] > 0

    dets = jnp.concatenate([b, s[:, None]], axis=1)
    return jnp.where(keep[:, None], dets, 0.0)

# --- scband reference (transcript-rebuilt; emitter-appended) ---
"""Pipeline reference for scband-faster-rcnn-85529978732841 (READ-ONLY COPY).

The authoritative reference and input builder live on the scoring server;
editing this copy changes nothing except your own understanding.
"""

import jax, jax.numpy as jnp
from jax import lax
import numpy as np

N = 5000
IOU_THRESH = 0.3   # test-time nms_thresh in _fasterRCNN.forward
SCORE_THRESH = 0.05  # test-time score thresh in _fasterRCNN.forward


def setup_inputs(seed: int = 0) -> dict:
    key = jax.random.key(seed)
    k1, k2, k3 = jax.random.split(key, 3)
    # well-formed boxes: x1<x2, y1<y2 in a ~1000px image
    xy = jax.random.uniform(k1, (N, 2), dtype=jnp.float32, minval=0.0, maxval=900.0)
    wh = jax.random.uniform(k2, (N, 2), dtype=jnp.float32, minval=8.0, maxval=120.0)
    boxes = jnp.concatenate([xy, xy + wh], axis=1)
    scores = jax.random.uniform(k3, (N,), dtype=jnp.float32)
    return {"boxes": boxes, "scores": scores}


def _pairwise_iou(b):
    # matches classic py_cpu_nms with the +1 convention used by faster-rcnn
    x1, y1, x2, y2 = b[:, 0], b[:, 1], b[:, 2], b[:, 3]
    area = (x2 - x1 + 1.0) * (y2 - y1 + 1.0)
    xx1 = jnp.maximum(x1[:, None], x1[None, :])
    yy1 = jnp.maximum(y1[:, None], y1[None, :])
    xx2 = jnp.minimum(x2[:, None], x2[None, :])
    yy2 = jnp.minimum(y2[:, None], y2[None, :])
    w = jnp.maximum(0.0, xx2 - xx1 + 1.0)
    h = jnp.maximum(0.0, yy2 - yy1 + 1.0)
    inter = w * h
    return inter / (area[:, None] + area[None, :] - inter)


def reference(boxes, scores):
    # score thresholding (inds = nonzero(scores >= thresh)) done via masking to keep shapes static
    valid = scores >= SCORE_THRESH
    sort_key = jnp.where(valid, scores, -jnp.inf)
    order = jnp.argsort(-sort_key)  # descending score order, invalid pushed to end
    b = jnp.take(boxes, order, axis=0)
    s = jnp.take(scores, order, axis=0)
    v = jnp.take(valid, order, axis=0)

    iou = _pairwise_iou(b)  # O(N^2) compute: the dominant cost
    idx = jnp.arange(N)

    def body(supp, xs):
        row, i, vi = xs
        keep_i = jnp.logical_and(jnp.logical_not(supp[i]), vi)
        new_supp = jnp.logical_or(
            supp,
            jnp.logical_and(keep_i, jnp.logical_and(row > IOU_THRESH, idx > i)),
        )
        return new_supp, keep_i

    supp0 = jnp.zeros((N,), dtype=bool)
    _, keep = lax.scan(body, supp0, (iou, idx, v))

    # output[i, :, 1:] = proposals_single, output[..., score] -> fixed-shape masked [N, 5]
    dets = jnp.concatenate([b, s[:, None]], axis=1)
    out = jnp.where(keep[:, None], dets, 0.0)
    return out


if False:  # reference __main__ guard neutralized (emitter)
    inp = setup_inputs()
    out = reference(**inp)
    print(out.shape, out.dtype)

if __name__ == "__main__":
    import jax
    _d = setup_inputs()
    print(jax.jit(kernel)(*tuple(_d.values())))

</pallas_src>

<mosaic_0001>
#map = affine_map<(d0, d1) -> (0)>
module attributes {stable_mosaic.version = 14 : i64} {
  func.func @_nms_body(%arg0: i32, %arg1: i32, %arg2: memref<5120xf32, #tpu.memory_space<hbm>>, %arg3: memref<5120xf32, #tpu.memory_space<hbm>>, %arg4: memref<5120xf32, #tpu.memory_space<hbm>>, %arg5: memref<5120xf32, #tpu.memory_space<hbm>>, %arg6: memref<5120xf32, #tpu.memory_space<hbm>>, %arg7: memref<5120xi32, #tpu.memory_space<hbm>>, %arg8: memref<5120xi32, #tpu.memory_space<hbm>>, %arg9: memref<5120xf32, #tpu.memory_space<vmem>>, %arg10: memref<5120xf32, #tpu.memory_space<vmem>>, %arg11: memref<5120xf32, #tpu.memory_space<vmem>>, %arg12: memref<5120xf32, #tpu.memory_space<vmem>>, %arg13: memref<5120xf32, #tpu.memory_space<vmem>>, %arg14: memref<320xi32, #tpu.memory_space<vmem>>, %arg15: memref<320xi32, #tpu.memory_space<vmem>>, %arg16: memref<320xi32, #tpu.memory_space<vmem>>, %arg17: memref<16x320xi32, #tpu.memory_space<vmem_shared>>) attributes {dimension_semantics = [#tpu.dimension_semantics<core_parallel>, #tpu.dimension_semantics<subcore_parallel>], iteration_bounds = array<i64: 1, 16>, scalar_prefetch = 0 : i64, scratch_operands = 9 : i64, tpu.core_type = #tpu.core_type<sc_vector_subcore>, window_params = [{transform_indices = #map}, {transform_indices = #map}, {transform_indices = #map}, {transform_indices = #map}, {transform_indices = #map}, {transform_indices = #map}, {transform_indices = #map}]} {
    %mul3A = arith.constant 320 : i32
    %mul3A_0 = arith.muli %arg1, %mul3A : i32
    %iota3A = tpu.iota {dimensions = array<i32: 0>} : vector<16xi32>
    "tpu.region"() ({
      %run_scoped3A = tpu.sem_alloc : memref<!tpu.dma_semaphore, #tpu.memory_space<semaphore_mem>>
      tpu.enqueue_dma source(%arg2 : memref<5120xf32, #tpu.memory_space<hbm>>) target(%arg9 : memref<5120xf32, #tpu.memory_space<vmem>>) target_semaphore(%run_scoped3A : memref<!tpu.dma_semaphore, #tpu.memory_space<semaphore_mem>>)
      tpu.wait_dma2 semaphore(%run_scoped3A : memref<!tpu.dma_semaphore, #tpu.memory_space<semaphore_mem>>) src(%arg2 : memref<5120xf32, #tpu.memory_space<hbm>>) dst(%arg9 : memref<5120xf32, #tpu.memory_space<vmem>>)
      tpu.yield
    }) : () -> ()
    "tpu.region"() ({
      %run_scoped3A = tpu.sem_alloc : memref<!tpu.dma_semaphore, #tpu.memory_space<semaphore_mem>>
      tpu.enqueue_dma source(%arg3 : memref<5120xf32, #tpu.memory_space<hbm>>) target(%arg10 : memref<5120xf32, #tpu.memory_space<vmem>>) target_semaphore(%run_scoped3A : memref<!tpu.dma_semaphore, #tpu.memory_space<semaphore_mem>>)
      tpu.wait_dma2 semaphore(%run_scoped3A : memref<!tpu.dma_semaphore, #tpu.memory_space<semaphore_mem>>) src(%arg3 : memref<5120xf32, #tpu.memory_space<hbm>>) dst(%arg10 : memref<5120xf32, #tpu.memory_space<vmem>>)
      tpu.yield
    }) : () -> ()
    "tpu.region"() ({
      %run_scoped3A = tpu.sem_alloc : memref<!tpu.dma_semaphore, #tpu.memory_space<semaphore_mem>>
      tpu.enqueue_dma source(%arg4 : memref<5120xf32, #tpu.memory_space<hbm>>) target(%arg11 : memref<5120xf32, #tpu.memory_space<vmem>>) target_semaphore(%run_scoped3A : memref<!tpu.dma_semaphore, #tpu.memory_space<semaphore_mem>>)
      tpu.wait_dma2 semaphore(%run_scoped3A : memref<!tpu.dma_semaphore, #tpu.memory_space<semaphore_mem>>) src(%arg4 : memref<5120xf32, #tpu.memory_space<hbm>>) dst(%arg11 : memref<5120xf32, #tpu.memory_space<vmem>>)
      tpu.yield
    }) : () -> ()
    "tpu.region"() ({
      %run_scoped3A = tpu.sem_alloc : memref<!tpu.dma_semaphore, #tpu.memory_space<semaphore_mem>>
      tpu.enqueue_dma source(%arg5 : memref<5120xf32, #tpu.memory_space<hbm>>) target(%arg12 : memref<5120xf32, #tpu.memory_space<vmem>>) target_semaphore(%run_scoped3A : memref<!tpu.dma_semaphore, #tpu.memory_space<semaphore_mem>>)
      tpu.wait_dma2 semaphore(%run_scoped3A : memref<!tpu.dma_semaphore, #tpu.memory_space<semaphore_mem>>) src(%arg5 : memref<5120xf32, #tpu.memory_space<hbm>>) dst(%arg12 : memref<5120xf32, #tpu.memory_space<vmem>>)
      tpu.yield
    }) : () -> ()
    "tpu.region"() ({
      %run_scoped3A = tpu.sem_alloc : memref<!tpu.dma_semaphore, #tpu.memory_space<semaphore_mem>>
      tpu.enqueue_dma source(%arg6 : memref<5120xf32, #tpu.memory_space<hbm>>) target(%arg13 : memref<5120xf32, #tpu.memory_space<vmem>>) target_semaphore(%run_scoped3A : memref<!tpu.dma_semaphore, #tpu.memory_space<semaphore_mem>>)
      tpu.wait_dma2 semaphore(%run_scoped3A : memref<!tpu.dma_semaphore, #tpu.memory_space<semaphore_mem>>) src(%arg6 : memref<5120xf32, #tpu.memory_space<hbm>>) dst(%arg13 : memref<5120xf32, #tpu.memory_space<vmem>>)
      tpu.yield
    }) : () -> ()
    "tpu.region"() ({
      %run_scoped3A = tpu.sem_alloc : memref<!tpu.dma_semaphore, #tpu.memory_space<semaphore_mem>>
      %dma_start3A = tpu.memref_slice %arg7[%mul3A_0] : memref<5120xi32, #tpu.memory_space<hbm>> -> memref<320xi32, #tpu.memory_space<hbm>>
      %dma_start3A_14 = tpu.memref_slice %arg7[%mul3A_0] : memref<5120xi32, #tpu.memory_space<hbm>> -> memref<320xi32, #tpu.memory_space<hbm>>
      tpu.enqueue_dma source(%dma_start3A_14 : memref<320xi32, #tpu.memory_space<hbm>>) target(%arg14 : memref<320xi32, #tpu.memory_space<vmem>>) target_semaphore(%run_scoped3A : memref<!tpu.dma_semaphore, #tpu.memory_space<semaphore_mem>>)
      %dma_wait3A = tpu.memref_slice %arg7[%mul3A_0] : memref<5120xi32, #tpu.memory_space<hbm>> -> memref<320xi32, #tpu.memory_space<hbm>>
      %dma_wait3A_15 = tpu.memref_slice %arg7[%mul3A_0] : memref<5120xi32, #tpu.memory_space<hbm>> -> memref<320xi32, #tpu.memory_space<hbm>>
      tpu.wait_dma2 semaphore(%run_scoped3A : memref<!tpu.dma_semaphore, #tpu.memory_space<semaphore_mem>>) src(%dma_wait3A_15 : memref<320xi32, #tpu.memory_space<hbm>>) dst(%arg14 : memref<320xi32, #tpu.memory_space<vmem>>)
      tpu.yield
    }) : () -> ()
    %scan3A = arith.constant 0 : i32
    %scan3A_1 = arith.constant 0 : i32
    %scan3A_2 = arith.constant 20 : i32
    %scan3A_3 = arith.addi %scan3A_1, %scan3A_2 : i32
    %scan3A_4 = arith.constant 1 : i32
    %scan3A_5 = scf.for %scan3A_14 = %scan3A_1 to %scan3A_3 step %scan3A_4 iter_args(%scan3A_15 = %scan3A) -> (i32)  : i32 {
      %broadcast_in_dim3A = arith.constant 0 : i32
      %broadcast_in_dim3A_16 = vector.broadcast %broadcast_in_dim3A : i32 to vector<16xi32>
      %mul3A_17 = arith.constant 16 : i32
      %mul3A_18 = arith.muli %scan3A_14, %mul3A_17 : i32
      %swap3A = arith.index_cast %mul3A_18 : i32 to index
      %swap3A_19 = tpu.vector_load %arg15[%swap3A] {strides = array<i32>} : memref<320xi32, #tpu.memory_space<vmem>>, vector<16xi32>,
      tpu.vector_store %arg15[%swap3A], %broadcast_in_dim3A_16 {strides = array<i32>} : memref<320xi32, #tpu.memory_space<vmem>>, vector<16xi32>,
      %scan3A_20 = arith.constant 0 : i32
      scf.yield %scan3A_20 : i32
    }
    %scan3A_6 = arith.constant 20 : i32
    %scan3A_7 = arith.constant 0 : i32
    %scan3A_8 = arith.constant 0 : i32
    %scan3A_9 = arith.constant 16 : i32
    %scan3A_10 = arith.addi %scan3A_8, %scan3A_9 : i32
    %scan3A_11 = arith.constant 1 : i32
    %scan3A_12 = scf.for %scan3A_14 = %scan3A_8 to %scan3A_10 step %scan3A_11 iter_args(%scan3A_15 = %scan3A_7) -> (i32)  : i32 {
      %eq3A = arith.cmpi eq, %arg1, %scan3A_14 : i32
      %convert_element_type3A = arith.extui %eq3A : i1 to i32
      %cond3A = arith.constant 0 : i32
      %cond3A_16 = arith.cmpi ne, %convert_element_type3A, %cond3A : i32
      scf.if %cond3A_16 {
        %scan3A_21 = arith.constant 0 : i32
        %scan3A_22 = arith.constant 0 : i32
        %scan3A_23 = arith.constant 20 : i32
        %scan3A_24 = arith.addi %scan3A_22, %scan3A_23 : i32
        %scan3A_25 = arith.constant 1 : i32
        %scan3A_26 = scf.for %scan3A_28 = %scan3A_22 to %scan3A_24 step %scan3A_25 iter_args(%scan3A_29 = %scan3A_21) -> (i32)  : i32 {
          %scan3A_30 = arith.constant 0 : i32
          %scan3A_31 = arith.constant 0 : i32
          %scan3A_32 = arith.constant 16 : i32
          %scan3A_33 = arith.addi %scan3A_31, %scan3A_32 : i32
          %scan3A_34 = arith.constant 1 : i32
          %scan3A_35 = scf.for %scan3A_38 = %scan3A_31 to %scan3A_33 step %scan3A_34 iter_args(%scan3A_39 = %scan3A_30) -> (i32)  : i32 {
            %mul3A_40 = arith.constant 16 : i32
            %mul3A_41 = arith.muli %scan3A_28, %mul3A_40 : i32
            %get3A = arith.index_cast %mul3A_41 : i32 to index
            %get3A_42 = tpu.vector_load %arg14[%get3A] {strides = array<i32>} : memref<320xi32, #tpu.memory_space<vmem>>, vector<16xi32>,
            %ne3A = arith.constant 0 : i32
            %ne3A_43 = vector.broadcast %ne3A : i32 to vector<16xi32>
            %ne3A_44 = arith.cmpi ne, %get3A_42, %ne3A_43 : vector<16xi32>
            %eq3A_45 = vector.broadcast %scan3A_38 : i32 to vector<16xi32>
            %eq3A_46 = arith.cmpi eq, %iota3A, %eq3A_45 : vector<16xi32>
            %and3A = arith.andi %ne3A_44, %eq3A_46 : vector<16xi1>
            %reduce_or3A = arith.constant 1.000000e+00 : f32
            %reduce_or3A_47 = arith.constant 0.000000e+00 : f32
            %reduce_or3A_48 = vector.broadcast %reduce_or3A : f32 to vector<16xf32>
            %reduce_or3A_49 = vector.broadcast %reduce_or3A_47 : f32 to vector<16xf32>
            %reduce_or3A_50 = arith.select %and3A, %reduce_or3A_48, %reduce_or3A_49 : vector<16xi1>, vector<16xf32>
            %reduce_or3A_51 = arith.constant true
            %reduce_or3A_52 = vector.broadcast %reduce_or3A_51 : i1 to vector<16xi1>
            %reduce_or3A_53 = tpu.scan <max>, %reduce_or3A_50 masked %reduce_or3A_52 : vector<16xf32>, vector<16xi1> -> vector<16xf32>
            %reduce_or3A_54 = vector.extract %reduce_or3A_53[15] : f32 from vector<16xf32>
            %reduce_or3A_55 = arith.constant 0.000000e+00 : f32
            %reduce_or3A_56 = arith.cmpf ogt, %reduce_or3A_54, %reduce_or3A_55 : f32
            %convert_element_type3A_57 = arith.extui %reduce_or3A_56 : i1 to i32
            %cond3A_58 = arith.constant 0 : i32
            %cond3A_59 = arith.cmpi ne, %convert_element_type3A_57, %cond3A_58 : i32
            scf.if %cond3A_59 {
              %broadcast_in_dim3A = arith.constant 0 : i32
              %broadcast_in_dim3A_61 = vector.broadcast %broadcast_in_dim3A : i32 to vector<16xi32>
              %add3A = vector.broadcast %scan3A_38 : i32 to vector<16xi32>
              %add3A_62 = arith.addi %broadcast_in_dim3A_61, %add3A : vector<16xi32>
              %mul3A_63 = arith.constant 16 : i32
              %mul3A_64 = arith.muli %scan3A_28, %mul3A_63 : i32
              %add3A_65 = arith.addi %mul3A_0, %mul3A_64 : i32
              %add3A_66 = vector.broadcast %add3A_65 : i32 to vector<16xi32>
              %add3A_67 = arith.addi %add3A_62, %add3A_66 : vector<16xi32>
              %gather3A = tpu.vector_load_idx %arg9[%add3A_67] : memref<5120xf32, #tpu.memory_space<vmem>>[vector<16xi32>], vector<16xf32>,
              %gather3A_68 = tpu.vector_load_idx %arg10[%add3A_67] : memref<5120xf32, #tpu.memory_space<vmem>>[vector<16xi32>], vector<16xf32>,
              %gather3A_69 = tpu.vector_load_idx %arg11[%add3A_67] : memref<5120xf32, #tpu.memory_space<vmem>>[vector<16xi32>], vector<16xf32>,
              %gather3A_70 = tpu.vector_load_idx %arg12[%add3A_67] : memref<5120xf32, #tpu.memory_space<vmem>>[vector<16xi32>], vector<16xf32>,
              %gather3A_71 = tpu.vector_load_idx %arg13[%add3A_67] : memref<5120xf32, #tpu.memory_space<vmem>>[vector<16xi32>], vector<16xf32>,
              %eq3A_72 = vector.broadcast %scan3A_38 : i32 to vector<16xi32>
              %eq3A_73 = arith.cmpi eq, %iota3A, %eq3A_72 : vector<16xi32>
              %mul3A_74 = arith.constant 16 : i32
              %mul3A_75 = arith.muli %scan3A_28, %mul3A_74 : i32
              %get3A_76 = arith.index_cast %mul3A_75 : i32 to index
              %get3A_77 = tpu.vector_load %arg15[%get3A_76] {strides = array<i32>} : memref<320xi32, #tpu.memory_space<vmem>>, vector<16xi32>,
              %jit3A = arith.constant 1 : i32
              %broadcast_in_dim3A_78 = vector.broadcast %jit3A : i32 to vector<16xi32>
              %select_n3A = arith.select %eq3A_73, %broadcast_in_dim3A_78, %get3A_77 : vector<16xi1>, vector<16xi32>
              %mul3A_79 = arith.constant 16 : i32
              %mul3A_80 = arith.muli %scan3A_28, %mul3A_79 : i32
              %swap3A = arith.index_cast %mul3A_80 : i32 to index
              %swap3A_81 = tpu.vector_load %arg15[%swap3A] {strides = array<i32>} : memref<320xi32, #tpu.memory_space<vmem>>, vector<16xi32>,
              tpu.vector_store %arg15[%swap3A], %select_n3A {strides = array<i32>} : memref<320xi32, #tpu.memory_space<vmem>>, vector<16xi32>,
              %mul3A_82 = arith.constant 16 : i32
              %mul3A_83 = arith.muli %scan3A_28, %mul3A_82 : i32
              %add3A_84 = arith.addi %mul3A_0, %mul3A_83 : i32
              %get3A_85 = arith.index_cast %add3A_84 : i32 to index
              %get3A_86 = tpu.vector_load %arg9[%get3A_85] {strides = array<i32>} : memref<5120xf32, #tpu.memory_space<vmem>>, vector<16xf32>,
              %get3A_87 = arith.index_cast %add3A_84 : i32 to index
              %get3A_88 = tpu.vector_load %arg10[%get3A_87] {strides = array<i32>} : memref<5120xf32, #tpu.memory_space<vmem>>, vector<16xf32>,
              %get3A_89 = arith.index_cast %add3A_84 : i32 to index
              %get3A_90 = tpu.vector_load %arg11[%get3A_89] {strides = array<i32>} : memref<5120xf32, #tpu.memory_space<vmem>>, vector<16xf32>,
              %get3A_91 = arith.index_cast %add3A_84 : i32 to index
              %get3A_92 = tpu.vector_load %arg12[%get3A_91] {strides = array<i32>} : memref<5120xf32, #tpu.memory_space<vmem>>, vector<16xf32>,
              %get3A_93 = arith.index_cast %add3A_84 : i32 to index
              %get3A_94 = tpu.vector_load %arg13[%get3A_93] {strides = array<i32>} : memref<5120xf32, #tpu.memory_space<vmem>>, vector<16xf32>,
              %max3A = arith.maximumf %get3A_86, %gather3A : vector<16xf32>
              %max3A_95 = arith.maximumf %get3A_88, %gather3A_68 : vector<16xf32>
              %min3A = arith.minimumf %get3A_90, %gather3A_69 : vector<16xf32>
              %min3A_96 = arith.minimumf %get3A_92, %gather3A_70 : vector<16xf32>
              %sub3A = arith.subf %min3A, %max3A : vector<16xf32>
              %add3A_97 = arith.constant 1.000000e+00 : f32
              %add3A_98 = vector.broadcast %add3A_97 : f32 to vector<16xf32>
              %add3A_99 = arith.addf %sub3A, %add3A_98 : vector<16xf32>
              %max3A_100 = arith.constant 0.000000e+00 : f32
              %max3A_101 = vector.broadcast %max3A_100 : f32 to vector<16xf32>
              %max3A_102 = arith.maximumf %max3A_101, %add3A_99 : vector<16xf32>
              %sub3A_103 = arith.subf %min3A_96, %max3A_95 : vector<16xf32>
              %add3A_104 = arith.constant 1.000000e+00 : f32
              %add3A_105 = vector.broadcast %add3A_104 : f32 to vector<16xf32>
              %add3A_106 = arith.addf %sub3A_103, %add3A_105 : vector<16xf32>
              %max3A_107 = arith.constant 0.000000e+00 : f32
              %max3A_108 = vector.broadcast %max3A_107 : f32 to vector<16xf32>
              %max3A_109 = arith.maximumf %max3A_108, %add3A_106 : vector<16xf32>
              %mul3A_110 = arith.mulf %max3A_102, %max3A_109 : vector<16xf32>
              %add3A_111 = arith.addf %gather3A_71, %get3A_94 : vector<16xf32>
              %sub3A_112 = arith.subf %add3A_111, %mul3A_110 : vector<16xf32>
              %div3A = arith.divf %mul3A_110, %sub3A_112 : vector<16xf32>
              %gt3A_113 = arith.constant 3.000000e-01 : f32
              %gt3A_114 = vector.broadcast %gt3A_113 : f32 to vector<16xf32>
              %gt3A_115 = arith.cmpf ogt, %div3A, %gt3A_114 : vector<16xf32>
              %mul3A_116 = arith.constant 16 : i32
              %mul3A_117 = arith.muli %scan3A_28, %mul3A_116 : i32
              %get3A_118 = arith.index_cast %mul3A_117 : i32 to index
              %get3A_119 = tpu.vector_load %arg14[%get3A_118] {strides = array<i32>} : memref<320xi32, #tpu.memory_space<vmem>>, vector<16xi32>,
              %le3A = vector.broadcast %scan3A_38 : i32 to vector<16xi32>
              %le3A_120 = arith.cmpi sle, %iota3A, %le3A : vector<16xi32>
              %not3A = arith.constant dense<true> : vector<16xi1>
              %not3A_121 = arith.xori %gt3A_115, %not3A : vector<16xi1>
              %or3A = arith.ori %le3A_120, %not3A_121 : vector<16xi1>
              %jit3A_122 = arith.constant 0 : i32
              %broadcast_in_dim3A_123 = vector.broadcast %jit3A_122 : i32 to vector<16xi32>
              %select_n3A_124 = arith.select %or3A, %get3A_119, %broadcast_in_dim3A_123 : vector<16xi1>, vector<16xi32>
              %mul3A_125 = arith.constant 16 : i32
              %mul3A_126 = arith.muli %scan3A_28, %mul3A_125 : i32
              %swap3A_127 = arith.index_cast %mul3A_126 : i32 to index
              %swap3A_128 = tpu.vector_load %arg14[%swap3A_127] {strides = array<i32>} : memref<320xi32, #tpu.memory_space<vmem>>, vector<16xi32>,
              tpu.vector_store %arg14[%swap3A_127], %select_n3A_124 {strides = array<i32>} : memref<320xi32, #tpu.memory_space<vmem>>, vector<16xi32>,
              %add3A_129 = arith.constant 0 : i32
              %add3A_130 = arith.addi %mul3A_0, %add3A_129 : i32
              %get3A_131 = arith.index_cast %add3A_130 : i32 to index
              %get3A_132 = tpu.vector_load %arg9[%get3A_131] {strides = array<i32>} : memref<5120xf32, #tpu.memory_space<vmem>>, vector<16xf32>,
              %get3A_133 = arith.index_cast %add3A_130 : i32 to index
              %get3A_134 = tpu.vector_load %arg10[%get3A_133] {strides = array<i32>} : memref<5120xf32, #tpu.memory_space<vmem>>, vector<16xf32>,
              %get3A_135 = arith.index_cast %add3A_130 : i32 to index
              %get3A_136 = tpu.vector_load %arg11[%get3A_135] {strides = array<i32>} : memref<5120xf32, #tpu.memory_space<vmem>>, vector<16xf32>,
              %get3A_137 = arith.index_cast %add3A_130 : i32 to index
              %get3A_138 = tpu.vector_load %arg12[%get3A_137] {strides = array<i32>} : memref<5120xf32, #tpu.memory_space<vmem>>, vector<16xf32>,
              %get3A_139 = arith.index_cast %add3A_130 : i32 to index
              %get3A_140 = tpu.vector_load %arg13[%get3A_139] {strides = array<i32>} : memref<5120xf32, #tpu.memory_space<vmem>>, vector<16xf32>,
              %max3A_141 = arith.maximumf %get3A_132, %gather3A : vector<16xf32>
              %max3A_142 = arith.maximumf %get3A_134, %gather3A_68 : vector<16xf32>
              %min3A_143 = arith.minimumf %get3A_136, %gather3A_69 : vector<16xf32>
              %min3A_144 = arith.minimumf %get3A_138, %gather3A_70 : vector<16xf32>
              %sub3A_145 = arith.subf %min3A_143, %max3A_141 : vector<16xf32>
              %add3A_146 = arith.constant 1.000000e+00 : f32
              %add3A_147 = vector.broadcast %add3A_146 : f32 to vector<16xf32>
              %add3A_148 = arith.addf %sub3A_145, %add3A_147 : vector<16xf32>
              %max3A_149 = arith.constant 0.000000e+00 : f32
              %max3A_150 = vector.broadcast %max3A_149 : f32 to vector<16xf32>
              %max3A_151 = arith.maximumf %max3A_150, %add3A_148 : vector<16xf32>
              %sub3A_152 = arith.subf %min3A_144, %max3A_142 : vector<16xf32>
              %add3A_153 = arith.constant 1.000000e+00 : f32
              %add3A_154 = vector.broadcast %add3A_153 : f32 to vector<16xf32>
              %add3A_155 = arith.addf %sub3A_152, %add3A_154 : vector<16xf32>
              %max3A_156 = arith.constant 0.000000e+00 : f32
              %max3A_157 = vector.broadcast %max3A_156 : f32 to vector<16xf32>
              %max3A_158 = arith.maximumf %max3A_157, %add3A_155 : vector<16xf32>
              %mul3A_159 = arith.mulf %max3A_151, %max3A_158 : vector<16xf32>
              %add3A_160 = arith.addf %gather3A_71, %get3A_140 : vector<16xf32>
              %sub3A_161 = arith.subf %add3A_160, %mul3A_159 : vector<16xf32>
              %div3A_162 = arith.divf %mul3A_159, %sub3A_161 : vector<16xf32>
              %gt3A_163 = arith.constant 3.000000e-01 : f32
              %gt3A_164 = vector.broadcast %gt3A_163 : f32 to vector<16xf32>
              %gt3A_165 = arith.cmpf ogt, %div3A_162, %gt3A_164 : vector<16xf32>
              %get3A_166 = arith.constant 0 : index
              %get3A_167 = tpu.vector_load %arg14[%get3A_166] {strides = array<i32>} : memref<320xi32, #tpu.memory_space<vmem>>, vector<16xi32>,
              %jit3A_168 = arith.constant 0 : i32
              %broadcast_in_dim3A_169 = vector.broadcast %jit3A_168 : i32 to vector<16xi32>
              %select_n3A_170 = arith.select %gt3A_165, %broadcast_in_dim3A_169, %get3A_167 : vector<16xi1>, vector<16xi32>
              %lt3A = arith.constant 0 : i32
              %lt3A_171 = arith.cmpi slt, %scan3A_28, %lt3A : i32
              %select_n3A_172 = arith.select %lt3A_171, %select_n3A_170, %get3A_167 : vector<16xi32>
              %swap3A_173 = arith.constant 0 : index
              %swap3A_174 = tpu.vector_load %arg14[%swap3A_173] {strides = array<i32>} : memref<320xi32, #tpu.memory_space<vmem>>, vector<16xi32>,
              tpu.vector_store %arg14[%swap3A_173], %select_n3A_172 {strides = array<i32>} : memref<320xi32, #tpu.memory_space<vmem>>, vector<16xi32>,
              %add3A_175 = arith.constant 16 : i32
              %add3A_176 = arith.addi %mul3A_0, %add3A_175 : i32
              %get3A_177 = arith.index_cast %add3A_176 : i32 to index
              %get3A_178 = tpu.vector_load %arg9[%get3A_177] {strides = array<i32>} : memref<5120xf32, #tpu.memory_space<vmem>>, vector<16xf32>,
              %get3A_179 = arith.index_cast %add3A_176 : i32 to index
              %get3A_180 = tpu.vector_load %arg10[%get3A_179] {strides = array<i32>} : memref<5120xf32, #tpu.memory_space<vmem>>, vector<16xf32>,
              %get3A_181 = arith.index_cast %add3A_176 : i32 to index
              %get3A_182 = tpu.vector_load %arg11[%get3A_181] {strides = array<i32>} : memref<5120xf32, #tpu.memory_space<vmem>>, vector<16xf32>,
              %get3A_183 = arith.index_cast %add3A_176 : i32 to index
              %get3A_184 = tpu.vector_load %arg12[%get3A_183] {strides = array<i32>} : memref<5120xf32, #tpu.memory_space<vmem>>, vector<16xf32>,
              %get3A_185 = arith.index_cast %add3A_176 : i32 to index
              %get3A_186 = tpu.vector_load %arg13[%get3A_185] {strides = array<i32>} : memref<5120xf32, #tpu.memory_space<vmem>>, vector<16xf32>,
              %max3A_187 = arith.maximumf %get3A_178, %gather3A : vector<16xf32>
              %max3A_188 = arith.maximumf %get3A_180, %gather3A_68 : vector<16xf32>
              %min3A_189 = arith.minimumf %get3A_182, %gather3A_69 : vector<16xf32>
              %min3A_190 = arith.minimumf %get3A_184, %gather3A_70 : vector<16xf32>
              %sub3A_191 = arith.subf %min3A_189, %max3A_187 : vector<16xf32>
              %add3A_192 = arith.constant 1.000000e+00 : f32
              %add3A_193 = vector.broadcast %add3A_192 : f32 to vector<16xf32>
              %add3A_194 = arith.addf %sub3A_191, %add3A_193 : vector<16xf32>
              %max3A_195 = arith.constant 0.000000e+00 : f32
              %max3A_196 = vector.broadcast %max3A_195 : f32 to vector<16xf32>
              %max3A_197 = arith.maximumf %max3A_196, %add3A_194 : vector<16xf32>
              %sub3A_198 = arith.subf %min3A_190, %max3A_188 : vector<16xf32>
              %add3A_199 = arith.constant 1.000000e+00 : f32
              %add3A_200 = vector.broadcast %add3A_199 : f32 to vector<16xf32>
              %add3A_201 = arith.addf %sub3A_198, %add3A_200 : vector<16xf32>
              %max3A_202 = arith.constant 0.000000e+00 : f32
              %max3A_203 = vector.broadcast %max3A_202 : f32 to vector<16xf32>
              %max3A_204 = arith.maximumf %max3A_203, %add3A_201 : vector<16xf32>
              %mul3A_205 = arith.mulf %max3A_197, %max3A_204 : vector<16xf32>
              %add3A_206 = arith.addf %gather3A_71, %get3A_186 : vector<16xf32>
              %sub3A_207 = arith.subf %add3A_206, %mul3A_205 : vector<16xf32>
              %div3A_208 = arith.divf %mul3A_205, %sub3A_207 : vector<16xf32>
              %gt3A_209 = arith.constant 3.000000e-01 : f32
              %gt3A_210 = vector.broadcast %gt3A_209 : f32 to vector<16xf32>
              %gt3A_211 = arith.cmpf ogt, %div3A_208, %gt3A_210 : vector<16xf32>
              %get3A_212 = arith.constant 16 : index
              %get3A_213 = tpu.vector_load %arg14[%get3A_212] {strides = array<i32>} : memref<320xi32, #tpu.memory_space<vmem>>, vector<16xi32>,
              %jit3A_214 = arith.constant 0 : i32
              %broadcast_in_dim3A_215 = vector.broadcast %jit3A_214 : i32 to vector<16xi32>
              %select_n3A_216 = arith.select %gt3A_211, %broadcast_in_dim3A_215, %get3A_213 : vector<16xi1>, vector<16xi32>
              %lt3A_217 = arith.constant 1 : i32
              %lt3A_218 = arith.cmpi slt, %scan3A_28, %lt3A_217 : i32
              %select_n3A_219 = arith.select %lt3A_218, %select_n3A_216, %get3A_213 : vector<16xi32>
              %swap3A_220 = arith.constant 16 : index
              %swap3A_221 = tpu.vector_load %arg14[%swap3A_220] {strides = array<i32>} : memref<320xi32, #tpu.memory_space<vmem>>, vector<16xi32>,
              tpu.vector_store %arg14[%swap3A_220], %select_n3A_219 {strides = array<i32>} : memref<320xi32, #tpu.memory_space<vmem>>, vector<16xi32>,
              %add3A_222 = arith.constant 32 : i32
              %add3A_223 = arith.addi %mul3A_0, %add3A_222 : i32
              %get3A_224 = arith.index_cast %add3A_223 : i32 to index
              %get3A_225 = tpu.vector_load %arg9[%get3A_224] {strides = array<i32>} : memref<5120xf32, #tpu.memory_space<vmem>>, vector<16xf32>,
              %get3A_226 = arith.index_cast %add3A_223 : i32 to index
              %get3A_227 = tpu.vector_load %arg10[%get3A_226] {strides = array<i32>} : memref<5120xf32, #tpu.memory_space<vmem>>, vector<16xf32>,
              %get3A_228 = arith.index_cast %add3A_223 : i32 to index
              %get3A_229 = tpu.vector_load %arg11[%get3A_228] {strides = array<i32>} : memref<5120xf32, #tpu.memory_space<vmem>>, vector<16xf32>,
              %get3A_230 = arith.index_cast %add3A_223 : i32 to index
              %get3A_231 = tpu.vector_load %arg12[%get3A_230] {strides = array<i32>} : memref<5120xf32, #tpu.memory_space<vmem>>, vector<16xf32>,
              %get3A_232 = arith.index_cast %add3A_223 : i32 to index
              %get3A_233 = tpu.vector_load %arg13[%get3A_232] {strides = array<i32>} : memref<5120xf32, #tpu.memory_space<vmem>>, vector<16xf32>,
              %max3A_234 = arith.maximumf %get3A_225, %gather3A : vector<16xf32>
              %max3A_235 = arith.maximumf %get3A_227, %gather3A_68 : vector<16xf32>
              %min3A_236 = arith.minimumf %get3A_229, %gather3A_69 : vector<16xf32>
              %min3A_237 = arith.minimumf %get3A_231, %gather3A_70 : vector<16xf32>
              %sub3A_238 = arith.subf %min3A_236, %max3A_234 : vector<16xf32>
              %add3A_239 = arith.constant 1.000000e+00 : f32
              %add3A_240 = vector.broadcast %add3A_239 : f32 to vector<16xf32>
              %add3A_241 = arith.addf %sub3A_238, %add3A_240 : vector<16xf32>
              %max3A_242 = arith.constant 0.000000e+00 : f32
              %max3A_243 = vector.broadcast %max3A_242 : f32 to vector<16xf32>
              %max3A_244 = arith.maximumf %max3A_243, %add3A_241 : vector<16xf32>
              %sub3A_245 = arith.subf %min3A_237, %max3A_235 : vector<16xf32>
              %add3A_246 = arith.constant 1.000000e+00 : f32
              %add3A_247 = vector.broadcast %add3A_246 : f32 to vector<16xf32>
              %add3A_248 = arith.addf %sub3A_245, %add3A_247 : vector<16xf32>
              %max3A_249 = arith.constant 0.000000e+00 : f32
              %max3A_250 = vector.broadcast %max3A_249 : f32 to vector<16xf32>
              %max3A_251 = arith.maximumf %max3A_250, %add3A_248 : vector<16xf32>
              %mul3A_252 = arith.mulf %max3A_244, %max3A_251 : vector<16xf32>
              %add3A_253 = arith.addf %gather3A_71, %get3A_233 : vector<16xf32>
              %sub3A_254 = arith.subf %add3A_253, %mul3A_252 : vector<16xf32>
              %div3A_255 = arith.divf %mul3A_252, %sub3A_254 : vector<16xf32>
              %gt3A_256 = arith.constant 3.000000e-01 : f32
              %gt3A_257 = vector.broadcast %gt3A_256 : f32 to vector<16xf32>
              %gt3A_258 = arith.cmpf ogt, %div3A_255, %gt3A_257 : vector<16xf32>
              %get3A_259 = arith.constant 32 : index
              %get3A_260 = tpu.vector_load %arg14[%get3A_259] {strides = array<i32>} : memref<320xi32, #tpu.memory_space<vmem>>, vector<16xi32>,
              %jit3A_261 = arith.constant 0 : i32
              %broadcast_in_dim3A_262 = vector.broadcast %jit3A_261 : i32 to vector<16xi32>
              %select_n3A_263 = arith.select %gt3A_258, %broadcast_in_dim3A_262, %get3A_260 : vector<16xi1>, vector<16xi32>
              %lt3A_264 = arith.constant 2 : i32
              %lt3A_265 = arith.cmpi slt, %scan3A_28, %lt3A_264 : i32
              %select_n3A_266 = arith.select %lt3A_265, %select_n3A_263, %get3A_260 : vector<16xi32>
              %swap3A_267 = arith.constant 32 : index
              %swap3A_268 = tpu.vector_load %arg14[%swap3A_267] {strides = array<i32>} : memref<320xi32, #tpu.memory_space<vmem>>, vector<16xi32>,
              tpu.vector_store %arg14[%swap3A_267], %select_n3A_266 {strides = array<i32>} : memref<320xi32, #tpu.memory_space<vmem>>, vector<16xi32>,
              %add3A_269 = arith.constant 48 : i32
              %add3A_270 = arith.addi %mul3A_0, %add3A_269 : i32
              %get3A_271 = arith.index_cast %add3A_270 : i32 to index
              %get3A_272 = tpu.vector_load %arg9[%get3A_271] {strides = array<i32>} : memref<5120xf32, #tpu.memory_space<vmem>>, vector<16xf32>,
              %get3A_273 = arith.index_cast %add3A_270 : i32 to index
              %get3A_274 = tpu.vector_load %arg10[%get3A_273] {strides = array<i32>} : memref<5120xf32, #tpu.memory_space<vmem>>, vector<16xf32>,
              %get3A_275 = arith.index_cast %add3A_270 : i32 to index
              %get3A_276 = tpu.vector_load %arg11[%get3A_275] {strides = array<i32>} : memref<5120xf32, #tpu.memory_space<vmem>>, vector<16xf32>,
              %get3A_277 = arith.index_cast %add3A_270 : i32 to index
              %get3A_278 = tpu.vector_load %arg12[%get3A_277] {strides = array<i32>} : memref<5120xf32, #tpu.memory_space<vmem>>, vector<16xf32>,
              %get3A_279 = arith.index_cast %add3A_270 : i32 to index
              %get3A_280 = tpu.vector_load %arg13[%get3A_279] {strides = array<i32>} : memref<5120xf32, #tpu.memory_space<vmem>>, vector<16xf32>,
              %max3A_281 = arith.maximumf %get3A_272, %gather3A : vector<16xf32>
              %max3A_282 = arith.maximumf %get3A_274, %gather3A_68 : vector<16xf32>
              %min3A_283 = arith.minimumf %get3A_276, %gather3A_69 : vector<16xf32>
              %min3A_284 = arith.minimumf %get3A_278, %gather3A_70 : vector<16xf32>
              %sub3A_285 = arith.subf %min3A_283, %max3A_281 : vector<16xf32>
              %add3A_286 = arith.constant 1.000000e+00 : f32
              %add3A_287 = vector.broadcast %add3A_286 : f32 to vector<16xf32>
              %add3A_288 = arith.addf %sub3A_285, %add3A_287 : vector<16xf32>
              %max3A_289 = arith.constant 0.000000e+00 : f32
              %max3A_290 = vector.broadcast %max3A_289 : f32 to vector<16xf32>
              %max3A_291 = arith.maximumf %max3A_290, %add3A_288 : vector<16xf32>
              %sub3A_292 = arith.subf %min3A_284, %max3A_282 : vector<16xf32>
              %add3A_293 = arith.constant 1.000000e+00 : f32
              %add3A_294 = vector.broadcast %add3A_293 : f32 to vector<16xf32>
              %add3A_295 = arith.addf %sub3A_292, %add3A_294 : vector<16xf32>
              %max3A_296 = arith.constant 0.000000e+00 : f32
              %max3A_297 = vector.broadcast %max3A_296 : f32 to vector<16xf32>
              %max3A_298 = arith.maximumf %max3A_297, %add3A_295 : vector<16xf32>
              %mul3A_299 = arith.mulf %max3A_291, %max3A_298 : vector<16xf32>
              %add3A_300 = arith.addf %gather3A_71, %get3A_280 : vector<16xf32>
              %sub3A_301 = arith.subf %add3A_300, %mul3A_299 : vector<16xf32>
              %div3A_302 = arith.divf %mul3A_299, %sub3A_301 : vector<16xf32>
              %gt3A_303 = arith.constant 3.000000e-01 : f32
              %gt3A_304 = vector.broadcast %gt3A_303 : f32 to vector<16xf32>
              %gt3A_305 = arith.cmpf ogt, %div3A_302, %gt3A_304 : vector<16xf32>
              %get3A_306 = arith.constant 48 : index
              %get3A_307 = tpu.vector_load %arg14[%get3A_306] {strides = array<i32>} : memref<320xi32, #tpu.memory_space<vmem>>, vector<16xi32>,
              %jit3A_308 = arith.constant 0 : i32
              %broadcast_in_dim3A_309 = vector.broadcast %jit3A_308 : i32 to vector<16xi32>
              %select_n3A_310 = arith.select %gt3A_305, %broadcast_in_dim3A_309, %get3A_307 : vector<16xi1>, vector<16xi32>
              %lt3A_311 = arith.constant 3 : i32
              %lt3A_312 = arith.cmpi slt, %scan3A_28, %lt3A_311 : i32
              %select_n3A_313 = arith.select %lt3A_312, %select_n3A_310, %get3A_307 : vector<16xi32>
              %swap3A_314 = arith.constant 48 : index
              %swap3A_315 = tpu.vector_load %arg14[%swap3A_314] {strides = array<i32>} : memref<320xi32, #tpu.memory_space<vmem>>, vector<16xi32>,
              tpu.vector_store %arg14[%swap3A_314], %select_n3A_313 {strides = array<i32>} : memref<320xi32, #tpu.memory_space<vmem>>, vector<16xi32>,
              %add3A_316 = arith.constant 64 : i32
              %add3A_317 = arith.addi %mul3A_0, %add3A_316 : i32
              %get3A_318 = arith.index_cast %add3A_317 : i32 to index
              %get3A_319 = tpu.vector_load %arg9[%get3A_318] {strides = array<i32>} : memref<5120xf32, #tpu.memory_space<vmem>>, vector<16xf32>,
              %get3A_320 = arith.index_cast %add3A_317 : i32 to index
              %get3A_321 = tpu.vector_load %arg10[%get3A_320] {strides = array<i32>} : memref<5120xf32, #tpu.memory_space<vmem>>, vector<16xf32>,
              %get3A_322 = arith.index_cast %add3A_317 : i32 to index
              %get3A_323 = tpu.vector_load %arg11[%get3A_322] {strides = array<i32>} : memref<5120xf32, #tpu.memory_space<vmem>>, vector<16xf32>,
              %get3A_324 = arith.index_cast %add3A_317 : i32 to index
              %get3A_325 = tpu.vector_load %arg12[%get3A_324] {strides = array<i32>} : memref<5120xf32, #tpu.memory_space<vmem>>, vector<16xf32>,
              %get3A_326 = arith.index_cast %add3A_317 : i32 to index
              %get3A_327 = tpu.vector_load %arg13[%get3A_326] {strides = array<i32>} : memref<5120xf32, #tpu.memory_space<vmem>>, vector<16xf32>,
              %max3A_328 = arith.maximumf %get3A_319, %gather3A : vector<16xf32>
              %max3A_329 = arith.maximumf %get3A_321, %gather3A_68 : vector<16xf32>
              %min3A_330 = arith.minimumf %get3A_323, %gather3A_69 : vector<16xf32>
              %min3A_331 = arith.minimumf %get3A_325, %gather3A_70 : vector<16xf32>
              %sub3A_332 = arith.subf %min3A_330, %max3A_328 : vector<16xf32>
              %add3A_333 = arith.constant 1.000000e+00 : f32
              %add3A_334 = vector.broadcast %add3A_333 : f32 to vector<16xf32>
              %add3A_335 = arith.addf %sub3A_332, %add3A_334 : vector<16xf32>
              %max3A_336 = arith.constant 0.000000e+00 : f32
              %max3A_337 = vector.broadcast %max3A_336 : f32 to vector<16xf32>
              %max3A_338 = arith.maximumf %max3A_337, %add3A_335 : vector<16xf32>
              %sub3A_339 = arith.subf %min3A_331, %max3A_329 : vector<16xf32>
              %add3A_340 = arith.constant 1.000000e+00 : f32
              %add3A_341 = vector.broadcast %add3A_340 : f32 to vector<16xf32>
              %add3A_342 = arith.addf %sub3A_339, %add3A_341 : vector<16xf32>
              %max3A_343 = arith.constant 0.000000e+00 : f32
              %max3A_344 = vector.broadcast %max3A_343 : f32 to vector<16xf32>
              %max3A_345 = arith.maximumf %max3A_344, %add3A_342 : vector<16xf32>
              %mul3A_346 = arith.mulf %max3A_338, %max3A_345 : vector<16xf32>
              %add3A_347 = arith.addf %gather3A_71, %get3A_327 : vector<16xf32>
              %sub3A_348 = arith.subf %add3A_347, %mul3A_346 : vector<16xf32>
              %div3A_349 = arith.divf %mul3A_346, %sub3A_348 : vector<16xf32>
              %gt3A_350 = arith.constant 3.000000e-01 : f32
              %gt3A_351 = vector.broadcast %gt3A_350 : f32 to vector<16xf32>
              %gt3A_352 = arith.cmpf ogt, %div3A_349, %gt3A_351 : vector<16xf32>
              %get3A_353 = arith.constant 64 : index
              %get3A_354 = tpu.vector_load %arg14[%get3A_353] {strides = array<i32>} : memref<320xi32, #tpu.memory_space<vmem>>, vector<16xi32>,
              %jit3A_355 = arith.constant 0 : i32
              %broadcast_in_dim3A_356 = vector.broadcast %jit3A_355 : i32 to vector<16xi32>
              %select_n3A_357 = arith.select %gt3A_352, %broadcast_in_dim3A_356, %get3A_354 : vector<16xi1>, vector<16xi32>
              %lt3A_358 = arith.constant 4 : i32
              %lt3A_359 = arith.cmpi slt, %scan3A_28, %lt3A_358 : i32
              %select_n3A_360 = arith.select %lt3A_359, %select_n3A_357, %get3A_354 : vector<16xi32>
              %swap3A_361 = arith.constant 64 : index
              %swap3A_362 = tpu.vector_load %arg14[%swap3A_361] {strides = array<i32>} : memref<320xi32, #tpu.memory_space<vmem>>, vector<16xi32>,
              tpu.vector_store %arg14[%swap3A_361], %select_n3A_360 {strides = array<i32>} : memref<320xi32, #tpu.memory_space<vmem>>, vector<16xi32>,
              %add3A_363 = arith.constant 80 : i32
              %add3A_364 = arith.addi %mul3A_0, %add3A_363 : i32
              %get3A_365 = arith.index_cast %add3A_364 : i32 to index
              %get3A_366 = tpu.vector_load %arg9[%get3A_365] {strides = array<i32>} : memref<5120xf32, #tpu.memory_space<vmem>>, vector<16xf32>,
              %get3A_367 = arith.index_cast %add3A_364 : i32 to index
              %get3A_368 = tpu.vector_load %arg10[%get3A_367] {strides = array<i32>} : memref<5120xf32, #tpu.memory_space<vmem>>, vector<16xf32>,
              %get3A_369 = arith.index_cast %add3A_364 : i32 to index
              %get3A_370 = tpu.vector_load %arg11[%get3A_369] {strides = array<i32>} : memref<5120xf32, #tpu.memory_space<vmem>>, vector<16xf32>,
              %get3A_371 = arith.index_cast %add3A_364 : i32 to index
              %get3A_372 = tpu.vector_load %arg12[%get3A_371] {strides = array<i32>} : memref<5120xf32, #tpu.memory_space<vmem>>, vector<16xf32>,
              %get3A_373 = arith.index_cast %add3A_364 : i32 to index
              %get3A_374 = tpu.vector_load %arg13[%get3A_373] {strides = array<i32>} : memref<5120xf32, #tpu.memory_space<vmem>>, vector<16xf32>,
              %max3A_375 = arith.maximumf %get3A_366, %gather3A : vector<16xf32>
              %max3A_376 = arith.maximumf %get3A_368, %gather3A_68 : vector<16xf32>
              %min3A_377 = arith.minimumf %get3A_370, %gather3A_69 : vector<16xf32>
              %min3A_378 = arith.minimumf %get3A_372, %gather3A_70 : vector<16xf32>
              %sub3A_379 = arith.subf %min3A_377, %max3A_375 : vector<16xf32>
              %add3A_380 = arith.constant 1.000000e+00 : f32
              %add3A_381 = vector.broadcast %add3A_380 : f32 to vector<16xf32>
              %add3A_382 = arith.addf %sub3A_379, %add3A_381 : vector<16xf32>
              %max3A_383 = arith.constant 0.000000e+00 : f32
              %max3A_384 = vector.broadcast %max3A_383 : f32 to vector<16xf32>
              %max3A_385 = arith.maximumf %max3A_384, %add3A_382 : vector<16xf32>
              %sub3A_386 = arith.subf %min3A_378, %max3A_376 : vector<16xf32>
              %add3A_387 = arith.constant 1.000000e+00 : f32
              %add3A_388 = vector.broadcast %add3A_387 : f32 to vector<16xf32>
              %add3A_389 = arith.addf %sub3A_386, %add3A_388 : vector<16xf32>
              %max3A_390 = arith.constant 0.000000e+00 : f32
              %max3A_391 = vector.broadcast %max3A_390 : f32 to vector<16xf32>
              %max3A_392 = arith.maximumf %max3A_391, %add3A_389 : vector<16xf32>
              %mul3A_393 = arith.mulf %max3A_385, %max3A_392 : vector<16xf32>
              %add3A_394 = arith.addf %gather3A_71, %get3A_374 : vector<16xf32>
              %sub3A_395 = arith.subf %add3A_394, %mul3A_393 : vector<16xf32>
              %div3A_396 = arith.divf %mul3A_393, %sub3A_395 : vector<16xf32>
              %gt3A_397 = arith.constant 3.000000e-01 : f32
              %gt3A_398 = vector.broadcast %gt3A_397 : f32 to vector<16xf32>
              %gt3A_399 = arith.cmpf ogt, %div3A_396, %gt3A_398 : vector<16xf32>
              %get3A_400 = arith.constant 80 : index
              %get3A_401 = tpu.vector_load %arg14[%get3A_400] {strides = array<i32>} : memref<320xi32, #tpu.memory_space<vmem>>, vector<16xi32>,
              %jit3A_402 = arith.constant 0 : i32
              %broadcast_in_dim3A_403 = vector.broadcast %jit3A_402 : i32 to vector<16xi32>
              %select_n3A_404 = arith.select %gt3A_399, %broadcast_in_dim3A_403, %get3A_401 : vector<16xi1>, vector<16xi32>
              %lt3A_405 = arith.constant 5 : i32
              %lt3A_406 = arith.cmpi slt, %scan3A_28, %lt3A_405 : i32
              %select_n3A_407 = arith.select %lt3A_406, %select_n3A_404, %get3A_401 : vector<16xi32>
              %swap3A_408 = arith.constant 80 : index
              %swap3A_409 = tpu.vector_load %arg14[%swap3A_408] {strides = array<i32>} : memref<320xi32, #tpu.memory_space<vmem>>, vector<16xi32>,
              tpu.vector_store %arg14[%swap3A_408], %select_n3A_407 {strides = array<i32>} : memref<320xi32, #tpu.memory_space<vmem>>, vector<16xi32>,
              %add3A_410 = arith.constant 96 : i32
              %add3A_411 = arith.addi %mul3A_0, %add3A_410 : i32
              %get3A_412 = arith.index_cast %add3A_411 : i32 to index
              %get3A_413 = tpu.vector_load %arg9[%get3A_412] {strides = array<i32>} : memref<5120xf32, #tpu.memory_space<vmem>>, vector<16xf32>,
              %get3A_414 = arith.index_cast %add3A_411 : i32 to index
              %get3A_415 = tpu.vector_load %arg10[%get3A_414] {strides = array<i32>} : memref<5120xf32, #tpu.memory_space<vmem>>, vector<16xf32>,
              %get3A_416 = arith.index_cast %add3A_411 : i32 to index
              %get3A_417 = tpu.vector_load %arg11[%get3A_416] {strides = array<i32>} : memref<5120xf32, #tpu.memory_space<vmem>>, vector<16xf32>,
              %get3A_418 = arith.index_cast %add3A_411 : i32 to index
              %get3A_419 = tpu.vector_load %arg12[%get3A_418] {strides = array<i32>} : memref<5120xf32, #tpu.memory_space<vmem>>, vector<16xf32>,
              %get3A_420 = arith.index_cast %add3A_411 : i32 to index
              %get3A_421 = tpu.vector_load %arg13[%get3A_420] {strides = array<i32>} : memref<5120xf32, #tpu.memory_space<vmem>>, vector<16xf32>,
              %max3A_422 = arith.maximumf %get3A_413, %gather3A : vector<16xf32>
              %max3A_423 = arith.maximumf %get3A_415, %gather3A_68 : vector<16xf32>
              %min3A_424 = arith.minimumf %get3A_417, %gather3A_69 : vector<16xf32>
              %min3A_425 = arith.minimumf %get3A_419, %gather3A_70 : vector<16xf32>
              %sub3A_426 = arith.subf %min3A_424, %max3A_422 : vector<16xf32>
              %add3A_427 = arith.constant 1.000000e+00 : f32
              %add3A_428 = vector.broadcast %add3A_427 : f32 to vector<16xf32>
              %add3A_429 = arith.addf %sub3A_426, %add3A_428 : vector<16xf32>
              %max3A_430 = arith.constant 0.000000e+00 : f32
              %max3A_431 = vector.broadcast %max3A_430 : f32 to vector<16xf32>
              %max3A_432 = arith.maximumf %max3A_431, %add3A_429 : vector<16xf32>
              %sub3A_433 = arith.subf %min3A_425, %max3A_423 : vector<16xf32>
              %add3A_434 = arith.constant 1.000000e+00 : f32
              %add3A_435 = vector.broadcast %add3A_434 : f32 to vector<16xf32>
              %add3A_436 = arith.addf %sub3A_433, %add3A_435 : vector<16xf32>
              %max3A_437 = arith.constant 0.000000e+00 : f32
              %max3A_438 = vector.broadcast %max3A_437 : f32 to vector<16xf32>
              %max3A_439 = arith.maximumf %max3A_438, %add3A_436 : vector<16xf32>
              %mul3A_440 = arith.mulf %max3A_432, %max3A_439 : vector<16xf32>
              %add3A_441 = arith.addf %gather3A_71, %get3A_421 : vector<16xf32>
              %sub3A_442 = arith.subf %add3A_441, %mul3A_440 : vector<16xf32>
              %div3A_443 = arith.divf %mul3A_440, %sub3A_442 : vector<16xf32>
              %gt3A_444 = arith.constant 3.000000e-01 : f32
              %gt3A_445 = vector.broadcast %gt3A_444 : f32 to vector<16xf32>
              %gt3A_446 = arith.cmpf ogt, %div3A_443, %gt3A_445 : vector<16xf32>
              %get3A_447 = arith.constant 96 : index
              %get3A_448 = tpu.vector_load %arg14[%get3A_447] {strides = array<i32>} : memref<320xi32, #tpu.memory_space<vmem>>, vector<16xi32>,
              %jit3A_449 = arith.constant 0 : i32
              %broadcast_in_dim3A_450 = vector.broadcast %jit3A_449 : i32 to vector<16xi32>
              %select_n3A_451 = arith.select %gt3A_446, %broadcast_in_dim3A_450, %get3A_448 : vector<16xi1>, vector<16xi32>
              %lt3A_452 = arith.constant 6 : i32
              %lt3A_453 = arith.cmpi slt, %scan3A_28, %lt3A_452 : i32
              %select_n3A_454 = arith.select %lt3A_453, %select_n3A_451, %get3A_448 : vector<16xi32>
              %swap3A_455 = arith.constant 96 : index
              %swap3A_456 = tpu.vector_load %arg14[%swap3A_455] {strides = array<i32>} : memref<320xi32, #tpu.memory_space<vmem>>, vector<16xi32>,
              tpu.vector_store %arg14[%swap3A_455], %select_n3A_454 {strides = array<i32>} : memref<320xi32, #tpu.memory_space<vmem>>, vector<16xi32>,
              %add3A_457 = arith.constant 112 : i32
              %add3A_458 = arith.addi %mul3A_0, %add3A_457 : i32
              %get3A_459 = arith.index_cast %add3A_458 : i32 to index
              %get3A_460 = tpu.vector_load %arg9[%get3A_459] {strides = array<i32>} : memref<5120xf32, #tpu.memory_space<vmem>>, vector<16xf32>,
              %get3A_461 = arith.index_cast %add3A_458 : i32 to index
              %get3A_462 = tpu.vector_load %arg10[%get3A_461] {strides = array<i32>} : memref<5120xf32, #tpu.memory_space<vmem>>, vector<16xf32>,
              %get3A_463 = arith.index_cast %add3A_458 : i32 to index
              %get3A_464 = tpu.vector_load %arg11[%get3A_463] {strides = array<i32>} : memref<5120xf32, #tpu.memory_space<vmem>>, vector<16xf32>,
              %get3A_465 = arith.index_cast %add3A_458 : i32 to index
              %get3A_466 = tpu.vector_load %arg12[%get3A_465] {strides = array<i32>} : memref<5120xf32, #tpu.memory_space<vmem>>, vector<16xf32>,
              %get3A_467 = arith.index_cast %add3A_458 : i32 to index
              %get3A_468 = tpu.vector_load %arg13[%get3A_467] {strides = array<i32>} : memref<5120xf32, #tpu.memory_space<vmem>>, vector<16xf32>,
              %max3A_469 = arith.maximumf %get3A_460, %gather3A : vector<16xf32>
              %max3A_470 = arith.maximumf %get3A_462, %gather3A_68 : vector<16xf32>
              %min3A_471 = arith.minimumf %get3A_464, %gather3A_69 : vector<16xf32>
              %min3A_472 = arith.minimumf %get3A_466, %gather3A_70 : vector<16xf32>
              %sub3A_473 = arith.subf %min3A_471, %max3A_469 : vector<16xf32>
              %add3A_474 = arith.constant 1.000000e+00 : f32
              %add3A_475 = vector.broadcast %add3A_474 : f32 to vector<16xf32>
              %add3A_476 = arith.addf %sub3A_473, %add3A_475 : vector<16xf32>
              %max3A_477 = arith.constant 0.000000e+00 : f32
              %max3A_478 = vector.broadcast %max3A_477 : f32 to vector<16xf32>
              %max3A_479 = arith.maximumf %max3A_478, %add3A_476 : vector<16xf32>
              %sub3A_480 = arith.subf %min3A_472, %max3A_470 : vector<16xf32>
              %add3A_481 = arith.constant 1.000000e+00 : f32
              %add3A_482 = vector.broadcast %add3A_481 : f32 to vector<16xf32>
              %add3A_483 = arith.addf %sub3A_480, %add3A_482 : vector<16xf32>
              %max3A_484 = arith.constant 0.000000e+00 : f32
              %max3A_485 = vector.broadcast %max3A_484 : f32 to vector<16xf32>
              %max3A_486 = arith.maximumf %max3A_485, %add3A_483 : vector<16xf32>
              %mul3A_487 = arith.mulf %max3A_479, %max3A_486 : vector<16xf32>
              %add3A_488 = arith.addf %gather3A_71, %get3A_468 : vector<16xf32>
              %sub3A_489 = arith.subf %add3A_488, %mul3A_487 : vector<16xf32>
              %div3A_490 = arith.divf %mul3A_487, %sub3A_489 : vector<16xf32>
              %gt3A_491 = arith.constant 3.000000e-01 : f32
              %gt3A_492 = vector.broadcast %gt3A_491 : f32 to vector<16xf32>
              %gt3A_493 = arith.cmpf ogt, %div3A_490, %gt3A_492 : vector<16xf32>
              %get3A_494 = arith.constant 112 : index
              %get3A_495 = tpu.vector_load %arg14[%get3A_494] {strides = array<i32>} : memref<320xi32, #tpu.memory_space<vmem>>, vector<16xi32>,
              %jit3A_496 = arith.constant 0 : i32
              %broadcast_in_dim3A_497 = vector.broadcast %jit3A_496 : i32 to vector<16xi32>
              %select_n3A_498 = arith.select %gt3A_493, %broadcast_in_dim3A_497, %get3A_495 : vector<16xi1>, vector<16xi32>
              %lt3A_499 = arith.constant 7 : i32
              %lt3A_500 = arith.cmpi slt, %scan3A_28, %lt3A_499 : i32
              %select_n3A_501 = arith.select %lt3A_500, %select_n3A_498, %get3A_495 : vector<16xi32>
              %swap3A_502 = arith.constant 112 : index
              %swap3A_503 = tpu.vector_load %arg14[%swap3A_502] {strides = array<i32>} : memref<320xi32, #tpu.memory_space<vmem>>, vector<16xi32>,
              tpu.vector_store %arg14[%swap3A_502], %select_n3A_501 {strides = array<i32>} : memref<320xi32, #tpu.memory_space<vmem>>, vector<16xi32>,
              %add3A_504 = arith.constant 128 : i32
              %add3A_505 = arith.addi %mul3A_0, %add3A_504 : i32
              %get3A_506 = arith.index_cast %add3A_505 : i32 to index
              %get3A_507 = tpu.vector_load %arg9[%get3A_506] {strides = array<i32>} : memref<5120xf32, #tpu.memory_space<vmem>>, vector<16xf32>,
              %get3A_508 = arith.index_cast %add3A_505 : i32 to index
              %get3A_509 = tpu.vector_load %arg10[%get3A_508] {strides = array<i32>} : memref<5120xf32, #tpu.memory_space<vmem>>, vector<16xf32>,
              %get3A_510 = arith.index_cast %add3A_505 : i32 to index
              %get3A_511 = tpu.vector_load %arg11[%get3A_510] {strides = array<i32>} : memref<5120xf32, #tpu.memory_space<vmem>>, vector<16xf32>,
              %get3A_512 = arith.index_cast %add3A_505 : i32 to index
              %get3A_513 = tpu.vector_load %arg12[%get3A_512] {strides = array<i32>} : memref<5120xf32, #tpu.memory_space<vmem>>, vector<16xf32>,
              %get3A_514 = arith.index_cast %add3A_505 : i32 to index
              %get3A_515 = tpu.vector_load %arg13[%get3A_514] {strides = array<i32>} : memref<5120xf32, #tpu.memory_space<vmem>>, vector<16xf32>,
              %max3A_516 = arith.maximumf %get3A_507, %gather3A : vector<16xf32>
              %max3A_517 = arith.maximumf %get3A_509, %gather3A_68 : vector<16xf32>
              %min3A_518 = arith.minimumf %get3A_511, %gather3A_69 : vector<16xf32>
              %min3A_519 = arith.minimumf %get3A_513, %gather3A_70 : vector<16xf32>
              %sub3A_520 = arith.subf %min3A_518, %max3A_516 : vector<16xf32>
              %add3A_521 = arith.constant 1.000000e+00 : f32
              %add3A_522 = vector.broadcast %add3A_521 : f32 to vector<16xf32>
              %add3A_523 = arith.addf %sub3A_520, %add3A_522 : vector<16xf32>
              %max3A_524 = arith.constant 0.000000e+00 : f32
              %max3A_525 = vector.broadcast %max3A_524 : f32 to vector<16xf32>
              %max3A_526 = arith.maximumf %max3A_525, %add3A_523 : vector<16xf32>
              %sub3A_527 = arith.subf %min3A_519, %max3A_517 : vector<16xf32>
              %add3A_528 = arith.constant 1.000000e+00 : f32
              %add3A_529 = vector.broadcast %add3A_528 : f32 to vector<16xf32>
              %add3A_530 = arith.addf %sub3A_527, %add3A_529 : vector<16xf32>
              %max3A_531 = arith.constant 0.000000e+00 : f32
              %max3A_532 = vector.broadcast %max3A_531 : f32 to vector<16xf32>
              %max3A_533 = arith.maximumf %max3A_532, %add3A_530 : vector<16xf32>
              %mul3A_534 = arith.mulf %max3A_526, %max3A_533 : vector<16xf32>
              %add3A_535 = arith.addf %gather3A_71, %get3A_515 : vector<16xf32>
              %sub3A_536 = arith.subf %add3A_535, %mul3A_534 : vector<16xf32>
              %div3A_537 = arith.divf %mul3A_534, %sub3A_536 : vector<16xf32>
              %gt3A_538 = arith.constant 3.000000e-01 : f32
              %gt3A_539 = vector.broadcast %gt3A_538 : f32 to vector<16xf32>
              %gt3A_540 = arith.cmpf ogt, %div3A_537, %gt3A_539 : vector<16xf32>
              %get3A_541 = arith.constant 128 : index
              %get3A_542 = tpu.vector_load %arg14[%get3A_541] {strides = array<i32>} : memref<320xi32, #tpu.memory_space<vmem>>, vector<16xi32>,
              %jit3A_543 = arith.constant 0 : i32
              %broadcast_in_dim3A_544 = vector.broadcast %jit3A_543 : i32 to vector<16xi32>
              %select_n3A_545 = arith.select %gt3A_540, %broadcast_in_dim3A_544, %get3A_542 : vector<16xi1>, vector<16xi32>
              %lt3A_546 = arith.constant 8 : i32
              %lt3A_547 = arith.cmpi slt, %scan3A_28, %lt3A_546 : i32
              %select_n3A_548 = arith.select %lt3A_547, %select_n3A_545, %get3A_542 : vector<16xi32>
              %swap3A_549 = arith.constant 128 : index
              %swap3A_550 = tpu.vector_load %arg14[%swap3A_549] {strides = array<i32>} : memref<320xi32, #tpu.memory_space<vmem>>, vector<16xi32>,
              tpu.vector_store %arg14[%swap3A_549], %select_n3A_548 {strides = array<i32>} : memref<320xi32, #tpu.memory_space<vmem>>, vector<16xi32>,
              %add3A_551 = arith.constant 144 : i32
              %add3A_552 = arith.addi %mul3A_0, %add3A_551 : i32
              %get3A_553 = arith.index_cast %add3A_552 : i32 to index
              %get3A_554 = tpu.vector_load %arg9[%get3A_553] {strides = array<i32>} : memref<5120xf32, #tpu.memory_space<vmem>>, vector<16xf32>,
              %get3A_555 = arith.index_cast %add3A_552 : i32 to index
              %get3A_556 = tpu.vector_load %arg10[%get3A_555] {strides = array<i32>} : memref<5120xf32, #tpu.memory_space<vmem>>, vector<16xf32>,
              %get3A_557 = arith.index_cast %add3A_552 : i32 to index
              %get3A_558 = tpu.vector_load %arg11[%get3A_557] {strides = array<i32>} : memref<5120xf32, #tpu.memory_space<vmem>>, vector<16xf32>,
              %get3A_559 = arith.index_cast %add3A_552 : i32 to index
              %get3A_560 = tpu.vector_load %arg12[%get3A_559] {strides = array<i32>} : memref<5120xf32, #tpu.memory_space<vmem>>, vector<16xf32>,
              %get3A_561 = arith.index_cast %add3A_552 : i32 to index
              %get3A_562 = tpu.vector_load %arg13[%get3A_561] {strides = array<i32>} : memref<5120xf32, #tpu.memory_space<vmem>>, vector<16xf32>,
              %max3A_563 = arith.maximumf %get3A_554, %gather3A : vector<16xf32>
              %max3A_564 = arith.maximumf %get3A_556, %gather3A_68 : vector<16xf32>
              %min3A_565 = arith.minimumf %get3A_558, %gather3A_69 : vector<16xf32>
              %min3A_566 = arith.minimumf %get3A_560, %gather3A_70 : vector<16xf32>
              %sub3A_567 = arith.subf %min3A_565, %max3A_563 : vector<16xf32>
              %add3A_568 = arith.constant 1.000000e+00 : f32
              %add3A_569 = vector.broadcast %add3A_568 : f32 to vector<16xf32>
              %add3A_570 = arith.addf %sub3A_567, %add3A_569 : vector<16xf32>
              %max3A_571 = arith.constant 0.000000e+00 : f32
              %max3A_572 = vector.broadcast %max3A_571 : f32 to vector<16xf32>
              %max3A_573 = arith.maximumf %max3A_572, %add3A_570 : vector<16xf32>
              %sub3A_574 = arith.subf %min3A_566, %max3A_564 : vector<16xf32>
              %add3A_575 = arith.constant 1.000000e+00 : f32
              %add3A_576 = vector.broadcast %add3A_575 : f32 to vector<16xf32>
              %add3A_577 = arith.addf %sub3A_574, %add3A_576 : vector<16xf32>
              %max3A_578 = arith.constant 0.000000e+00 : f32
              %max3A_579 = vector.broadcast %max3A_578 : f32 to vector<16xf32>
              %max3A_580 = arith.maximumf %max3A_579, %add3A_577 : vector<16xf32>
              %mul3A_581 = arith.mulf %max3A_573, %max3A_580 : vector<16xf32>
              %add3A_582 = arith.addf %gather3A_71, %get3A_562 : vector<16xf32>
              %sub3A_583 = arith.subf %add3A_582, %mul3A_581 : vector<16xf32>
              %div3A_584 = arith.divf %mul3A_581, %sub3A_583 : vector<16xf32>
              %gt3A_585 = arith.constant 3.000000e-01 : f32
              %gt3A_586 = vector.broadcast %gt3A_585 : f32 to vector<16xf32>
              %gt3A_587 = arith.cmpf ogt, %div3A_584, %gt3A_586 : vector<16xf32>
              %get3A_588 = arith.constant 144 : index
              %get3A_589 = tpu.vector_load %arg14[%get3A_588] {strides = array<i32>} : memref<320xi32, #tpu.memory_space<vmem>>, vector<16xi32>,
              %jit3A_590 = arith.constant 0 : i32
              %broadcast_in_dim3A_591 = vector.broadcast %jit3A_590 : i32 to vector<16xi32>
              %select_n3A_592 = arith.select %gt3A_587, %broadcast_in_dim3A_591, %get3A_589 : vector<16xi1>, vector<16xi32>
              %lt3A_593 = arith.constant 9 : i32
              %lt3A_594 = arith.cmpi slt, %scan3A_28, %lt3A_593 : i32
              %select_n3A_595 = arith.select %lt3A_594, %select_n3A_592, %get3A_589 : vector<16xi32>
              %swap3A_596 = arith.constant 144 : index
              %swap3A_597 = tpu.vector_load %arg14[%swap3A_596] {strides = array<i32>} : memref<320xi32, #tpu.memory_space<vmem>>, vector<16xi32>,
              tpu.vector_store %arg14[%swap3A_596], %select_n3A_595 {strides = array<i32>} : memref<320xi32, #tpu.memory_space<vmem>>, vector<16xi32>,
              %add3A_598 = arith.constant 160 : i32
              %add3A_599 = arith.addi %mul3A_0, %add3A_598 : i32
              %get3A_600 = arith.index_cast %add3A_599 : i32 to index
              %get3A_601 = tpu.vector_load %arg9[%get3A_600] {strides = array<i32>} : memref<5120xf32, #tpu.memory_space<vmem>>, vector<16xf32>,
              %get3A_602 = arith.index_cast %add3A_599 : i32 to index
              %get3A_603 = tpu.vector_load %arg10[%get3A_602] {strides = array<i32>} : memref<5120xf32, #tpu.memory_space<vmem>>, vector<16xf32>,
              %get3A_604 = arith.index_cast %add3A_599 : i32 to index
              %get3A_605 = tpu.vector_load %arg11[%get3A_604] {strides = array<i32>} : memref<5120xf32, #tpu.memory_space<vmem>>, vector<16xf32>,
              %get3A_606 = arith.index_cast %add3A_599 : i32 to index
              %get3A_607 = tpu.vector_load %arg12[%get3A_606] {strides = array<i32>} : memref<5120xf32, #tpu.memory_space<vmem>>, vector<16xf32>,
              %get3A_608 = arith.index_cast %add3A_599 : i32 to index
              %get3A_609 = tpu.vector_load %arg13[%get3A_608] {strides = array<i32>} : memref<5120xf32, #tpu.memory_space<vmem>>, vector<16xf32>,
              %max3A_610 = arith.maximumf %get3A_601, %gather3A : vector<16xf32>
              %max3A_611 = arith.maximumf %get3A_603, %gather3A_68 : vector<16xf32>
              %min3A_612 = arith.minimumf %get3A_605, %gather3A_69 : vector<16xf32>
              %min3A_613 = arith.minimumf %get3A_607, %gather3A_70 : vector<16xf32>
              %sub3A_614 = arith.subf %min3A_612, %max3A_610 : vector<16xf32>
              %add3A_615 = arith.constant 1.000000e+00 : f32
              %add3A_616 = vector.broadcast %add3A_615 : f32 to vector<16xf32>
              %add3A_617 = arith.addf %sub3A_614, %add3A_616 : vector<16xf32>
              %max3A_618 = arith.constant 0.000000e+00 : f32
              %max3A_619 = vector.broadcast %max3A_618 : f32 to vector<16xf32>
              %max3A_620 = arith.maximumf %max3A_619, %add3A_617 : vector<16xf32>
              %sub3A_621 = arith.subf %min3A_613, %max3A_611 : vector<16xf32>
              %add3A_622 = arith.constant 1.000000e+00 : f32
              %add3A_623 = vector.broadcast %add3A_622 : f32 to vector<16xf32>
              %add3A_624 = arith.addf %sub3A_621, %add3A_623 : vector<16xf32>
              %max3A_625 = arith.constant 0.000000e+00 : f32
              %max3A_626 = vector.broadcast %max3A_625 : f32 to vector<16xf32>
              %max3A_627 = arith.maximumf %max3A_626, %add3A_624 : vector<16xf32>
              %mul3A_628 = arith.mulf %max3A_620, %max3A_627 : vector<16xf32>
              %add3A_629 = arith.addf %gather3A_71, %get3A_609 : vector<16xf32>
              %sub3A_630 = arith.subf %add3A_629, %mul3A_628 : vector<16xf32>
              %div3A_631 = arith.divf %mul3A_628, %sub3A_630 : vector<16xf32>
              %gt3A_632 = arith.constant 3.000000e-01 : f32
              %gt3A_633 = vector.broadcast %gt3A_632 : f32 to vector<16xf32>
              %gt3A_634 = arith.cmpf ogt, %div3A_631, %gt3A_633 : vector<16xf32>
              %get3A_635 = arith.constant 160 : index
              %get3A_636 = tpu.vector_load %arg14[%get3A_635] {strides = array<i32>} : memref<320xi32, #tpu.memory_space<vmem>>, vector<16xi32>,
              %jit3A_637 = arith.constant 0 : i32
              %broadcast_in_dim3A_638 = vector.broadcast %jit3A_637 : i32 to vector<16xi32>
              %select_n3A_639 = arith.select %gt3A_634, %broadcast_in_dim3A_638, %get3A_636 : vector<16xi1>, vector<16xi32>
              %lt3A_640 = arith.constant 10 : i32
              %lt3A_641 = arith.cmpi slt, %scan3A_28, %lt3A_640 : i32
              %select_n3A_642 = arith.select %lt3A_641, %select_n3A_639, %get3A_636 : vector<16xi32>
              %swap3A_643 = arith.constant 160 : index
              %swap3A_644 = tpu.vector_load %arg14[%swap3A_643] {strides = array<i32>} : memref<320xi32, #tpu.memory_space<vmem>>, vector<16xi32>,
              tpu.vector_store %arg14[%swap3A_643], %select_n3A_642 {strides = array<i32>} : memref<320xi32, #tpu.memory_space<vmem>>, vector<16xi32>,
              %add3A_645 = arith.constant 176 : i32
              %add3A_646 = arith.addi %mul3A_0, %add3A_645 : i32
              %get3A_647 = arith.index_cast %add3A_646 : i32 to index
              %get3A_648 = tpu.vector_load %arg9[%get3A_647] {strides = array<i32>} : memref<5120xf32, #tpu.memory_space<vmem>>, vector<16xf32>,
              %get3A_649 = arith.index_cast %add3A_646 : i32 to index
              %get3A_650 = tpu.vector_load %arg10[%get3A_649] {strides = array<i32>} : memref<5120xf32, #tpu.memory_space<vmem>>, vector<16xf32>,
              %get3A_651 = arith.index_cast %add3A_646 : i32 to index
              %get3A_652 = tpu.vector_load %arg11[%get3A_651] {strides = array<i32>} : memref<5120xf32, #tpu.memory_space<vmem>>, vector<16xf32>,
              %get3A_653 = arith.index_cast %add3A_646 : i32 to index
              %get3A_654 = tpu.vector_load %arg12[%get3A_653] {strides = array<i32>} : memref<5120xf32, #tpu.memory_space<vmem>>, vector<16xf32>,
              %get3A_655 = arith.index_cast %add3A_646 : i32 to index
              %get3A_656 = tpu.vector_load %arg13[%get3A_655] {strides = array<i32>} : memref<5120xf32, #tpu.memory_space<vmem>>, vector<16xf32>,
              %max3A_657 = arith.maximumf %get3A_648, %gather3A : vector<16xf32>
              %max3A_658 = arith.maximumf %get3A_650, %gather3A_68 : vector<16xf32>
              %min3A_659 = arith.minimumf %get3A_652, %gather3A_69 : vector<16xf32>
              %min3A_660 = arith.minimumf %get3A_654, %gather3A_70 : vector<16xf32>
              %sub3A_661 = arith.subf %min3A_659, %max3A_657 : vector<16xf32>
              %add3A_662 = arith.constant 1.000000e+00 : f32
              %add3A_663 = vector.broadcast %add3A_662 : f32 to vector<16xf32>
              %add3A_664 = arith.addf %sub3A_661, %add3A_663 : vector<16xf32>
              %max3A_665 = arith.constant 0.000000e+00 : f32
              %max3A_666 = vector.broadcast %max3A_665 : f32 to vector<16xf32>
              %max3A_667 = arith.maximumf %max3A_666, %add3A_664 : vector<16xf32>
              %sub3A_668 = arith.subf %min3A_660, %max3A_658 : vector<16xf32>
              %add3A_669 = arith.constant 1.000000e+00 : f32
              %add3A_670 = vector.broadcast %add3A_669 : f32 to vector<16xf32>
              %add3A_671 = arith.addf %sub3A_668, %add3A_670 : vector<16xf32>
              %max3A_672 = arith.constant 0.000000e+00 : f32
              %max3A_673 = vector.broadcast %max3A_672 : f32 to vector<16xf32>
              %max3A_674 = arith.maximumf %max3A_673, %add3A_671 : vector<16xf32>
              %mul3A_675 = arith.mulf %max3A_667, %max3A_674 : vector<16xf32>
              %add3A_676 = arith.addf %gather3A_71, %get3A_656 : vector<16xf32>
              %sub3A_677 = arith.subf %add3A_676, %mul3A_675 : vector<16xf32>
              %div3A_678 = arith.divf %mul3A_675, %sub3A_677 : vector<16xf32>
              %gt3A_679 = arith.constant 3.000000e-01 : f32
              %gt3A_680 = vector.broadcast %gt3A_679 : f32 to vector<16xf32>
              %gt3A_681 = arith.cmpf ogt, %div3A_678, %gt3A_680 : vector<16xf32>
              %get3A_682 = arith.constant 176 : index
              %get3A_683 = tpu.vector_load %arg14[%get3A_682] {strides = array<i32>} : memref<320xi32, #tpu.memory_space<vmem>>, vector<16xi32>,
              %jit3A_684 = arith.constant 0 : i32
              %broadcast_in_dim3A_685 = vector.broadcast %jit3A_684 : i32 to vector<16xi32>
              %select_n3A_686 = arith.select %gt3A_681, %broadcast_in_dim3A_685, %get3A_683 : vector<16xi1>, vector<16xi32>
              %lt3A_687 = arith.constant 11 : i32
              %lt3A_688 = arith.cmpi slt, %scan3A_28, %lt3A_687 : i32
              %select_n3A_689 = arith.select %lt3A_688, %select_n3A_686, %get3A_683 : vector<16xi32>
              %swap3A_690 = arith.constant 176 : index
              %swap3A_691 = tpu.vector_load %arg14[%swap3A_690] {strides = array<i32>} : memref<320xi32, #tpu.memory_space<vmem>>, vector<16xi32>,
              tpu.vector_store %arg14[%swap3A_690], %select_n3A_689 {strides = array<i32>} : memref<320xi32, #tpu.memory_space<vmem>>, vector<16xi32>,
              %add3A_692 = arith.constant 192 : i32
              %add3A_693 = arith.addi %mul3A_0, %add3A_692 : i32
              %get3A_694 = arith.index_cast %add3A_693 : i32 to index
              %get3A_695 = tpu.vector_load %arg9[%get3A_694] {strides = array<i32>} : memref<5120xf32, #tpu.memory_space<vmem>>, vector<16xf32>,
              %get3A_696 = arith.index_cast %add3A_693 : i32 to index
              %get3A_697 = tpu.vector_load %arg10[%get3A_696] {strides = array<i32>} : memref<5120xf32, #tpu.memory_space<vmem>>, vector<16xf32>,
              %get3A_698 = arith.index_cast %add3A_693 : i32 to index
              %get3A_699 = tpu.vector_load %arg11[%get3A_698] {strides = array<i32>} : memref<5120xf32, #tpu.memory_space<vmem>>, vector<16xf32>,
              %get3A_700 = arith.index_cast %add3A_693 : i32 to index
              %get3A_701 = tpu.vector_load %arg12[%get3A_700] {strides = array<i32>} : memref<5120xf32, #tpu.memory_space<vmem>>, vector<16xf32>,
              %get3A_702 = arith.index_cast %add3A_693 : i32 to index
              %get3A_703 = tpu.vector_load %arg13[%get3A_702] {strides = array<i32>} : memref<5120xf32, #tpu.memory_space<vmem>>, vector<16xf32>,
              %max3A_704 = arith.maximumf %get3A_695, %gather3A : vector<16xf32>
              %max3A_705 = arith.maximumf %get3A_697, %gather3A_68 : vector<16xf32>
              %min3A_706 = arith.minimumf %get3A_699, %gather3A_69 : vector<16xf32>
              %min3A_707 = arith.minimumf %get3A_701, %gather3A_70 : vector<16xf32>
              %sub3A_708 = arith.subf %min3A_706, %max3A_704 : vector<16xf32>
              %add3A_709 = arith.constant 1.000000e+00 : f32
              %add3A_710 = vector.broadcast %add3A_709 : f32 to vector<16xf32>
              %add3A_711 = arith.addf %sub3A_708, %add3A_710 : vector<16xf32>
              %max3A_712 = arith.constant 0.000000e+00 : f32
              %max3A_713 = vector.broadcast %max3A_712 : f32 to vector<16xf32>
              %max3A_714 = arith.maximumf %max3A_713, %add3A_711 : vector<16xf32>
              %sub3A_715 = arith.subf %min3A_707, %max3A_705 : vector<16xf32>
              %add3A_716 = arith.constant 1.000000e+00 : f32
              %add3A_717 = vector.broadcast %add3A_716 : f32 to vector<16xf32>
              %add3A_718 = arith.addf %sub3A_715, %add3A_717 : vector<16xf32>
              %max3A_719 = arith.constant 0.000000e+00 : f32
              %max3A_720 = vector.broadcast %max3A_719 : f32 to vector<16xf32>
              %max3A_721 = arith.maximumf %max3A_720, %add3A_718 : vector<16xf32>
              %mul3A_722 = arith.mulf %max3A_714, %max3A_721 : vector<16xf32>
              %add3A_723 = arith.addf %gather3A_71, %get3A_703 : vector<16xf32>
              %sub3A_724 = arith.subf %add3A_723, %mul3A_722 : vector<16xf32>
              %div3A_725 = arith.divf %mul3A_722, %sub3A_724 : vector<16xf32>
              %gt3A_726 = arith.constant 3.000000e-01 : f32
              %gt3A_727 = vector.broadcast %gt3A_726 : f32 to vector<16xf32>
              %gt3A_728 = arith.cmpf ogt, %div3A_725, %gt3A_727 : vector<16xf32>
              %get3A_729 = arith.constant 192 : index
              %get3A_730 = tpu.vector_load %arg14[%get3A_729] {strides = array<i32>} : memref<320xi32, #tpu.memory_space<vmem>>, vector<16xi32>,
              %jit3A_731 = arith.constant 0 : i32
              %broadcast_in_dim3A_732 = vector.broadcast %jit3A_731 : i32 to vector<16xi32>
              %select_n3A_733 = arith.select %gt3A_728, %broadcast_in_dim3A_732, %get3A_730 : vector<16xi1>, vector<16xi32>
              %lt3A_734 = arith.constant 12 : i32
              %lt3A_735 = arith.cmpi slt, %scan3A_28, %lt3A_734 : i32
              %select_n3A_736 = arith.select %lt3A_735, %select_n3A_733, %get3A_730 : vector<16xi32>
              %swap3A_737 = arith.constant 192 : index
              %swap3A_738 = tpu.vector_load %arg14[%swap3A_737] {strides = array<i32>} : memref<320xi32, #tpu.memory_space<vmem>>, vector<16xi32>,
              tpu.vector_store %arg14[%swap3A_737], %select_n3A_736 {strides = array<i32>} : memref<320xi32, #tpu.memory_space<vmem>>, vector<16xi32>,
              %add3A_739 = arith.constant 208 : i32
              %add3A_740 = arith.addi %mul3A_0, %add3A_739 : i32
              %get3A_741 = arith.index_cast %add3A_740 : i32 to index
              %get3A_742 = tpu.vector_load %arg9[%get3A_741] {strides = array<i32>} : memref<5120xf32, #tpu.memory_space<vmem>>, vector<16xf32>,
              %get3A_743 = arith.index_cast %add3A_740 : i32 to index
              %get3A_744 = tpu.vector_load %arg10[%get3A_743] {strides = array<i32>} : memref<5120xf32, #tpu.memory_space<vmem>>, vector<16xf32>,
              %get3A_745 = arith.index_cast %add3A_740 : i32 to index
              %get3A_746 = tpu.vector_load %arg11[%get3A_745] {strides = array<i32>} : memref<5120xf32, #tpu.memory_space<vmem>>, vector<16xf32>,
              %get3A_747 = arith.index_cast %add3A_740 : i32 to index
              %get3A_748 = tpu.vector_load %arg12[%get3A_747] {strides = array<i32>} : memref<5120xf32, #tpu.memory_space<vmem>>, vector<16xf32>,
              %get3A_749 = arith.index_cast %add3A_740 : i32 to index
              %get3A_750 = tpu.vector_load %arg13[%get3A_749] {strides = array<i32>} : memref<5120xf32, #tpu.memory_space<vmem>>, vector<16xf32>,
              %max3A_751 = arith.maximumf %get3A_742, %gather3A : vector<16xf32>
              %max3A_752 = arith.maximumf %get3A_744, %gather3A_68 : vector<16xf32>
              %min3A_753 = arith.minimumf %get3A_746, %gather3A_69 : vector<16xf32>
              %min3A_754 = arith.minimumf %get3A_748, %gather3A_70 : vector<16xf32>
              %sub3A_755 = arith.subf %min3A_753, %max3A_751 : vector<16xf32>
              %add3A_756 = arith.constant 1.000000e+00 : f32
              %add3A_757 = vector.broadcast %add3A_756 : f32 to vector<16xf32>
              %add3A_758 = arith.addf %sub3A_755, %add3A_757 : vector<16xf32>
              %max3A_759 = arith.constant 0.000000e+00 : f32
              %max3A_760 = vector.broadcast %max3A_759 : f32 to vector<16xf32>
              %max3A_761 = arith.maximumf %max3A_760, %add3A_758 : vector<16xf32>
              %sub3A_762 = arith.subf %min3A_754, %max3A_752 : vector<16xf32>
              %add3A_763 = arith.constant 1.000000e+00 : f32
              %add3A_764 = vector.broadcast %add3A_763 : f32 to vector<16xf32>
              %add3A_765 = arith.addf %sub3A_762, %add3A_764 : vector<16xf32>
              %max3A_766 = arith.constant 0.000000e+00 : f32
              %max3A_767 = vector.broadcast %max3A_766 : f32 to vector<16xf32>
              %max3A_768 = arith.maximumf %max3A_767, %add3A_765 : vector<16xf32>
              %mul3A_769 = arith.mulf %max3A_761, %max3A_768 : vector<16xf32>
              %add3A_770 = arith.addf %gather3A_71, %get3A_750 : vector<16xf32>
              %sub3A_771 = arith.subf %add3A_770, %mul3A_769 : vector<16xf32>
              %div3A_772 = arith.divf %mul3A_769, %sub3A_771 : vector<16xf32>
              %gt3A_773 = arith.constant 3.000000e-01 : f32
              %gt3A_774 = vector.broadcast %gt3A_773 : f32 to vector<16xf32>
              %gt3A_775 = arith.cmpf ogt, %div3A_772, %gt3A_774 : vector<16xf32>
              %get3A_776 = arith.constant 208 : index
              %get3A_777 = tpu.vector_load %arg14[%get3A_776] {strides = array<i32>} : memref<320xi32, #tpu.memory_space<vmem>>, vector<16xi32>,
              %jit3A_778 = arith.constant 0 : i32
              %broadcast_in_dim3A_779 = vector.broadcast %jit3A_778 : i32 to vector<16xi32>
              %select_n3A_780 = arith.select %gt3A_775, %broadcast_in_dim3A_779, %get3A_777 : vector<16xi1>, vector<16xi32>
              %lt3A_781 = arith.constant 13 : i32
              %lt3A_782 = arith.cmpi slt, %scan3A_28, %lt3A_781 : i32
              %select_n3A_783 = arith.select %lt3A_782, %select_n3A_780, %get3A_777 : vector<16xi32>
              %swap3A_784 = arith.constant 208 : index
              %swap3A_785 = tpu.vector_load %arg14[%swap3A_784] {strides = array<i32>} : memref<320xi32, #tpu.memory_space<vmem>>, vector<16xi32>,
              tpu.vector_store %arg14[%swap3A_784], %select_n3A_783 {strides = array<i32>} : memref<320xi32, #tpu.memory_space<vmem>>, vector<16xi32>,
              %add3A_786 = arith.constant 224 : i32
              %add3A_787 = arith.addi %mul3A_0, %add3A_786 : i32
              %get3A_788 = arith.index_cast %add3A_787 : i32 to index
              %get3A_789 = tpu.vector_load %arg9[%get3A_788] {strides = array<i32>} : memref<5120xf32, #tpu.memory_space<vmem>>, vector<16xf32>,
              %get3A_790 = arith.index_cast %add3A_787 : i32 to index
              %get3A_791 = tpu.vector_load %arg10[%get3A_790] {strides = array<i32>} : memref<5120xf32, #tpu.memory_space<vmem>>, vector<16xf32>,
              %get3A_792 = arith.index_cast %add3A_787 : i32 to index
              %get3A_793 = tpu.vector_load %arg11[%get3A_792] {strides = array<i32>} : memref<5120xf32, #tpu.memory_space<vmem>>, vector<16xf32>,
              %get3A_794 = arith.index_cast %add3A_787 : i32 to index
              %get3A_795 = tpu.vector_load %arg12[%get3A_794] {strides = array<i32>} : memref<5120xf32, #tpu.memory_space<vmem>>, vector<16xf32>,
              %get3A_796 = arith.index_cast %add3A_787 : i32 to index
              %get3A_797 = tpu.vector_load %arg13[%get3A_796] {strides = array<i32>} : memref<5120xf32, #tpu.memory_space<vmem>>, vector<16xf32>,
              %max3A_798 = arith.maximumf %get3A_789, %gather3A : vector<16xf32>
              %max3A_799 = arith.maximumf %get3A_791, %gather3A_68 : vector<16xf32>
              %min3A_800 = arith.minimumf %get3A_793, %gather3A_69 : vector<16xf32>
              %min3A_801 = arith.minimumf %get3A_795, %gather3A_70 : vector<16xf32>
              %sub3A_802 = arith.subf %min3A_800, %max3A_798 : vector<16xf32>
              %add3A_803 = arith.constant 1.000000e+00 : f32
              %add3A_804 = vector.broadcast %add3A_803 : f32 to vector<16xf32>
              %add3A_805 = arith.addf %sub3A_802, %add3A_804 : vector<16xf32>
              %max3A_806 = arith.constant 0.000000e+00 : f32
              %max3A_807 = vector.broadcast %max3A_806 : f32 to vector<16xf32>
              %max3A_808 = arith.maximumf %max3A_807, %add3A_805 : vector<16xf32>
              %sub3A_809 = arith.subf %min3A_801, %max3A_799 : vector<16xf32>
              %add3A_810 = arith.constant 1.000000e+00 : f32
              %add3A_811 = vector.broadcast %add3A_810 : f32 to vector<16xf32>
              %add3A_812 = arith.addf %sub3A_809, %add3A_811 : vector<16xf32>
              %max3A_813 = arith.constant 0.000000e+00 : f32
              %max3A_814 = vector.broadcast %max3A_813 : f32 to vector<16xf32>
              %max3A_815 = arith.maximumf %max3A_814, %add3A_812 : vector<16xf32>
              %mul3A_816 = arith.mulf %max3A_808, %max3A_815 : vector<16xf32>
              %add3A_817 = arith.addf %gather3A_71, %get3A_797 : vector<16xf32>
              %sub3A_818 = arith.subf %add3A_817, %mul3A_816 : vector<16xf32>
              %div3A_819 = arith.divf %mul3A_816, %sub3A_818 : vector<16xf32>
              %gt3A_820 = arith.constant 3.000000e-01 : f32
              %gt3A_821 = vector.broadcast %gt3A_820 : f32 to vector<16xf32>
              %gt3A_822 = arith.cmpf ogt, %div3A_819, %gt3A_821 : vector<16xf32>
              %get3A_823 = arith.constant 224 : index
              %get3A_824 = tpu.vector_load %arg14[%get3A_823] {strides = array<i32>} : memref<320xi32, #tpu.memory_space<vmem>>, vector<16xi32>,
              %jit3A_825 = arith.constant 0 : i32
              %broadcast_in_dim3A_826 = vector.broadcast %jit3A_825 : i32 to vector<16xi32>
              %select_n3A_827 = arith.select %gt3A_822, %broadcast_in_dim3A_826, %get3A_824 : vector<16xi1>, vector<16xi32>
              %lt3A_828 = arith.constant 14 : i32
              %lt3A_829 = arith.cmpi slt, %scan3A_28, %lt3A_828 : i32
              %select_n3A_830 = arith.select %lt3A_829, %select_n3A_827, %get3A_824 : vector<16xi32>
              %swap3A_831 = arith.constant 224 : index
              %swap3A_832 = tpu.vector_load %arg14[%swap3A_831] {strides = array<i32>} : memref<320xi32, #tpu.memory_space<vmem>>, vector<16xi32>,
              tpu.vector_store %arg14[%swap3A_831], %select_n3A_830 {strides = array<i32>} : memref<320xi32, #tpu.memory_space<vmem>>, vector<16xi32>,
              %add3A_833 = arith.constant 240 : i32
              %add3A_834 = arith.addi %mul3A_0, %add3A_833 : i32
              %get3A_835 = arith.index_cast %add3A_834 : i32 to index
              %get3A_836 = tpu.vector_load %arg9[%get3A_835] {strides = array<i32>} : memref<5120xf32, #tpu.memory_space<vmem>>, vector<16xf32>,
              %get3A_837 = arith.index_cast %add3A_834 : i32 to index
              %get3A_838 = tpu.vector_load %arg10[%get3A_837] {strides = array<i32>} : memref<5120xf32, #tpu.memory_space<vmem>>, vector<16xf32>,
              %get3A_839 = arith.index_cast %add3A_834 : i32 to index
              %get3A_840 = tpu.vector_load %arg11[%get3A_839] {strides = array<i32>} : memref<5120xf32, #tpu.memory_space<vmem>>, vector<16xf32>,
              %get3A_841 = arith.index_cast %add3A_834 : i32 to index
              %get3A_842 = tpu.vector_load %arg12[%get3A_841] {strides = array<i32>} : memref<5120xf32, #tpu.memory_space<vmem>>, vector<16xf32>,
              %get3A_843 = arith.index_cast %add3A_834 : i32 to index
              %get3A_844 = tpu.vector_load %arg13[%get3A_843] {strides = array<i32>} : memref<5120xf32, #tpu.memory_space<vmem>>, vector<16xf32>,
              %max3A_845 = arith.maximumf %get3A_836, %gather3A : vector<16xf32>
              %max3A_846 = arith.maximumf %get3A_838, %gather3A_68 : vector<16xf32>
              %min3A_847 = arith.minimumf %get3A_840, %gather3A_69 : vector<16xf32>
              %min3A_848 = arith.minimumf %get3A_842, %gather3A_70 : vector<16xf32>
              %sub3A_849 = arith.subf %min3A_847, %max3A_845 : vector<16xf32>
              %add3A_850 = arith.constant 1.000000e+00 : f32
              %add3A_851 = vector.broadcast %add3A_850 : f32 to vector<16xf32>
              %add3A_852 = arith.addf %sub3A_849, %add3A_851 : vector<16xf32>
              %max3A_853 = arith.constant 0.000000e+00 : f32
              %max3A_854 = vector.broadcast %max3A_853 : f32 to vector<16xf32>
              %max3A_855 = arith.maximumf %max3A_854, %add3A_852 : vector<16xf32>
              %sub3A_856 = arith.subf %min3A_848, %max3A_846 : vector<16xf32>
              %add3A_857 = arith.constant 1.000000e+00 : f32
              %add3A_858 = vector.broadcast %add3A_857 : f32 to vector<16xf32>
              %add3A_859 = arith.addf %sub3A_856, %add3A_858 : vector<16xf32>
              %max3A_860 = arith.constant 0.000000e+00 : f32
              %max3A_861 = vector.broadcast %max3A_860 : f32 to vector<16xf32>
              %max3A_862 = arith.maximumf %max3A_861, %add3A_859 : vector<16xf32>
              %mul3A_863 = arith.mulf %max3A_855, %max3A_862 : vector<16xf32>
              %add3A_864 = arith.addf %gather3A_71, %get3A_844 : vector<16xf32>
              %sub3A_865 = arith.subf %add3A_864, %mul3A_863 : vector<16xf32>
              %div3A_866 = arith.divf %mul3A_863, %sub3A_865 : vector<16xf32>
              %gt3A_867 = arith.constant 3.000000e-01 : f32
              %gt3A_868 = vector.broadcast %gt3A_867 : f32 to vector<16xf32>
              %gt3A_869 = arith.cmpf ogt, %div3A_866, %gt3A_868 : vector<16xf32>
              %get3A_870 = arith.constant 240 : index
              %get3A_871 = tpu.vector_load %arg14[%get3A_870] {strides = array<i32>} : memref<320xi32, #tpu.memory_space<vmem>>, vector<16xi32>,
              %jit3A_872 = arith.constant 0 : i32
              %broadcast_in_dim3A_873 = vector.broadcast %jit3A_872 : i32 to vector<16xi32>
              %select_n3A_874 = arith.select %gt3A_869, %broadcast_in_dim3A_873, %get3A_871 : vector<16xi1>, vector<16xi32>
              %lt3A_875 = arith.constant 15 : i32
              %lt3A_876 = arith.cmpi slt, %scan3A_28, %lt3A_875 : i32
              %select_n3A_877 = arith.select %lt3A_876, %select_n3A_874, %get3A_871 : vector<16xi32>
              %swap3A_878 = arith.constant 240 : index
              %swap3A_879 = tpu.vector_load %arg14[%swap3A_878] {strides = array<i32>} : memref<320xi32, #tpu.memory_space<vmem>>, vector<16xi32>,
              tpu.vector_store %arg14[%swap3A_878], %select_n3A_877 {strides = array<i32>} : memref<320xi32, #tpu.memory_space<vmem>>, vector<16xi32>,
              %add3A_880 = arith.constant 256 : i32
              %add3A_881 = arith.addi %mul3A_0, %add3A_880 : i32
              %get3A_882 = arith.index_cast %add3A_881 : i32 to index
              %get3A_883 = tpu.vector_load %arg9[%get3A_882] {strides = array<i32>} : memref<5120xf32, #tpu.memory_space<vmem>>, vector<16xf32>,
              %get3A_884 = arith.index_cast %add3A_881 : i32 to index
              %get3A_885 = tpu.vector_load %arg10[%get3A_884] {strides = array<i32>} : memref<5120xf32, #tpu.memory_space<vmem>>, vector<16xf32>,
              %get3A_886 = arith.index_cast %add3A_881 : i32 to index
              %get3A_887 = tpu.vector_load %arg11[%get3A_886] {strides = array<i32>} : memref<5120xf32, #tpu.memory_space<vmem>>, vector<16xf32>,
              %get3A_888 = arith.index_cast %add3A_881 : i32 to index
              %get3A_889 = tpu.vector_load %arg12[%get3A_888] {strides = array<i32>} : memref<5120xf32, #tpu.memory_space<vmem>>, vector<16xf32>,
              %get3A_890 = arith.index_cast %add3A_881 : i32 to index
              %get3A_891 = tpu.vector_load %arg13[%get3A_890] {strides = array<i32>} : memref<5120xf32, #tpu.memory_space<vmem>>, vector<16xf32>,
              %max3A_892 = arith.maximumf %get3A_883, %gather3A : vector<16xf32>
              %max3A_893 = arith.maximumf %get3A_885, %gather3A_68 : vector<16xf32>
              %min3A_894 = arith.minimumf %get3A_887, %gather3A_69 : vector<16xf32>
              %min3A_895 = arith.minimumf %get3A_889, %gather3A_70 : vector<16xf32>
              %sub3A_896 = arith.subf %min3A_894, %max3A_892 : vector<16xf32>
              %add3A_897 = arith.constant 1.000000e+00 : f32
              %add3A_898 = vector.broadcast %add3A_897 : f32 to vector<16xf32>
              %add3A_899 = arith.addf %sub3A_896, %add3A_898 : vector<16xf32>
              %max3A_900 = arith.constant 0.000000e+00 : f32
              %max3A_901 = vector.broadcast %max3A_900 : f32 to vector<16xf32>
              %max3A_902 = arith.maximumf %max3A_901, %add3A_899 : vector<16xf32>
              %sub3A_903 = arith.subf %min3A_895, %max3A_893 : vector<16xf32>
              %add3A_904 = arith.constant 1.000000e+00 : f32
              %add3A_905 = vector.broadcast %add3A_904 : f32 to vector<16xf32>
              %add3A_906 = arith.addf %sub3A_903, %add3A_905 : vector<16xf32>
              %max3A_907 = arith.constant 0.000000e+00 : f32
              %max3A_908 = vector.broadcast %max3A_907 : f32 to vector<16xf32>
              %max3A_909 = arith.maximumf %max3A_908, %add3A_906 : vector<16xf32>
              %mul3A_910 = arith.mulf %max3A_902, %max3A_909 : vector<16xf32>
              %add3A_911 = arith.addf %gather3A_71, %get3A_891 : vector<16xf32>
              %sub3A_912 = arith.subf %add3A_911, %mul3A_910 : vector<16xf32>
              %div3A_913 = arith.divf %mul3A_910, %sub3A_912 : vector<16xf32>
              %gt3A_914 = arith.constant 3.000000e-01 : f32
              %gt3A_915 = vector.broadcast %gt3A_914 : f32 to vector<16xf32>
              %gt3A_916 = arith.cmpf ogt, %div3A_913, %gt3A_915 : vector<16xf32>
              %get3A_917 = arith.constant 256 : index
              %get3A_918 = tpu.vector_load %arg14[%get3A_917] {strides = array<i32>} : memref<320xi32, #tpu.memory_space<vmem>>, vector<16xi32>,
              %jit3A_919 = arith.constant 0 : i32
              %broadcast_in_dim3A_920 = vector.broadcast %jit3A_919 : i32 to vector<16xi32>
              %select_n3A_921 = arith.select %gt3A_916, %broadcast_in_dim3A_920, %get3A_918 : vector<16xi1>, vector<16xi32>
              %lt3A_922 = arith.constant 16 : i32
              %lt3A_923 = arith.cmpi slt, %scan3A_28, %lt3A_922 : i32
              %select_n3A_924 = arith.select %lt3A_923, %select_n3A_921, %get3A_918 : vector<16xi32>
              %swap3A_925 = arith.constant 256 : index
              %swap3A_926 = tpu.vector_load %arg14[%swap3A_925] {strides = array<i32>} : memref<320xi32, #tpu.memory_space<vmem>>, vector<16xi32>,
              tpu.vector_store %arg14[%swap3A_925], %select_n3A_924 {strides = array<i32>} : memref<320xi32, #tpu.memory_space<vmem>>, vector<16xi32>,
              %add3A_927 = arith.constant 272 : i32
              %add3A_928 = arith.addi %mul3A_0, %add3A_927 : i32
              %get3A_929 = arith.index_cast %add3A_928 : i32 to index
              %get3A_930 = tpu.vector_load %arg9[%get3A_929] {strides = array<i32>} : memref<5120xf32, #tpu.memory_space<vmem>>, vector<16xf32>,
              %get3A_931 = arith.index_cast %add3A_928 : i32 to index
              %get3A_932 = tpu.vector_load %arg10[%get3A_931] {strides = array<i32>} : memref<5120xf32, #tpu.memory_space<vmem>>, vector<16xf32>,
              %get3A_933 = arith.index_cast %add3A_928 : i32 to index
              %get3A_934 = tpu.vector_load %arg11[%get3A_933] {strides = array<i32>} : memref<5120xf32, #tpu.memory_space<vmem>>, vector<16xf32>,
              %get3A_935 = arith.index_cast %add3A_928 : i32 to index
              %get3A_936 = tpu.vector_load %arg12[%get3A_935] {strides = array<i32>} : memref<5120xf32, #tpu.memory_space<vmem>>, vector<16xf32>,
              %get3A_937 = arith.index_cast %add3A_928 : i32 to index
              %get3A_938 = tpu.vector_load %arg13[%get3A_937] {strides = array<i32>} : memref<5120xf32, #tpu.memory_space<vmem>>, vector<16xf32>,
              %max3A_939 = arith.maximumf %get3A_930, %gather3A : vector<16xf32>
              %max3A_940 = arith.maximumf %get3A_932, %gather3A_68 : vector<16xf32>
              %min3A_941 = arith.minimumf %get3A_934, %gather3A_69 : vector<16xf32>
              %min3A_942 = arith.minimumf %get3A_936, %gather3A_70 : vector<16xf32>
              %sub3A_943 = arith.subf %min3A_941, %max3A_939 : vector<16xf32>
              %add3A_944 = arith.constant 1.000000e+00 : f32
              %add3A_945 = vector.broadcast %add3A_944 : f32 to vector<16xf32>
              %add3A_946 = arith.addf %sub3A_943, %add3A_945 : vector<16xf32>
              %max3A_947 = arith.constant 0.000000e+00 : f32
              %max3A_948 = vector.broadcast %max3A_947 : f32 to vector<16xf32>
              %max3A_949 = arith.maximumf %max3A_948, %add3A_946 : vector<16xf32>
              %sub3A_950 = arith.subf %min3A_942, %max3A_940 : vector<16xf32>
              %add3A_951 = arith.constant 1.000000e+00 : f32
              %add3A_952 = vector.broadcast %add3A_951 : f32 to vector<16xf32>
              %add3A_953 = arith.addf %sub3A_950, %add3A_952 : vector<16xf32>
              %max3A_954 = arith.constant 0.000000e+00 : f32
              %max3A_955 = vector.broadcast %max3A_954 : f32 to vector<16xf32>
              %max3A_956 = arith.maximumf %max3A_955, %add3A_953 : vector<16xf32>
              %mul3A_957 = arith.mulf %max3A_949, %max3A_956 : vector<16xf32>
              %add3A_958 = arith.addf %gather3A_71, %get3A_938 : vector<16xf32>
              %sub3A_959 = arith.subf %add3A_958, %mul3A_957 : vector<16xf32>
              %div3A_960 = arith.divf %mul3A_957, %sub3A_959 : vector<16xf32>
              %gt3A_961 = arith.constant 3.000000e-01 : f32
              %gt3A_962 = vector.broadcast %gt3A_961 : f32 to vector<16xf32>
              %gt3A_963 = arith.cmpf ogt, %div3A_960, %gt3A_962 : vector<16xf32>
              %get3A_964 = arith.constant 272 : index
              %get3A_965 = tpu.vector_load %arg14[%get3A_964] {strides = array<i32>} : memref<320xi32, #tpu.memory_space<vmem>>, vector<16xi32>,
              %jit3A_966 = arith.constant 0 : i32
              %broadcast_in_dim3A_967 = vector.broadcast %jit3A_966 : i32 to vector<16xi32>
              %select_n3A_968 = arith.select %gt3A_963, %broadcast_in_dim3A_967, %get3A_965 : vector<16xi1>, vector<16xi32>
              %lt3A_969 = arith.constant 17 : i32
              %lt3A_970 = arith.cmpi slt, %scan3A_28, %lt3A_969 : i32
              %select_n3A_971 = arith.select %lt3A_970, %select_n3A_968, %get3A_965 : vector<16xi32>
              %swap3A_972 = arith.constant 272 : index
              %swap3A_973 = tpu.vector_load %arg14[%swap3A_972] {strides = array<i32>} : memref<320xi32, #tpu.memory_space<vmem>>, vector<16xi32>,
              tpu.vector_store %arg14[%swap3A_972], %select_n3A_971 {strides = array<i32>} : memref<320xi32, #tpu.memory_space<vmem>>, vector<16xi32>,
              %add3A_974 = arith.constant 288 : i32
              %add3A_975 = arith.addi %mul3A_0, %add3A_974 : i32
              %get3A_976 = arith.index_cast %add3A_975 : i32 to index
              %get3A_977 = tpu.vector_load %arg9[%get3A_976] {strides = array<i32>} : memref<5120xf32, #tpu.memory_space<vmem>>, vector<16xf32>,
              %get3A_978 = arith.index_cast %add3A_975 : i32 to index
              %get3A_979 = tpu.vector_load %arg10[%get3A_978] {strides = array<i32>} : memref<5120xf32, #tpu.memory_space<vmem>>, vector<16xf32>,
              %get3A_980 = arith.index_cast %add3A_975 : i32 to index
              %get3A_981 = tpu.vector_load %arg11[%get3A_980] {strides = array<i32>} : memref<5120xf32, #tpu.memory_space<vmem>>, vector<16xf32>,
              %get3A_982 = arith.index_cast %add3A_975 : i32 to index
              %get3A_983 = tpu.vector_load %arg12[%get3A_982] {strides = array<i32>} : memref<5120xf32, #tpu.memory_space<vmem>>, vector<16xf32>,
              %get3A_984 = arith.index_cast %add3A_975 : i32 to index
              %get3A_985 = tpu.vector_load %arg13[%get3A_984] {strides = array<i32>} : memref<5120xf32, #tpu.memory_space<vmem>>, vector<16xf32>,
              %max3A_986 = arith.maximumf %get3A_977, %gather3A : vector<16xf32>
              %max3A_987 = arith.maximumf %get3A_979, %gather3A_68 : vector<16xf32>
              %min3A_988 = arith.minimumf %get3A_981, %gather3A_69 : vector<16xf32>
              %min3A_989 = arith.minimumf %get3A_983, %gather3A_70 : vector<16xf32>
              %sub3A_990 = arith.subf %min3A_988, %max3A_986 : vector<16xf32>
              %add3A_991 = arith.constant 1.000000e+00 : f32
              %add3A_992 = vector.broadcast %add3A_991 : f32 to vector<16xf32>
              %add3A_993 = arith.addf %sub3A_990, %add3A_992 : vector<16xf32>
              %max3A_994 = arith.constant 0.000000e+00 : f32
              %max3A_995 = vector.broadcast %max3A_994 : f32 to vector<16xf32>
              %max3A_996 = arith.maximumf %max3A_995, %add3A_993 : vector<16xf32>
              %sub3A_997 = arith.subf %min3A_989, %max3A_987 : vector<16xf32>
              %add3A_998 = arith.constant 1.000000e+00 : f32
              %add3A_999 = vector.broadcast %add3A_998 : f32 to vector<16xf32>
              %add3A_1000 = arith.addf %sub3A_997, %add3A_999 : vector<16xf32>
              %max3A_1001 = arith.constant 0.000000e+00 : f32
              %max3A_1002 = vector.broadcast %max3A_1001 : f32 to vector<16xf32>
              %max3A_1003 = arith.maximumf %max3A_1002, %add3A_1000 : vector<16xf32>
              %mul3A_1004 = arith.mulf %max3A_996, %max3A_1003 : vector<16xf32>
              %add3A_1005 = arith.addf %gather3A_71, %get3A_985 : vector<16xf32>
              %sub3A_1006 = arith.subf %add3A_1005, %mul3A_1004 : vector<16xf32>
              %div3A_1007 = arith.divf %mul3A_1004, %sub3A_1006 : vector<16xf32>
              %gt3A_1008 = arith.constant 3.000000e-01 : f32
              %gt3A_1009 = vector.broadcast %gt3A_1008 : f32 to vector<16xf32>
              %gt3A_1010 = arith.cmpf ogt, %div3A_1007, %gt3A_1009 : vector<16xf32>
              %get3A_1011 = arith.constant 288 : index
              %get3A_1012 = tpu.vector_load %arg14[%get3A_1011] {strides = array<i32>} : memref<320xi32, #tpu.memory_space<vmem>>, vector<16xi32>,
              %jit3A_1013 = arith.constant 0 : i32
              %broadcast_in_dim3A_1014 = vector.broadcast %jit3A_1013 : i32 to vector<16xi32>
              %select_n3A_1015 = arith.select %gt3A_1010, %broadcast_in_dim3A_1014, %get3A_1012 : vector<16xi1>, vector<16xi32>
              %lt3A_1016 = arith.constant 18 : i32
              %lt3A_1017 = arith.cmpi slt, %scan3A_28, %lt3A_1016 : i32
              %select_n3A_1018 = arith.select %lt3A_1017, %select_n3A_1015, %get3A_1012 : vector<16xi32>
              %swap3A_1019 = arith.constant 288 : index
              %swap3A_1020 = tpu.vector_load %arg14[%swap3A_1019] {strides = array<i32>} : memref<320xi32, #tpu.memory_space<vmem>>, vector<16xi32>,
              tpu.vector_store %arg14[%swap3A_1019], %select_n3A_1018 {strides = array<i32>} : memref<320xi32, #tpu.memory_space<vmem>>, vector<16xi32>,
              %add3A_1021 = arith.constant 304 : i32
              %add3A_1022 = arith.addi %mul3A_0, %add3A_1021 : i32
              %get3A_1023 = arith.index_cast %add3A_1022 : i32 to index
              %get3A_1024 = tpu.vector_load %arg9[%get3A_1023] {strides = array<i32>} : memref<5120xf32, #tpu.memory_space<vmem>>, vector<16xf32>,
              %get3A_1025 = arith.index_cast %add3A_1022 : i32 to index
              %get3A_1026 = tpu.vector_load %arg10[%get3A_1025] {strides = array<i32>} : memref<5120xf32, #tpu.memory_space<vmem>>, vector<16xf32>,
              %get3A_1027 = arith.index_cast %add3A_1022 : i32 to index
              %get3A_1028 = tpu.vector_load %arg11[%get3A_1027] {strides = array<i32>} : memref<5120xf32, #tpu.memory_space<vmem>>, vector<16xf32>,
              %get3A_1029 = arith.index_cast %add3A_1022 : i32 to index
              %get3A_1030 = tpu.vector_load %arg12[%get3A_1029] {strides = array<i32>} : memref<5120xf32, #tpu.memory_space<vmem>>, vector<16xf32>,
              %get3A_1031 = arith.index_cast %add3A_1022 : i32 to index
              %get3A_1032 = tpu.vector_load %arg13[%get3A_1031] {strides = array<i32>} : memref<5120xf32, #tpu.memory_space<vmem>>, vector<16xf32>,
              %max3A_1033 = arith.maximumf %get3A_1024, %gather3A : vector<16xf32>
              %max3A_1034 = arith.maximumf %get3A_1026, %gather3A_68 : vector<16xf32>
              %min3A_1035 = arith.minimumf %get3A_1028, %gather3A_69 : vector<16xf32>
              %min3A_1036 = arith.minimumf %get3A_1030, %gather3A_70 : vector<16xf32>
              %sub3A_1037 = arith.subf %min3A_1035, %max3A_1033 : vector<16xf32>
              %add3A_1038 = arith.constant 1.000000e+00 : f32
              %add3A_1039 = vector.broadcast %add3A_1038 : f32 to vector<16xf32>
              %add3A_1040 = arith.addf %sub3A_1037, %add3A_1039 : vector<16xf32>
              %max3A_1041 = arith.constant 0.000000e+00 : f32
              %max3A_1042 = vector.broadcast %max3A_1041 : f32 to vector<16xf32>
              %max3A_1043 = arith.maximumf %max3A_1042, %add3A_1040 : vector<16xf32>
              %sub3A_1044 = arith.subf %min3A_1036, %max3A_1034 : vector<16xf32>
              %add3A_1045 = arith.constant 1.000000e+00 : f32
              %add3A_1046 = vector.broadcast %add3A_1045 : f32 to vector<16xf32>
              %add3A_1047 = arith.addf %sub3A_1044, %add3A_1046 : vector<16xf32>
              %max3A_1048 = arith.constant 0.000000e+00 : f32
              %max3A_1049 = vector.broadcast %max3A_1048 : f32 to vector<16xf32>
              %max3A_1050 = arith.maximumf %max3A_1049, %add3A_1047 : vector<16xf32>
              %mul3A_1051 = arith.mulf %max3A_1043, %max3A_1050 : vector<16xf32>
              %add3A_1052 = arith.addf %gather3A_71, %get3A_1032 : vector<16xf32>
              %sub3A_1053 = arith.subf %add3A_1052, %mul3A_1051 : vector<16xf32>
              %div3A_1054 = arith.divf %mul3A_1051, %sub3A_1053 : vector<16xf32>
              %gt3A_1055 = arith.constant 3.000000e-01 : f32
              %gt3A_1056 = vector.broadcast %gt3A_1055 : f32 to vector<16xf32>
              %gt3A_1057 = arith.cmpf ogt, %div3A_1054, %gt3A_1056 : vector<16xf32>
              %get3A_1058 = arith.constant 304 : index
              %get3A_1059 = tpu.vector_load %arg14[%get3A_1058] {strides = array<i32>} : memref<320xi32, #tpu.memory_space<vmem>>, vector<16xi32>,
              %jit3A_1060 = arith.constant 0 : i32
              %broadcast_in_dim3A_1061 = vector.broadcast %jit3A_1060 : i32 to vector<16xi32>
              %select_n3A_1062 = arith.select %gt3A_1057, %broadcast_in_dim3A_1061, %get3A_1059 : vector<16xi1>, vector<16xi32>
              %lt3A_1063 = arith.constant 19 : i32
              %lt3A_1064 = arith.cmpi slt, %scan3A_28, %lt3A_1063 : i32
              %select_n3A_1065 = arith.select %lt3A_1064, %select_n3A_1062, %get3A_1059 : vector<16xi32>
              %swap3A_1066 = arith.constant 304 : index
              %swap3A_1067 = tpu.vector_load %arg14[%swap3A_1066] {strides = array<i32>} : memref<320xi32, #tpu.memory_space<vmem>>, vector<16xi32>,
              tpu.vector_store %arg14[%swap3A_1066], %select_n3A_1065 {strides = array<i32>} : memref<320xi32, #tpu.memory_space<vmem>>, vector<16xi32>,
            } else {
            }
            %scan3A_60 = arith.constant 0 : i32
            scf.yield %scan3A_60 : i32
          }
          %scan3A_36 = arith.constant 16 : i32
          %scan3A_37 = arith.constant 0 : i32
          scf.yield %scan3A_37 : i32
        }
        %scan3A_27 = arith.constant 20 : i32
        "tpu.region"() ({
          %run_scoped3A = tpu.sem_alloc : memref<!tpu.dma_semaphore, #tpu.memory_space<semaphore_mem>>
          %dma_start3A = arith.constant 0 : i32
          %dma_start3A_28 = tpu.memref_slice %arg17[%scan3A_14, %dma_start3A] : memref<16x320xi32, #tpu.memory_space<vmem_shared>> -> memref<1x320xi32, #tpu.memory_space<vmem_shared>>
          %dma_start3A_29 = tpu.memref_squeeze %dma_start3A_28 : memref<1x320xi32, #tpu.memory_space<vmem_shared>> -> memref<320xi32, #tpu.memory_space<vmem_shared>>
          %dma_start3A_30 = arith.constant 0 : i32
          %dma_start3A_31 = tpu.memref_slice %arg17[%scan3A_14, %dma_start3A_30] : memref<16x320xi32, #tpu.memory_space<vmem_shared>> -> memref<1x320xi32, #tpu.memory_space<vmem_shared>>
          %dma_start3A_32 = tpu.memref_squeeze %dma_start3A_31 : memref<1x320xi32, #tpu.memory_space<vmem_shared>> -> memref<320xi32, #tpu.memory_space<vmem_shared>>
          tpu.enqueue_dma source(%arg15 : memref<320xi32, #tpu.memory_space<vmem>>) target(%dma_start3A_32 : memref<320xi32, #tpu.memory_space<vmem_shared>>) target_semaphore(%run_scoped3A : memref<!tpu.dma_semaphore, #tpu.memory_space<semaphore_mem>>)
          %dma_wait3A = arith.constant 0 : i32
          %dma_wait3A_33 = tpu.memref_slice %arg17[%scan3A_14, %dma_wait3A] : memref<16x320xi32, #tpu.memory_space<vmem_shared>> -> memref<1x320xi32, #tpu.memory_space<vmem_shared>>
          %dma_wait3A_34 = tpu.memref_squeeze %dma_wait3A_33 : memref<1x320xi32, #tpu.memory_space<vmem_shared>> -> memref<320xi32, #tpu.memory_space<vmem_shared>>
          %dma_wait3A_35 = arith.constant 0 : i32
          %dma_wait3A_36 = tpu.memref_slice %arg17[%scan3A_14, %dma_wait3A_35] : memref<16x320xi32, #tpu.memory_space<vmem_shared>> -> memref<1x320xi32, #tpu.memory_space<vmem_shared>>
          %dma_wait3A_37 = tpu.memref_squeeze %dma_wait3A_36 : memref<1x320xi32, #tpu.memory_space<vmem_shared>> -> memref<320xi32, #tpu.memory_space<vmem_shared>>
          tpu.wait_dma2 semaphore(%run_scoped3A : memref<!tpu.dma_semaphore, #tpu.memory_space<semaphore_mem>>) src(%arg15 : memref<320xi32, #tpu.memory_space<vmem>>) dst(%dma_wait3A_37 : memref<320xi32, #tpu.memory_space<vmem_shared>>)
          tpu.yield
        }) : () -> ()
      } else {
      }
      %barrier3A = arith.constant 0 : index
      tpu.barrier barrier_id(%barrier3A)
      %gt3A = arith.cmpi sgt, %arg1, %scan3A_14 : i32
      %convert_element_type3A_17 = arith.extui %gt3A : i1 to i32
      %cond3A_18 = arith.constant 0 : i32
      %cond3A_19 = arith.cmpi ne, %convert_element_type3A_17, %cond3A_18 : i32
      scf.if %cond3A_19 {
        "tpu.region"() ({
          %run_scoped3A = tpu.sem_alloc : memref<!tpu.dma_semaphore, #tpu.memory_space<semaphore_mem>>
          %dma_start3A = arith.constant 0 : i32
          %dma_start3A_28 = tpu.memref_slice %arg17[%scan3A_14, %dma_start3A] : memref<16x320xi32, #tpu.memory_space<vmem_shared>> -> memref<1x320xi32, #tpu.memory_space<vmem_shared>>
          %dma_start3A_29 = tpu.memref_squeeze %dma_start3A_28 : memref<1x320xi32, #tpu.memory_space<vmem_shared>> -> memref<320xi32, #tpu.memory_space<vmem_shared>>
          %dma_start3A_30 = arith.constant 0 : i32
          %dma_start3A_31 = tpu.memref_slice %arg17[%scan3A_14, %dma_start3A_30] : memref<16x320xi32, #tpu.memory_space<vmem_shared>> -> memref<1x320xi32, #tpu.memory_space<vmem_shared>>
          %dma_start3A_32 = tpu.memref_squeeze %dma_start3A_31 : memref<1x320xi32, #tpu.memory_space<vmem_shared>> -> memref<320xi32, #tpu.memory_space<vmem_shared>>
          tpu.enqueue_dma source(%dma_start3A_32 : memref<320xi32, #tpu.memory_space<vmem_shared>>) target(%arg16 : memref<320xi32, #tpu.memory_space<vmem>>) target_semaphore(%run_scoped3A : memref<!tpu.dma_semaphore, #tpu.memory_space<semaphore_mem>>)
          %dma_wait3A = arith.constant 0 : i32
          %dma_wait3A_33 = tpu.memref_slice %arg17[%scan3A_14, %dma_wait3A] : memref<16x320xi32, #tpu.memory_space<vmem_shared>> -> memref<1x320xi32, #tpu.memory_space<vmem_shared>>
          %dma_wait3A_34 = tpu.memref_squeeze %dma_wait3A_33 : memref<1x320xi32, #tpu.memory_space<vmem_shared>> -> memref<320xi32, #tpu.memory_space<vmem_shared>>
          %dma_wait3A_35 = arith.constant 0 : i32
          %dma_wait3A_36 = tpu.memref_slice %arg17[%scan3A_14, %dma_wait3A_35] : memref<16x320xi32, #tpu.memory_space<vmem_shared>> -> memref<1x320xi32, #tpu.memory_space<vmem_shared>>
          %dma_wait3A_37 = tpu.memref_squeeze %dma_wait3A_36 : memref<1x320xi32, #tpu.memory_space<vmem_shared>> -> memref<320xi32, #tpu.memory_space<vmem_shared>>
          tpu.wait_dma2 semaphore(%run_scoped3A : memref<!tpu.dma_semaphore, #tpu.memory_space<semaphore_mem>>) src(%dma_wait3A_37 : memref<320xi32, #tpu.memory_space<vmem_shared>>) dst(%arg16 : memref<320xi32, #tpu.memory_space<vmem>>)
          tpu.yield
        }) : () -> ()
        %scan3A_21 = arith.constant 0 : i32
        %scan3A_22 = arith.constant 0 : i32
        %scan3A_23 = arith.constant 20 : i32
        %scan3A_24 = arith.addi %scan3A_22, %scan3A_23 : i32
        %scan3A_25 = arith.constant 1 : i32
        %scan3A_26 = scf.for %scan3A_28 = %scan3A_22 to %scan3A_24 step %scan3A_25 iter_args(%scan3A_29 = %scan3A_21) -> (i32)  : i32 {
          %scan3A_30 = arith.constant 0 : i32
          %scan3A_31 = arith.constant 0 : i32
          %scan3A_32 = arith.constant 16 : i32
          %scan3A_33 = arith.addi %scan3A_31, %scan3A_32 : i32
          %scan3A_34 = arith.constant 1 : i32
          %scan3A_35 = scf.for %scan3A_38 = %scan3A_31 to %scan3A_33 step %scan3A_34 iter_args(%scan3A_39 = %scan3A_30) -> (i32)  : i32 {
            %mul3A_40 = arith.constant 16 : i32
            %mul3A_41 = arith.muli %scan3A_28, %mul3A_40 : i32
            %get3A = arith.index_cast %mul3A_41 : i32 to index
            %get3A_42 = tpu.vector_load %arg16[%get3A] {strides = array<i32>} : memref<320xi32, #tpu.memory_space<vmem>>, vector<16xi32>,
            %ne3A = arith.constant 0 : i32
            %ne3A_43 = vector.broadcast %ne3A : i32 to vector<16xi32>
            %ne3A_44 = arith.cmpi ne, %get3A_42, %ne3A_43 : vector<16xi32>
            %eq3A_45 = vector.broadcast %scan3A_38 : i32 to vector<16xi32>
            %eq3A_46 = arith.cmpi eq, %iota3A, %eq3A_45 : vector<16xi32>
            %and3A = arith.andi %ne3A_44, %eq3A_46 : vector<16xi1>
            %reduce_or3A = arith.constant 1.000000e+00 : f32
            %reduce_or3A_47 = arith.constant 0.000000e+00 : f32
            %reduce_or3A_48 = vector.broadcast %reduce_or3A : f32 to vector<16xf32>
            %reduce_or3A_49 = vector.broadcast %reduce_or3A_47 : f32 to vector<16xf32>
            %reduce_or3A_50 = arith.select %and3A, %reduce_or3A_48, %reduce_or3A_49 : vector<16xi1>, vector<16xf32>
            %reduce_or3A_51 = arith.constant true
            %reduce_or3A_52 = vector.broadcast %reduce_or3A_51 : i1 to vector<16xi1>
            %reduce_or3A_53 = tpu.scan <max>, %reduce_or3A_50 masked %reduce_or3A_52 : vector<16xf32>, vector<16xi1> -> vector<16xf32>
            %reduce_or3A_54 = vector.extract %reduce_or3A_53[15] : f32 from vector<16xf32>
            %reduce_or3A_55 = arith.constant 0.000000e+00 : f32
            %reduce_or3A_56 = arith.cmpf ogt, %reduce_or3A_54, %reduce_or3A_55 : f32
            %convert_element_type3A_57 = arith.extui %reduce_or3A_56 : i1 to i32
            %cond3A_58 = arith.constant 0 : i32
            %cond3A_59 = arith.cmpi ne, %convert_element_type3A_57, %cond3A_58 : i32
            scf.if %cond3A_59 {
              %broadcast_in_dim3A = arith.constant 0 : i32
              %broadcast_in_dim3A_61 = vector.broadcast %broadcast_in_dim3A : i32 to vector<16xi32>
              %add3A = vector.broadcast %scan3A_38 : i32 to vector<16xi32>
              %add3A_62 = arith.addi %broadcast_in_dim3A_61, %add3A : vector<16xi32>
              %mul3A_63 = arith.constant 320 : i32
              %mul3A_64 = arith.muli %scan3A_14, %mul3A_63 : i32
              %mul3A_65 = arith.constant 16 : i32
              %mul3A_66 = arith.muli %scan3A_28, %mul3A_65 : i32
              %add3A_67 = arith.addi %mul3A_64, %mul3A_66 : i32
              %add3A_68 = vector.broadcast %add3A_67 : i32 to vector<16xi32>
              %add3A_69 = arith.addi %add3A_62, %add3A_68 : vector<16xi32>
              %gather3A = tpu.vector_load_idx %arg9[%add3A_69] : memref<5120xf32, #tpu.memory_space<vmem>>[vector<16xi32>], vector<16xf32>,
              %gather3A_70 = tpu.vector_load_idx %arg10[%add3A_69] : memref<5120xf32, #tpu.memory_space<vmem>>[vector<16xi32>], vector<16xf32>,
              %gather3A_71 = tpu.vector_load_idx %arg11[%add3A_69] : memref<5120xf32, #tpu.memory_space<vmem>>[vector<16xi32>], vector<16xf32>,
              %gather3A_72 = tpu.vector_load_idx %arg12[%add3A_69] : memref<5120xf32, #tpu.memory_space<vmem>>[vector<16xi32>], vector<16xf32>,
              %gather3A_73 = tpu.vector_load_idx %arg13[%add3A_69] : memref<5120xf32, #tpu.memory_space<vmem>>[vector<16xi32>], vector<16xf32>,
              %add3A_74 = arith.constant 0 : i32
              %add3A_75 = arith.addi %mul3A_0, %add3A_74 : i32
              %get3A_76 = arith.index_cast %add3A_75 : i32 to index
              %get3A_77 = tpu.vector_load %arg9[%get3A_76] {strides = array<i32>} : memref<5120xf32, #tpu.memory_space<vmem>>, vector<16xf32>,
              %get3A_78 = arith.index_cast %add3A_75 : i32 to index
              %get3A_79 = tpu.vector_load %arg10[%get3A_78] {strides = array<i32>} : memref<5120xf32, #tpu.memory_space<vmem>>, vector<16xf32>,
              %get3A_80 = arith.index_cast %add3A_75 : i32 to index
              %get3A_81 = tpu.vector_load %arg11[%get3A_80] {strides = array<i32>} : memref<5120xf32, #tpu.memory_space<vmem>>, vector<16xf32>,
              %get3A_82 = arith.index_cast %add3A_75 : i32 to index
              %get3A_83 = tpu.vector_load %arg12[%get3A_82] {strides = array<i32>} : memref<5120xf32, #tpu.memory_space<vmem>>, vector<16xf32>,
              %get3A_84 = arith.index_cast %add3A_75 : i32 to index
              %get3A_85 = tpu.vector_load %arg13[%get3A_84] {strides = array<i32>} : memref<5120xf32, #tpu.memory_space<vmem>>, vector<16xf32>,
              %max3A = arith.maximumf %get3A_77, %gather3A : vector<16xf32>
              %max3A_86 = arith.maximumf %get3A_79, %gather3A_70 : vector<16xf32>
              %min3A = arith.minimumf %get3A_81, %gather3A_71 : vector<16xf32>
              %min3A_87 = arith.minimumf %get3A_83, %gather3A_72 : vector<16xf32>
              %sub3A = arith.subf %min3A, %max3A : vector<16xf32>
              %add3A_88 = arith.constant 1.000000e+00 : f32
              %add3A_89 = vector.broadcast %add3A_88 : f32 to vector<16xf32>
              %add3A_90 = arith.addf %sub3A, %add3A_89 : vector<16xf32>
              %max3A_91 = arith.constant 0.000000e+00 : f32
              %max3A_92 = vector.broadcast %max3A_91 : f32 to vector<16xf32>
              %max3A_93 = arith.maximumf %max3A_92, %add3A_90 : vector<16xf32>
              %sub3A_94 = arith.subf %min3A_87, %max3A_86 : vector<16xf32>
              %add3A_95 = arith.constant 1.000000e+00 : f32
              %add3A_96 = vector.broadcast %add3A_95 : f32 to vector<16xf32>
              %add3A_97 = arith.addf %sub3A_94, %add3A_96 : vector<16xf32>
              %max3A_98 = arith.constant 0.000000e+00 : f32
              %max3A_99 = vector.broadcast %max3A_98 : f32 to vector<16xf32>
              %max3A_100 = arith.maximumf %max3A_99, %add3A_97 : vector<16xf32>
              %mul3A_101 = arith.mulf %max3A_93, %max3A_100 : vector<16xf32>
              %add3A_102 = arith.addf %gather3A_73, %get3A_85 : vector<16xf32>
              %sub3A_103 = arith.subf %add3A_102, %mul3A_101 : vector<16xf32>
              %div3A = arith.divf %mul3A_101, %sub3A_103 : vector<16xf32>
              %gt3A_104 = arith.constant 3.000000e-01 : f32
              %gt3A_105 = vector.broadcast %gt3A_104 : f32 to vector<16xf32>
              %gt3A_106 = arith.cmpf ogt, %div3A, %gt3A_105 : vector<16xf32>
              %get3A_107 = arith.constant 0 : index
              %get3A_108 = tpu.vector_load %arg14[%get3A_107] {strides = array<i32>} : memref<320xi32, #tpu.memory_space<vmem>>, vector<16xi32>,
              %jit3A = arith.constant 0 : i32
              %broadcast_in_dim3A_109 = vector.broadcast %jit3A : i32 to vector<16xi32>
              %select_n3A = arith.select %gt3A_106, %broadcast_in_dim3A_109, %get3A_108 : vector<16xi1>, vector<16xi32>
              %jit3A_110 = arith.constant true
              %select_n3A_111 = arith.select %jit3A_110, %select_n3A, %get3A_108 : vector<16xi32>
              %swap3A = arith.constant 0 : index
              %swap3A_112 = tpu.vector_load %arg14[%swap3A] {strides = array<i32>} : memref<320xi32, #tpu.memory_space<vmem>>, vector<16xi32>,
              tpu.vector_store %arg14[%swap3A], %select_n3A_111 {strides = array<i32>} : memref<320xi32, #tpu.memory_space<vmem>>, vector<16xi32>,
              %add3A_113 = arith.constant 16 : i32
              %add3A_114 = arith.addi %mul3A_0, %add3A_113 : i32
              %get3A_115 = arith.index_cast %add3A_114 : i32 to index
              %get3A_116 = tpu.vector_load %arg9[%get3A_115] {strides = array<i32>} : memref<5120xf32, #tpu.memory_space<vmem>>, vector<16xf32>,
              %get3A_117 = arith.index_cast %add3A_114 : i32 to index
              %get3A_118 = tpu.vector_load %arg10[%get3A_117] {strides = array<i32>} : memref<5120xf32, #tpu.memory_space<vmem>>, vector<16xf32>,
              %get3A_119 = arith.index_cast %add3A_114 : i32 to index
              %get3A_120 = tpu.vector_load %arg11[%get3A_119] {strides = array<i32>} : memref<5120xf32, #tpu.memory_space<vmem>>, vector<16xf32>,
              %get3A_121 = arith.index_cast %add3A_114 : i32 to index
              %get3A_122 = tpu.vector_load %arg12[%get3A_121] {strides = array<i32>} : memref<5120xf32, #tpu.memory_space<vmem>>, vector<16xf32>,
              %get3A_123 = arith.index_cast %add3A_114 : i32 to index
              %get3A_124 = tpu.vector_load %arg13[%get3A_123] {strides = array<i32>} : memref<5120xf32, #tpu.memory_space<vmem>>, vector<16xf32>,
              %max3A_125 = arith.maximumf %get3A_116, %gather3A : vector<16xf32>
              %max3A_126 = arith.maximumf %get3A_118, %gather3A_70 : vector<16xf32>
              %min3A_127 = arith.minimumf %get3A_120, %gather3A_71 : vector<16xf32>
              %min3A_128 = arith.minimumf %get3A_122, %gather3A_72 : vector<16xf32>
              %sub3A_129 = arith.subf %min3A_127, %max3A_125 : vector<16xf32>
              %add3A_130 = arith.constant 1.000000e+00 : f32
              %add3A_131 = vector.broadcast %add3A_130 : f32 to vector<16xf32>
              %add3A_132 = arith.addf %sub3A_129, %add3A_131 : vector<16xf32>
              %max3A_133 = arith.constant 0.000000e+00 : f32
              %max3A_134 = vector.broadcast %max3A_133 : f32 to vector<16xf32>
              %max3A_135 = arith.maximumf %max3A_134, %add3A_132 : vector<16xf32>
              %sub3A_136 = arith.subf %min3A_128, %max3A_126 : vector<16xf32>
              %add3A_137 = arith.constant 1.000000e+00 : f32
              %add3A_138 = vector.broadcast %add3A_137 : f32 to vector<16xf32>
              %add3A_139 = arith.addf %sub3A_136, %add3A_138 : vector<16xf32>
              %max3A_140 = arith.constant 0.000000e+00 : f32
              %max3A_141 = vector.broadcast %max3A_140 : f32 to vector<16xf32>
              %max3A_142 = arith.maximumf %max3A_141, %add3A_139 : vector<16xf32>
              %mul3A_143 = arith.mulf %max3A_135, %max3A_142 : vector<16xf32>
              %add3A_144 = arith.addf %gather3A_73, %get3A_124 : vector<16xf32>
              %sub3A_145 = arith.subf %add3A_144, %mul3A_143 : vector<16xf32>
              %div3A_146 = arith.divf %mul3A_143, %sub3A_145 : vector<16xf32>
              %gt3A_147 = arith.constant 3.000000e-01 : f32
              %gt3A_148 = vector.broadcast %gt3A_147 : f32 to vector<16xf32>
              %gt3A_149 = arith.cmpf ogt, %div3A_146, %gt3A_148 : vector<16xf32>
              %get3A_150 = arith.constant 16 : index
              %get3A_151 = tpu.vector_load %arg14[%get3A_150] {strides = array<i32>} : memref<320xi32, #tpu.memory_space<vmem>>, vector<16xi32>,
              %jit3A_152 = arith.constant 0 : i32
              %broadcast_in_dim3A_153 = vector.broadcast %jit3A_152 : i32 to vector<16xi32>
              %select_n3A_154 = arith.select %gt3A_149, %broadcast_in_dim3A_153, %get3A_151 : vector<16xi1>, vector<16xi32>
              %jit3A_155 = arith.constant true
              %select_n3A_156 = arith.select %jit3A_155, %select_n3A_154, %get3A_151 : vector<16xi32>
              %swap3A_157 = arith.constant 16 : index
              %swap3A_158 = tpu.vector_load %arg14[%swap3A_157] {strides = array<i32>} : memref<320xi32, #tpu.memory_space<vmem>>, vector<16xi32>,
              tpu.vector_store %arg14[%swap3A_157], %select_n3A_156 {strides = array<i32>} : memref<320xi32, #tpu.memory_space<vmem>>, vector<16xi32>,
              %add3A_159 = arith.constant 32 : i32
              %add3A_160 = arith.addi %mul3A_0, %add3A_159 : i32
              %get3A_161 = arith.index_cast %add3A_160 : i32 to index
              %get3A_162 = tpu.vector_load %arg9[%get3A_161] {strides = array<i32>} : memref<5120xf32, #tpu.memory_space<vmem>>, vector<16xf32>,
              %get3A_163 = arith.index_cast %add3A_160 : i32 to index
              %get3A_164 = tpu.vector_load %arg10[%get3A_163] {strides = array<i32>} : memref<5120xf32, #tpu.memory_space<vmem>>, vector<16xf32>,
              %get3A_165 = arith.index_cast %add3A_160 : i32 to index
              %get3A_166 = tpu.vector_load %arg11[%get3A_165] {strides = array<i32>} : memref<5120xf32, #tpu.memory_space<vmem>>, vector<16xf32>,
              %get3A_167 = arith.index_cast %add3A_160 : i32 to index
              %get3A_168 = tpu.vector_load %arg12[%get3A_167] {strides = array<i32>} : memref<5120xf32, #tpu.memory_space<vmem>>, vector<16xf32>,
              %get3A_169 = arith.index_cast %add3A_160 : i32 to index
              %get3A_170 = tpu.vector_load %arg13[%get3A_169] {strides = array<i32>} : memref<5120xf32, #tpu.memory_space<vmem>>, vector<16xf32>,
              %max3A_171 = arith.maximumf %get3A_162, %gather3A : vector<16xf32>
              %max3A_172 = arith.maximumf %get3A_164, %gather3A_70 : vector<16xf32>
              %min3A_173 = arith.minimumf %get3A_166, %gather3A_71 : vector<16xf32>
              %min3A_174 = arith.minimumf %get3A_168, %gather3A_72 : vector<16xf32>
              %sub3A_175 = arith.subf %min3A_173, %max3A_171 : vector<16xf32>
              %add3A_176 = arith.constant 1.000000e+00 : f32
              %add3A_177 = vector.broadcast %add3A_176 : f32 to vector<16xf32>
              %add3A_178 = arith.addf %sub3A_175, %add3A_177 : vector<16xf32>
              %max3A_179 = arith.constant 0.000000e+00 : f32
              %max3A_180 = vector.broadcast %max3A_179 : f32 to vector<16xf32>
              %max3A_181 = arith.maximumf %max3A_180, %add3A_178 : vector<16xf32>
              %sub3A_182 = arith.subf %min3A_174, %max3A_172 : vector<16xf32>
              %add3A_183 = arith.constant 1.000000e+00 : f32
              %add3A_184 = vector.broadcast %add3A_183 : f32 to vector<16xf32>
              %add3A_185 = arith.addf %sub3A_182, %add3A_184 : vector<16xf32>
              %max3A_186 = arith.constant 0.000000e+00 : f32
              %max3A_187 = vector.broadcast %max3A_186 : f32 to vector<16xf32>
              %max3A_188 = arith.maximumf %max3A_187, %add3A_185 : vector<16xf32>
              %mul3A_189 = arith.mulf %max3A_181, %max3A_188 : vector<16xf32>
              %add3A_190 = arith.addf %gather3A_73, %get3A_170 : vector<16xf32>
              %sub3A_191 = arith.subf %add3A_190, %mul3A_189 : vector<16xf32>
              %div3A_192 = arith.divf %mul3A_189, %sub3A_191 : vector<16xf32>
              %gt3A_193 = arith.constant 3.000000e-01 : f32
              %gt3A_194 = vector.broadcast %gt3A_193 : f32 to vector<16xf32>
              %gt3A_195 = arith.cmpf ogt, %div3A_192, %gt3A_194 : vector<16xf32>
              %get3A_196 = arith.constant 32 : index
              %get3A_197 = tpu.vector_load %arg14[%get3A_196] {strides = array<i32>} : memref<320xi32, #tpu.memory_space<vmem>>, vector<16xi32>,
              %jit3A_198 = arith.constant 0 : i32
              %broadcast_in_dim3A_199 = vector.broadcast %jit3A_198 : i32 to vector<16xi32>
              %select_n3A_200 = arith.select %gt3A_195, %broadcast_in_dim3A_199, %get3A_197 : vector<16xi1>, vector<16xi32>
              %jit3A_201 = arith.constant true
              %select_n3A_202 = arith.select %jit3A_201, %select_n3A_200, %get3A_197 : vector<16xi32>
              %swap3A_203 = arith.constant 32 : index
              %swap3A_204 = tpu.vector_load %arg14[%swap3A_203] {strides = array<i32>} : memref<320xi32, #tpu.memory_space<vmem>>, vector<16xi32>,
              tpu.vector_store %arg14[%swap3A_203], %select_n3A_202 {strides = array<i32>} : memref<320xi32, #tpu.memory_space<vmem>>, vector<16xi32>,
              %add3A_205 = arith.constant 48 : i32
              %add3A_206 = arith.addi %mul3A_0, %add3A_205 : i32
              %get3A_207 = arith.index_cast %add3A_206 : i32 to index
              %get3A_208 = tpu.vector_load %arg9[%get3A_207] {strides = array<i32>} : memref<5120xf32, #tpu.memory_space<vmem>>, vector<16xf32>,
              %get3A_209 = arith.index_cast %add3A_206 : i32 to index
              %get3A_210 = tpu.vector_load %arg10[%get3A_209] {strides = array<i32>} : memref<5120xf32, #tpu.memory_space<vmem>>, vector<16xf32>,
              %get3A_211 = arith.index_cast %add3A_206 : i32 to index
              %get3A_212 = tpu.vector_load %arg11[%get3A_211] {strides = array<i32>} : memref<5120xf32, #tpu.memory_space<vmem>>, vector<16xf32>,
              %get3A_213 = arith.index_cast %add3A_206 : i32 to index
              %get3A_214 = tpu.vector_load %arg12[%get3A_213] {strides = array<i32>} : memref<5120xf32, #tpu.memory_space<vmem>>, vector<16xf32>,
              %get3A_215 = arith.index_cast %add3A_206 : i32 to index
              %get3A_216 = tpu.vector_load %arg13[%get3A_215] {strides = array<i32>} : memref<5120xf32, #tpu.memory_space<vmem>>, vector<16xf32>,
              %max3A_217 = arith.maximumf %get3A_208, %gather3A : vector<16xf32>
              %max3A_218 = arith.maximumf %get3A_210, %gather3A_70 : vector<16xf32>
              %min3A_219 = arith.minimumf %get3A_212, %gather3A_71 : vector<16xf32>
              %min3A_220 = arith.minimumf %get3A_214, %gather3A_72 : vector<16xf32>
              %sub3A_221 = arith.subf %min3A_219, %max3A_217 : vector<16xf32>
              %add3A_222 = arith.constant 1.000000e+00 : f32
              %add3A_223 = vector.broadcast %add3A_222 : f32 to vector<16xf32>
              %add3A_224 = arith.addf %sub3A_221, %add3A_223 : vector<16xf32>
              %max3A_225 = arith.constant 0.000000e+00 : f32
              %max3A_226 = vector.broadcast %max3A_225 : f32 to vector<16xf32>
              %max3A_227 = arith.maximumf %max3A_226, %add3A_224 : vector<16xf32>
              %sub3A_228 = arith.subf %min3A_220, %max3A_218 : vector<16xf32>
              %add3A_229 = arith.constant 1.000000e+00 : f32
              %add3A_230 = vector.broadcast %add3A_229 : f32 to vector<16xf32>
              %add3A_231 = arith.addf %sub3A_228, %add3A_230 : vector<16xf32>
              %max3A_232 = arith.constant 0.000000e+00 : f32
              %max3A_233 = vector.broadcast %max3A_232 : f32 to vector<16xf32>
              %max3A_234 = arith.maximumf %max3A_233, %add3A_231 : vector<16xf32>
              %mul3A_235 = arith.mulf %max3A_227, %max3A_234 : vector<16xf32>
              %add3A_236 = arith.addf %gather3A_73, %get3A_216 : vector<16xf32>
              %sub3A_237 = arith.subf %add3A_236, %mul3A_235 : vector<16xf32>
              %div3A_238 = arith.divf %mul3A_235, %sub3A_237 : vector<16xf32>
              %gt3A_239 = arith.constant 3.000000e-01 : f32
              %gt3A_240 = vector.broadcast %gt3A_239 : f32 to vector<16xf32>
              %gt3A_241 = arith.cmpf ogt, %div3A_238, %gt3A_240 : vector<16xf32>
              %get3A_242 = arith.constant 48 : index
              %get3A_243 = tpu.vector_load %arg14[%get3A_242] {strides = array<i32>} : memref<320xi32, #tpu.memory_space<vmem>>, vector<16xi32>,
              %jit3A_244 = arith.constant 0 : i32
              %broadcast_in_dim3A_245 = vector.broadcast %jit3A_244 : i32 to vector<16xi32>
              %select_n3A_246 = arith.select %gt3A_241, %broadcast_in_dim3A_245, %get3A_243 : vector<16xi1>, vector<16xi32>
              %jit3A_247 = arith.constant true
              %select_n3A_248 = arith.select %jit3A_247, %select_n3A_246, %get3A_243 : vector<16xi32>
              %swap3A_249 = arith.constant 48 : index
              %swap3A_250 = tpu.vector_load %arg14[%swap3A_249] {strides = array<i32>} : memref<320xi32, #tpu.memory_space<vmem>>, vector<16xi32>,
              tpu.vector_store %arg14[%swap3A_249], %select_n3A_248 {strides = array<i32>} : memref<320xi32, #tpu.memory_space<vmem>>, vector<16xi32>,
              %add3A_251 = arith.constant 64 : i32
              %add3A_252 = arith.addi %mul3A_0, %add3A_251 : i32
              %get3A_253 = arith.index_cast %add3A_252 : i32 to index
              %get3A_254 = tpu.vector_load %arg9[%get3A_253] {strides = array<i32>} : memref<5120xf32, #tpu.memory_space<vmem>>, vector<16xf32>,
              %get3A_255 = arith.index_cast %add3A_252 : i32 to index
              %get3A_256 = tpu.vector_load %arg10[%get3A_255] {strides = array<i32>} : memref<5120xf32, #tpu.memory_space<vmem>>, vector<16xf32>,
              %get3A_257 = arith.index_cast %add3A_252 : i32 to index
              %get3A_258 = tpu.vector_load %arg11[%get3A_257] {strides = array<i32>} : memref<5120xf32, #tpu.memory_space<vmem>>, vector<16xf32>,
              %get3A_259 = arith.index_cast %add3A_252 : i32 to index
              %get3A_260 = tpu.vector_load %arg12[%get3A_259] {strides = array<i32>} : memref<5120xf32, #tpu.memory_space<vmem>>, vector<16xf32>,
              %get3A_261 = arith.index_cast %add3A_252 : i32 to index
              %get3A_262 = tpu.vector_load %arg13[%get3A_261] {strides = array<i32>} : memref<5120xf32, #tpu.memory_space<vmem>>, vector<16xf32>,
              %max3A_263 = arith.maximumf %get3A_254, %gather3A : vector<16xf32>
              %max3A_264 = arith.maximumf %get3A_256, %gather3A_70 : vector<16xf32>
              %min3A_265 = arith.minimumf %get3A_258, %gather3A_71 : vector<16xf32>
              %min3A_266 = arith.minimumf %get3A_260, %gather3A_72 : vector<16xf32>
              %sub3A_267 = arith.subf %min3A_265, %max3A_263 : vector<16xf32>
              %add3A_268 = arith.constant 1.000000e+00 : f32
              %add3A_269 = vector.broadcast %add3A_268 : f32 to vector<16xf32>
              %add3A_270 = arith.addf %sub3A_267, %add3A_269 : vector<16xf32>
              %max3A_271 = arith.constant 0.000000e+00 : f32
              %max3A_272 = vector.broadcast %max3A_271 : f32 to vector<16xf32>
              %max3A_273 = arith.maximumf %max3A_272, %add3A_270 : vector<16xf32>
              %sub3A_274 = arith.subf %min3A_266, %max3A_264 : vector<16xf32>
              %add3A_275 = arith.constant 1.000000e+00 : f32
              %add3A_276 = vector.broadcast %add3A_275 : f32 to vector<16xf32>
              %add3A_277 = arith.addf %sub3A_274, %add3A_276 : vector<16xf32>
              %max3A_278 = arith.constant 0.000000e+00 : f32
              %max3A_279 = vector.broadcast %max3A_278 : f32 to vector<16xf32>
              %max3A_280 = arith.maximumf %max3A_279, %add3A_277 : vector<16xf32>
              %mul3A_281 = arith.mulf %max3A_273, %max3A_280 : vector<16xf32>
              %add3A_282 = arith.addf %gather3A_73, %get3A_262 : vector<16xf32>
              %sub3A_283 = arith.subf %add3A_282, %mul3A_281 : vector<16xf32>
              %div3A_284 = arith.divf %mul3A_281, %sub3A_283 : vector<16xf32>
              %gt3A_285 = arith.constant 3.000000e-01 : f32
              %gt3A_286 = vector.broadcast %gt3A_285 : f32 to vector<16xf32>
              %gt3A_287 = arith.cmpf ogt, %div3A_284, %gt3A_286 : vector<16xf32>
              %get3A_288 = arith.constant 64 : index
              %get3A_289 = tpu.vector_load %arg14[%get3A_288] {strides = array<i32>} : memref<320xi32, #tpu.memory_space<vmem>>, vector<16xi32>,
              %jit3A_290 = arith.constant 0 : i32
              %broadcast_in_dim3A_291 = vector.broadcast %jit3A_290 : i32 to vector<16xi32>
              %select_n3A_292 = arith.select %gt3A_287, %broadcast_in_dim3A_291, %get3A_289 : vector<16xi1>, vector<16xi32>
              %jit3A_293 = arith.constant true
              %select_n3A_294 = arith.select %jit3A_293, %select_n3A_292, %get3A_289 : vector<16xi32>
              %swap3A_295 = arith.constant 64 : index
              %swap3A_296 = tpu.vector_load %arg14[%swap3A_295] {strides = array<i32>} : memref<320xi32, #tpu.memory_space<vmem>>, vector<16xi32>,
              tpu.vector_store %arg14[%swap3A_295], %select_n3A_294 {strides = array<i32>} : memref<320xi32, #tpu.memory_space<vmem>>, vector<16xi32>,
              %add3A_297 = arith.constant 80 : i32
              %add3A_298 = arith.addi %mul3A_0, %add3A_297 : i32
              %get3A_299 = arith.index_cast %add3A_298 : i32 to index
              %get3A_300 = tpu.vector_load %arg9[%get3A_299] {strides = array<i32>} : memref<5120xf32, #tpu.memory_space<vmem>>, vector<16xf32>,
              %get3A_301 = arith.index_cast %add3A_298 : i32 to index
              %get3A_302 = tpu.vector_load %arg10[%get3A_301] {strides = array<i32>} : memref<5120xf32, #tpu.memory_space<vmem>>, vector<16xf32>,
              %get3A_303 = arith.index_cast %add3A_298 : i32 to index
              %get3A_304 = tpu.vector_load %arg11[%get3A_303] {strides = array<i32>} : memref<5120xf32, #tpu.memory_space<vmem>>, vector<16xf32>,
              %get3A_305 = arith.index_cast %add3A_298 : i32 to index
              %get3A_306 = tpu.vector_load %arg12[%get3A_305] {strides = array<i32>} : memref<5120xf32, #tpu.memory_space<vmem>>, vector<16xf32>,
              %get3A_307 = arith.index_cast %add3A_298 : i32 to index
              %get3A_308 = tpu.vector_load %arg13[%get3A_307] {strides = array<i32>} : memref<5120xf32, #tpu.memory_space<vmem>>, vector<16xf32>,
              %max3A_309 = arith.maximumf %get3A_300, %gather3A : vector<16xf32>
              %max3A_310 = arith.maximumf %get3A_302, %gather3A_70 : vector<16xf32>
              %min3A_311 = arith.minimumf %get3A_304, %gather3A_71 : vector<16xf32>
              %min3A_312 = arith.minimumf %get3A_306, %gather3A_72 : vector<16xf32>
              %sub3A_313 = arith.subf %min3A_311, %max3A_309 : vector<16xf32>
              %add3A_314 = arith.constant 1.000000e+00 : f32
              %add3A_315 = vector.broadcast %add3A_314 : f32 to vector<16xf32>
              %add3A_316 = arith.addf %sub3A_313, %add3A_315 : vector<16xf32>
              %max3A_317 = arith.constant 0.000000e+00 : f32
              %max3A_318 = vector.broadcast %max3A_317 : f32 to vector<16xf32>
              %max3A_319 = arith.maximumf %max3A_318, %add3A_316 : vector<16xf32>
              %sub3A_320 = arith.subf %min3A_312, %max3A_310 : vector<16xf32>
              %add3A_321 = arith.constant 1.000000e+00 : f32
              %add3A_322 = vector.broadcast %add3A_321 : f32 to vector<16xf32>
              %add3A_323 = arith.addf %sub3A_320, %add3A_322 : vector<16xf32>
              %max3A_324 = arith.constant 0.000000e+00 : f32
              %max3A_325 = vector.broadcast %max3A_324 : f32 to vector<16xf32>
              %max3A_326 = arith.maximumf %max3A_325, %add3A_323 : vector<16xf32>
              %mul3A_327 = arith.mulf %max3A_319, %max3A_326 : vector<16xf32>
              %add3A_328 = arith.addf %gather3A_73, %get3A_308 : vector<16xf32>
              %sub3A_329 = arith.subf %add3A_328, %mul3A_327 : vector<16xf32>
              %div3A_330 = arith.divf %mul3A_327, %sub3A_329 : vector<16xf32>
              %gt3A_331 = arith.constant 3.000000e-01 : f32
              %gt3A_332 = vector.broadcast %gt3A_331 : f32 to vector<16xf32>
              %gt3A_333 = arith.cmpf ogt, %div3A_330, %gt3A_332 : vector<16xf32>
              %get3A_334 = arith.constant 80 : index
              %get3A_335 = tpu.vector_load %arg14[%get3A_334] {strides = array<i32>} : memref<320xi32, #tpu.memory_space<vmem>>, vector<16xi32>,
              %jit3A_336 = arith.constant 0 : i32
              %broadcast_in_dim3A_337 = vector.broadcast %jit3A_336 : i32 to vector<16xi32>
              %select_n3A_338 = arith.select %gt3A_333, %broadcast_in_dim3A_337, %get3A_335 : vector<16xi1>, vector<16xi32>
              %jit3A_339 = arith.constant true
              %select_n3A_340 = arith.select %jit3A_339, %select_n3A_338, %get3A_335 : vector<16xi32>
              %swap3A_341 = arith.constant 80 : index
              %swap3A_342 = tpu.vector_load %arg14[%swap3A_341] {strides = array<i32>} : memref<320xi32, #tpu.memory_space<vmem>>, vector<16xi32>,
              tpu.vector_store %arg14[%swap3A_341], %select_n3A_340 {strides = array<i32>} : memref<320xi32, #tpu.memory_space<vmem>>, vector<16xi32>,
              %add3A_343 = arith.constant 96 : i32
              %add3A_344 = arith.addi %mul3A_0, %add3A_343 : i32
              %get3A_345 = arith.index_cast %add3A_344 : i32 to index
              %get3A_346 = tpu.vector_load %arg9[%get3A_345] {strides = array<i32>} : memref<5120xf32, #tpu.memory_space<vmem>>, vector<16xf32>,
              %get3A_347 = arith.index_cast %add3A_344 : i32 to index
              %get3A_348 = tpu.vector_load %arg10[%get3A_347] {strides = array<i32>} : memref<5120xf32, #tpu.memory_space<vmem>>, vector<16xf32>,
              %get3A_349 = arith.index_cast %add3A_344 : i32 to index
              %get3A_350 = tpu.vector_load %arg11[%get3A_349] {strides = array<i32>} : memref<5120xf32, #tpu.memory_space<vmem>>, vector<16xf32>,
              %get3A_351 = arith.index_cast %add3A_344 : i32 to index
              %get3A_352 = tpu.vector_load %arg12[%get3A_351] {strides = array<i32>} : memref<5120xf32, #tpu.memory_space<vmem>>, vector<16xf32>,
              %get3A_353 = arith.index_cast %add3A_344 : i32 to index
              %get3A_354 = tpu.vector_load %arg13[%get3A_353] {strides = array<i32>} : memref<5120xf32, #tpu.memory_space<vmem>>, vector<16xf32>,
              %max3A_355 = arith.maximumf %get3A_346, %gather3A : vector<16xf32>
              %max3A_356 = arith.maximumf %get3A_348, %gather3A_70 : vector<16xf32>
              %min3A_357 = arith.minimumf %get3A_350, %gather3A_71 : vector<16xf32>
              %min3A_358 = arith.minimumf %get3A_352, %gather3A_72 : vector<16xf32>
              %sub3A_359 = arith.subf %min3A_357, %max3A_355 : vector<16xf32>
              %add3A_360 = arith.constant 1.000000e+00 : f32
              %add3A_361 = vector.broadcast %add3A_360 : f32 to vector<16xf32>
              %add3A_362 = arith.addf %sub3A_359, %add3A_361 : vector<16xf32>
              %max3A_363 = arith.constant 0.000000e+00 : f32
              %max3A_364 = vector.broadcast %max3A_363 : f32 to vector<16xf32>
              %max3A_365 = arith.maximumf %max3A_364, %add3A_362 : vector<16xf32>
              %sub3A_366 = arith.subf %min3A_358, %max3A_356 : vector<16xf32>
              %add3A_367 = arith.constant 1.000000e+00 : f32
              %add3A_368 = vector.broadcast %add3A_367 : f32 to vector<16xf32>
              %add3A_369 = arith.addf %sub3A_366, %add3A_368 : vector<16xf32>
              %max3A_370 = arith.constant 0.000000e+00 : f32
              %max3A_371 = vector.broadcast %max3A_370 : f32 to vector<16xf32>
              %max3A_372 = arith.maximumf %max3A_371, %add3A_369 : vector<16xf32>
              %mul3A_373 = arith.mulf %max3A_365, %max3A_372 : vector<16xf32>
              %add3A_374 = arith.addf %gather3A_73, %get3A_354 : vector<16xf32>
              %sub3A_375 = arith.subf %add3A_374, %mul3A_373 : vector<16xf32>
              %div3A_376 = arith.divf %mul3A_373, %sub3A_375 : vector<16xf32>
              %gt3A_377 = arith.constant 3.000000e-01 : f32
              %gt3A_378 = vector.broadcast %gt3A_377 : f32 to vector<16xf32>
              %gt3A_379 = arith.cmpf ogt, %div3A_376, %gt3A_378 : vector<16xf32>
              %get3A_380 = arith.constant 96 : index
              %get3A_381 = tpu.vector_load %arg14[%get3A_380] {strides = array<i32>} : memref<320xi32, #tpu.memory_space<vmem>>, vector<16xi32>,
              %jit3A_382 = arith.constant 0 : i32
              %broadcast_in_dim3A_383 = vector.broadcast %jit3A_382 : i32 to vector<16xi32>
              %select_n3A_384 = arith.select %gt3A_379, %broadcast_in_dim3A_383, %get3A_381 : vector<16xi1>, vector<16xi32>
              %jit3A_385 = arith.constant true
              %select_n3A_386 = arith.select %jit3A_385, %select_n3A_384, %get3A_381 : vector<16xi32>
              %swap3A_387 = arith.constant 96 : index
              %swap3A_388 = tpu.vector_load %arg14[%swap3A_387] {strides = array<i32>} : memref<320xi32, #tpu.memory_space<vmem>>, vector<16xi32>,
              tpu.vector_store %arg14[%swap3A_387], %select_n3A_386 {strides = array<i32>} : memref<320xi32, #tpu.memory_space<vmem>>, vector<16xi32>,
              %add3A_389 = arith.constant 112 : i32
              %add3A_390 = arith.addi %mul3A_0, %add3A_389 : i32
              %get3A_391 = arith.index_cast %add3A_390 : i32 to index
              %get3A_392 = tpu.vector_load %arg9[%get3A_391] {strides = array<i32>} : memref<5120xf32, #tpu.memory_space<vmem>>, vector<16xf32>,
              %get3A_393 = arith.index_cast %add3A_390 : i32 to index
              %get3A_394 = tpu.vector_load %arg10[%get3A_393] {strides = array<i32>} : memref<5120xf32, #tpu.memory_space<vmem>>, vector<16xf32>,
              %get3A_395 = arith.index_cast %add3A_390 : i32 to index
              %get3A_396 = tpu.vector_load %arg11[%get3A_395] {strides = array<i32>} : memref<5120xf32, #tpu.memory_space<vmem>>, vector<16xf32>,
              %get3A_397 = arith.index_cast %add3A_390 : i32 to index
              %get3A_398 = tpu.vector_load %arg12[%get3A_397] {strides = array<i32>} : memref<5120xf32, #tpu.memory_space<vmem>>, vector<16xf32>,
              %get3A_399 = arith.index_cast %add3A_390 : i32 to index
              %get3A_400 = tpu.vector_load %arg13[%get3A_399] {strides = array<i32>} : memref<5120xf32, #tpu.memory_space<vmem>>, vector<16xf32>,
              %max3A_401 = arith.maximumf %get3A_392, %gather3A : vector<16xf32>
              %max3A_402 = arith.maximumf %get3A_394, %gather3A_70 : vector<16xf32>
              %min3A_403 = arith.minimumf %get3A_396, %gather3A_71 : vector<16xf32>
              %min3A_404 = arith.minimumf %get3A_398, %gather3A_72 : vector<16xf32>
              %sub3A_405 = arith.subf %min3A_403, %max3A_401 : vector<16xf32>
              %add3A_406 = arith.constant 1.000000e+00 : f32
              %add3A_407 = vector.broadcast %add3A_406 : f32 to vector<16xf32>
              %add3A_408 = arith.addf %sub3A_405, %add3A_407 : vector<16xf32>
              %max3A_409 = arith.constant 0.000000e+00 : f32
              %max3A_410 = vector.broadcast %max3A_409 : f32 to vector<16xf32>
              %max3A_411 = arith.maximumf %max3A_410, %add3A_408 : vector<16xf32>
              %sub3A_412 = arith.subf %min3A_404, %max3A_402 : vector<16xf32>
              %add3A_413 = arith.constant 1.000000e+00 : f32
              %add3A_414 = vector.broadcast %add3A_413 : f32 to vector<16xf32>
              %add3A_415 = arith.addf %sub3A_412, %add3A_414 : vector<16xf32>
              %max3A_416 = arith.constant 0.000000e+00 : f32
              %max3A_417 = vector.broadcast %max3A_416 : f32 to vector<16xf32>
              %max3A_418 = arith.maximumf %max3A_417, %add3A_415 : vector<16xf32>
              %mul3A_419 = arith.mulf %max3A_411, %max3A_418 : vector<16xf32>
              %add3A_420 = arith.addf %gather3A_73, %get3A_400 : vector<16xf32>
              %sub3A_421 = arith.subf %add3A_420, %mul3A_419 : vector<16xf32>
              %div3A_422 = arith.divf %mul3A_419, %sub3A_421 : vector<16xf32>
              %gt3A_423 = arith.constant 3.000000e-01 : f32
              %gt3A_424 = vector.broadcast %gt3A_423 : f32 to vector<16xf32>
              %gt3A_425 = arith.cmpf ogt, %div3A_422, %gt3A_424 : vector<16xf32>
              %get3A_426 = arith.constant 112 : index
              %get3A_427 = tpu.vector_load %arg14[%get3A_426] {strides = array<i32>} : memref<320xi32, #tpu.memory_space<vmem>>, vector<16xi32>,
              %jit3A_428 = arith.constant 0 : i32
              %broadcast_in_dim3A_429 = vector.broadcast %jit3A_428 : i32 to vector<16xi32>
              %select_n3A_430 = arith.select %gt3A_425, %broadcast_in_dim3A_429, %get3A_427 : vector<16xi1>, vector<16xi32>
              %jit3A_431 = arith.constant true
              %select_n3A_432 = arith.select %jit3A_431, %select_n3A_430, %get3A_427 : vector<16xi32>
              %swap3A_433 = arith.constant 112 : index
              %swap3A_434 = tpu.vector_load %arg14[%swap3A_433] {strides = array<i32>} : memref<320xi32, #tpu.memory_space<vmem>>, vector<16xi32>,
              tpu.vector_store %arg14[%swap3A_433], %select_n3A_432 {strides = array<i32>} : memref<320xi32, #tpu.memory_space<vmem>>, vector<16xi32>,
              %add3A_435 = arith.constant 128 : i32
              %add3A_436 = arith.addi %mul3A_0, %add3A_435 : i32
              %get3A_437 = arith.index_cast %add3A_436 : i32 to index
              %get3A_438 = tpu.vector_load %arg9[%get3A_437] {strides = array<i32>} : memref<5120xf32, #tpu.memory_space<vmem>>, vector<16xf32>,
              %get3A_439 = arith.index_cast %add3A_436 : i32 to index
              %get3A_440 = tpu.vector_load %arg10[%get3A_439] {strides = array<i32>} : memref<5120xf32, #tpu.memory_space<vmem>>, vector<16xf32>,
              %get3A_441 = arith.index_cast %add3A_436 : i32 to index
              %get3A_442 = tpu.vector_load %arg11[%get3A_441] {strides = array<i32>} : memref<5120xf32, #tpu.memory_space<vmem>>, vector<16xf32>,
              %get3A_443 = arith.index_cast %add3A_436 : i32 to index
              %get3A_444 = tpu.vector_load %arg12[%get3A_443] {strides = array<i32>} : memref<5120xf32, #tpu.memory_space<vmem>>, vector<16xf32>,
              %get3A_445 = arith.index_cast %add3A_436 : i32 to index
              %get3A_446 = tpu.vector_load %arg13[%get3A_445] {strides = array<i32>} : memref<5120xf32, #tpu.memory_space<vmem>>, vector<16xf32>,
              %max3A_447 = arith.maximumf %get3A_438, %gather3A : vector<16xf32>
              %max3A_448 = arith.maximumf %get3A_440, %gather3A_70 : vector<16xf32>
              %min3A_449 = arith.minimumf %get3A_442, %gather3A_71 : vector<16xf32>
              %min3A_450 = arith.minimumf %get3A_444, %gather3A_72 : vector<16xf32>
              %sub3A_451 = arith.subf %min3A_449, %max3A_447 : vector<16xf32>
              %add3A_452 = arith.constant 1.000000e+00 : f32
              %add3A_453 = vector.broadcast %add3A_452 : f32 to vector<16xf32>
              %add3A_454 = arith.addf %sub3A_451, %add3A_453 : vector<16xf32>
              %max3A_455 = arith.constant 0.000000e+00 : f32
              %max3A_456 = vector.broadcast %max3A_455 : f32 to vector<16xf32>
              %max3A_457 = arith.maximumf %max3A_456, %add3A_454 : vector<16xf32>
              %sub3A_458 = arith.subf %min3A_450, %max3A_448 : vector<16xf32>
              %add3A_459 = arith.constant 1.000000e+00 : f32
              %add3A_460 = vector.broadcast %add3A_459 : f32 to vector<16xf32>
              %add3A_461 = arith.addf %sub3A_458, %add3A_460 : vector<16xf32>
              %max3A_462 = arith.constant 0.000000e+00 : f32
              %max3A_463 = vector.broadcast %max3A_462 : f32 to vector<16xf32>
              %max3A_464 = arith.maximumf %max3A_463, %add3A_461 : vector<16xf32>
              %mul3A_465 = arith.mulf %max3A_457, %max3A_464 : vector<16xf32>
              %add3A_466 = arith.addf %gather3A_73, %get3A_446 : vector<16xf32>
              %sub3A_467 = arith.subf %add3A_466, %mul3A_465 : vector<16xf32>
              %div3A_468 = arith.divf %mul3A_465, %sub3A_467 : vector<16xf32>
              %gt3A_469 = arith.constant 3.000000e-01 : f32
              %gt3A_470 = vector.broadcast %gt3A_469 : f32 to vector<16xf32>
              %gt3A_471 = arith.cmpf ogt, %div3A_468, %gt3A_470 : vector<16xf32>
              %get3A_472 = arith.constant 128 : index
              %get3A_473 = tpu.vector_load %arg14[%get3A_472] {strides = array<i32>} : memref<320xi32, #tpu.memory_space<vmem>>, vector<16xi32>,
              %jit3A_474 = arith.constant 0 : i32
              %broadcast_in_dim3A_475 = vector.broadcast %jit3A_474 : i32 to vector<16xi32>
              %select_n3A_476 = arith.select %gt3A_471, %broadcast_in_dim3A_475, %get3A_473 : vector<16xi1>, vector<16xi32>
              %jit3A_477 = arith.constant true
              %select_n3A_478 = arith.select %jit3A_477, %select_n3A_476, %get3A_473 : vector<16xi32>
              %swap3A_479 = arith.constant 128 : index
              %swap3A_480 = tpu.vector_load %arg14[%swap3A_479] {strides = array<i32>} : memref<320xi32, #tpu.memory_space<vmem>>, vector<16xi32>,
              tpu.vector_store %arg14[%swap3A_479], %select_n3A_478 {strides = array<i32>} : memref<320xi32, #tpu.memory_space<vmem>>, vector<16xi32>,
              %add3A_481 = arith.constant 144 : i32
              %add3A_482 = arith.addi %mul3A_0, %add3A_481 : i32
              %get3A_483 = arith.index_cast %add3A_482 : i32 to index
              %get3A_484 = tpu.vector_load %arg9[%get3A_483] {strides = array<i32>} : memref<5120xf32, #tpu.memory_space<vmem>>, vector<16xf32>,
              %get3A_485 = arith.index_cast %add3A_482 : i32 to index
              %get3A_486 = tpu.vector_load %arg10[%get3A_485] {strides = array<i32>} : memref<5120xf32, #tpu.memory_space<vmem>>, vector<16xf32>,
              %get3A_487 = arith.index_cast %add3A_482 : i32 to index
              %get3A_488 = tpu.vector_load %arg11[%get3A_487] {strides = array<i32>} : memref<5120xf32, #tpu.memory_space<vmem>>, vector<16xf32>,
              %get3A_489 = arith.index_cast %add3A_482 : i32 to index
              %get3A_490 = tpu.vector_load %arg12[%get3A_489] {strides = array<i32>} : memref<5120xf32, #tpu.memory_space<vmem>>, vector<16xf32>,
              %get3A_491 = arith.index_cast %add3A_482 : i32 to index
              %get3A_492 = tpu.vector_load %arg13[%get3A_491] {strides = array<i32>} : memref<5120xf32, #tpu.memory_space<vmem>>, vector<16xf32>,
              %max3A_493 = arith.maximumf %get3A_484, %gather3A : vector<16xf32>
              %max3A_494 = arith.maximumf %get3A_486, %gather3A_70 : vector<16xf32>
              %min3A_495 = arith.minimumf %get3A_488, %gather3A_71 : vector<16xf32>
              %min3A_496 = arith.minimumf %get3A_490, %gather3A_72 : vector<16xf32>
              %sub3A_497 = arith.subf %min3A_495, %max3A_493 : vector<16xf32>
              %add3A_498 = arith.constant 1.000000e+00 : f32
              %add3A_499 = vector.broadcast %add3A_498 : f32 to vector<16xf32>
              %add3A_500 = arith.addf %sub3A_497, %add3A_499 : vector<16xf32>
              %max3A_501 = arith.constant 0.000000e+00 : f32
              %max3A_502 = vector.broadcast %max3A_501 : f32 to vector<16xf32>
              %max3A_503 = arith.maximumf %max3A_502, %add3A_500 : vector<16xf32>
              %sub3A_504 = arith.subf %min3A_496, %max3A_494 : vector<16xf32>
              %add3A_505 = arith.constant 1.000000e+00 : f32
              %add3A_506 = vector.broadcast %add3A_505 : f32 to vector<16xf32>
              %add3A_507 = arith.addf %sub3A_504, %add3A_506 : vector<16xf32>
              %max3A_508 = arith.constant 0.000000e+00 : f32
              %max3A_509 = vector.broadcast %max3A_508 : f32 to vector<16xf32>
              %max3A_510 = arith.maximumf %max3A_509, %add3A_507 : vector<16xf32>
              %mul3A_511 = arith.mulf %max3A_503, %max3A_510 : vector<16xf32>
              %add3A_512 = arith.addf %gather3A_73, %get3A_492 : vector<16xf32>
              %sub3A_513 = arith.subf %add3A_512, %mul3A_511 : vector<16xf32>
              %div3A_514 = arith.divf %mul3A_511, %sub3A_513 : vector<16xf32>
              %gt3A_515 = arith.constant 3.000000e-01 : f32
              %gt3A_516 = vector.broadcast %gt3A_515 : f32 to vector<16xf32>
              %gt3A_517 = arith.cmpf ogt, %div3A_514, %gt3A_516 : vector<16xf32>
              %get3A_518 = arith.constant 144 : index
              %get3A_519 = tpu.vector_load %arg14[%get3A_518] {strides = array<i32>} : memref<320xi32, #tpu.memory_space<vmem>>, vector<16xi32>,
              %jit3A_520 = arith.constant 0 : i32
              %broadcast_in_dim3A_521 = vector.broadcast %jit3A_520 : i32 to vector<16xi32>
              %select_n3A_522 = arith.select %gt3A_517, %broadcast_in_dim3A_521, %get3A_519 : vector<16xi1>, vector<16xi32>
              %jit3A_523 = arith.constant true
              %select_n3A_524 = arith.select %jit3A_523, %select_n3A_522, %get3A_519 : vector<16xi32>
              %swap3A_525 = arith.constant 144 : index
              %swap3A_526 = tpu.vector_load %arg14[%swap3A_525] {strides = array<i32>} : memref<320xi32, #tpu.memory_space<vmem>>, vector<16xi32>,
              tpu.vector_store %arg14[%swap3A_525], %select_n3A_524 {strides = array<i32>} : memref<320xi32, #tpu.memory_space<vmem>>, vector<16xi32>,
              %add3A_527 = arith.constant 160 : i32
              %add3A_528 = arith.addi %mul3A_0, %add3A_527 : i32
              %get3A_529 = arith.index_cast %add3A_528 : i32 to index
              %get3A_530 = tpu.vector_load %arg9[%get3A_529] {strides = array<i32>} : memref<5120xf32, #tpu.memory_space<vmem>>, vector<16xf32>,
              %get3A_531 = arith.index_cast %add3A_528 : i32 to index
              %get3A_532 = tpu.vector_load %arg10[%get3A_531] {strides = array<i32>} : memref<5120xf32, #tpu.memory_space<vmem>>, vector<16xf32>,
              %get3A_533 = arith.index_cast %add3A_528 : i32 to index
              %get3A_534 = tpu.vector_load %arg11[%get3A_533] {strides = array<i32>} : memref<5120xf32, #tpu.memory_space<vmem>>, vector<16xf32>,
              %get3A_535 = arith.index_cast %add3A_528 : i32 to index
              %get3A_536 = tpu.vector_load %arg12[%get3A_535] {strides = array<i32>} : memref<5120xf32, #tpu.memory_space<vmem>>, vector<16xf32>,
              %get3A_537 = arith.index_cast %add3A_528 : i32 to index
              %get3A_538 = tpu.vector_load %arg13[%get3A_537] {strides = array<i32>} : memref<5120xf32, #tpu.memory_space<vmem>>, vector<16xf32>,
              %max3A_539 = arith.maximumf %get3A_530, %gather3A : vector<16xf32>
              %max3A_540 = arith.maximumf %get3A_532, %gather3A_70 : vector<16xf32>
              %min3A_541 = arith.minimumf %get3A_534, %gather3A_71 : vector<16xf32>
              %min3A_542 = arith.minimumf %get3A_536, %gather3A_72 : vector<16xf32>
              %sub3A_543 = arith.subf %min3A_541, %max3A_539 : vector<16xf32>
              %add3A_544 = arith.constant 1.000000e+00 : f32
              %add3A_545 = vector.broadcast %add3A_544 : f32 to vector<16xf32>
              %add3A_546 = arith.addf %sub3A_543, %add3A_545 : vector<16xf32>
              %max3A_547 = arith.constant 0.000000e+00 : f32
              %max3A_548 = vector.broadcast %max3A_547 : f32 to vector<16xf32>
              %max3A_549 = arith.maximumf %max3A_548, %add3A_546 : vector<16xf32>
              %sub3A_550 = arith.subf %min3A_542, %max3A_540 : vector<16xf32>
              %add3A_551 = arith.constant 1.000000e+00 : f32
              %add3A_552 = vector.broadcast %add3A_551 : f32 to vector<16xf32>
              %add3A_553 = arith.addf %sub3A_550, %add3A_552 : vector<16xf32>
              %max3A_554 = arith.constant 0.000000e+00 : f32
              %max3A_555 = vector.broadcast %max3A_554 : f32 to vector<16xf32>
              %max3A_556 = arith.maximumf %max3A_555, %add3A_553 : vector<16xf32>
              %mul3A_557 = arith.mulf %max3A_549, %max3A_556 : vector<16xf32>
              %add3A_558 = arith.addf %gather3A_73, %get3A_538 : vector<16xf32>
              %sub3A_559 = arith.subf %add3A_558, %mul3A_557 : vector<16xf32>
              %div3A_560 = arith.divf %mul3A_557, %sub3A_559 : vector<16xf32>
              %gt3A_561 = arith.constant 3.000000e-01 : f32
              %gt3A_562 = vector.broadcast %gt3A_561 : f32 to vector<16xf32>
              %gt3A_563 = arith.cmpf ogt, %div3A_560, %gt3A_562 : vector<16xf32>
              %get3A_564 = arith.constant 160 : index
              %get3A_565 = tpu.vector_load %arg14[%get3A_564] {strides = array<i32>} : memref<320xi32, #tpu.memory_space<vmem>>, vector<16xi32>,
              %jit3A_566 = arith.constant 0 : i32
              %broadcast_in_dim3A_567 = vector.broadcast %jit3A_566 : i32 to vector<16xi32>
              %select_n3A_568 = arith.select %gt3A_563, %broadcast_in_dim3A_567, %get3A_565 : vector<16xi1>, vector<16xi32>
              %jit3A_569 = arith.constant true
              %select_n3A_570 = arith.select %jit3A_569, %select_n3A_568, %get3A_565 : vector<16xi32>
              %swap3A_571 = arith.constant 160 : index
              %swap3A_572 = tpu.vector_load %arg14[%swap3A_571] {strides = array<i32>} : memref<320xi32, #tpu.memory_space<vmem>>, vector<16xi32>,
              tpu.vector_store %arg14[%swap3A_571], %select_n3A_570 {strides = array<i32>} : memref<320xi32, #tpu.memory_space<vmem>>, vector<16xi32>,
              %add3A_573 = arith.constant 176 : i32
              %add3A_574 = arith.addi %mul3A_0, %add3A_573 : i32
              %get3A_575 = arith.index_cast %add3A_574 : i32 to index
              %get3A_576 = tpu.vector_load %arg9[%get3A_575] {strides = array<i32>} : memref<5120xf32, #tpu.memory_space<vmem>>, vector<16xf32>,
              %get3A_577 = arith.index_cast %add3A_574 : i32 to index
              %get3A_578 = tpu.vector_load %arg10[%get3A_577] {strides = array<i32>} : memref<5120xf32, #tpu.memory_space<vmem>>, vector<16xf32>,
              %get3A_579 = arith.index_cast %add3A_574 : i32 to index
              %get3A_580 = tpu.vector_load %arg11[%get3A_579] {strides = array<i32>} : memref<5120xf32, #tpu.memory_space<vmem>>, vector<16xf32>,
              %get3A_581 = arith.index_cast %add3A_574 : i32 to index
              %get3A_582 = tpu.vector_load %arg12[%get3A_581] {strides = array<i32>} : memref<5120xf32, #tpu.memory_space<vmem>>, vector<16xf32>,
              %get3A_583 = arith.index_cast %add3A_574 : i32 to index
              %get3A_584 = tpu.vector_load %arg13[%get3A_583] {strides = array<i32>} : memref<5120xf32, #tpu.memory_space<vmem>>, vector<16xf32>,
              %max3A_585 = arith.maximumf %get3A_576, %gather3A : vector<16xf32>
              %max3A_586 = arith.maximumf %get3A_578, %gather3A_70 : vector<16xf32>
              %min3A_587 = arith.minimumf %get3A_580, %gather3A_71 : vector<16xf32>
              %min3A_588 = arith.minimumf %get3A_582, %gather3A_72 : vector<16xf32>
              %sub3A_589 = arith.subf %min3A_587, %max3A_585 : vector<16xf32>
              %add3A_590 = arith.constant 1.000000e+00 : f32
              %add3A_591 = vector.broadcast %add3A_590 : f32 to vector<16xf32>
              %add3A_592 = arith.addf %sub3A_589, %add3A_591 : vector<16xf32>
              %max3A_593 = arith.constant 0.000000e+00 : f32
              %max3A_594 = vector.broadcast %max3A_593 : f32 to vector<16xf32>
              %max3A_595 = arith.maximumf %max3A_594, %add3A_592 : vector<16xf32>
              %sub3A_596 = arith.subf %min3A_588, %max3A_586 : vector<16xf32>
              %add3A_597 = arith.constant 1.000000e+00 : f32
              %add3A_598 = vector.broadcast %add3A_597 : f32 to vector<16xf32>
              %add3A_599 = arith.addf %sub3A_596, %add3A_598 : vector<16xf32>
              %max3A_600 = arith.constant 0.000000e+00 : f32
              %max3A_601 = vector.broadcast %max3A_600 : f32 to vector<16xf32>
              %max3A_602 = arith.maximumf %max3A_601, %add3A_599 : vector<16xf32>
              %mul3A_603 = arith.mulf %max3A_595, %max3A_602 : vector<16xf32>
              %add3A_604 = arith.addf %gather3A_73, %get3A_584 : vector<16xf32>
              %sub3A_605 = arith.subf %add3A_604, %mul3A_603 : vector<16xf32>
              %div3A_606 = arith.divf %mul3A_603, %sub3A_605 : vector<16xf32>
              %gt3A_607 = arith.constant 3.000000e-01 : f32
              %gt3A_608 = vector.broadcast %gt3A_607 : f32 to vector<16xf32>
              %gt3A_609 = arith.cmpf ogt, %div3A_606, %gt3A_608 : vector<16xf32>
              %get3A_610 = arith.constant 176 : index
              %get3A_611 = tpu.vector_load %arg14[%get3A_610] {strides = array<i32>} : memref<320xi32, #tpu.memory_space<vmem>>, vector<16xi32>,
              %jit3A_612 = arith.constant 0 : i32
              %broadcast_in_dim3A_613 = vector.broadcast %jit3A_612 : i32 to vector<16xi32>
              %select_n3A_614 = arith.select %gt3A_609, %broadcast_in_dim3A_613, %get3A_611 : vector<16xi1>, vector<16xi32>
              %jit3A_615 = arith.constant true
              %select_n3A_616 = arith.select %jit3A_615, %select_n3A_614, %get3A_611 : vector<16xi32>
              %swap3A_617 = arith.constant 176 : index
              %swap3A_618 = tpu.vector_load %arg14[%swap3A_617] {strides = array<i32>} : memref<320xi32, #tpu.memory_space<vmem>>, vector<16xi32>,
              tpu.vector_store %arg14[%swap3A_617], %select_n3A_616 {strides = array<i32>} : memref<320xi32, #tpu.memory_space<vmem>>, vector<16xi32>,
              %add3A_619 = arith.constant 192 : i32
              %add3A_620 = arith.addi %mul3A_0, %add3A_619 : i32
              %get3A_621 = arith.index_cast %add3A_620 : i32 to index
              %get3A_622 = tpu.vector_load %arg9[%get3A_621] {strides = array<i32>} : memref<5120xf32, #tpu.memory_space<vmem>>, vector<16xf32>,
              %get3A_623 = arith.index_cast %add3A_620 : i32 to index
              %get3A_624 = tpu.vector_load %arg10[%get3A_623] {strides = array<i32>} : memref<5120xf32, #tpu.memory_space<vmem>>, vector<16xf32>,
              %get3A_625 = arith.index_cast %add3A_620 : i32 to index
              %get3A_626 = tpu.vector_load %arg11[%get3A_625] {strides = array<i32>} : memref<5120xf32, #tpu.memory_space<vmem>>, vector<16xf32>,
              %get3A_627 = arith.index_cast %add3A_620 : i32 to index
              %get3A_628 = tpu.vector_load %arg12[%get3A_627] {strides = array<i32>} : memref<5120xf32, #tpu.memory_space<vmem>>, vector<16xf32>,
              %get3A_629 = arith.index_cast %add3A_620 : i32 to index
              %get3A_630 = tpu.vector_load %arg13[%get3A_629] {strides = array<i32>} : memref<5120xf32, #tpu.memory_space<vmem>>, vector<16xf32>,
              %max3A_631 = arith.maximumf %get3A_622, %gather3A : vector<16xf32>
              %max3A_632 = arith.maximumf %get3A_624, %gather3A_70 : vector<16xf32>
              %min3A_633 = arith.minimumf %get3A_626, %gather3A_71 : vector<16xf32>
              %min3A_634 = arith.minimumf %get3A_628, %gather3A_72 : vector<16xf32>
              %sub3A_635 = arith.subf %min3A_633, %max3A_631 : vector<16xf32>
              %add3A_636 = arith.constant 1.000000e+00 : f32
              %add3A_637 = vector.broadcast %add3A_636 : f32 to vector<16xf32>
              %add3A_638 = arith.addf %sub3A_635, %add3A_637 : vector<16xf32>
              %max3A_639 = arith.constant 0.000000e+00 : f32
              %max3A_640 = vector.broadcast %max3A_639 : f32 to vector<16xf32>
              %max3A_641 = arith.maximumf %max3A_640, %add3A_638 : vector<16xf32>
              %sub3A_642 = arith.subf %min3A_634, %max3A_632 : vector<16xf32>
              %add3A_643 = arith.constant 1.000000e+00 : f32
              %add3A_644 = vector.broadcast %add3A_643 : f32 to vector<16xf32>
              %add3A_645 = arith.addf %sub3A_642, %add3A_644 : vector<16xf32>
              %max3A_646 = arith.constant 0.000000e+00 : f32
              %max3A_647 = vector.broadcast %max3A_646 : f32 to vector<16xf32>
              %max3A_648 = arith.maximumf %max3A_647, %add3A_645 : vector<16xf32>
              %mul3A_649 = arith.mulf %max3A_641, %max3A_648 : vector<16xf32>
              %add3A_650 = arith.addf %gather3A_73, %get3A_630 : vector<16xf32>
              %sub3A_651 = arith.subf %add3A_650, %mul3A_649 : vector<16xf32>
              %div3A_652 = arith.divf %mul3A_649, %sub3A_651 : vector<16xf32>
              %gt3A_653 = arith.constant 3.000000e-01 : f32
              %gt3A_654 = vector.broadcast %gt3A_653 : f32 to vector<16xf32>
              %gt3A_655 = arith.cmpf ogt, %div3A_652, %gt3A_654 : vector<16xf32>
              %get3A_656 = arith.constant 192 : index
              %get3A_657 = tpu.vector_load %arg14[%get3A_656] {strides = array<i32>} : memref<320xi32, #tpu.memory_space<vmem>>, vector<16xi32>,
              %jit3A_658 = arith.constant 0 : i32
              %broadcast_in_dim3A_659 = vector.broadcast %jit3A_658 : i32 to vector<16xi32>
              %select_n3A_660 = arith.select %gt3A_655, %broadcast_in_dim3A_659, %get3A_657 : vector<16xi1>, vector<16xi32>
              %jit3A_661 = arith.constant true
              %select_n3A_662 = arith.select %jit3A_661, %select_n3A_660, %get3A_657 : vector<16xi32>
              %swap3A_663 = arith.constant 192 : index
              %swap3A_664 = tpu.vector_load %arg14[%swap3A_663] {strides = array<i32>} : memref<320xi32, #tpu.memory_space<vmem>>, vector<16xi32>,
              tpu.vector_store %arg14[%swap3A_663], %select_n3A_662 {strides = array<i32>} : memref<320xi32, #tpu.memory_space<vmem>>, vector<16xi32>,
              %add3A_665 = arith.constant 208 : i32
              %add3A_666 = arith.addi %mul3A_0, %add3A_665 : i32
              %get3A_667 = arith.index_cast %add3A_666 : i32 to index
              %get3A_668 = tpu.vector_load %arg9[%get3A_667] {strides = array<i32>} : memref<5120xf32, #tpu.memory_space<vmem>>, vector<16xf32>,
              %get3A_669 = arith.index_cast %add3A_666 : i32 to index
              %get3A_670 = tpu.vector_load %arg10[%get3A_669] {strides = array<i32>} : memref<5120xf32, #tpu.memory_space<vmem>>, vector<16xf32>,
              %get3A_671 = arith.index_cast %add3A_666 : i32 to index
              %get3A_672 = tpu.vector_load %arg11[%get3A_671] {strides = array<i32>} : memref<5120xf32, #tpu.memory_space<vmem>>, vector<16xf32>,
              %get3A_673 = arith.index_cast %add3A_666 : i32 to index
              %get3A_674 = tpu.vector_load %arg12[%get3A_673] {strides = array<i32>} : memref<5120xf32, #tpu.memory_space<vmem>>, vector<16xf32>,
              %get3A_675 = arith.index_cast %add3A_666 : i32 to index
              %get3A_676 = tpu.vector_load %arg13[%get3A_675] {strides = array<i32>} : memref<5120xf32, #tpu.memory_space<vmem>>, vector<16xf32>,
              %max3A_677 = arith.maximumf %get3A_668, %gather3A : vector<16xf32>
              %max3A_678 = arith.maximumf %get3A_670, %gather3A_70 : vector<16xf32>
              %min3A_679 = arith.minimumf %get3A_672, %gather3A_71 : vector<16xf32>
              %min3A_680 = arith.minimumf %get3A_674, %gather3A_72 : vector<16xf32>
              %sub3A_681 = arith.subf %min3A_679, %max3A_677 : vector<16xf32>
              %add3A_682 = arith.constant 1.000000e+00 : f32
              %add3A_683 = vector.broadcast %add3A_682 : f32 to vector<16xf32>
              %add3A_684 = arith.addf %sub3A_681, %add3A_683 : vector<16xf32>
              %max3A_685 = arith.constant 0.000000e+00 : f32
              %max3A_686 = vector.broadcast %max3A_685 : f32 to vector<16xf32>
              %max3A_687 = arith.maximumf %max3A_686, %add3A_684 : vector<16xf32>
              %sub3A_688 = arith.subf %min3A_680, %max3A_678 : vector<16xf32>
              %add3A_689 = arith.constant 1.000000e+00 : f32
              %add3A_690 = vector.broadcast %add3A_689 : f32 to vector<16xf32>
              %add3A_691 = arith.addf %sub3A_688, %add3A_690 : vector<16xf32>
              %max3A_692 = arith.constant 0.000000e+00 : f32
              %max3A_693 = vector.broadcast %max3A_692 : f32 to vector<16xf32>
              %max3A_694 = arith.maximumf %max3A_693, %add3A_691 : vector<16xf32>
              %mul3A_695 = arith.mulf %max3A_687, %max3A_694 : vector<16xf32>
              %add3A_696 = arith.addf %gather3A_73, %get3A_676 : vector<16xf32>
              %sub3A_697 = arith.subf %add3A_696, %mul3A_695 : vector<16xf32>
              %div3A_698 = arith.divf %mul3A_695, %sub3A_697 : vector<16xf32>
              %gt3A_699 = arith.constant 3.000000e-01 : f32
              %gt3A_700 = vector.broadcast %gt3A_699 : f32 to vector<16xf32>
              %gt3A_701 = arith.cmpf ogt, %div3A_698, %gt3A_700 : vector<16xf32>
              %get3A_702 = arith.constant 208 : index
              %get3A_703 = tpu.vector_load %arg14[%get3A_702] {strides = array<i32>} : memref<320xi32, #tpu.memory_space<vmem>>, vector<16xi32>,
              %jit3A_704 = arith.constant 0 : i32
              %broadcast_in_dim3A_705 = vector.broadcast %jit3A_704 : i32 to vector<16xi32>
              %select_n3A_706 = arith.select %gt3A_701, %broadcast_in_dim3A_705, %get3A_703 : vector<16xi1>, vector<16xi32>
              %jit3A_707 = arith.constant true
              %select_n3A_708 = arith.select %jit3A_707, %select_n3A_706, %get3A_703 : vector<16xi32>
              %swap3A_709 = arith.constant 208 : index
              %swap3A_710 = tpu.vector_load %arg14[%swap3A_709] {strides = array<i32>} : memref<320xi32, #tpu.memory_space<vmem>>, vector<16xi32>,
              tpu.vector_store %arg14[%swap3A_709], %select_n3A_708 {strides = array<i32>} : memref<320xi32, #tpu.memory_space<vmem>>, vector<16xi32>,
              %add3A_711 = arith.constant 224 : i32
              %add3A_712 = arith.addi %mul3A_0, %add3A_711 : i32
              %get3A_713 = arith.index_cast %add3A_712 : i32 to index
              %get3A_714 = tpu.vector_load %arg9[%get3A_713] {strides = array<i32>} : memref<5120xf32, #tpu.memory_space<vmem>>, vector<16xf32>,
              %get3A_715 = arith.index_cast %add3A_712 : i32 to index
              %get3A_716 = tpu.vector_load %arg10[%get3A_715] {strides = array<i32>} : memref<5120xf32, #tpu.memory_space<vmem>>, vector<16xf32>,
              %get3A_717 = arith.index_cast %add3A_712 : i32 to index
              %get3A_718 = tpu.vector_load %arg11[%get3A_717] {strides = array<i32>} : memref<5120xf32, #tpu.memory_space<vmem>>, vector<16xf32>,
              %get3A_719 = arith.index_cast %add3A_712 : i32 to index
              %get3A_720 = tpu.vector_load %arg12[%get3A_719] {strides = array<i32>} : memref<5120xf32, #tpu.memory_space<vmem>>, vector<16xf32>,
              %get3A_721 = arith.index_cast %add3A_712 : i32 to index
              %get3A_722 = tpu.vector_load %arg13[%get3A_721] {strides = array<i32>} : memref<5120xf32, #tpu.memory_space<vmem>>, vector<16xf32>,
              %max3A_723 = arith.maximumf %get3A_714, %gather3A : vector<16xf32>
              %max3A_724 = arith.maximumf %get3A_716, %gather3A_70 : vector<16xf32>
              %min3A_725 = arith.minimumf %get3A_718, %gather3A_71 : vector<16xf32>
              %min3A_726 = arith.minimumf %get3A_720, %gather3A_72 : vector<16xf32>
              %sub3A_727 = arith.subf %min3A_725, %max3A_723 : vector<16xf32>
              %add3A_728 = arith.constant 1.000000e+00 : f32
              %add3A_729 = vector.broadcast %add3A_728 : f32 to vector<16xf32>
              %add3A_730 = arith.addf %sub3A_727, %add3A_729 : vector<16xf32>
              %max3A_731 = arith.constant 0.000000e+00 : f32
              %max3A_732 = vector.broadcast %max3A_731 : f32 to vector<16xf32>
              %max3A_733 = arith.maximumf %max3A_732, %add3A_730 : vector<16xf32>
              %sub3A_734 = arith.subf %min3A_726, %max3A_724 : vector<16xf32>
              %add3A_735 = arith.constant 1.000000e+00 : f32
              %add3A_736 = vector.broadcast %add3A_735 : f32 to vector<16xf32>
              %add3A_737 = arith.addf %sub3A_734, %add3A_736 : vector<16xf32>
              %max3A_738 = arith.constant 0.000000e+00 : f32
              %max3A_739 = vector.broadcast %max3A_738 : f32 to vector<16xf32>
              %max3A_740 = arith.maximumf %max3A_739, %add3A_737 : vector<16xf32>
              %mul3A_741 = arith.mulf %max3A_733, %max3A_740 : vector<16xf32>
              %add3A_742 = arith.addf %gather3A_73, %get3A_722 : vector<16xf32>
              %sub3A_743 = arith.subf %add3A_742, %mul3A_741 : vector<16xf32>
              %div3A_744 = arith.divf %mul3A_741, %sub3A_743 : vector<16xf32>
              %gt3A_745 = arith.constant 3.000000e-01 : f32
              %gt3A_746 = vector.broadcast %gt3A_745 : f32 to vector<16xf32>
              %gt3A_747 = arith.cmpf ogt, %div3A_744, %gt3A_746 : vector<16xf32>
              %get3A_748 = arith.constant 224 : index
              %get3A_749 = tpu.vector_load %arg14[%get3A_748] {strides = array<i32>} : memref<320xi32, #tpu.memory_space<vmem>>, vector<16xi32>,
              %jit3A_750 = arith.constant 0 : i32
              %broadcast_in_dim3A_751 = vector.broadcast %jit3A_750 : i32 to vector<16xi32>
              %select_n3A_752 = arith.select %gt3A_747, %broadcast_in_dim3A_751, %get3A_749 : vector<16xi1>, vector<16xi32>
              %jit3A_753 = arith.constant true
              %select_n3A_754 = arith.select %jit3A_753, %select_n3A_752, %get3A_749 : vector<16xi32>
              %swap3A_755 = arith.constant 224 : index
              %swap3A_756 = tpu.vector_load %arg14[%swap3A_755] {strides = array<i32>} : memref<320xi32, #tpu.memory_space<vmem>>, vector<16xi32>,
              tpu.vector_store %arg14[%swap3A_755], %select_n3A_754 {strides = array<i32>} : memref<320xi32, #tpu.memory_space<vmem>>, vector<16xi32>,
              %add3A_757 = arith.constant 240 : i32
              %add3A_758 = arith.addi %mul3A_0, %add3A_757 : i32
              %get3A_759 = arith.index_cast %add3A_758 : i32 to index
              %get3A_760 = tpu.vector_load %arg9[%get3A_759] {strides = array<i32>} : memref<5120xf32, #tpu.memory_space<vmem>>, vector<16xf32>,
              %get3A_761 = arith.index_cast %add3A_758 : i32 to index
              %get3A_762 = tpu.vector_load %arg10[%get3A_761] {strides = array<i32>} : memref<5120xf32, #tpu.memory_space<vmem>>, vector<16xf32>,
              %get3A_763 = arith.index_cast %add3A_758 : i32 to index
              %get3A_764 = tpu.vector_load %arg11[%get3A_763] {strides = array<i32>} : memref<5120xf32, #tpu.memory_space<vmem>>, vector<16xf32>,
              %get3A_765 = arith.index_cast %add3A_758 : i32 to index
              %get3A_766 = tpu.vector_load %arg12[%get3A_765] {strides = array<i32>} : memref<5120xf32, #tpu.memory_space<vmem>>, vector<16xf32>,
              %get3A_767 = arith.index_cast %add3A_758 : i32 to index
              %get3A_768 = tpu.vector_load %arg13[%get3A_767] {strides = array<i32>} : memref<5120xf32, #tpu.memory_space<vmem>>, vector<16xf32>,
              %max3A_769 = arith.maximumf %get3A_760, %gather3A : vector<16xf32>
              %max3A_770 = arith.maximumf %get3A_762, %gather3A_70 : vector<16xf32>
              %min3A_771 = arith.minimumf %get3A_764, %gather3A_71 : vector<16xf32>
              %min3A_772 = arith.minimumf %get3A_766, %gather3A_72 : vector<16xf32>
              %sub3A_773 = arith.subf %min3A_771, %max3A_769 : vector<16xf32>
              %add3A_774 = arith.constant 1.000000e+00 : f32
              %add3A_775 = vector.broadcast %add3A_774 : f32 to vector<16xf32>
              %add3A_776 = arith.addf %sub3A_773, %add3A_775 : vector<16xf32>
              %max3A_777 = arith.constant 0.000000e+00 : f32
              %max3A_778 = vector.broadcast %max3A_777 : f32 to vector<16xf32>
              %max3A_779 = arith.maximumf %max3A_778, %add3A_776 : vector<16xf32>
              %sub3A_780 = arith.subf %min3A_772, %max3A_770 : vector<16xf32>
              %add3A_781 = arith.constant 1.000000e+00 : f32
              %add3A_782 = vector.broadcast %add3A_781 : f32 to vector<16xf32>
              %add3A_783 = arith.addf %sub3A_780, %add3A_782 : vector<16xf32>
              %max3A_784 = arith.constant 0.000000e+00 : f32
              %max3A_785 = vector.broadcast %max3A_784 : f32 to vector<16xf32>
              %max3A_786 = arith.maximumf %max3A_785, %add3A_783 : vector<16xf32>
              %mul3A_787 = arith.mulf %max3A_779, %max3A_786 : vector<16xf32>
              %add3A_788 = arith.addf %gather3A_73, %get3A_768 : vector<16xf32>
              %sub3A_789 = arith.subf %add3A_788, %mul3A_787 : vector<16xf32>
              %div3A_790 = arith.divf %mul3A_787, %sub3A_789 : vector<16xf32>
              %gt3A_791 = arith.constant 3.000000e-01 : f32
              %gt3A_792 = vector.broadcast %gt3A_791 : f32 to vector<16xf32>
              %gt3A_793 = arith.cmpf ogt, %div3A_790, %gt3A_792 : vector<16xf32>
              %get3A_794 = arith.constant 240 : index
              %get3A_795 = tpu.vector_load %arg14[%get3A_794] {strides = array<i32>} : memref<320xi32, #tpu.memory_space<vmem>>, vector<16xi32>,
              %jit3A_796 = arith.constant 0 : i32
              %broadcast_in_dim3A_797 = vector.broadcast %jit3A_796 : i32 to vector<16xi32>
              %select_n3A_798 = arith.select %gt3A_793, %broadcast_in_dim3A_797, %get3A_795 : vector<16xi1>, vector<16xi32>
              %jit3A_799 = arith.constant true
              %select_n3A_800 = arith.select %jit3A_799, %select_n3A_798, %get3A_795 : vector<16xi32>
              %swap3A_801 = arith.constant 240 : index
              %swap3A_802 = tpu.vector_load %arg14[%swap3A_801] {strides = array<i32>} : memref<320xi32, #tpu.memory_space<vmem>>, vector<16xi32>,
              tpu.vector_store %arg14[%swap3A_801], %select_n3A_800 {strides = array<i32>} : memref<320xi32, #tpu.memory_space<vmem>>, vector<16xi32>,
              %add3A_803 = arith.constant 256 : i32
              %add3A_804 = arith.addi %mul3A_0, %add3A_803 : i32
              %get3A_805 = arith.index_cast %add3A_804 : i32 to index
              %get3A_806 = tpu.vector_load %arg9[%get3A_805] {strides = array<i32>} : memref<5120xf32, #tpu.memory_space<vmem>>, vector<16xf32>,
              %get3A_807 = arith.index_cast %add3A_804 : i32 to index
              %get3A_808 = tpu.vector_load %arg10[%get3A_807] {strides = array<i32>} : memref<5120xf32, #tpu.memory_space<vmem>>, vector<16xf32>,
              %get3A_809 = arith.index_cast %add3A_804 : i32 to index
              %get3A_810 = tpu.vector_load %arg11[%get3A_809] {strides = array<i32>} : memref<5120xf32, #tpu.memory_space<vmem>>, vector<16xf32>,
              %get3A_811 = arith.index_cast %add3A_804 : i32 to index
              %get3A_812 = tpu.vector_load %arg12[%get3A_811] {strides = array<i32>} : memref<5120xf32, #tpu.memory_space<vmem>>, vector<16xf32>,
              %get3A_813 = arith.index_cast %add3A_804 : i32 to index
              %get3A_814 = tpu.vector_load %arg13[%get3A_813] {strides = array<i32>} : memref<5120xf32, #tpu.memory_space<vmem>>, vector<16xf32>,
              %max3A_815 = arith.maximumf %get3A_806, %gather3A : vector<16xf32>
              %max3A_816 = arith.maximumf %get3A_808, %gather3A_70 : vector<16xf32>
              %min3A_817 = arith.minimumf %get3A_810, %gather3A_71 : vector<16xf32>
              %min3A_818 = arith.minimumf %get3A_812, %gather3A_72 : vector<16xf32>
              %sub3A_819 = arith.subf %min3A_817, %max3A_815 : vector<16xf32>
              %add3A_820 = arith.constant 1.000000e+00 : f32
              %add3A_821 = vector.broadcast %add3A_820 : f32 to vector<16xf32>
              %add3A_822 = arith.addf %sub3A_819, %add3A_821 : vector<16xf32>
              %max3A_823 = arith.constant 0.000000e+00 : f32
              %max3A_824 = vector.broadcast %max3A_823 : f32 to vector<16xf32>
              %max3A_825 = arith.maximumf %max3A_824, %add3A_822 : vector<16xf32>
              %sub3A_826 = arith.subf %min3A_818, %max3A_816 : vector<16xf32>
              %add3A_827 = arith.constant 1.000000e+00 : f32
              %add3A_828 = vector.broadcast %add3A_827 : f32 to vector<16xf32>
              %add3A_829 = arith.addf %sub3A_826, %add3A_828 : vector<16xf32>
              %max3A_830 = arith.constant 0.000000e+00 : f32
              %max3A_831 = vector.broadcast %max3A_830 : f32 to vector<16xf32>
              %max3A_832 = arith.maximumf %max3A_831, %add3A_829 : vector<16xf32>
              %mul3A_833 = arith.mulf %max3A_825, %max3A_832 : vector<16xf32>
              %add3A_834 = arith.addf %gather3A_73, %get3A_814 : vector<16xf32>
              %sub3A_835 = arith.subf %add3A_834, %mul3A_833 : vector<16xf32>
              %div3A_836 = arith.divf %mul3A_833, %sub3A_835 : vector<16xf32>
              %gt3A_837 = arith.constant 3.000000e-01 : f32
              %gt3A_838 = vector.broadcast %gt3A_837 : f32 to vector<16xf32>
              %gt3A_839 = arith.cmpf ogt, %div3A_836, %gt3A_838 : vector<16xf32>
              %get3A_840 = arith.constant 256 : index
              %get3A_841 = tpu.vector_load %arg14[%get3A_840] {strides = array<i32>} : memref<320xi32, #tpu.memory_space<vmem>>, vector<16xi32>,
              %jit3A_842 = arith.constant 0 : i32
              %broadcast_in_dim3A_843 = vector.broadcast %jit3A_842 : i32 to vector<16xi32>
              %select_n3A_844 = arith.select %gt3A_839, %broadcast_in_dim3A_843, %get3A_841 : vector<16xi1>, vector<16xi32>
              %jit3A_845 = arith.constant true
              %select_n3A_846 = arith.select %jit3A_845, %select_n3A_844, %get3A_841 : vector<16xi32>
              %swap3A_847 = arith.constant 256 : index
              %swap3A_848 = tpu.vector_load %arg14[%swap3A_847] {strides = array<i32>} : memref<320xi32, #tpu.memory_space<vmem>>, vector<16xi32>,
              tpu.vector_store %arg14[%swap3A_847], %select_n3A_846 {strides = array<i32>} : memref<320xi32, #tpu.memory_space<vmem>>, vector<16xi32>,
              %add3A_849 = arith.constant 272 : i32
              %add3A_850 = arith.addi %mul3A_0, %add3A_849 : i32
              %get3A_851 = arith.index_cast %add3A_850 : i32 to index
              %get3A_852 = tpu.vector_load %arg9[%get3A_851] {strides = array<i32>} : memref<5120xf32, #tpu.memory_space<vmem>>, vector<16xf32>,
              %get3A_853 = arith.index_cast %add3A_850 : i32 to index
              %get3A_854 = tpu.vector_load %arg10[%get3A_853] {strides = array<i32>} : memref<5120xf32, #tpu.memory_space<vmem>>, vector<16xf32>,
              %get3A_855 = arith.index_cast %add3A_850 : i32 to index
              %get3A_856 = tpu.vector_load %arg11[%get3A_855] {strides = array<i32>} : memref<5120xf32, #tpu.memory_space<vmem>>, vector<16xf32>,
              %get3A_857 = arith.index_cast %add3A_850 : i32 to index
              %get3A_858 = tpu.vector_load %arg12[%get3A_857] {strides = array<i32>} : memref<5120xf32, #tpu.memory_space<vmem>>, vector<16xf32>,
              %get3A_859 = arith.index_cast %add3A_850 : i32 to index
              %get3A_860 = tpu.vector_load %arg13[%get3A_859] {strides = array<i32>} : memref<5120xf32, #tpu.memory_space<vmem>>, vector<16xf32>,
              %max3A_861 = arith.maximumf %get3A_852, %gather3A : vector<16xf32>
              %max3A_862 = arith.maximumf %get3A_854, %gather3A_70 : vector<16xf32>
              %min3A_863 = arith.minimumf %get3A_856, %gather3A_71 : vector<16xf32>
              %min3A_864 = arith.minimumf %get3A_858, %gather3A_72 : vector<16xf32>
              %sub3A_865 = arith.subf %min3A_863, %max3A_861 : vector<16xf32>
              %add3A_866 = arith.constant 1.000000e+00 : f32
              %add3A_867 = vector.broadcast %add3A_866 : f32 to vector<16xf32>
              %add3A_868 = arith.addf %sub3A_865, %add3A_867 : vector<16xf32>
              %max3A_869 = arith.constant 0.000000e+00 : f32
              %max3A_870 = vector.broadcast %max3A_869 : f32 to vector<16xf32>
              %max3A_871 = arith.maximumf %max3A_870, %add3A_868 : vector<16xf32>
              %sub3A_872 = arith.subf %min3A_864, %max3A_862 : vector<16xf32>
              %add3A_873 = arith.constant 1.000000e+00 : f32
              %add3A_874 = vector.broadcast %add3A_873 : f32 to vector<16xf32>
              %add3A_875 = arith.addf %sub3A_872, %add3A_874 : vector<16xf32>
              %max3A_876 = arith.constant 0.000000e+00 : f32
              %max3A_877 = vector.broadcast %max3A_876 : f32 to vector<16xf32>
              %max3A_878 = arith.maximumf %max3A_877, %add3A_875 : vector<16xf32>
              %mul3A_879 = arith.mulf %max3A_871, %max3A_878 : vector<16xf32>
              %add3A_880 = arith.addf %gather3A_73, %get3A_860 : vector<16xf32>
              %sub3A_881 = arith.subf %add3A_880, %mul3A_879 : vector<16xf32>
              %div3A_882 = arith.divf %mul3A_879, %sub3A_881 : vector<16xf32>
              %gt3A_883 = arith.constant 3.000000e-01 : f32
              %gt3A_884 = vector.broadcast %gt3A_883 : f32 to vector<16xf32>
              %gt3A_885 = arith.cmpf ogt, %div3A_882, %gt3A_884 : vector<16xf32>
              %get3A_886 = arith.constant 272 : index
              %get3A_887 = tpu.vector_load %arg14[%get3A_886] {strides = array<i32>} : memref<320xi32, #tpu.memory_space<vmem>>, vector<16xi32>,
              %jit3A_888 = arith.constant 0 : i32
              %broadcast_in_dim3A_889 = vector.broadcast %jit3A_888 : i32 to vector<16xi32>
              %select_n3A_890 = arith.select %gt3A_885, %broadcast_in_dim3A_889, %get3A_887 : vector<16xi1>, vector<16xi32>
              %jit3A_891 = arith.constant true
              %select_n3A_892 = arith.select %jit3A_891, %select_n3A_890, %get3A_887 : vector<16xi32>
              %swap3A_893 = arith.constant 272 : index
              %swap3A_894 = tpu.vector_load %arg14[%swap3A_893] {strides = array<i32>} : memref<320xi32, #tpu.memory_space<vmem>>, vector<16xi32>,
              tpu.vector_store %arg14[%swap3A_893], %select_n3A_892 {strides = array<i32>} : memref<320xi32, #tpu.memory_space<vmem>>, vector<16xi32>,
              %add3A_895 = arith.constant 288 : i32
              %add3A_896 = arith.addi %mul3A_0, %add3A_895 : i32
              %get3A_897 = arith.index_cast %add3A_896 : i32 to index
              %get3A_898 = tpu.vector_load %arg9[%get3A_897] {strides = array<i32>} : memref<5120xf32, #tpu.memory_space<vmem>>, vector<16xf32>,
              %get3A_899 = arith.index_cast %add3A_896 : i32 to index
              %get3A_900 = tpu.vector_load %arg10[%get3A_899] {strides = array<i32>} : memref<5120xf32, #tpu.memory_space<vmem>>, vector<16xf32>,
              %get3A_901 = arith.index_cast %add3A_896 : i32 to index
              %get3A_902 = tpu.vector_load %arg11[%get3A_901] {strides = array<i32>} : memref<5120xf32, #tpu.memory_space<vmem>>, vector<16xf32>,
              %get3A_903 = arith.index_cast %add3A_896 : i32 to index
              %get3A_904 = tpu.vector_load %arg12[%get3A_903] {strides = array<i32>} : memref<5120xf32, #tpu.memory_space<vmem>>, vector<16xf32>,
              %get3A_905 = arith.index_cast %add3A_896 : i32 to index
              %get3A_906 = tpu.vector_load %arg13[%get3A_905] {strides = array<i32>} : memref<5120xf32, #tpu.memory_space<vmem>>, vector<16xf32>,
              %max3A_907 = arith.maximumf %get3A_898, %gather3A : vector<16xf32>
              %max3A_908 = arith.maximumf %get3A_900, %gather3A_70 : vector<16xf32>
              %min3A_909 = arith.minimumf %get3A_902, %gather3A_71 : vector<16xf32>
              %min3A_910 = arith.minimumf %get3A_904, %gather3A_72 : vector<16xf32>
              %sub3A_911 = arith.subf %min3A_909, %max3A_907 : vector<16xf32>
              %add3A_912 = arith.constant 1.000000e+00 : f32
              %add3A_913 = vector.broadcast %add3A_912 : f32 to vector<16xf32>
              %add3A_914 = arith.addf %sub3A_911, %add3A_913 : vector<16xf32>
              %max3A_915 = arith.constant 0.000000e+00 : f32
              %max3A_916 = vector.broadcast %max3A_915 : f32 to vector<16xf32>
              %max3A_917 = arith.maximumf %max3A_916, %add3A_914 : vector<16xf32>
              %sub3A_918 = arith.subf %min3A_910, %max3A_908 : vector<16xf32>
              %add3A_919 = arith.constant 1.000000e+00 : f32
              %add3A_920 = vector.broadcast %add3A_919 : f32 to vector<16xf32>
              %add3A_921 = arith.addf %sub3A_918, %add3A_920 : vector<16xf32>
              %max3A_922 = arith.constant 0.000000e+00 : f32
              %max3A_923 = vector.broadcast %max3A_922 : f32 to vector<16xf32>
              %max3A_924 = arith.maximumf %max3A_923, %add3A_921 : vector<16xf32>
              %mul3A_925 = arith.mulf %max3A_917, %max3A_924 : vector<16xf32>
              %add3A_926 = arith.addf %gather3A_73, %get3A_906 : vector<16xf32>
              %sub3A_927 = arith.subf %add3A_926, %mul3A_925 : vector<16xf32>
              %div3A_928 = arith.divf %mul3A_925, %sub3A_927 : vector<16xf32>
              %gt3A_929 = arith.constant 3.000000e-01 : f32
              %gt3A_930 = vector.broadcast %gt3A_929 : f32 to vector<16xf32>
              %gt3A_931 = arith.cmpf ogt, %div3A_928, %gt3A_930 : vector<16xf32>
              %get3A_932 = arith.constant 288 : index
              %get3A_933 = tpu.vector_load %arg14[%get3A_932] {strides = array<i32>} : memref<320xi32, #tpu.memory_space<vmem>>, vector<16xi32>,
              %jit3A_934 = arith.constant 0 : i32
              %broadcast_in_dim3A_935 = vector.broadcast %jit3A_934 : i32 to vector<16xi32>
              %select_n3A_936 = arith.select %gt3A_931, %broadcast_in_dim3A_935, %get3A_933 : vector<16xi1>, vector<16xi32>
              %jit3A_937 = arith.constant true
              %select_n3A_938 = arith.select %jit3A_937, %select_n3A_936, %get3A_933 : vector<16xi32>
              %swap3A_939 = arith.constant 288 : index
              %swap3A_940 = tpu.vector_load %arg14[%swap3A_939] {strides = array<i32>} : memref<320xi32, #tpu.memory_space<vmem>>, vector<16xi32>,
              tpu.vector_store %arg14[%swap3A_939], %select_n3A_938 {strides = array<i32>} : memref<320xi32, #tpu.memory_space<vmem>>, vector<16xi32>,
              %add3A_941 = arith.constant 304 : i32
              %add3A_942 = arith.addi %mul3A_0, %add3A_941 : i32
              %get3A_943 = arith.index_cast %add3A_942 : i32 to index
              %get3A_944 = tpu.vector_load %arg9[%get3A_943] {strides = array<i32>} : memref<5120xf32, #tpu.memory_space<vmem>>, vector<16xf32>,
              %get3A_945 = arith.index_cast %add3A_942 : i32 to index
              %get3A_946 = tpu.vector_load %arg10[%get3A_945] {strides = array<i32>} : memref<5120xf32, #tpu.memory_space<vmem>>, vector<16xf32>,
              %get3A_947 = arith.index_cast %add3A_942 : i32 to index
              %get3A_948 = tpu.vector_load %arg11[%get3A_947] {strides = array<i32>} : memref<5120xf32, #tpu.memory_space<vmem>>, vector<16xf32>,
              %get3A_949 = arith.index_cast %add3A_942 : i32 to index
              %get3A_950 = tpu.vector_load %arg12[%get3A_949] {strides = array<i32>} : memref<5120xf32, #tpu.memory_space<vmem>>, vector<16xf32>,
              %get3A_951 = arith.index_cast %add3A_942 : i32 to index
              %get3A_952 = tpu.vector_load %arg13[%get3A_951] {strides = array<i32>} : memref<5120xf32, #tpu.memory_space<vmem>>, vector<16xf32>,
              %max3A_953 = arith.maximumf %get3A_944, %gather3A : vector<16xf32>
              %max3A_954 = arith.maximumf %get3A_946, %gather3A_70 : vector<16xf32>
              %min3A_955 = arith.minimumf %get3A_948, %gather3A_71 : vector<16xf32>
              %min3A_956 = arith.minimumf %get3A_950, %gather3A_72 : vector<16xf32>
              %sub3A_957 = arith.subf %min3A_955, %max3A_953 : vector<16xf32>
              %add3A_958 = arith.constant 1.000000e+00 : f32
              %add3A_959 = vector.broadcast %add3A_958 : f32 to vector<16xf32>
              %add3A_960 = arith.addf %sub3A_957, %add3A_959 : vector<16xf32>
              %max3A_961 = arith.constant 0.000000e+00 : f32
              %max3A_962 = vector.broadcast %max3A_961 : f32 to vector<16xf32>
              %max3A_963 = arith.maximumf %max3A_962, %add3A_960 : vector<16xf32>
              %sub3A_964 = arith.subf %min3A_956, %max3A_954 : vector<16xf32>
              %add3A_965 = arith.constant 1.000000e+00 : f32
              %add3A_966 = vector.broadcast %add3A_965 : f32 to vector<16xf32>
              %add3A_967 = arith.addf %sub3A_964, %add3A_966 : vector<16xf32>
              %max3A_968 = arith.constant 0.000000e+00 : f32
              %max3A_969 = vector.broadcast %max3A_968 : f32 to vector<16xf32>
              %max3A_970 = arith.maximumf %max3A_969, %add3A_967 : vector<16xf32>
              %mul3A_971 = arith.mulf %max3A_963, %max3A_970 : vector<16xf32>
              %add3A_972 = arith.addf %gather3A_73, %get3A_952 : vector<16xf32>
              %sub3A_973 = arith.subf %add3A_972, %mul3A_971 : vector<16xf32>
              %div3A_974 = arith.divf %mul3A_971, %sub3A_973 : vector<16xf32>
              %gt3A_975 = arith.constant 3.000000e-01 : f32
              %gt3A_976 = vector.broadcast %gt3A_975 : f32 to vector<16xf32>
              %gt3A_977 = arith.cmpf ogt, %div3A_974, %gt3A_976 : vector<16xf32>
              %get3A_978 = arith.constant 304 : index
              %get3A_979 = tpu.vector_load %arg14[%get3A_978] {strides = array<i32>} : memref<320xi32, #tpu.memory_space<vmem>>, vector<16xi32>,
              %jit3A_980 = arith.constant 0 : i32
              %broadcast_in_dim3A_981 = vector.broadcast %jit3A_980 : i32 to vector<16xi32>
              %select_n3A_982 = arith.select %gt3A_977, %broadcast_in_dim3A_981, %get3A_979 : vector<16xi1>, vector<16xi32>
              %jit3A_983 = arith.constant true
              %select_n3A_984 = arith.select %jit3A_983, %select_n3A_982, %get3A_979 : vector<16xi32>
              %swap3A_985 = arith.constant 304 : index
              %swap3A_986 = tpu.vector_load %arg14[%swap3A_985] {strides = array<i32>} : memref<320xi32, #tpu.memory_space<vmem>>, vector<16xi32>,
              tpu.vector_store %arg14[%swap3A_985], %select_n3A_984 {strides = array<i32>} : memref<320xi32, #tpu.memory_space<vmem>>, vector<16xi32>,
            } else {
            }
            %scan3A_60 = arith.constant 0 : i32
            scf.yield %scan3A_60 : i32
          }
          %scan3A_36 = arith.constant 16 : i32
          %scan3A_37 = arith.constant 0 : i32
          scf.yield %scan3A_37 : i32
        }
        %scan3A_27 = arith.constant 20 : i32
      } else {
      }
      %scan3A_20 = arith.constant 0 : i32
      scf.yield %scan3A_20 : i32
    }
    %scan3A_13 = arith.constant 16 : i32
    "tpu.region"() ({
      %run_scoped3A = tpu.sem_alloc : memref<!tpu.dma_semaphore, #tpu.memory_space<semaphore_mem>>
      %dma_start3A = tpu.memref_slice %arg8[%mul3A_0] : memref<5120xi32, #tpu.memory_space<hbm>> -> memref<320xi32, #tpu.memory_space<hbm>>
      %dma_start3A_14 = tpu.memref_slice %arg8[%mul3A_0] : memref<5120xi32, #tpu.memory_space<hbm>> -> memref<320xi32, #tpu.memory_space<hbm>>
      tpu.enqueue_dma source(%arg15 : memref<320xi32, #tpu.memory_space<vmem>>) target(%dma_start3A_14 : memref<320xi32, #tpu.memory_space<hbm>>) target_semaphore(%run_scoped3A : memref<!tpu.dma_semaphore, #tpu.memory_space<semaphore_mem>>)
      %dma_wait3A = tpu.memref_slice %arg8[%mul3A_0] : memref<5120xi32, #tpu.memory_space<hbm>> -> memref<320xi32, #tpu.memory_space<hbm>>
      %dma_wait3A_15 = tpu.memref_slice %arg8[%mul3A_0] : memref<5120xi32, #tpu.memory_space<hbm>> -> memref<320xi32, #tpu.memory_space<hbm>>
      tpu.wait_dma2 semaphore(%run_scoped3A : memref<!tpu.dma_semaphore, #tpu.memory_space<semaphore_mem>>) src(%arg15 : memref<320xi32, #tpu.memory_space<vmem>>) dst(%dma_wait3A_15 : memref<320xi32, #tpu.memory_space<hbm>>)
      tpu.yield
    }) : () -> ()
    return
  }
}

</mosaic_0001>

<sc_bundles>
// kernel: gather_offload_async_start.1
scs
__scs_entry_jumppad:
0x0: {  	(pc) =	sbr.rel $0x88, $3  }
0x1: {  	(tag) =	ssettag $0x0;
	lr =	simm.s32 $0x1  }
0x2: {  	[smem:$0x3F9F] =	sst lr;
	_ =	strace $0xD0000000  }
0x3: {  	_ = 	snop  }
0x4: {  	_ = 	snop  }
0x5: {  	_ = 	snop  }
0x6: {  	_ = 	snop  }
0x7: {  	_ = 	snop  }
__scs_overlays_trampoline_lowered:
0x8: {  	[smem:$0x3FAE] =	sst s0  }
0x9: {  	[smem:$0x3FAF] =	sst s1  }
0xa: {  	[smem:$0x3FB0] =	sst s2  }
0xb: {  	[smem:$0x3FB1] =	sst s3  }
0xc: {  	[smem:$0x3FB2] =	sst s4  }
0xd: {  	[smem:$0x3FB3] =	sst s5  }
0xe: {  	[smem:$0x3FB4] =	sst s6  }
0xf: {  	[smem:$0x3FB5] =	sst s7  }
0x10: {  	[smem:$0x3FB6] =	sst s8  }
0x11: {  	[smem:$0x3FB7] =	sst s9;
	s0 =	simm.s32 @!p0 $0x0  }
0x12: {  	s1 =	sld [smem:$0x3F9D];
	s0 =	simm.s32 @p0 $0x1  }
0x13: {  	[smem:$0x3FB8] =	sst s0;
	s0 =	simm.s32 @!p1 $0x0  }
0x14: {  	s2 =	sld [smem:$0x3F9C];
	s0 =	simm.s32 @p1 $0x1  }
0x15: {  	[smem:$0x3FB9] =	sst s0;
	s0 =	simm.s32 @!p2 $0x0  }
0x16: {  	s3 =	sld [smem:$0x3FDB];
	s0 =	simm.s32 @p2 $0x1  }
0x17: {  	s4 =	simm.s32 $0x1BF5;
	[smem:$0x3FBB] =	sst s0  }
0x18: {  	s0 =	sld [smem:$0x3F9E];
	_ =	swait.ge [sflag:s4], $0x0  }
0x19: {  	s7 =	sld [smem:$0x3F9F]  }
0x1a: {  	s8 =	sadd.s32 $0xFFFFE003, lr  }
0x1b: {  	s9 =	sadd.s32 $0xFFFFFEF7, lr;
	s5 =	simm.s32 $0xFFFFFFFF;
	p2 =	slt.u32 s8, $0xFFFFF086  }
0x1c: {  	p1 =	slt.u32 s9, $0xF7A;
	s5 =	simm.s32 @!p2 $0x0  }
0x1d: {  	s5 =	simm.s32 @p1 $0x1;
	p0 =	seq.s32 s7, s2  }
0x1e: {  	s7 =	smul.u32 @!p0 $0xF7A, s2;
	p2 =	seq.s32 @!p0 s5, $0x0  }
0x1f: {  	s9 =	smul.u32 $0xF7A, s1;
	s8 =	simm.s32 @!p0 $0x1BF5;
	p2 =	por !p2, p0  }
0x20: {  	[sflag:s8] =	ssyncset.s32 @!p0 $0xFFFFF086;
	s6 =	sadd.s32 @!p0 s3, s7;
	s7 =	simm.s32 @!p0 $0x108  }
0x21: {  	s3 =	sadd.s32 s3, s9;
	s6 =	sadd.s32 @!p0 $0x88, s6;
	s7 =	simm.s32 @p2 $0x1082  }
0x22: {  	[simem:s7], [sflag:s8] =	dma.local @!p0 [hbm:s6], $0xF7A  }
0x23: {  	s9 =	sor.u32 $0xD0000000, s2;
	s6 =	simm.s32 $0x108;
	_ =	swait.ge @!p0 [sflag:s8], $0x0  }
0x24: {  	s3 =	sadd.s32 $0x88, s3;
	s6 =	simm.s32 @!p1 $0x1082;
	[sflag:s4] =	ssyncset.s32 $0xFFFFF086  }
0x25: {  	[simem:s6], [sflag:s4] =	dma.local [hbm:s3], $0xF7A  }
0x26: {  	[smem:$0x3F9F] =	sst s1;
	(tag) =	ssettag s2;
	_ =	strace s9  }
0x27: {  	s1 =	sld [smem:$0x3FAF]  }
0x28: {  	s2 =	sld [smem:$0x3FB0]  }
0x29: {  	s4 =	sld [smem:$0x3FB2]  }
0x2a: {  	p0 =	seq.s32 s5, $0x0;
	s5 =	sld [smem:$0x3FB3]  }
0x2b: {  	s6 =	sld [smem:$0x3FB4]  }
0x2c: {  	s7 =	sld [smem:$0x3FB5]  }
0x2d: {  	s3 =	simm.s32 $0x108;
	s8 =	sld [smem:$0x3FB6]  }
0x2e: {  	s3 =	simm.s32 @!p0 $0x1082;
	s9 =	sld [smem:$0x3FB7]  }
0x2f: {  	lr =	sadd.s32 s0, s3;
	s0 =	sld [smem:$0x3FAE]  }
0x30: {  	s3 =	sld [smem:$0x3FB1]  }
0x31: {  	[smem:$0x3FBA] =	sst s10  }
0x32: {  	s10 =	sld [smem:$0x3FB8];
	_ =	sdelay $0x3  }
0x33: {  	p0 =	seq.s32 s10, $0x1;
	s10 =	sld [smem:$0x3FBA];
	_ =	sdelay $0x3  }
0x34: {  	[smem:$0x3FBA] =	sst s10  }
0x35: {  	s10 =	sld [smem:$0x3FB9];
	_ =	sdelay $0x3  }
0x36: {  	p1 =	seq.s32 s10, $0x1;
	s10 =	sld [smem:$0x3FBA];
	_ =	sdelay $0x3  }
0x37: {  	[smem:$0x3FBA] =	sst s10  }
0x38: {  	s10 =	sld [smem:$0x3FBB]  }
0x39: {  	_ = 	snop;
	(pc) =	sbr.ind lr, $3  }
0x3a: {  	_ = 	snop  }
0x3b: {  	_ = 	snop  }
0x3c: {  	p2 =	seq.s32 s10, $0x1;
	s10 =	sld [smem:$0x3FBA]  }
0x3d: {  	_ =	shalt  }
0x3e: {  	_ =	shalt  }
0x3f: {  	_ =	shalt  }
0x40: {  	_ =	shalt  }
0x41: {  	_ =	shalt  }
0x42: {  	_ =	shalt  }
0x43: {  	_ =	shalt  }
0x44: {  	_ =	shalt  }
0x45: {  	_ =	shalt  }
0x46: {  	_ =	shalt  }
0x47: {  	_ =	shalt  }
0x48: {  	_ =	shalt  }
0x49: {  	_ =	shalt  }
0x4a: {  	_ =	shalt  }
0x4b: {  	_ =	shalt  }
0x4c: {  	_ =	shalt  }
0x4d: {  	_ =	shalt  }
0x4e: {  	_ =	shalt  }
0x4f: {  	_ =	shalt  }
0x50: {  	_ =	shalt  }
0x51: {  	_ =	shalt  }
0x52: {  	_ =	shalt  }
0x53: {  	_ =	shalt  }
0x54: {  	_ =	shalt  }
0x55: {  	_ =	shalt  }
0x56: {  	_ =	shalt  }
0x57: {  	_ =	shalt  }
0x58: {  	_ =	shalt  }
0x59: {  	_ =	shalt  }
0x5a: {  	_ =	shalt  }
0x5b: {  	_ =	shalt  }
0x5c: {  	_ =	shalt  }
0x5d: {  	_ =	shalt  }
0x5e: {  	_ =	shalt  }
0x5f: {  	_ =	shalt  }
0x60: {  	_ =	shalt  }
0x61: {  	_ =	shalt  }
0x62: {  	_ =	shalt  }
0x63: {  	_ =	shalt  }
0x64: {  	_ =	shalt  }
0x65: {  	_ =	shalt  }
0x66: {  	_ =	shalt  }
0x67: {  	_ =	shalt  }
0x68: {  	_ =	shalt  }
0x69: {  	_ =	shalt  }
0x6a: {  	_ =	shalt  }
0x6b: {  	_ =	shalt  }
0x6c: {  	_ =	shalt  }
0x6d: {  	_ =	shalt  }
0x6e: {  	_ =	shalt  }
0x6f: {  	_ =	shalt  }
0x70: {  	_ =	shalt  }
0x71: {  	_ =	shalt  }
0x72: {  	_ =	shalt  }
0x73: {  	_ =	shalt  }
0x74: {  	_ =	shalt  }
0x75: {  	_ =	shalt  }
0x76: {  	_ =	shalt  }
0x77: {  	_ =	shalt  }
0x78: {  	_ =	shalt  }
0x79: {  	_ =	shalt  }
0x7a: {  	_ =	shalt  }
0x7b: {  	_ =	shalt  }
0x7c: {  	_ =	shalt  }
0x7d: {  	_ =	shalt  }
0x7e: {  	_ =	shalt  }
0x7f: {  	_ =	shalt  }
0x80: {  	_ =	shalt  }
0x81: {  	_ =	shalt  }
0x82: {  	_ =	shalt  }
0x83: {  	_ =	shalt  }
0x84: {  	_ =	shalt  }
0x85: {  	_ =	shalt  }
0x86: {  	_ =	shalt  }
0x87: {  	_ =	shalt  }
.Lfunc_end0:
.L_simem_size_0:
called_computation.1_lowered:
.L_overlay_start_0:
0x88: {  	s0 =	sld [smem:$0x3FD9]  }
0x89: {  	s1 =	sld [smem:$0x3FFE];
	_ =	sdelay $0x3  }
0x8a: {  	s0 =	sadd.s32 s1, s0  }
0x8b: {  	[smem:$0x3FC6] =	sst s0  }
0x8c: {  	_ = 	snop  }
0x8d: {  	s0 =	sld [smem:$0x3FD0];
	(tm) =	ssettm $0x1  }
0x8e: {  	s16 =	sld [smem:$0x3FFB];
	_ =	sdelay $0x3  }
0x8f: {  	_ =	strace s16  }
0x90: {  	s1 =	sld [smem:$0x3FFC];
	_ =	sdelay $0x3  }
0x91: {  	_ =	strace s1  }
0x92: {  	s1 =	sld [smem:$0x3FFD];
	_ =	sdelay $0x3  }
0x93: {  	_ =	strace s1  }
0x94: {  	_ =	strace $0x8FFFFFFF  }
0x95: {  	s17 =	sld [smem:$0x3FDB];
	_ =	sdelay $0x1  }
0x96: {  	s2 =	simm.s32 $_scs_section_size  }
0x97: {  	s3 =	simm.s32 $_size__tile_overlayer_lowered;
	s4 =	simm.s32 $_tile_overlayer_lowered  }
0x98: {  	s20 =	simm.s32 $0x1BFF;
	s19 =	sshll.u32 s4, $0x1;
	s1 =	sadd.s32 s2, s17  }
0x99: {  	s5 =	simm.s32 $0x0;
	s18 =	sshll.u32 s3, $0x1;
	s3 =	sadd.s32 s19, s1  }
0x9a: {  	[timem:s5], [sflag:s20] =	dma.local [hbm:s3], s18  }
0x9b: {  	_ =	swait.ge [sflag:s20], s18  }
0x9c: {  	s2 =	ssub.s32 $0x0, s18;
	[sflag:s20] =	ssyncset.done $0x0  }
0x9d: {  	[sflag:s20] =	ssyncadd.s32 s2;
	_ =	sdelay $0x1  }
0x9e: {  	s21 =	simm.s32 $0x1B8B  }
0x9f: {  	_ =	swait.ge [sflag:s21], $0x1  }
0xa0: {  	[sflag:s21] =	ssyncset.done $0x0  }
0xa1: {  	s23 =	simm.s32 $0x1B8E;
	s22 =	sld [smem:$0x3FFE];
	[sflag:s21] =	ssyncadd.s32 $0xFFFFFFFF  }
0xa2: {  	s24 =	simm.s32 $execute0_lowered;
	[smem:$0x3FD2] =	sst s23  }
0xa3: {  	s3 =	sshll.u32 s24, $0x1;
	_ =	strace $0x80000046;
	[dreg:$0x1] =	wrdreg $0xFFFFFFFF  }
0xa4: {  	s25 =	simm.s32 $_size_execute0_lowered;
	s1 =	sadd.s32 s1, s3;
	[dreg:$0x0] =	wrdreg $0x0  }
0xa5: {  	s3 =	sshll.u32 s25, $0x1;
	[dreg:$0x2] =	wrdreg s1  }
0xa6: {  	[dreg:$0x3] =	wrdreg s3  }
0xa7: {  	[dreg:$0x4] =	wrdreg $0xC0  }
0xa8: {  	_ =	task [dreg:s5], $0x5FFFF  }
0xa9: {  	[dreg:$0x1] =	wrdreg $0xFFFFFFFF  }
0xaa: {  	[dreg:$0x0] =	wrdreg $0x60  }
0xab: {  	[dreg:$0x2] =	wrdreg s22  }
0xac: {  	[dreg:$0x3] =	wrdreg s0  }
0xad: {  	[dreg:$0x4] =	wrdreg $0x9  }
0xae: {  	_ =	task.clear_ibuf [dreg:s5], $0x5FFFF;
	_ =	strace $0x90000046  }
0xaf: {  	s26 =	simm.s32 $0x9;
	_ =	strace $0x80000048  }
0xb0: {  	_ =	swait.ge [sflag:s26], $0x1  }
0xb1: {  	[sflag:s26] =	ssyncadd.s32 $0xFFFFFFFF  }
0xb2: {  	_ =	strace $0x90000048  }
0xb3: {  	_ =	sfence  }
0xb4: {  	s28 =	sld [smem:$0x0];
	_ =	sdelay $0x1  }
0xb5: {  	s29 =	srdreg.scid  }
0xb6: {  	s30 =	sshll.u32 s29, $0xD;
	s31 =	sshrl.u32 s29, $0x2  }
0xb7: {  	s2 =	sand.u32 $0x4000, s30;
	s1 =	sand.u32 $0x1, s29;
	s0 =	sadd.s32 s31, s28  }
0xb8: {  	s1 =	sor.u32 s2, s1;
	s0 =	sshll.u32 s0, $0x11  }
0xb9: {  	s0 =	sor.u32 s0, s1  }
0xba: {  	s0 =	sadd.s32 $0x8F2B, s0  }
0xbb: {  	[sflag:s0] =	ssyncadd.remote.s32 $0x1  }
0xbc: {  	_ =	sfence.sel $0xFFFF  }
0xbd: {  	[dreg:$0x0] =	wrdreg $0xFFFFFFFF;
	(pc) =	sbr.abs _section_cstart, $3  }
0xbe: {  	[dreg:$0x1] =	wrdreg $0xFFFFFFFF  }
0xbf: {  	_ =	task.clear_ibuf [dreg:s5], $0x2FFFF;
	_ =	strace $0x9FFFFFFF  }
0xc0: {  	(tm) =	ssettm $0x7FFFFFFF  }
0xc1: {  	_ =	shalt  }
tec
execute0_lowered:
.L_overlay_start_1:
0x0: {  	(tag) =	ssettag $0x1  }
0x1: {  	s0 =	stileid.u32;
	s3 =	simm.s32 $0x200;
	s5 =	rddreg [dreg:$0x1]  }
0x2: {  	s10 =	simm.s32 $0x1;
	s1 =	smin.u32 s0, $0xA;
	p0 =	slt.u32 s0, $0xA  }
0x3: {  	s6 =	simm.s32 $0x2;
	s2 =	sshll.u32 s1, $0x9;
	s3 =	simm.s32 @!p0 $0x0  }
0x4: {  	s11 =	simm.s32 $0x4;
	s12 =	simm.s32 $0xFFFFF800;
	s1 =	sadd.s32 s3, s2  }
0x5: {  	s13 =	simm.s32 $0xFFFFFE00;
	s14 =	simm.s32 $0xFFFFFFFF;
	s4 =	smin.u32 s1, $0x1388  }
0x6: {  	s18 =	simm.s32 $0x0;
	s15 =	simm.s32 $0x0;
	s9 =	ssub.s32 s4, s2  }
0x7: {  	s17 =	simm.s32 $0x0;
	s3 =	rddreg [dreg:$0x0];
	p0 =	sgt.s32 s9, $0x0  }
0x8: {  	s1 =	rddreg [dreg:$0x2];
	_ =	strace $0x80000047;
	s9 =	simm.s32 @!p0 $0x0  }
.Ltmp0:
0x9: {  	[sflag:s10] =	ssyncpa.u1 $0x0;
	s8 =	sand.u32 $0x188, s9;
	(pc) =	sbr.rel .LBB2_1-.Ltmp0, $4  }
0xa: {  	s16 =	smov.u32 s2;
	[sflag:s6] =	ssyncpa.u1 $0x0;
	p0 =	sne.s32 s8, $0x0  }
0xb: {  	s9 =	sshrl.u32 s9, $0x9;
	s8 =	simm.s32 $0x3;
	s10 =	simm.s32 @!p0 $0x0  }
0xc: {  	s7 =	sadd.s32 $0x200, s3;
	[sflag:s8] =	ssyncpa.u1 $0x0;
	s9 =	sadd.s32 s10, s9  }
0xd: {  	v0 =	vlaneseq.u32;
	vm0 =	vmmov $0xffff;
	[sflag:s11] =	ssyncpa.u1 $0x0;
	s11 =	simm.s32 $0x0;
	s10 =	sadd.s32 $0x2, s9  }
.LBB2_7:
0xe: {  	p0 =	slt.u32 s17, $0x3  }
0xf: {  	s18 =	simm.s32 @!p0 $0x4  }
0x10: {  	_ =	swait.ge @!p0 [sflag:s18], $0x80  }
0x11: {  	s19 =	sadd.s32 $0x200, s16;
	[sflag:s18] =	ssyncset.done @!p0 $0x0  }
0x12: {  	s20 =	smov.u32 s2;
	[sflag:s18] =	ssyncadd.s32 @!p0 $0xFFFFFF80;
	p0 =	slt.s32 s19, s4  }
0x13: {  	s20 =	smov.u32 @p0 s19;
	p0 =	sne.s32 s17, s10  }
.Ltmp1:
0x14: {  	_ = 	snop;
	(pc) =	sbr.rel @!p0 .LBB2_8-.Ltmp1, $4  }
0x15: {  	_ = 	snop  }
0x16: {  	s31 =	sadd.s32 $0x1, s17;
	s12 =	sadd.s32 $0x800, s12  }
0x17: {  	s13 =	sadd.s32 $0x200, s13;
	s14 =	sadd.s32 $0x1, s14;
	s18 =	smov.u32 s15  }
0x18: {  	s15 =	smov.u32 s16;
	s17 =	smov.u32 s31;
	s16 =	smov.u32 s20  }
.LBB2_1:
0x19: {  	p0 =	sge.u32 s17, s9  }
0x1a: {  	s19 =	smulhi.u32 @!p0 $0xAAAAAAAB, s17;
	_ =	sdelay $0x1  }
0x1b: {  	s19 =	sshrl.u32 @!p0 s19, $0x1  }
0x1c: {  	s19 =	smul.u32 @!p0 $0x3, s19;
	_ =	sdelay $0x1  }
0x1d: {  	s31 =	sadd.s32 $0xFFFFFFFF, s17;
	s20 =	sshrl.u32 @!p0 s16, $0x3;
	s19 =	ssub.s32 @!p0 s17, s19  }
0x1e: {  	s21 =	sand.u32 @!p0 $0x7, s16;
	s20 =	sadd.s32 @!p0 s5, s20;
	s19 =	sshll.u32 @!p0 s19, $0x9  }
0x1f: {  	[tilespmem:s19], [sflag:$0x2] =	stream.linear.gather @!p0 [hbm4b:s20+s21], $0x200, $0x38;
	[tilespmem:$0xB00] =	vst v63  }
0x20: {  	p0 =	sge.u32 s31, s9  }
.Ltmp2:
0x21: {  	_ = 	snop;
	(pc) =	sbr.rel @p0 .LBB2_5-.Ltmp2, $1  }
0x22: {  	_ =	sdelay $0x3  }
0x23: {  	s19 =	smulhi.u32 $0xAAAAAAAB, s14;
	_ =	sdelay $0x1  }
0x24: {  	s19 =	sshrl.u32 s19, $0x1  }
0x25: {  	s19 =	smul.u32 $0xFFFFE800, s19;
	_ =	sdelay $0x1  }
0x26: {  	_ =	swait.ge [sflag:s6], $0x200;
	s19 =	sshra.s32 s19, $0x2  }
0x27: {  	[sflag:s6] =	ssyncset.done $0x0;
	s20 =	sadd.s32 s19, s13  }
0x28: {  	[sflag:s6] =	ssyncadd.s32 $0xFFFFFE00;
	(ifvalue) =	ssetifvalue $0x7FFFFFFF;
	v1 =	vld.msk [tilespmem:s20+$0x0 ss:$0x1], $0xffff  }
0x29: {  	s21 =	sadd.s32 $0x10, s20  }
0x2a: {  	v2 =	vld.msk [tilespmem:s21+$0x0 ss:$0x1], $0xffff;
	_ =	sdelay $0x1  }
0x2b: {  	s19 =	ssub.s32 $0x1388, s15  }
0x2c: {  	p0 =	slt.s32 s19, $0x200;
	vm1 =	vgt.s32 v1, $0x0  }
0x2d: {  	s19 =	simm.s32 @!p0 $0x200;
	v1 =	vnsel vm1, $0x0, v1  }
0x2e: {  	p0 =	sgt.s32 s19, $0x0;
	s22 =	smov.u32 s19;
	vm1 =	vgt.s32 v2, $0x0;
	v1 =	vmin.u32 v1, $0x1387  }
0x2f: {  	s22 =	simm.s32 @!p0 $0x0;
	v2 =	vnsel vm1, $0x0, v2;
	v4 =	vshll.u32 v1, $0x2  }
0x30: {  	s22 =	smin.u32 s22, $0x10;
	v3 =	vshrl.u32 v1, $0x7;
	v1 =	vand.u32 $0x1E00, v1;
	v4 =	vand.u32 $0x1FC, v4  }
0x31: {  	v5 =	vmin.u32 v2, $0x1387;
	v2 =	vmov s22;
	v1 =	vor.u32 v1, v4  }
0x32: {  	vm1 =	vgt.u32 v2, v0;
	v1 =	vshrl.u32 v1, $0x2  }
0x33: {  	s30 =	sshrl.u32 s12, $0x2;
	s23 =	sadd.s32 $0xFFFFFFF0, s19;
	v1 =	vnsel vm1, $0x7FFFFFFF, v1  }
0x34: {  	s19 =	sadd.s32 $0x10, s21;
	p0 =	sgt.s32 s23, $0x0;
	s25 =	smov.u32 s23;
	v3 =	vand.u32 $0x3, v3  }
0x35: {  	s31 =	sand.u32 $0x200, s30;
	s25 =	simm.s32 @!p0 $0x0;
	v2 =	vld.msk [tilespmem:s19+$0x0 ss:$0x1], $0xffff;
	v4 =	vshrl.u32 v5, $0x7;
	[tilespmem:s20+$0x0] =	vst v3;
	v3 =	vshll.u32 v5, $0x2  }
0x36: {  	s24 =	simm.s32 $0x30;
	s25 =	smin.u32 s25, $0x10;
	s22 =	sadd.s32 $0x600, s31;
	v5 =	vand.u32 $0x1E00, v5;
	v4 =	vand.u32 $0x3, v4;
	v6 =	vand.u32 $0x1FC, v3  }
0x37: {  	s20 =	sadd.s32 $0x10, s19;
	v3 =	vmov s25;
	[tilespmem:s21+$0x0] =	vst v4;
	v4 =	vor.u32 v5, v6;
	(ifvalue) =	ssetifvalue $0x7FFFFFFF;
	s21 =	sadd.s32 $0x10, s22  }
.LBB2_3:
0x38: {  	[tilespmem:s22], [sflag:$0x3] =	stream.indirect_vreg.gather [hbm4b:s3+s11], $0x1, v1, vm0, $0x4038;
	[tilespmem:$0xB00] =	vst v63  }
0x39: {  	s24 =	sadd.s32 $0x10, s24  }
0x3a: {  	vm1 =	vgt.s32 v2, $0x0;
	vm2 =	vgt.u32 v3, v0;
	v3 =	vshrl.u32 v4, $0x2;
	v1 =	vmovc v2;
	v2 =	vld.msk [tilespmem:s20+$0x0 ss:$0x1], $0xffff;
	p0 =	slt.u32 s24, $0x1F0  }
.Ltmp3:
0x3b: {  	s23 =	sadd.s32 $0xFFFFFFF0, s23;
	v4 =	vnsel vm1, $0x0, v1;
	v1 =	vnsel vm2, $0x7FFFFFFF, v3;
	(pc) =	sbr.rel @p0 .LBB2_3-.Ltmp3, $4  }
0x3c: {  	s25 =	smov.u32 s19;
	p1 =	sgt.s32 s23, $0x0;
	s26 =	smov.u32 s23;
	v3 =	vmin.u32 v4, $0x1387  }
0x3d: {  	s19 =	smov.u32 s20;
	s22 =	smov.u32 s21;
	s26 =	simm.s32 @!p1 $0x0;
	v4 =	vshrl.u32 v3, $0x7;
	v5 =	vshll.u32 v3, $0x2  }
0x3e: {  	s26 =	smin.u32 s26, $0x10;
	v6 =	vand.u32 $0x3, v4;
	v4 =	vand.u32 $0x1E00, v3;
	v5 =	vand.u32 $0x1FC, v5  }
0x3f: {  	s20 =	sadd.s32 $0x10, s20;
	s21 =	sadd.s32 $0x10, s21;
	v3 =	vmov s26;
	v4 =	vor.u32 v4, v5;
	[tilespmem:s25+$0x0] =	vst v6;
	(ifvalue) =	ssetifvalue $0x7FFFFFFF  }
0x40: {  	v5 =	vld.msk [tilespmem:s20+$0x0 ss:$0x1], $0xffff;
	_ =	sdelay $0x1  }
0x41: {  	s23 =	sadd.s32 $0xFFFFFFF0, s23;
	vm1 =	vgt.s32 v2, $0x0  }
0x42: {  	p0 =	sgt.s32 s23, $0x0;
	s24 =	smov.u32 s23;
	v2 =	vnsel vm1, $0x0, v2;
	vm1 =	vgt.u32 v3, v0;
	v3 =	vshrl.u32 v4, $0x2  }
0x43: {  	s24 =	simm.s32 @!p0 $0x0;
	v2 =	vmin.u32 v2, $0x1387;
	v3 =	vnsel vm1, $0x7FFFFFFF, v3  }
0x44: {  	s24 =	smin.u32 s24, $0x10;
	v60 =	vshll.u32 v2, $0x2;
	v7 =	vand.u32 $0x1E00, v2;
	vm1 =	vgt.s32 v5, $0x0  }
0x45: {  	s23 =	sadd.s32 $0xFFFFFFF0, s23;
	v2 =	vshrl.u32 v2, $0x7;
	v6 =	vmov s24;
	v5 =	vnsel vm1, $0x0, v5  }
0x46: {  	p0 =	sgt.s32 s23, $0x0;
	v4 =	vand.u32 $0x1FC, v60;
	v2 =	vand.u32 $0x3, v2;
	v5 =	vmin.u32 v5, $0x1387  }
0x47: {  	s23 =	simm.s32 @!p0 $0x0;
	v4 =	vor.u32 v7, v4;
	vm1 =	vgt.u32 v6, v0;
	v61 =	vshll.u32 v5, $0x2  }
0x48: {  	s23 =	smin.u32 s23, $0x10;
	v4 =	vshrl.u32 v4, $0x2;
	v62 =	vand.u32 $0x1E00, v5;
	v6 =	vand.u32 $0x1FC, v61  }
0x49: {  	v63 =	vmov s23;
	v4 =	vnsel vm1, $0x7FFFFFFF, v4;
	v6 =	vor.u32 v62, v6  }
0x4a: {  	[tilespmem:s22], [sflag:$0x3] =	stream.indirect_vreg.gather [hbm4b:s3+s11], $0x1, v1, vm0, $0x4038;
	[tilespmem:s19+$0x0] =	vst v2;
	vm1 =	vgt.u32 v63, v0;
	v2 =	vshrl.u32 v6, $0x2  }
0x4b: {  	(ifvalue) =	ssetifvalue $0x7FFFFFFF;
	v1 =	vshrl.u32 v5, $0x7;
	v2 =	vnsel vm1, $0x7FFFFFFF, v2  }
0x4c: {  	[tilespmem:s21], [sflag:$0x3] =	stream.indirect_vreg.gather [hbm4b:s3+s11], $0x1, v3, vm0, $0x4038;
	v1 =	vand.u32 $0x3, v1;
	[tilespmem:$0xB00] =	vst v63  }
0x4d: {  	s31 =	sadd.s32 $0x10, s21;
	[tilespmem:s20+$0x0] =	vst v1;
	(ifvalue) =	ssetifvalue $0x7FFFFFFF  }
0x4e: {  	[tilespmem:s31], [sflag:$0x3] =	stream.indirect_vreg.gather [hbm4b:s3+s11], $0x1, v4, vm0, $0x4038;
	[tilespmem:$0xB00] =	vst v63  }
0x4f: {  	s19 =	sadd.s32 $0x10, s31;
	(ifvalue) =	ssetifvalue $0x7FFFFFFF  }
0x50: {  	[tilespmem:s19], [sflag:$0x3] =	stream.indirect_vreg.gather [hbm4b:s3+s11], $0x1, v2, vm0, $0x4038;
	[tilespmem:$0xB00] =	vst v63  }
.LBB2_5:
0x51: {  	p0 =	slt.u32 s17, $0x2  }
0x52: {  	p1 =	sge.u32 @!p0 s17, s10  }
0x53: {  	p0 =	por p0, p1  }
.Ltmp4:
0x54: {  	_ = 	snop;
	(pc) =	sbr.rel @p0 .LBB2_7-.Ltmp4, $1  }
0x55: {  	_ =	sdelay $0x3  }
0x56: {  	s19 =	sadd.s32 $0xFFFFFFFE, s17  }
0x57: {  	s20 =	smulhi.u32 $0xAAAAAAAB, s19  }
0x58: {  	_ =	swait.ge [sflag:s8], $0x200  }
0x59: {  	s21 =	sand.u32 $0x1, s17;
	[sflag:s8] =	ssyncset.done $0x0;
	s20 =	sshrl.u32 s20, $0x1  }
0x5a: {  	s28 =	sshll.u32 s21, $0x9;
	[sflag:s8] =	ssyncadd.s32 $0xFFFFFE00;
	s20 =	smul.u32 $0x3, s20  }
0x5b: {  	v1 =	vld [tilespmem:s28+$0x600]  }
0x5c: {  	v3 =	vld [tilespmem:s28+$0x680];
	s20 =	ssub.s32 s19, s20  }
0x5d: {  	v6 =	vld [tilespmem:s28+$0x700];
	s20 =	sshll.u32 s20, $0x9  }
0x5e: {  	v2 =	vld [tilespmem:s20+$0x0]  }
0x5f: {  	v4 =	vld [tilespmem:s20+$0x80]  }
0x60: {  	v5 =	vld [tilespmem:s20+$0x100]  }
0x61: {  	v7 =	vld [tilespmem:s20+$0x180];
	_ =	sdelay $0x1  }
0x62: {  	v8 =	vld [tilespmem:s28+$0x780]  }
0x63: {  	v2 =	vshll.u32 v2, $0x3;
	v4 =	vshll.u32 v4, $0x3  }
0x64: {  	v1 =	vshrl.u32 v1, v2;
	v2 =	vshrl.u32 v3, v4;
	v3 =	vshll.u32 v5, $0x3  }
0x65: {  	v21 =	vshll.u32 v7, $0x3;
	v2 =	vshll.u32 v2, $0x8;
	v3 =	vshrl.u32 v6, v3  }
0x66: {  	v1 =	vand.u32 $0xFF, v1;
	v2 =	vand.u32 $0xFF00, v2;
	v3 =	vshll.u32 v3, $0x10  }
0x67: {  	v1 =	vor.u32 v1, v2;
	v2 =	vand.u32 $0xFF0000, v3;
	v3 =	vshrl.u32 v8, v21  }
0x68: {  	v1 =	vor.u32 v2, v1;
	v2 =	vshll.u32 v3, $0x18  }
0x69: {  	s21 =	sshll.u32 s21, $0x7;
	v1 =	vor.u32 v2, v1  }
0x6a: {  	[tilespmem:s21+$0xA00] =	vst v1  }
0x6b: {  	v1 =	vld [tilespmem:s28+$0x610]  }
0x6c: {  	v2 =	vld [tilespmem:s20+$0x10]  }
0x6d: {  	v3 =	vld [tilespmem:s28+$0x690]  }
0x6e: {  	v22 =	vld [tilespmem:s20+$0x90]  }
0x6f: {  	v23 =	vld [tilespmem:s20+$0x110]  }
0x70: {  	v24 =	vld [tilespmem:s28+$0x710]  }
0x71: {  	v25 =	vld [tilespmem:s20+$0x190];
	_ =	sdelay $0x1  }
0x72: {  	v26 =	vld [tilespmem:s28+$0x790]  }
0x73: {  	v2 =	vshll.u32 v2, $0x3;
	v4 =	vshll.u32 v22, $0x3  }
0x74: {  	v1 =	vshrl.u32 v1, v2;
	v2 =	vshrl.u32 v3, v4;
	v3 =	vshll.u32 v23, $0x3  }
0x75: {  	v27 =	vshll.u32 v25, $0x3;
	v2 =	vshll.u32 v2, $0x8;
	v3 =	vshrl.u32 v24, v3  }
0x76: {  	v1 =	vand.u32 $0xFF, v1;
	v2 =	vand.u32 $0xFF00, v2;
	v3 =	vshll.u32 v3, $0x10  }
0x77: {  	v1 =	vor.u32 v1, v2;
	v2 =	vand.u32 $0xFF0000, v3;
	v3 =	vshrl.u32 v26, v27  }
0x78: {  	v1 =	vor.u32 v2, v1;
	v2 =	vshll.u32 v3, $0x18  }
0x79: {  	v1 =	vor.u32 v2, v1  }
0x7a: {  	[tilespmem:s21+$0xA10] =	vst v1  }
0x7b: {  	v1 =	vld [tilespmem:s28+$0x620]  }
0x7c: {  	v2 =	vld [tilespmem:s20+$0x20]  }
0x7d: {  	v3 =	vld [tilespmem:s28+$0x6A0]  }
0x7e: {  	v28 =	vld [tilespmem:s20+$0xA0]  }
0x7f: {  	v29 =	vld [tilespmem:s20+$0x120]  }
0x80: {  	v30 =	vld [tilespmem:s28+$0x720]  }
0x81: {  	v31 =	vld [tilespmem:s20+$0x1A0];
	_ =	sdelay $0x1  }
0x82: {  	v32 =	vld [tilespmem:s28+$0x7A0]  }
0x83: {  	v2 =	vshll.u32 v2, $0x3;
	v4 =	vshll.u32 v28, $0x3  }
0x84: {  	v1 =	vshrl.u32 v1, v2;
	v2 =	vshrl.u32 v3, v4;
	v3 =	vshll.u32 v29, $0x3  }
0x85: {  	v33 =	vshll.u32 v31, $0x3;
	v2 =	vshll.u32 v2, $0x8;
	v3 =	vshrl.u32 v30, v3  }
0x86: {  	v1 =	vand.u32 $0xFF, v1;
	v2 =	vand.u32 $0xFF00, v2;
	v3 =	vshll.u32 v3, $0x10  }
0x87: {  	v1 =	vor.u32 v1, v2;
	v2 =	vand.u32 $0xFF0000, v3;
	v3 =	vshrl.u32 v32, v33  }
0x88: {  	v1 =	vor.u32 v2, v1;
	v2 =	vshll.u32 v3, $0x18  }
0x89: {  	v1 =	vor.u32 v2, v1  }
0x8a: {  	[tilespmem:s21+$0xA20] =	vst v1  }
0x8b: {  	v1 =	vld [tilespmem:s28+$0x630]  }
0x8c: {  	v2 =	vld [tilespmem:s20+$0x30]  }
0x8d: {  	v3 =	vld [tilespmem:s28+$0x6B0]  }
0x8e: {  	v34 =	vld [tilespmem:s20+$0xB0]  }
0x8f: {  	v35 =	vld [tilespmem:s20+$0x130]  }
0x90: {  	v36 =	vld [tilespmem:s28+$0x730]  }
0x91: {  	v37 =	vld [tilespmem:s20+$0x1B0];
	_ =	sdelay $0x1  }
0x92: {  	v38 =	vld [tilespmem:s28+$0x7B0]  }
0x93: {  	v2 =	vshll.u32 v2, $0x3;
	v4 =	vshll.u32 v34, $0x3  }
0x94: {  	v1 =	vshrl.u32 v1, v2;
	v2 =	vshrl.u32 v3, v4;
	v3 =	vshll.u32 v35, $0x3  }
0x95: {  	v39 =	vshll.u32 v37, $0x3;
	v2 =	vshll.u32 v2, $0x8;
	v3 =	vshrl.u32 v36, v3  }
0x96: {  	v1 =	vand.u32 $0xFF, v1;
	v2 =	vand.u32 $0xFF00, v2;
	v3 =	vshll.u32 v3, $0x10  }
0x97: {  	v1 =	vor.u32 v1, v2;
	v2 =	vand.u32 $0xFF0000, v3;
	v3 =	vshrl.u32 v38, v39  }
0x98: {  	v1 =	vor.u32 v2, v1;
	v2 =	vshll.u32 v3, $0x18  }
0x99: {  	v1 =	vor.u32 v2, v1  }
0x9a: {  	[tilespmem:s21+$0xA30] =	vst v1  }
0x9b: {  	v1 =	vld [tilespmem:s28+$0x640]  }
0x9c: {  	v2 =	vld [tilespmem:s20+$0x40]  }
0x9d: {  	v3 =	vld [tilespmem:s28+$0x6C0]  }
0x9e: {  	v40 =	vld [tilespmem:s20+$0xC0]  }
0x9f: {  	v41 =	vld [tilespmem:s20+$0x140]  }
0xa0: {  	v42 =	vld [tilespmem:s28+$0x740]  }
0xa1: {  	v43 =	vld [tilespmem:s20+$0x1C0];
	_ =	sdelay $0x1  }
0xa2: {  	v44 =	vld [tilespmem:s28+$0x7C0]  }
0xa3: {  	v2 =	vshll.u32 v2, $0x3;
	v4 =	vshll.u32 v40, $0x3  }
0xa4: {  	v1 =	vshrl.u32 v1, v2;
	v2 =	vshrl.u32 v3, v4;
	v3 =	vshll.u32 v41, $0x3  }
0xa5: {  	v45 =	vshll.u32 v43, $0x3;
	v2 =	vshll.u32 v2, $0x8;
	v3 =	vshrl.u32 v42, v3  }
0xa6: {  	v1 =	vand.u32 $0xFF, v1;
	v2 =	vand.u32 $0xFF00, v2;
	v3 =	vshll.u32 v3, $0x10  }
0xa7: {  	v1 =	vor.u32 v1, v2;
	v2 =	vand.u32 $0xFF0000, v3;
	v3 =	vshrl.u32 v44, v45  }
0xa8: {  	v1 =	vor.u32 v2, v1;
	v2 =	vshll.u32 v3, $0x18  }
0xa9: {  	v1 =	vor.u32 v2, v1  }
0xaa: {  	[tilespmem:s21+$0xA40] =	vst v1  }
0xab: {  	v1 =	vld [tilespmem:s28+$0x650]  }
0xac: {  	v2 =	vld [tilespmem:s20+$0x50]  }
0xad: {  	v3 =	vld [tilespmem:s28+$0x6D0]  }
0xae: {  	v46 =	vld [tilespmem:s20+$0xD0]  }
0xaf: {  	v47 =	vld [tilespmem:s20+$0x150]  }
0xb0: {  	v48 =	vld [tilespmem:s28+$0x750]  }
0xb1: {  	v49 =	vld [tilespmem:s20+$0x1D0];
	_ =	sdelay $0x1  }
0xb2: {  	v50 =	vld [tilespmem:s28+$0x7D0]  }
0xb3: {  	v2 =	vshll.u32 v2, $0x3;
	v4 =	vshll.u32 v46, $0x3  }
0xb4: {  	v1 =	vshrl.u32 v1, v2;
	v2 =	vshrl.u32 v3, v4;
	v3 =	vshll.u32 v47, $0x3  }
0xb5: {  	v51 =	vshll.u32 v49, $0x3;
	v2 =	vshll.u32 v2, $0x8;
	v3 =	vshrl.u32 v48, v3  }
0xb6: {  	v1 =	vand.u32 $0xFF, v1;
	v2 =	vand.u32 $0xFF00, v2;
	v3 =	vshll.u32 v3, $0x10  }
0xb7: {  	v1 =	vor.u32 v1, v2;
	v2 =	vand.u32 $0xFF0000, v3;
	v3 =	vshrl.u32 v50, v51  }
0xb8: {  	v1 =	vor.u32 v2, v1;
	v2 =	vshll.u32 v3, $0x18  }
0xb9: {  	v1 =	vor.u32 v2, v1  }
0xba: {  	[tilespmem:s21+$0xA50] =	vst v1  }
0xbb: {  	v1 =	vld [tilespmem:s28+$0x660]  }
0xbc: {  	v2 =	vld [tilespmem:s20+$0x60]  }
0xbd: {  	v3 =	vld [tilespmem:s28+$0x6E0]  }
0xbe: {  	v52 =	vld [tilespmem:s20+$0xE0]  }
0xbf: {  	v53 =	vld [tilespmem:s20+$0x160]  }
0xc0: {  	v54 =	vld [tilespmem:s28+$0x760]  }
0xc1: {  	v55 =	vld [tilespmem:s20+$0x1E0];
	_ =	sdelay $0x1  }
0xc2: {  	v56 =	vld [tilespmem:s28+$0x7E0]  }
0xc3: {  	v2 =	vshll.u32 v2, $0x3;
	v4 =	vshll.u32 v52, $0x3  }
0xc4: {  	v1 =	vshrl.u32 v1, v2;
	v2 =	vshrl.u32 v3, v4;
	v3 =	vshll.u32 v53, $0x3  }
0xc5: {  	v57 =	vshll.u32 v55, $0x3;
	v2 =	vshll.u32 v2, $0x8;
	v3 =	vshrl.u32 v54, v3  }
0xc6: {  	v1 =	vand.u32 $0xFF, v1;
	v2 =	vand.u32 $0xFF00, v2;
	v3 =	vshll.u32 v3, $0x10  }
0xc7: {  	v1 =	vor.u32 v1, v2;
	v2 =	vand.u32 $0xFF0000, v3;
	v3 =	vshrl.u32 v56, v57  }
0xc8: {  	v1 =	vor.u32 v2, v1;
	v2 =	vshll.u32 v3, $0x18  }
0xc9: {  	v1 =	vor.u32 v2, v1  }
0xca: {  	[tilespmem:s21+$0xA60] =	vst v1  }
0xcb: {  	v1 =	vld [tilespmem:s28+$0x670]  }
0xcc: {  	v2 =	vld [tilespmem:s20+$0x70]  }
0xcd: {  	v3 =	vld [tilespmem:s28+$0x6F0]  }
0xce: {  	v58 =	vld [tilespmem:s20+$0xF0]  }
0xcf: {  	v59 =	vld [tilespmem:s20+$0x170]  }
0xd0: {  	v60 =	vld [tilespmem:s28+$0x770]  }
0xd1: {  	v61 =	vld [tilespmem:s20+$0x1F0];
	_ =	sdelay $0x1  }
0xd2: {  	v62 =	vld [tilespmem:s28+$0x7F0]  }
0xd3: {  	v2 =	vshll.u32 v2, $0x3;
	v4 =	vshll.u32 v58, $0x3  }
0xd4: {  	v1 =	vshrl.u32 v1, v2;
	v2 =	vshrl.u32 v3, v4;
	v3 =	vshll.u32 v59, $0x3  }
0xd5: {  	v63 =	vshll.u32 v61, $0x3;
	v3 =	vshrl.u32 v60, v3;
	v2 =	vshll.u32 v2, $0x8  }
0xd6: {  	v1 =	vand.u32 $0xFF, v1;
	v2 =	vand.u32 $0xFF00, v2;
	v3 =	vshll.u32 v3, $0x10  }
.Ltmp5:
0xd7: {  	v1 =	vor.u32 v1, v2;
	v2 =	vshrl.u32 v62, v63;
	v3 =	vand.u32 $0xFF0000, v3;
	(pc) =	sbr.rel .LBB2_7-.Ltmp5, $4  }
0xd8: {  	v1 =	vor.u32 v3, v1;
	v2 =	vshll.u32 v2, $0x18  }
0xd9: {  	s29 =	sshrl.u32 s18, $0x2;
	s30 =	sshrl.u32 s18, $0x5;
	v1 =	vor.u32 v2, v1  }
0xda: {  	s18 =	sadd.s32 s30, s7;
	s31 =	sor.u32 $0xA00, s21;
	s19 =	sand.u32 $0x7, s29;
	[tilespmem:s21+$0xA70] =	vst v1  }
0xdb: {  	[hbm4b:s18+s19] =	stream.linear.scatter [tilespmem:s31], [sflag:$0x4], $0x80, $0x38;
	[tilespmem:$0xB00] =	vst v63  }
.LBB2_8:
0xdc: {  	_ =	sfence.sel $0x180000  }
0xdd: {  	s2 =	simm.s32 $0x2;
	[bflag:$0x0] =	sbarrier.arrive $0xFFFF  }
0xde: {  	s29 =	simm.s32 $0x3;
	[sflag:s2] =	ssyncpa.u1 $0x1  }
0xdf: {  	s30 =	simm.s32 $0x4;
	[sflag:s29] =	ssyncpa.u1 $0x1  }
0xe0: {  	s31 =	simm.s32 $0x1;
	[sflag:s30] =	ssyncpa.u1 $0x1  }
0xe1: {  	[sflag:s31] =	ssyncpa.u1 $0x1  }
0xe2: {  	p0 =	sne.s32 s0, $0x0;
	_ =	strace $0x90000047  }
0xe3: {  	s0 =	sadd.s32 @!p0 $0x100000, s1;
	[bflag:$0x2] =	sbarrier.arrive $0xFFFF  }
0xe4: {  	[sflag:s0] =	ssyncadd.tile.s32 @!p0 $0x1;
	_ =	shalt  }
.Lfunc_end2:
_tile_overlayer_lowered:
.L_overlay_start_2:
0xe5: {  	(tag) =	ssettag $0x2  }
0xe6: {  	s0 =	rddreg [dreg:$0x0];
	s2 =	stileid.u32  }
0xe7: {  	s1 =	rddreg [dreg:$0x1];
	p0 =	sne.s32 s2, $0x0  }
0xe8: {  	s3 =	rddreg [dreg:$0x2];
	[bflag:$0x3] =	sbarrier.arrive $0xFFFF;
	s2 =	simm.s32 @!p0 $0x1C01  }
0xe9: {  	[timem:s3], [sflag:s2] =	dma.local @!p0 [hbm:s0], s1  }
0xea: {  	s0 =	simm.s32 @!p0 $0x1  }
0xeb: {  	_ =	swait.ge @!p0 [sflag:s0], s1  }
0xec: {  	s1 =	ssub.s32 @!p0 $0x0, s1;
	[sflag:s0] =	ssyncset.done @!p0 $0x0  }
0xed: {  	[sflag:s0] =	ssyncadd.s32 @!p0 s1  }
0xee: {  	[bflag:$0x3] =	sbarrier.arrive $0xFFFF  }
0xef: {  	_ =	shalt  }

// kernel: gather_offload_async_start.2
scs
__scs_entry_jumppad:
0x0: {  	(pc) =	sbr.rel $0x88, $3  }
0x1: {  	(tag) =	ssettag $0x0;
	lr =	simm.s32 $0x1  }
0x2: {  	[smem:$0x3F9F] =	sst lr;
	_ =	strace $0xD0000000  }
0x3: {  	_ = 	snop  }
0x4: {  	_ = 	snop  }
0x5: {  	_ = 	snop  }
0x6: {  	_ = 	snop  }
0x7: {  	_ = 	snop  }
__scs_overlays_trampoline_lowered:
0x8: {  	[smem:$0x3FAE] =	sst s0  }
0x9: {  	[smem:$0x3FAF] =	sst s1  }
0xa: {  	[smem:$0x3FB0] =	sst s2  }
0xb: {  	[smem:$0x3FB1] =	sst s3  }
0xc: {  	[smem:$0x3FB2] =	sst s4  }
0xd: {  	[smem:$0x3FB3] =	sst s5  }
0xe: {  	[smem:$0x3FB4] =	sst s6  }
0xf: {  	[smem:$0x3FB5] =	sst s7  }
0x10: {  	[smem:$0x3FB6] =	sst s8  }
0x11: {  	[smem:$0x3FB7] =	sst s9;
	s0 =	simm.s32 @!p0 $0x0  }
0x12: {  	s1 =	sld [smem:$0x3F9D];
	s0 =	simm.s32 @p0 $0x1  }
0x13: {  	[smem:$0x3FB8] =	sst s0;
	s0 =	simm.s32 @!p1 $0x0  }
0x14: {  	s2 =	sld [smem:$0x3F9C];
	s0 =	simm.s32 @p1 $0x1  }
0x15: {  	[smem:$0x3FB9] =	sst s0;
	s0 =	simm.s32 @!p2 $0x0  }
0x16: {  	s3 =	sld [smem:$0x3FDB];
	s0 =	simm.s32 @p2 $0x1  }
0x17: {  	s4 =	simm.s32 $0x1BF5;
	[smem:$0x3FBB] =	sst s0  }
0x18: {  	s0 =	sld [smem:$0x3F9E];
	_ =	swait.ge [sflag:s4], $0x0  }
0x19: {  	s7 =	sld [smem:$0x3F9F]  }
0x1a: {  	s8 =	sadd.s32 $0xFFFFE003, lr  }
0x1b: {  	s9 =	sadd.s32 $0xFFFFFEF7, lr;
	s5 =	simm.s32 $0xFFFFFFFF;
	p2 =	slt.u32 s8, $0xFFFFF086  }
0x1c: {  	p1 =	slt.u32 s9, $0xF7A;
	s5 =	simm.s32 @!p2 $0x0  }
0x1d: {  	s5 =	simm.s32 @p1 $0x1;
	p0 =	seq.s32 s7, s2  }
0x1e: {  	s7 =	smul.u32 @!p0 $0xF7A, s2;
	p2 =	seq.s32 @!p0 s5, $0x0  }
0x1f: {  	s9 =	smul.u32 $0xF7A, s1;
	s8 =	simm.s32 @!p0 $0x1BF5;
	p2 =	por !p2, p0  }
0x20: {  	[sflag:s8] =	ssyncset.s32 @!p0 $0xFFFFF086;
	s6 =	sadd.s32 @!p0 s3, s7;
	s7 =	simm.s32 @!p0 $0x108  }
0x21: {  	s3 =	sadd.s32 s3, s9;
	s6 =	sadd.s32 @!p0 $0x88, s6;
	s7 =	simm.s32 @p2 $0x1082  }
0x22: {  	[simem:s7], [sflag:s8] =	dma.local @!p0 [hbm:s6], $0xF7A  }
0x23: {  	s9 =	sor.u32 $0xD0000000, s2;
	s6 =	simm.s32 $0x108;
	_ =	swait.ge @!p0 [sflag:s8], $0x0  }
0x24: {  	s3 =	sadd.s32 $0x88, s3;
	s6 =	simm.s32 @!p1 $0x1082;
	[sflag:s4] =	ssyncset.s32 $0xFFFFF086  }
0x25: {  	[simem:s6], [sflag:s4] =	dma.local [hbm:s3], $0xF7A  }
0x26: {  	[smem:$0x3F9F] =	sst s1;
	(tag) =	ssettag s2;
	_ =	strace s9  }
0x27: {  	s1 =	sld [smem:$0x3FAF]  }
0x28: {  	s2 =	sld [smem:$0x3FB0]  }
0x29: {  	s4 =	sld [smem:$0x3FB2]  }
0x2a: {  	p0 =	seq.s32 s5, $0x0;
	s5 =	sld [smem:$0x3FB3]  }
0x2b: {  	s6 =	sld [smem:$0x3FB4]  }
0x2c: {  	s7 =	sld [smem:$0x3FB5]  }
0x2d: {  	s3 =	simm.s32 $0x108;
	s8 =	sld [smem:$0x3FB6]  }
0x2e: {  	s3 =	simm.s32 @!p0 $0x1082;
	s9 =	sld [smem:$0x3FB7]  }
0x2f: {  	lr =	sadd.s32 s0, s3;
	s0 =	sld [smem:$0x3FAE]  }
0x30: {  	s3 =	sld [smem:$0x3FB1]  }
0x31: {  	[smem:$0x3FBA] =	sst s10  }
0x32: {  	s10 =	sld [smem:$0x3FB8];
	_ =	sdelay $0x3  }
0x33: {  	p0 =	seq.s32 s10, $0x1;
	s10 =	sld [smem:$0x3FBA];
	_ =	sdelay $0x3  }
0x34: {  	[smem:$0x3FBA] =	sst s10  }
0x35: {  	s10 =	sld [smem:$0x3FB9];
	_ =	sdelay $0x3  }
0x36: {  	p1 =	seq.s32 s10, $0x1;
	s10 =	sld [smem:$0x3FBA];
	_ =	sdelay $0x3  }
0x37: {  	[smem:$0x3FBA] =	sst s10  }
0x38: {  	s10 =	sld [smem:$0x3FBB]  }
0x39: {  	_ = 	snop;
	(pc) =	sbr.ind lr, $3  }
0x3a: {  	_ = 	snop  }
0x3b: {  	_ = 	snop  }
0x3c: {  	p2 =	seq.s32 s10, $0x1;
	s10 =	sld [smem:$0x3FBA]  }
0x3d: {  	_ =	shalt  }
0x3e: {  	_ =	shalt  }
0x3f: {  	_ =	shalt  }
0x40: {  	_ =	shalt  }
0x41: {  	_ =	shalt  }
0x42: {  	_ =	shalt  }
0x43: {  	_ =	shalt  }
0x44: {  	_ =	shalt  }
0x45: {  	_ =	shalt  }
0x46: {  	_ =	shalt  }
0x47: {  	_ =	shalt  }
0x48: {  	_ =	shalt  }
0x49: {  	_ =	shalt  }
0x4a: {  	_ =	shalt  }
0x4b: {  	_ =	shalt  }
0x4c: {  	_ =	shalt  }
0x4d: {  	_ =	shalt  }
0x4e: {  	_ =	shalt  }
0x4f: {  	_ =	shalt  }
0x50: {  	_ =	shalt  }
0x51: {  	_ =	shalt  }
0x52: {  	_ =	shalt  }
0x53: {  	_ =	shalt  }
0x54: {  	_ =	shalt  }
0x55: {  	_ =	shalt  }
0x56: {  	_ =	shalt  }
0x57: {  	_ =	shalt  }
0x58: {  	_ =	shalt  }
0x59: {  	_ =	shalt  }
0x5a: {  	_ =	shalt  }
0x5b: {  	_ =	shalt  }
0x5c: {  	_ =	shalt  }
0x5d: {  	_ =	shalt  }
0x5e: {  	_ =	shalt  }
0x5f: {  	_ =	shalt  }
0x60: {  	_ =	shalt  }
0x61: {  	_ =	shalt  }
0x62: {  	_ =	shalt  }
0x63: {  	_ =	shalt  }
0x64: {  	_ =	shalt  }
0x65: {  	_ =	shalt  }
0x66: {  	_ =	shalt  }
0x67: {  	_ =	shalt  }
0x68: {  	_ =	shalt  }
0x69: {  	_ =	shalt  }
0x6a: {  	_ =	shalt  }
0x6b: {  	_ =	shalt  }
0x6c: {  	_ =	shalt  }
0x6d: {  	_ =	shalt  }
0x6e: {  	_ =	shalt  }
0x6f: {  	_ =	shalt  }
0x70: {  	_ =	shalt  }
0x71: {  	_ =	shalt  }
0x72: {  	_ =	shalt  }
0x73: {  	_ =	shalt  }
0x74: {  	_ =	shalt  }
0x75: {  	_ =	shalt  }
0x76: {  	_ =	shalt  }
0x77: {  	_ =	shalt  }
0x78: {  	_ =	shalt  }
0x79: {  	_ =	shalt  }
0x7a: {  	_ =	shalt  }
0x7b: {  	_ =	shalt  }
0x7c: {  	_ =	shalt  }
0x7d: {  	_ =	shalt  }
0x7e: {  	_ =	shalt  }
0x7f: {  	_ =	shalt  }
0x80: {  	_ =	shalt  }
0x81: {  	_ =	shalt  }
0x82: {  	_ =	shalt  }
0x83: {  	_ =	shalt  }
0x84: {  	_ =	shalt  }
0x85: {  	_ =	shalt  }
0x86: {  	_ =	shalt  }
0x87: {  	_ =	shalt  }
.Lfunc_end0:
.L_simem_size_0:
called_computation.2_lowered:
.L_overlay_start_0:
0x88: {  	s0 =	sld [smem:$0x3FD9]  }
0x89: {  	s1 =	sld [smem:$0x3FFE];
	_ =	sdelay $0x3  }
0x8a: {  	s0 =	sadd.s32 s1, s0  }
0x8b: {  	[smem:$0x3FC6] =	sst s0  }
0x8c: {  	_ = 	snop  }
0x8d: {  	s0 =	sld [smem:$0x3FC8]  }
0x8e: {  	s16 =	sld [smem:$0x3FD0];
	(tm) =	ssettm $0x1  }
0x8f: {  	s2 =	sld [smem:$0x3FFB];
	_ =	sdelay $0x3  }
0x90: {  	_ =	strace s2  }
0x91: {  	s2 =	sld [smem:$0x3FFC];
	_ =	sdelay $0x3  }
0x92: {  	_ =	strace s2  }
0x93: {  	s2 =	sld [smem:$0x3FFD];
	_ =	sdelay $0x3  }
0x94: {  	_ =	strace s2  }
0x95: {  	_ =	strace $0x8FFFFFFF  }
0x96: {  	s17 =	sld [smem:$0x3FDB];
	_ =	sdelay $0x1  }
0x97: {  	s3 =	simm.s32 $_scs_section_size  }
0x98: {  	s4 =	simm.s32 $_size__tile_overlayer_lowered;
	s5 =	simm.s32 $_tile_overlayer_lowered  }
0x99: {  	s20 =	simm.s32 $0x1BFF;
	s19 =	sshll.u32 s5, $0x1;
	s2 =	sadd.s32 s3, s17  }
0x9a: {  	s6 =	simm.s32 $0x0;
	s18 =	sshll.u32 s4, $0x1;
	s4 =	sadd.s32 s19, s2  }
0x9b: {  	[timem:s6], [sflag:s20] =	dma.local [hbm:s4], s18  }
0x9c: {  	_ =	swait.ge [sflag:s20], s18  }
0x9d: {  	s3 =	ssub.s32 $0x0, s18;
	[sflag:s20] =	ssyncset.done $0x0  }
0x9e: {  	[sflag:s20] =	ssyncadd.s32 s3;
	_ =	sdelay $0x1  }
0x9f: {  	s21 =	simm.s32 $0x1B8B  }
0xa0: {  	_ =	swait.ge [sflag:s21], $0x1  }
0xa1: {  	[sflag:s21] =	ssyncset.done $0x0  }
0xa2: {  	s23 =	simm.s32 $0x1B8E;
	s22 =	sld [smem:$0x3FFE];
	[sflag:s21] =	ssyncadd.s32 $0xFFFFFFFF  }
0xa3: {  	s24 =	simm.s32 $execute0_lowered;
	[smem:$0x3FD2] =	sst s23  }
0xa4: {  	s4 =	sshll.u32 s24, $0x1;
	_ =	strace $0x8000004C;
	[dreg:$0x1] =	wrdreg $0xFFFFFFFF  }
0xa5: {  	s25 =	simm.s32 $_size_execute0_lowered;
	s2 =	sadd.s32 s2, s4;
	[dreg:$0x0] =	wrdreg $0x0  }
0xa6: {  	s4 =	sshll.u32 s25, $0x1;
	[dreg:$0x2] =	wrdreg s2  }
0xa7: {  	[dreg:$0x3] =	wrdreg s4  }
0xa8: {  	[dreg:$0x4] =	wrdreg $0xC0  }
0xa9: {  	_ =	task [dreg:s6], $0x5FFFF  }
0xaa: {  	[dreg:$0x1] =	wrdreg $0xFFFFFFFF  }
0xab: {  	[dreg:$0x0] =	wrdreg $0x60  }
0xac: {  	[dreg:$0x2] =	wrdreg s0  }
0xad: {  	[dreg:$0x3] =	wrdreg s16  }
0xae: {  	[dreg:$0x4] =	wrdreg s22  }
0xaf: {  	[dreg:$0x5] =	wrdreg $0x9  }
0xb0: {  	_ =	task.clear_ibuf [dreg:s6], $0x6FFFF;
	_ =	strace $0x9000004C  }
0xb1: {  	s26 =	simm.s32 $0x9;
	_ =	strace $0x8000004E  }
0xb2: {  	_ =	swait.ge [sflag:s26], $0x1  }
0xb3: {  	[sflag:s26] =	ssyncadd.s32 $0xFFFFFFFF  }
0xb4: {  	_ =	strace $0x9000004E  }
0xb5: {  	_ =	sfence  }
0xb6: {  	s28 =	sld [smem:$0x0];
	_ =	sdelay $0x1  }
0xb7: {  	s29 =	srdreg.scid  }
0xb8: {  	s30 =	sshll.u32 s29, $0xD;
	s31 =	sshrl.u32 s29, $0x2  }
0xb9: {  	s1 =	sand.u32 $0x1, s29;
	s2 =	sand.u32 $0x4000, s30;
	s0 =	sadd.s32 s31, s28  }
0xba: {  	s1 =	sor.u32 s2, s1;
	s0 =	sshll.u32 s0, $0x11  }
0xbb: {  	s0 =	sor.u32 s0, s1  }
0xbc: {  	s0 =	sadd.s32 $0x8F2B, s0  }
0xbd: {  	[sflag:s0] =	ssyncadd.remote.s32 $0x1  }
0xbe: {  	_ =	sfence.sel $0xFFFF  }
0xbf: {  	[dreg:$0x0] =	wrdreg $0xFFFFFFFF;
	(pc) =	sbr.abs _section_cstart, $3  }
0xc0: {  	[dreg:$0x1] =	wrdreg $0xFFFFFFFF  }
0xc1: {  	_ =	task.clear_ibuf [dreg:s6], $0x2FFFF;
	_ =	strace $0x9FFFFFFF  }
0xc2: {  	(tm) =	ssettm $0x7FFFFFFF  }
0xc3: {  	_ =	shalt  }
tec
execute0_lowered:
.L_overlay_start_1:
0x0: {  	(tag) =	ssettag $0x1  }
0x1: {  	s2 =	rddreg [dreg:$0x0]  }
0x2: {  	s3 =	rddreg [dreg:$0x1]  }
0x3: {  	s5 =	rddreg [dreg:$0x2]  }
0x4: {  	s0 =	rddreg [dreg:$0x3];
	s1 =	stileid.u32  }
0x5: {  	_ =	strace $0x8000004D;
	s6 =	simm.s32 $0x1;
	s8 =	simm.s32 $0x2  }
0x6: {  	s30 =	simm.s32 $0x3;
	s12 =	simm.s32 $0x0;
	s4 =	sshll.u32 s1, $0x4  }
0x7: {  	s9 =	simm.s32 $0x0;
	s10 =	simm.s32 $0x0;
	s7 =	ssub.s32 $0x1380, s4  }
0x8: {  	s5 =	sadd.s32 $0x1400, s5;
	[sflag:s6] =	ssyncpa.u1 $0x0;
	s6 =	sshrl.u32 s7, $0x8  }
0x9: {  	[sflag:s8] =	ssyncpa.u1 $0x0;
	s11 =	smov.u32 s4;
	s31 =	sshll.u32 s6, $0x4  }
0xa: {  	[sflag:s30] =	ssyncpa.u1 $0x0;
	s7 =	sadd.s32 $0x2, s6;
	s8 =	sadd.s32 $0x30, s31  }
.LBB2_1:
0xb: {  	p0 =	sgt.u32 s10, s6  }
0xc: {  	s13 =	sxor.u32 @!p0 $0xFFFFFFFF, s9;
	s14 =	sshrl.u32 @!p0 s11, $0x3  }
0xd: {  	s15 =	sand.u32 @!p0 $0x7, s11;
	s13 =	sand.u32 @!p0 $0x10, s13;
	s14 =	sadd.s32 @!p0 s3, s14  }
0xe: {  	[tilespmem:s13], [sflag:$0x2] =	stream.linear.gather @!p0 [hbm4b:s14+s15], $0x10, $0x38;
	[tilespmem:$0x40] =	vst v63  }
0xf: {  	p0 =	seq.s32 s9, $0x0  }
0x10: {  	p1 =	sge.u32 @!p0 s10, s7  }
0x11: {  	p0 =	por p1, p0  }
0x12: {  	s13 =	simm.s32 @!p0 $0x2  }
0x13: {  	_ =	swait.ge @!p0 [sflag:s13], $0x10  }
0x14: {  	[sflag:s13] =	ssyncset.done @!p0 $0x0  }
0x15: {  	[sflag:s13] =	ssyncadd.s32 @!p0 $0xFFFFFFF0;
	s13 =	sand.u32 @!p0 $0x10, s9  }
0x16: {  	(ifvalue) =	ssetifvalue @!p0 $0x7FFFFFFF;
	v0 =	vld.msk @!p0 [tilespmem:s13+$0x0 ss:$0x1], $0xffff;
	_ =	sdelay $0x4  }
0x17: {  	vm0 =	vgt.s32 @!p0 v0, $0x0  }
0x18: {  	v0 =	vnsel @!p0 vm0, $0x0, v0  }
0x19: {  	v0 =	vmin.u32 @!p0 v0, $0x1387;
	_ =	sdelay $0x3  }
0x1a: {  	s14 =	simm.s32 @!p0 $0x0;
	s13 =	sor.u32 @!p0 $0x20, s13;
	(ifvalue) =	ssetifvalue @!p0 $0x7FFFFFFF;
	vm0 =	vmmov @!p0 $0xffff  }
0x1b: {  	[tilespmem:s13], [sflag:$0x1] =	stream.indirect_vreg.gather @!p0 [hbm4b:s2+s14], $0x1, v0, vm0, $0x4038;
	[tilespmem:$0x40] =	vst v63  }
0x1c: {  	s14 =	simm.s32 @!p0 $0x1  }
0x1d: {  	_ =	swait.ge @!p0 [sflag:s14], $0x10  }
0x1e: {  	s15 =	sshrl.u32 @!p0 s12, $0x3;
	[sflag:s14] =	ssyncset.done @!p0 $0x0  }
0x1f: {  	s12 =	sand.u32 @!p0 $0x7, s12;
	[sflag:s14] =	ssyncadd.s32 @!p0 $0xFFFFFFF0;
	s14 =	sadd.s32 @!p0 s5, s15  }
0x20: {  	[hbm4b:s14+s12] =	stream.linear.scatter @!p0 [tilespmem:s13], [sflag:$0x3], $0x10, $0x38;
	[tilespmem:$0x40] =	vst v63  }
0x21: {  	s14 =	sadd.s32 $0x100, s11  }
0x22: {  	s9 =	sadd.s32 $0x10, s9;
	p1 =	sgt.s32 s14, $0x1387  }
0x23: {  	s14 =	smov.u32 @p1 s4;
	p1 =	sne.s32 s8, s9  }
.Ltmp0:
0x24: {  	p0 =	slt.u32 s10, $0x2;
	(pc) =	sbr.rel @p1 .LBB2_1-.Ltmp0, $4  }
0x25: {  	s13 =	simm.s32 @!p0 $0x3  }
0x26: {  	_ =	swait.ge @!p0 [sflag:s13], $0x10  }
0x27: {  	s12 =	smov.u32 s11;
	[sflag:s13] =	ssyncset.done @!p0 $0x0  }
0x28: {  	s10 =	sadd.s32 $0x1, s10;
	s11 =	smov.u32 s14;
	[sflag:s13] =	ssyncadd.s32 @!p0 $0xFFFFFFF0  }
0x29: {  	_ =	sfence.sel $0x180000  }
0x2a: {  	s2 =	simm.s32 $0x2;
	[bflag:$0x0] =	sbarrier.arrive $0xFFFF  }
0x2b: {  	s30 =	simm.s32 $0x3;
	[sflag:s2] =	ssyncpa.u1 $0x1  }
0x2c: {  	s31 =	simm.s32 $0x1;
	[sflag:s30] =	ssyncpa.u1 $0x1  }
0x2d: {  	[sflag:s31] =	ssyncpa.u1 $0x1  }
0x2e: {  	p0 =	sne.s32 s1, $0x0;
	_ =	strace $0x9000004D  }
0x2f: {  	s0 =	sadd.s32 @!p0 $0x100000, s0;
	[bflag:$0x2] =	sbarrier.arrive $0xFFFF  }
0x30: {  	[sflag:s0] =	ssyncadd.tile.s32 @!p0 $0x1;
	_ =	shalt  }
.Lfunc_end2:
_tile_overlayer_lowered:
.L_overlay_start_2:
0x31: {  	(tag) =	ssettag $0x2  }
0x32: {  	s0 =	rddreg [dreg:$0x0];
	s2 =	stileid.u32  }
0x33: {  	s1 =	rddreg [dreg:$0x1];
	p0 =	sne.s32 s2, $0x0  }
0x34: {  	s3 =	rddreg [dreg:$0x2];
	[bflag:$0x3] =	sbarrier.arrive $0xFFFF;
	s2 =	simm.s32 @!p0 $0x1C01  }
0x35: {  	[timem:s3], [sflag:s2] =	dma.local @!p0 [hbm:s0], s1  }
0x36: {  	s0 =	simm.s32 @!p0 $0x1  }
0x37: {  	_ =	swait.ge @!p0 [sflag:s0], s1  }
0x38: {  	s1 =	ssub.s32 @!p0 $0x0, s1;
	[sflag:s0] =	ssyncset.done @!p0 $0x0  }
0x39: {  	[sflag:s0] =	ssyncadd.s32 @!p0 s1  }
0x3a: {  	[bflag:$0x3] =	sbarrier.arrive $0xFFFF  }
0x3b: {  	_ =	shalt  }

// kernel: gather_offload_async_start
scs
__scs_entry_jumppad:
0x0: {  	(pc) =	sbr.rel $0x88, $3  }
0x1: {  	(tag) =	ssettag $0x0;
	lr =	simm.s32 $0x1  }
0x2: {  	[smem:$0x3F9F] =	sst lr;
	_ =	strace $0xD0000000  }
0x3: {  	_ = 	snop  }
0x4: {  	_ = 	snop  }
0x5: {  	_ = 	snop  }
0x6: {  	_ = 	snop  }
0x7: {  	_ = 	snop  }
__scs_overlays_trampoline_lowered:
0x8: {  	[smem:$0x3FAE] =	sst s0  }
0x9: {  	[smem:$0x3FAF] =	sst s1  }
0xa: {  	[smem:$0x3FB0] =	sst s2  }
0xb: {  	[smem:$0x3FB1] =	sst s3  }
0xc: {  	[smem:$0x3FB2] =	sst s4  }
0xd: {  	[smem:$0x3FB3] =	sst s5  }
0xe: {  	[smem:$0x3FB4] =	sst s6  }
0xf: {  	[smem:$0x3FB5] =	sst s7  }
0x10: {  	[smem:$0x3FB6] =	sst s8  }
0x11: {  	[smem:$0x3FB7] =	sst s9;
	s0 =	simm.s32 @!p0 $0x0  }
0x12: {  	s1 =	sld [smem:$0x3F9D];
	s0 =	simm.s32 @p0 $0x1  }
0x13: {  	[smem:$0x3FB8] =	sst s0;
	s0 =	simm.s32 @!p1 $0x0  }
0x14: {  	s2 =	sld [smem:$0x3F9C];
	s0 =	simm.s32 @p1 $0x1  }
0x15: {  	[smem:$0x3FB9] =	sst s0;
	s0 =	simm.s32 @!p2 $0x0  }
0x16: {  	s3 =	sld [smem:$0x3FDB];
	s0 =	simm.s32 @p2 $0x1  }
0x17: {  	s4 =	simm.s32 $0x1BF5;
	[smem:$0x3FBB] =	sst s0  }
0x18: {  	s0 =	sld [smem:$0x3F9E];
	_ =	swait.ge [sflag:s4], $0x0  }
0x19: {  	s7 =	sld [smem:$0x3F9F]  }
0x1a: {  	s8 =	sadd.s32 $0xFFFFE003, lr  }
0x1b: {  	s9 =	sadd.s32 $0xFFFFFEF7, lr;
	s5 =	simm.s32 $0xFFFFFFFF;
	p2 =	slt.u32 s8, $0xFFFFF086  }
0x1c: {  	p1 =	slt.u32 s9, $0xF7A;
	s5 =	simm.s32 @!p2 $0x0  }
0x1d: {  	s5 =	simm.s32 @p1 $0x1;
	p0 =	seq.s32 s7, s2  }
0x1e: {  	s7 =	smul.u32 @!p0 $0xF7A, s2;
	p2 =	seq.s32 @!p0 s5, $0x0  }
0x1f: {  	s9 =	smul.u32 $0xF7A, s1;
	s8 =	simm.s32 @!p0 $0x1BF5;
	p2 =	por !p2, p0  }
0x20: {  	[sflag:s8] =	ssyncset.s32 @!p0 $0xFFFFF086;
	s6 =	sadd.s32 @!p0 s3, s7;
	s7 =	simm.s32 @!p0 $0x108  }
0x21: {  	s3 =	sadd.s32 s3, s9;
	s6 =	sadd.s32 @!p0 $0x88, s6;
	s7 =	simm.s32 @p2 $0x1082  }
0x22: {  	[simem:s7], [sflag:s8] =	dma.local @!p0 [hbm:s6], $0xF7A  }
0x23: {  	s9 =	sor.u32 $0xD0000000, s2;
	s6 =	simm.s32 $0x108;
	_ =	swait.ge @!p0 [sflag:s8], $0x0  }
0x24: {  	s3 =	sadd.s32 $0x88, s3;
	s6 =	simm.s32 @!p1 $0x1082;
	[sflag:s4] =	ssyncset.s32 $0xFFFFF086  }
0x25: {  	[simem:s6], [sflag:s4] =	dma.local [hbm:s3], $0xF7A  }
0x26: {  	[smem:$0x3F9F] =	sst s1;
	(tag) =	ssettag s2;
	_ =	strace s9  }
0x27: {  	s1 =	sld [smem:$0x3FAF]  }
0x28: {  	s2 =	sld [smem:$0x3FB0]  }
0x29: {  	s4 =	sld [smem:$0x3FB2]  }
0x2a: {  	p0 =	seq.s32 s5, $0x0;
	s5 =	sld [smem:$0x3FB3]  }
0x2b: {  	s6 =	sld [smem:$0x3FB4]  }
0x2c: {  	s7 =	sld [smem:$0x3FB5]  }
0x2d: {  	s3 =	simm.s32 $0x108;
	s8 =	sld [smem:$0x3FB6]  }
0x2e: {  	s3 =	simm.s32 @!p0 $0x1082;
	s9 =	sld [smem:$0x3FB7]  }
0x2f: {  	lr =	sadd.s32 s0, s3;
	s0 =	sld [smem:$0x3FAE]  }
0x30: {  	s3 =	sld [smem:$0x3FB1]  }
0x31: {  	[smem:$0x3FBA] =	sst s10  }
0x32: {  	s10 =	sld [smem:$0x3FB8];
	_ =	sdelay $0x3  }
0x33: {  	p0 =	seq.s32 s10, $0x1;
	s10 =	sld [smem:$0x3FBA];
	_ =	sdelay $0x3  }
0x34: {  	[smem:$0x3FBA] =	sst s10  }
0x35: {  	s10 =	sld [smem:$0x3FB9];
	_ =	sdelay $0x3  }
0x36: {  	p1 =	seq.s32 s10, $0x1;
	s10 =	sld [smem:$0x3FBA];
	_ =	sdelay $0x3  }
0x37: {  	[smem:$0x3FBA] =	sst s10  }
0x38: {  	s10 =	sld [smem:$0x3FBB]  }
0x39: {  	_ = 	snop;
	(pc) =	sbr.ind lr, $3  }
0x3a: {  	_ = 	snop  }
0x3b: {  	_ = 	snop  }
0x3c: {  	p2 =	seq.s32 s10, $0x1;
	s10 =	sld [smem:$0x3FBA]  }
0x3d: {  	_ =	shalt  }
0x3e: {  	_ =	shalt  }
0x3f: {  	_ =	shalt  }
0x40: {  	_ =	shalt  }
0x41: {  	_ =	shalt  }
0x42: {  	_ =	shalt  }
0x43: {  	_ =	shalt  }
0x44: {  	_ =	shalt  }
0x45: {  	_ =	shalt  }
0x46: {  	_ =	shalt  }
0x47: {  	_ =	shalt  }
0x48: {  	_ =	shalt  }
0x49: {  	_ =	shalt  }
0x4a: {  	_ =	shalt  }
0x4b: {  	_ =	shalt  }
0x4c: {  	_ =	shalt  }
0x4d: {  	_ =	shalt  }
0x4e: {  	_ =	shalt  }
0x4f: {  	_ =	shalt  }
0x50: {  	_ =	shalt  }
0x51: {  	_ =	shalt  }
0x52: {  	_ =	shalt  }
0x53: {  	_ =	shalt  }
0x54: {  	_ =	shalt  }
0x55: {  	_ =	shalt  }
0x56: {  	_ =	shalt  }
0x57: {  	_ =	shalt  }
0x58: {  	_ =	shalt  }
0x59: {  	_ =	shalt  }
0x5a: {  	_ =	shalt  }
0x5b: {  	_ =	shalt  }
0x5c: {  	_ =	shalt  }
0x5d: {  	_ =	shalt  }
0x5e: {  	_ =	shalt  }
0x5f: {  	_ =	shalt  }
0x60: {  	_ =	shalt  }
0x61: {  	_ =	shalt  }
0x62: {  	_ =	shalt  }
0x63: {  	_ =	shalt  }
0x64: {  	_ =	shalt  }
0x65: {  	_ =	shalt  }
0x66: {  	_ =	shalt  }
0x67: {  	_ =	shalt  }
0x68: {  	_ =	shalt  }
0x69: {  	_ =	shalt  }
0x6a: {  	_ =	shalt  }
0x6b: {  	_ =	shalt  }
0x6c: {  	_ =	shalt  }
0x6d: {  	_ =	shalt  }
0x6e: {  	_ =	shalt  }
0x6f: {  	_ =	shalt  }
0x70: {  	_ =	shalt  }
0x71: {  	_ =	shalt  }
0x72: {  	_ =	shalt  }
0x73: {  	_ =	shalt  }
0x74: {  	_ =	shalt  }
0x75: {  	_ =	shalt  }
0x76: {  	_ =	shalt  }
0x77: {  	_ =	shalt  }
0x78: {  	_ =	shalt  }
0x79: {  	_ =	shalt  }
0x7a: {  	_ =	shalt  }
0x7b: {  	_ =	shalt  }
0x7c: {  	_ =	shalt  }
0x7d: {  	_ =	shalt  }
0x7e: {  	_ =	shalt  }
0x7f: {  	_ =	shalt  }
0x80: {  	_ =	shalt  }
0x81: {  	_ =	shalt  }
0x82: {  	_ =	shalt  }
0x83: {  	_ =	shalt  }
0x84: {  	_ =	shalt  }
0x85: {  	_ =	shalt  }
0x86: {  	_ =	shalt  }
0x87: {  	_ =	shalt  }
.Lfunc_end0:
.L_simem_size_0:
called_computation_lowered:
.L_overlay_start_0:
0x88: {  	s0 =	sld [smem:$0x3FD9]  }
0x89: {  	s1 =	sld [smem:$0x3FFE];
	_ =	sdelay $0x3  }
0x8a: {  	s0 =	sadd.s32 s1, s0  }
0x8b: {  	[smem:$0x3FC6] =	sst s0  }
0x8c: {  	_ = 	snop  }
0x8d: {  	s0 =	sld [smem:$0x3FD0];
	(tm) =	ssettm $0x1  }
0x8e: {  	s16 =	sld [smem:$0x3FFB];
	_ =	sdelay $0x3  }
0x8f: {  	_ =	strace s16  }
0x90: {  	s1 =	sld [smem:$0x3FFC];
	_ =	sdelay $0x3  }
0x91: {  	_ =	strace s1  }
0x92: {  	s1 =	sld [smem:$0x3FFD];
	_ =	sdelay $0x3  }
0x93: {  	_ =	strace s1  }
0x94: {  	_ =	strace $0x8FFFFFFF  }
0x95: {  	s17 =	sld [smem:$0x3FDB];
	_ =	sdelay $0x1  }
0x96: {  	s2 =	simm.s32 $_scs_section_size  }
0x97: {  	s3 =	simm.s32 $_size__tile_overlayer_lowered;
	s4 =	simm.s32 $_tile_overlayer_lowered  }
0x98: {  	s20 =	simm.s32 $0x1BFF;
	s19 =	sshll.u32 s4, $0x1;
	s1 =	sadd.s32 s2, s17  }
0x99: {  	s5 =	simm.s32 $0x0;
	s18 =	sshll.u32 s3, $0x1;
	s3 =	sadd.s32 s19, s1  }
0x9a: {  	[timem:s5], [sflag:s20] =	dma.local [hbm:s3], s18  }
0x9b: {  	_ =	swait.ge [sflag:s20], s18  }
0x9c: {  	s2 =	ssub.s32 $0x0, s18;
	[sflag:s20] =	ssyncset.done $0x0  }
0x9d: {  	[sflag:s20] =	ssyncadd.s32 s2;
	_ =	sdelay $0x1  }
0x9e: {  	s21 =	simm.s32 $0x1B8B  }
0x9f: {  	_ =	swait.ge [sflag:s21], $0x1  }
0xa0: {  	[sflag:s21] =	ssyncset.done $0x0  }
0xa1: {  	s23 =	simm.s32 $0x1B8E;
	s22 =	sld [smem:$0x3FFE];
	[sflag:s21] =	ssyncadd.s32 $0xFFFFFFFF  }
0xa2: {  	s24 =	simm.s32 $execute0_lowered;
	[smem:$0x3FD2] =	sst s23  }
0xa3: {  	s3 =	sshll.u32 s24, $0x1;
	_ =	strace $0x80000049;
	[dreg:$0x1] =	wrdreg $0xFFFFFFFF  }
0xa4: {  	s25 =	simm.s32 $_size_execute0_lowered;
	s1 =	sadd.s32 s1, s3;
	[dreg:$0x0] =	wrdreg $0x0  }
0xa5: {  	s3 =	sshll.u32 s25, $0x1;
	[dreg:$0x2] =	wrdreg s1  }
0xa6: {  	[dreg:$0x3] =	wrdreg s3  }
0xa7: {  	[dreg:$0x4] =	wrdreg $0xC0  }
0xa8: {  	_ =	task [dreg:s5], $0x5FFFF  }
0xa9: {  	[dreg:$0x1] =	wrdreg $0xFFFFFFFF  }
0xaa: {  	[dreg:$0x0] =	wrdreg $0x60  }
0xab: {  	[dreg:$0x2] =	wrdreg s22  }
0xac: {  	[dreg:$0x3] =	wrdreg s0  }
0xad: {  	[dreg:$0x4] =	wrdreg $0x9  }
0xae: {  	_ =	task.clear_ibuf [dreg:s5], $0x5FFFF;
	_ =	strace $0x90000049  }
0xaf: {  	s26 =	simm.s32 $0x9;
	_ =	strace $0x8000004B  }
0xb0: {  	_ =	swait.ge [sflag:s26], $0x1  }
0xb1: {  	[sflag:s26] =	ssyncadd.s32 $0xFFFFFFFF  }
0xb2: {  	_ =	strace $0x9000004B  }
0xb3: {  	_ =	sfence  }
0xb4: {  	s28 =	sld [smem:$0x0];
	_ =	sdelay $0x1  }
0xb5: {  	s29 =	srdreg.scid  }
0xb6: {  	s30 =	sshll.u32 s29, $0xD;
	s31 =	sshrl.u32 s29, $0x2  }
0xb7: {  	s2 =	sand.u32 $0x4000, s30;
	s1 =	sand.u32 $0x1, s29;
	s0 =	sadd.s32 s31, s28  }
0xb8: {  	s1 =	sor.u32 s2, s1;
	s0 =	sshll.u32 s0, $0x11  }
0xb9: {  	s0 =	sor.u32 s0, s1  }
0xba: {  	s0 =	sadd.s32 $0x8F2B, s0  }
0xbb: {  	[sflag:s0] =	ssyncadd.remote.s32 $0x1  }
0xbc: {  	_ =	sfence.sel $0xFFFF  }
0xbd: {  	[dreg:$0x0] =	wrdreg $0xFFFFFFFF;
	(pc) =	sbr.abs _section_cstart, $3  }
0xbe: {  	[dreg:$0x1] =	wrdreg $0xFFFFFFFF  }
0xbf: {  	_ =	task.clear_ibuf [dreg:s5], $0x2FFFF;
	_ =	strace $0x9FFFFFFF  }
0xc0: {  	(tm) =	ssettm $0x7FFFFFFF  }
0xc1: {  	_ =	shalt  }
tec
execute0_lowered:
.L_overlay_start_1:
0x0: {  	(tag) =	ssettag $0x1  }
0x1: {  	s0 =	stileid.u32  }
0x2: {  	s1 =	smin.u32 s0, $0x9  }
0x3: {  	s1 =	sadd.s32 s0, s1  }
0x4: {  	s2 =	simm.s32 $0x190;
	p0 =	slt.u32 s0, $0x9;
	s1 =	smul.u32 $0xC8, s1  }
0x5: {  	s2 =	simm.s32 @!p0 $0xC8  }
0x6: {  	s2 =	sadd.s32 s2, s1  }
0x7: {  	s3 =	smin.u32 s2, $0x1388  }
0x8: {  	s7 =	ssub.s32 s3, s1  }
0x9: {  	p0 =	sgt.s32 s7, $0x0  }
0xa: {  	s7 =	simm.s32 @!p0 $0x0  }
0xb: {  	s31 =	sand.u32 $0xFFF8, s7  }
0xc: {  	s2 =	sshrl.u32 s31, $0x3  }
0xd: {  	s9 =	rddreg [dreg:$0x0];
	s2 =	smul.u32 $0x147B, s2  }
0xe: {  	s4 =	rddreg [dreg:$0x1];
	s6 =	simm.s32 $0x1  }
0xf: {  	s11 =	simm.s32 $0x3;
	s13 =	simm.s32 $0x0;
	s8 =	sshrl.u32 s2, $0x11  }
0x10: {  	s12 =	simm.s32 $0x0;
	s5 =	sadd.s32 $0x400, s9;
	s10 =	smul.u32 $0xC8, s8  }
.Ltmp0:
0x11: {  	s9 =	sadd.s32 $0x13E00, s9;
	s2 =	rddreg [dreg:$0x2];
	(pc) =	sbr.rel .LBB2_1-.Ltmp0, $4  }
0x12: {  	_ =	strace $0x8000004A;
	p0 =	sne.s32 s7, s10;
	s10 =	simm.s32 $0x1  }
0x13: {  	[sflag:s6] =	ssyncpa.u1 $0x0;
	s7 =	simm.s32 $0x2;
	s10 =	simm.s32 @!p0 $0x0  }
0x14: {  	[sflag:s7] =	ssyncpa.u1 $0x0;
	p0 =	por $0x0, $0x0;
	s8 =	sadd.s32 s8, s10  }
0x15: {  	vm0 =	vmmov $0xff;
	vm1 =	vcmask $0x3F20;
	[sflag:s11] =	ssyncpa.u1 $0x0;
	s11 =	smov.u32 s1;
	s10 =	sadd.s32 $0x1, s8  }
.LBB2_6:
0x16: {  	[hbm:s17] =	stream.linear.scatter [tilespmem:s14], [sflag:$0x3], $0x400, $0x38;
	[tilespmem:$0xC990] =	vst v63  }
.LBB2_7:
0x17: {  	s13 =	sadd.s32 $0xC8, s11  }
0x18: {  	s15 =	smov.u32 s1;
	p2 =	slt.s32 s13, s3  }
0x19: {  	s15 =	smov.u32 @p2 s13;
	p2 =	sne.s32 s12, s10  }
.Ltmp1:
0x1a: {  	p1 =	slt.u32 s12, $0x2;
	(pc) =	sbr.rel @!p2 .LBB2_8-.Ltmp1, $4  }
0x1b: {  	s14 =	simm.s32 @!p1 $0x3  }
0x1c: {  	s16 =	sadd.s32 $0x1, s12;
	_ =	swait.ge @!p1 [sflag:s14], $0x6400  }
0x1d: {  	p0 =	por !p0, !p0;
	s13 =	smov.u32 s11;
	[sflag:s14] =	ssyncset.done @!p1 $0x0  }
0x1e: {  	s12 =	smov.u32 s16;
	s11 =	smov.u32 s15;
	[sflag:s14] =	ssyncadd.s32 @!p1 $0xFFFF9C00  }
.LBB2_1:
0x1f: {  	p1 =	sge.u32 s12, s8  }
0x20: {  	s14 =	sxor.u32 @!p1 $0xFFFFFFFF, s12  }
0x21: {  	s14 =	sand.u32 @!p1 $0x1, s14  }
0x22: {  	s14 =	smul.u32 @!p1 $0x320, s14  }
0x23: {  	s31 =	sadd.s32 $0xFFFFFFFF, s12;
	s15 =	sshrl.u32 @!p1 s11, $0x3  }
0x24: {  	s16 =	sand.u32 @!p1 $0x7, s11;
	s15 =	sadd.s32 @!p1 s4, s15;
	s14 =	sshrl.u32 @!p1 s14, $0x2  }
0x25: {  	[tilespmem:s14], [sflag:$0x2] =	stream.linear.gather @!p1 [hbm4b:s15+s16], $0xC8, $0x38;
	[tilespmem:$0xC990] =	vst v63  }
0x26: {  	p1 =	sge.u32 s31, s8  }
.Ltmp2:
0x27: {  	_ = 	snop;
	(pc) =	sbr.rel @p1 .LBB2_7-.Ltmp2, $1  }
0x28: {  	_ =	sdelay $0x3  }
0x29: {  	s14 =	simm.s32 $0x1  }
0x2a: {  	s14 =	simm.s32 @!p0 $0x0  }
0x2b: {  	s15 =	smul.u32 $0x320, s14  }
0x2c: {  	_ =	swait.ge [sflag:s7], $0xC8  }
0x2d: {  	[sflag:s7] =	ssyncset.done $0x0;
	s16 =	sshrl.u32 s15, $0x2  }
0x2e: {  	[sflag:s7] =	ssyncadd.s32 $0xFFFFFF38;
	s15 =	sadd.s32 $0x0, s16  }
0x2f: {  	v0 =	vld.msk [tilespmem:s15+$0x0 ss:$0x1], $0xffff;
	_ =	sdelay $0x4  }
0x30: {  	vm2 =	vgt.s32 v0, $0x0  }
0x31: {  	v0 =	vnsel vm2, $0x0, v0  }
0x32: {  	v0 =	vmin.u32 v0, $0x1387  }
0x33: {  	v0 =	vshll.u32 v0, $0x4  }
0x34: {  	s14 =	smul.u32 $0x19000, s14  }
0x35: {  	s31 =	sand.u32 $0x1, s12  }
0x36: {  	s17 =	smul.u32 $0x320, s31;
	s14 =	sshrl.u32 s14, $0x2  }
0x37: {  	s19 =	smul.u32 $0x19000, s31;
	s14 =	sor.u32 $0x190, s14  }
0x38: {  	[tilespmem:s14], [sflag:$0x1] =	stream.indirect_vreg.gather [hbm:s5], $0x80, v0, vm0, $0x38;
	[tilespmem:$0xC990] =	vst v63  }
0x39: {  	s18 =	sshrl.u32 s17, $0x2;
	s20 =	sadd.s32 $0x10, s16;
	s15 =	sadd.s32 $0x400, s14  }
0x3a: {  	[tilespmem:s15], [sflag:$0x1] =	stream.indirect_vreg.gather [hbm:s5], $0x80, v0, vm1, $0x38;
	[tilespmem:$0xC990] =	vst v63  }
0x3b: {  	s17 =	sshrl.u32 s19, $0x2;
	s19 =	smov.u32 s14;
	v0 =	vld.msk [tilespmem:s20+$0x0 ss:$0x1], $0xffff;
	s20 =	simm.s32 $0x80  }
.LBB2_3:
0x3c: {  	p1 =	sne.s32 s20, $0x2C0;
	_ =	sdelay $0x4  }
0x3d: {  	vm2 =	vgt.s32 v0, $0x0  }
0x3e: {  	v0 =	vnsel vm2, $0x0, v0  }
0x3f: {  	v0 =	vmin.u32 v0, $0x1387  }
0x40: {  	v0 =	vshll.u32 v0, $0x4;
	_ =	sdelay $0x3  }
.Ltmp3:
0x41: {  	s21 =	sshra.s32 s20, $0x2;
	s19 =	sadd.s32 $0x800, s19;
	(pc) =	sbr.rel @p1 .LBB2_3-.Ltmp3, $4  }
0x42: {  	[tilespmem:s19], [sflag:$0x1] =	stream.indirect_vreg.gather [hbm:s5], $0x80, v0, vm0, $0x38;
	[tilespmem:$0xC990] =	vst v63  }
0x43: {  	s21 =	sadd.s32 s21, s16;
	s22 =	sadd.s32 $0x400, s19  }
0x44: {  	[tilespmem:s22], [sflag:$0x1] =	stream.indirect_vreg.gather [hbm:s5], $0x80, v0, vm1, $0x38;
	[tilespmem:$0xC990] =	vst v63  }
0x45: {  	s20 =	sadd.s32 $0x40, s20;
	v0 =	vld.msk [tilespmem:s21+$0x0 ss:$0x1], $0xffff  }
0x46: {  	_ =	sdelay $0x3  }
0x47: {  	vm2 =	vgt.s32 v0, $0x0  }
0x48: {  	v0 =	vnsel vm2, $0x0, v0  }
0x49: {  	v0 =	vmin.u32 v0, $0x1387  }
0x4a: {  	v0 =	vshll.u32 v0, $0x4;
	_ =	sdelay $0x3  }
0x4b: {  	s16 =	sadd.s32 $0x800, s19  }
0x4c: {  	[tilespmem:s16], [sflag:$0x1] =	stream.indirect_vreg.gather [hbm:s5], $0x80, v0, vm0, $0x38;
	[tilespmem:$0xC990] =	vst v63  }
0x4d: {  	s16 =	sadd.s32 $0x400, s16  }
0x4e: {  	[tilespmem:s16], [sflag:$0x1] =	stream.indirect_vreg.gather [hbm:s5], $0x80, v0, vm1, $0x38;
	[tilespmem:$0xC990] =	vst v63  }
0x4f: {  	v0 =	vld.msk [tilespmem:s18+$0xC0 ss:$0x1], $0xff;
	_ =	sdelay $0x4  }
0x50: {  	vm2 =	vgt.s32 v0, $0x0  }
0x51: {  	v0 =	vnsel vm2, $0x0, v0  }
0x52: {  	v0 =	vmin.u32 v0, $0x1387  }
0x53: {  	v0 =	vshll.u32 v0, $0x4;
	_ =	sdelay $0x3  }
0x54: {  	s31 =	sadd.s32 $0x6190, s17  }
0x55: {  	[tilespmem:s31], [sflag:$0x1] =	stream.indirect_vreg.gather [hbm:s5], $0x80, v0, vm0, $0x38;
	[tilespmem:$0xC990] =	vst v63  }
0x56: {  	s13 =	sshll.u32 s13, $0x4;
	_ =	swait.ge [sflag:s6], $0x6400  }
0x57: {  	s13 =	sadd.s32 s13, s9;
	[sflag:s6] =	ssyncset.done $0x0  }
0x58: {  	s17 =	sadd.s32 $0x0, s13;
	s16 =	simm.s32 $0x80;
	[sflag:s6] =	ssyncadd.s32 $0xFFFF9C00  }
.LBB2_5:
0x59: {  	[hbm:s17] =	stream.linear.scatter [tilespmem:s14], [sflag:$0x3], $0x400, $0x38;
	[tilespmem:$0xC990] =	vst v63  }
0x5a: {  	s17 =	smov.u32 s16;
	s14 =	smov.u32 s15;
	p1 =	sne.s32 s16, $0xC00  }
.Ltmp4:
0x5b: {  	s16 =	sadd.s32 $0x80, s16;
	(pc) =	sbr.rel @p1 .LBB2_5-.Ltmp4, $2  }
0x5c: {  	_ =	sdelay $0x2  }
0x5d: {  	s15 =	sadd.s32 $0x400, s15;
	s17 =	sadd.s32 s17, s13  }
.Ltmp5:
0x5e: {  	_ = 	snop;
	(pc) =	sbr.rel .LBB2_6-.Ltmp5, $1  }
0x5f: {  	_ =	sdelay $0x3  }
.LBB2_8:
0x60: {  	_ =	sfence.sel $0x180000  }
0x61: {  	s1 =	simm.s32 $0x2;
	[bflag:$0x0] =	sbarrier.arrive $0xFFFF  }
0x62: {  	s30 =	simm.s32 $0x3;
	[sflag:s1] =	ssyncpa.u1 $0x1  }
0x63: {  	s31 =	simm.s32 $0x1;
	[sflag:s30] =	ssyncpa.u1 $0x1  }
0x64: {  	[sflag:s31] =	ssyncpa.u1 $0x1  }
0x65: {  	p0 =	sne.s32 s0, $0x0;
	_ =	strace $0x9000004A  }
0x66: {  	s0 =	sadd.s32 @!p0 $0x100000, s2;
	[bflag:$0x2] =	sbarrier.arrive $0xFFFF  }
0x67: {  	[sflag:s0] =	ssyncadd.tile.s32 @!p0 $0x1;
	_ =	shalt  }
.Lfunc_end2:
_tile_overlayer_lowered:
.L_overlay_start_2:
0x68: {  	(tag) =	ssettag $0x2  }
0x69: {  	s0 =	rddreg [dreg:$0x0];
	s2 =	stileid.u32  }
0x6a: {  	s1 =	rddreg [dreg:$0x1];
	p0 =	sne.s32 s2, $0x0  }
0x6b: {  	s3 =	rddreg [dreg:$0x2];
	[bflag:$0x3] =	sbarrier.arrive $0xFFFF;
	s2 =	simm.s32 @!p0 $0x1C01  }
0x6c: {  	[timem:s3], [sflag:s2] =	dma.local @!p0 [hbm:s0], s1  }
0x6d: {  	s0 =	simm.s32 @!p0 $0x1  }
0x6e: {  	_ =	swait.ge @!p0 [sflag:s0], s1  }
0x6f: {  	s1 =	ssub.s32 @!p0 $0x0, s1;
	[sflag:s0] =	ssyncset.done @!p0 $0x0  }
0x70: {  	[sflag:s0] =	ssyncadd.s32 @!p0 s1  }
0x71: {  	[bflag:$0x3] =	sbarrier.arrive $0xFFFF  }
0x72: {  	_ =	shalt  }

// kernel: kernel.3.cloned.1.call-start
scs
__scs_entry_jumppad:
0x0: {  	(pc) =	sbr.rel $0x88, $3  }
0x1: {  	(tag) =	ssettag $0x0;
	lr =	simm.s32 $0x1  }
0x2: {  	[smem:$0x3F9F] =	sst lr;
	_ =	strace $0xD0000000  }
0x3: {  	_ = 	snop  }
0x4: {  	_ = 	snop  }
0x5: {  	_ = 	snop  }
0x6: {  	_ = 	snop  }
0x7: {  	_ = 	snop  }
__scs_overlays_trampoline_lowered:
0x8: {  	[smem:$0x3FAE] =	sst s0  }
0x9: {  	[smem:$0x3FAF] =	sst s1  }
0xa: {  	[smem:$0x3FB0] =	sst s2  }
0xb: {  	[smem:$0x3FB1] =	sst s3  }
0xc: {  	[smem:$0x3FB2] =	sst s4  }
0xd: {  	[smem:$0x3FB3] =	sst s5  }
0xe: {  	[smem:$0x3FB4] =	sst s6  }
0xf: {  	[smem:$0x3FB5] =	sst s7  }
0x10: {  	[smem:$0x3FB6] =	sst s8  }
0x11: {  	[smem:$0x3FB7] =	sst s9;
	s0 =	simm.s32 @!p0 $0x0  }
0x12: {  	s1 =	sld [smem:$0x3F9D];
	s0 =	simm.s32 @p0 $0x1  }
0x13: {  	[smem:$0x3FB8] =	sst s0;
	s0 =	simm.s32 @!p1 $0x0  }
0x14: {  	s2 =	sld [smem:$0x3F9C];
	s0 =	simm.s32 @p1 $0x1  }
0x15: {  	[smem:$0x3FB9] =	sst s0;
	s0 =	simm.s32 @!p2 $0x0  }
0x16: {  	s3 =	sld [smem:$0x3FDB];
	s0 =	simm.s32 @p2 $0x1  }
0x17: {  	s4 =	simm.s32 $0x1BF5;
	[smem:$0x3FBB] =	sst s0  }
0x18: {  	s0 =	sld [smem:$0x3F9E];
	_ =	swait.ge [sflag:s4], $0x0  }
0x19: {  	s7 =	sld [smem:$0x3F9F]  }
0x1a: {  	s8 =	sadd.s32 $0xFFFFE003, lr  }
0x1b: {  	s9 =	sadd.s32 $0xFFFFFEF7, lr;
	s5 =	simm.s32 $0xFFFFFFFF;
	p2 =	slt.u32 s8, $0xFFFFF086  }
0x1c: {  	p1 =	slt.u32 s9, $0xF7A;
	s5 =	simm.s32 @!p2 $0x0  }
0x1d: {  	s5 =	simm.s32 @p1 $0x1;
	p0 =	seq.s32 s7, s2  }
0x1e: {  	s7 =	smul.u32 @!p0 $0xF7A, s2;
	p2 =	seq.s32 @!p0 s5, $0x0  }
0x1f: {  	s9 =	smul.u32 $0xF7A, s1;
	s8 =	simm.s32 @!p0 $0x1BF5;
	p2 =	por !p2, p0  }
0x20: {  	[sflag:s8] =	ssyncset.s32 @!p0 $0xFFFFF086;
	s6 =	sadd.s32 @!p0 s3, s7;
	s7 =	simm.s32 @!p0 $0x108  }
0x21: {  	s3 =	sadd.s32 s3, s9;
	s6 =	sadd.s32 @!p0 $0x88, s6;
	s7 =	simm.s32 @p2 $0x1082  }
0x22: {  	[simem:s7], [sflag:s8] =	dma.local @!p0 [hbm:s6], $0xF7A  }
0x23: {  	s9 =	sor.u32 $0xD0000000, s2;
	s6 =	simm.s32 $0x108;
	_ =	swait.ge @!p0 [sflag:s8], $0x0  }
0x24: {  	s3 =	sadd.s32 $0x88, s3;
	s6 =	simm.s32 @!p1 $0x1082;
	[sflag:s4] =	ssyncset.s32 $0xFFFFF086  }
0x25: {  	[simem:s6], [sflag:s4] =	dma.local [hbm:s3], $0xF7A  }
0x26: {  	[smem:$0x3F9F] =	sst s1;
	(tag) =	ssettag s2;
	_ =	strace s9  }
0x27: {  	s1 =	sld [smem:$0x3FAF]  }
0x28: {  	s2 =	sld [smem:$0x3FB0]  }
0x29: {  	s4 =	sld [smem:$0x3FB2]  }
0x2a: {  	p0 =	seq.s32 s5, $0x0;
	s5 =	sld [smem:$0x3FB3]  }
0x2b: {  	s6 =	sld [smem:$0x3FB4]  }
0x2c: {  	s7 =	sld [smem:$0x3FB5]  }
0x2d: {  	s3 =	simm.s32 $0x108;
	s8 =	sld [smem:$0x3FB6]  }
0x2e: {  	s3 =	simm.s32 @!p0 $0x1082;
	s9 =	sld [smem:$0x3FB7]  }
0x2f: {  	lr =	sadd.s32 s0, s3;
	s0 =	sld [smem:$0x3FAE]  }
0x30: {  	s3 =	sld [smem:$0x3FB1]  }
0x31: {  	[smem:$0x3FBA] =	sst s10  }
0x32: {  	s10 =	sld [smem:$0x3FB8];
	_ =	sdelay $0x3  }
0x33: {  	p0 =	seq.s32 s10, $0x1;
	s10 =	sld [smem:$0x3FBA];
	_ =	sdelay $0x3  }
0x34: {  	[smem:$0x3FBA] =	sst s10  }
0x35: {  	s10 =	sld [smem:$0x3FB9];
	_ =	sdelay $0x3  }
0x36: {  	p1 =	seq.s32 s10, $0x1;
	s10 =	sld [smem:$0x3FBA];
	_ =	sdelay $0x3  }
0x37: {  	[smem:$0x3FBA] =	sst s10  }
0x38: {  	s10 =	sld [smem:$0x3FBB]  }
0x39: {  	_ = 	snop;
	(pc) =	sbr.ind lr, $3  }
0x3a: {  	_ = 	snop  }
0x3b: {  	_ = 	snop  }
0x3c: {  	p2 =	seq.s32 s10, $0x1;
	s10 =	sld [smem:$0x3FBA]  }
0x3d: {  	_ =	shalt  }
0x3e: {  	_ =	shalt  }
0x3f: {  	_ =	shalt  }
0x40: {  	_ =	shalt  }
0x41: {  	_ =	shalt  }
0x42: {  	_ =	shalt  }
0x43: {  	_ =	shalt  }
0x44: {  	_ =	shalt  }
0x45: {  	_ =	shalt  }
0x46: {  	_ =	shalt  }
0x47: {  	_ =	shalt  }
0x48: {  	_ =	shalt  }
0x49: {  	_ =	shalt  }
0x4a: {  	_ =	shalt  }
0x4b: {  	_ =	shalt  }
0x4c: {  	_ =	shalt  }
0x4d: {  	_ =	shalt  }
0x4e: {  	_ =	shalt  }
0x4f: {  	_ =	shalt  }
0x50: {  	_ =	shalt  }
0x51: {  	_ =	shalt  }
0x52: {  	_ =	shalt  }
0x53: {  	_ =	shalt  }
0x54: {  	_ =	shalt  }
0x55: {  	_ =	shalt  }
0x56: {  	_ =	shalt  }
0x57: {  	_ =	shalt  }
0x58: {  	_ =	shalt  }
0x59: {  	_ =	shalt  }
0x5a: {  	_ =	shalt  }
0x5b: {  	_ =	shalt  }
0x5c: {  	_ =	shalt  }
0x5d: {  	_ =	shalt  }
0x5e: {  	_ =	shalt  }
0x5f: {  	_ =	shalt  }
0x60: {  	_ =	shalt  }
0x61: {  	_ =	shalt  }
0x62: {  	_ =	shalt  }
0x63: {  	_ =	shalt  }
0x64: {  	_ =	shalt  }
0x65: {  	_ =	shalt  }
0x66: {  	_ =	shalt  }
0x67: {  	_ =	shalt  }
0x68: {  	_ =	shalt  }
0x69: {  	_ =	shalt  }
0x6a: {  	_ =	shalt  }
0x6b: {  	_ =	shalt  }
0x6c: {  	_ =	shalt  }
0x6d: {  	_ =	shalt  }
0x6e: {  	_ =	shalt  }
0x6f: {  	_ =	shalt  }
0x70: {  	_ =	shalt  }
0x71: {  	_ =	shalt  }
0x72: {  	_ =	shalt  }
0x73: {  	_ =	shalt  }
0x74: {  	_ =	shalt  }
0x75: {  	_ =	shalt  }
0x76: {  	_ =	shalt  }
0x77: {  	_ =	shalt  }
0x78: {  	_ =	shalt  }
0x79: {  	_ =	shalt  }
0x7a: {  	_ =	shalt  }
0x7b: {  	_ =	shalt  }
0x7c: {  	_ =	shalt  }
0x7d: {  	_ =	shalt  }
0x7e: {  	_ =	shalt  }
0x7f: {  	_ =	shalt  }
0x80: {  	_ =	shalt  }
0x81: {  	_ =	shalt  }
0x82: {  	_ =	shalt  }
0x83: {  	_ =	shalt  }
0x84: {  	_ =	shalt  }
0x85: {  	_ =	shalt  }
0x86: {  	_ =	shalt  }
0x87: {  	_ =	shalt  }
.Lfunc_end0:
.L_simem_size_0:
called_computation.3_lowered:
.L_overlay_start_0:
0x88: {  	s0 =	sld [smem:$0x3FD9]  }
0x89: {  	s1 =	sld [smem:$0x3FFE];
	_ =	sdelay $0x3  }
0x8a: {  	s0 =	sadd.s32 s1, s0  }
0x8b: {  	[smem:$0x3FC6] =	sst s0  }
0x8c: {  	_ = 	snop  }
0x8d: {  	(tm) =	ssettm $0x1  }
0x8e: {  	s15 =	sld [smem:$0x3FFB];
	_ =	sdelay $0x3  }
0x8f: {  	_ =	strace s15  }
0x90: {  	s0 =	sld [smem:$0x3FFC];
	_ =	sdelay $0x3  }
0x91: {  	_ =	strace s0  }
0x92: {  	s0 =	sld [smem:$0x3FFD];
	_ =	sdelay $0x3  }
0x93: {  	_ =	strace s0  }
0x94: {  	_ =	strace $0x8FFFFFFF  }
0x95: {  	s16 =	sld [smem:$0x3FDB];
	_ =	sdelay $0x1  }
0x96: {  	s17 =	simm.s32 $_scs_section_size  }
0x97: {  	s2 =	simm.s32 $_size__tile_overlayer_lowered;
	s3 =	simm.s32 $_tile_overlayer_lowered  }
0x98: {  	s20 =	simm.s32 $0x1BFF;
	s19 =	sshll.u32 s3, $0x1;
	s0 =	sadd.s32 s17, s16  }
0x99: {  	s4 =	simm.s32 $0x0;
	s18 =	sshll.u32 s2, $0x1;
	s2 =	sadd.s32 s19, s0  }
0x9a: {  	[timem:s4], [sflag:s20] =	dma.local [hbm:s2], s18  }
0x9b: {  	_ =	swait.ge [sflag:s20], s18  }
0x9c: {  	s1 =	ssub.s32 $0x0, s18;
	[sflag:s20] =	ssyncset.done $0x0  }
0x9d: {  	[sflag:s20] =	ssyncadd.s32 s1;
	_ =	sdelay $0x1  }
0x9e: {  	s21 =	simm.s32 $0x1B8B  }
0x9f: {  	_ =	swait.ge [sflag:s21], $0x1  }
0xa0: {  	[sflag:s21] =	ssyncset.done $0x0  }
0xa1: {  	s23 =	simm.s32 $0x1B8E;
	s22 =	sld [smem:$0x3FFE];
	[sflag:s21] =	ssyncadd.s32 $0xFFFFFFFF  }
0xa2: {  	s24 =	simm.s32 $execute0_lowered;
	[smem:$0x3FD2] =	sst s23  }
0xa3: {  	s2 =	sshll.u32 s24, $0x1;
	_ =	strace $0x8000004F;
	[dreg:$0x1] =	wrdreg $0xFFFFFFFF  }
0xa4: {  	s25 =	simm.s32 $_size_execute0_lowered;
	s0 =	sadd.s32 s0, s2;
	[dreg:$0x0] =	wrdreg $0x0  }
0xa5: {  	s2 =	sshll.u32 s25, $0x1;
	[dreg:$0x2] =	wrdreg s0  }
0xa6: {  	[dreg:$0x3] =	wrdreg s2  }
0xa7: {  	[dreg:$0x4] =	wrdreg $0xC0  }
0xa8: {  	_ =	task [dreg:s4], $0x5FFFF  }
0xa9: {  	[dreg:$0x1] =	wrdreg $0xFFFFFFFF  }
0xaa: {  	[dreg:$0x0] =	wrdreg $0x60  }
0xab: {  	[dreg:$0x2] =	wrdreg s22  }
0xac: {  	[dreg:$0x3] =	wrdreg $0x68800  }
0xad: {  	[dreg:$0x4] =	wrdreg $0xA  }
0xae: {  	_ =	task.clear_ibuf [dreg:s4], $0x5FFFF;
	_ =	strace $0x9000004F  }
0xaf: {  	s26 =	simm.s32 $0xA;
	_ =	strace $0x80000051  }
0xb0: {  	_ =	swait.ge [sflag:s26], $0x1  }
0xb1: {  	[sflag:s26] =	ssyncadd.s32 $0xFFFFFFFF  }
0xb2: {  	_ =	strace $0x90000051  }
0xb3: {  	_ =	sfence  }
0xb4: {  	s28 =	sld [smem:$0x0];
	_ =	sdelay $0x1  }
0xb5: {  	s29 =	srdreg.scid  }
0xb6: {  	s30 =	sshll.u32 s29, $0xD;
	s31 =	sshrl.u32 s29, $0x2  }
0xb7: {  	s1 =	sand.u32 $0x1, s29;
	s2 =	sand.u32 $0x4000, s30;
	s0 =	sadd.s32 s31, s28  }
0xb8: {  	s1 =	sor.u32 s2, s1;
	s0 =	sshll.u32 s0, $0x11  }
0xb9: {  	s0 =	sor.u32 s0, s1  }
0xba: {  	s0 =	sadd.s32 $0x8F2B, s0  }
0xbb: {  	[sflag:s0] =	ssyncadd.remote.s32 $0x1  }
0xbc: {  	_ =	sfence.sel $0xFFFF  }
0xbd: {  	[dreg:$0x0] =	wrdreg $0xFFFFFFFF;
	(pc) =	sbr.abs _section_cstart, $3  }
0xbe: {  	[dreg:$0x1] =	wrdreg $0xFFFFFFFF  }
0xbf: {  	_ =	task.clear_ibuf [dreg:s4], $0x2FFFF;
	_ =	strace $0x9FFFFFFF  }
0xc0: {  	(tm) =	ssettm $0x7FFFFFFF  }
0xc1: {  	_ =	shalt  }
tec
execute0_lowered:
.L_overlay_start_1:
0x0: {  	(tag) =	ssettag $0x1  }
0x1: {  	s0 =	rddreg [dreg:$0x0]  }
0x2: {  	s5 =	rddreg [dreg:$0x1];
	s2 =	simm.s32 $0x0  }
0x3: {  	[smem:$0x7FF] =	sst s2  }
0x4: {  	s10 =	simm.s32 $0x1;
	s1 =	sadd.s32 $0x400, s0;
	_ =	strace $0x80000050  }
0x5: {  	[tilespmem:s2], [sflag:$0x1] =	stream.linear.gather [hbm4b:s1+s2], $0x1400, $0x38;
	[tilespmem:$0x69C0] =	vst v63  }
0x6: {  	_ =	swait.ge [sflag:s10], $0x1400  }
0x7: {  	[sflag:s10] =	ssyncset.done $0x0  }
0x8: {  	s4 =	simm.s32 $0x1400;
	s20 =	sadd.s32 $0x800, s0;
	[sflag:s10] =	ssyncadd.s32 $0xFFFFEC00  }
0x9: {  	[tilespmem:s4], [sflag:$0x1] =	stream.linear.gather [hbm4b:s20+s2], $0x1400, $0x38;
	[tilespmem:$0x69C0] =	vst v63  }
0xa: {  	_ =	swait.ge [sflag:s10], $0x1400  }
0xb: {  	[sflag:s10] =	ssyncset.done $0x0  }
0xc: {  	s6 =	simm.s32 $0x2800;
	s21 =	sadd.s32 $0xC00, s0;
	[sflag:s10] =	ssyncadd.s32 $0xFFFFEC00  }
0xd: {  	[tilespmem:s6], [sflag:$0x1] =	stream.linear.gather [hbm4b:s21+s2], $0x1400, $0x38;
	[tilespmem:$0x69C0] =	vst v63  }
0xe: {  	_ =	swait.ge [sflag:s10], $0x1400  }
0xf: {  	[sflag:s10] =	ssyncset.done $0x0  }
0x10: {  	s7 =	simm.s32 $0x3C00;
	s22 =	sadd.s32 $0x1000, s0;
	[sflag:s10] =	ssyncadd.s32 $0xFFFFEC00  }
0x11: {  	[tilespmem:s7], [sflag:$0x1] =	stream.linear.gather [hbm4b:s22+s2], $0x1400, $0x38;
	[tilespmem:$0x69C0] =	vst v63  }
0x12: {  	_ =	swait.ge [sflag:s10], $0x1400  }
0x13: {  	s11 =	stileid.u32;
	s9 =	simm.s32 $0x5000;
	[sflag:s10] =	ssyncset.done $0x0  }
0x14: {  	s23 =	sadd.s32 $0x1800, s0;
	s8 =	smul.u32 $0x140, s11;
	[sflag:s10] =	ssyncadd.s32 $0xFFFFEC00  }
0x15: {  	[tilespmem:s9], [sflag:$0x1] =	stream.linear.gather [hbm4b:s23+s2], $0x1400, $0x38;
	[tilespmem:$0x69C0] =	vst v63  }
0x16: {  	_ =	swait.ge [sflag:s10], $0x1400  }
0x17: {  	s3 =	simm.s32 $0x6400;
	s24 =	sshrl.u32 s8, $0x3;
	[sflag:s10] =	ssyncset.done $0x0  }
0x18: {  	s1 =	sadd.s32 s0, s24;
	[dreg:$0x3] =	wrdreg s24;
	[sflag:s10] =	ssyncadd.s32 $0xFFFFEC00  }
0x19: {  	[tilespmem:s3], [sflag:$0x1] =	stream.linear.gather [hbm4b:s1+s2], $0x140, $0x38;
	[tilespmem:$0x69C0] =	vst v63  }
0x1a: {  	_ =	swait.ge [sflag:s10], $0x140  }
0x1b: {  	[sflag:s10] =	ssyncset.done $0x0  }
0x1c: {  	v1 =	vimm.s32 $0x0;
	[sflag:s10] =	ssyncadd.s32 $0xFFFFFEC0  }
0x1d: {  	[tilespmem:$0x6580] =	vst v1  }
0x1e: {  	[tilespmem:$0x6590] =	vst v1  }
0x1f: {  	[tilespmem:$0x65A0] =	vst v1  }
0x20: {  	[tilespmem:$0x65B0] =	vst v1  }
0x21: {  	[tilespmem:$0x65C0] =	vst v1  }
0x22: {  	[tilespmem:$0x65D0] =	vst v1  }
0x23: {  	[tilespmem:$0x65E0] =	vst v1  }
0x24: {  	[tilespmem:$0x65F0] =	vst v1  }
0x25: {  	[tilespmem:$0x6600] =	vst v1  }
0x26: {  	s25 =	sshrl.u32 s11, $0x3;
	[tilespmem:$0x6610] =	vst v1  }
0x27: {  	s26 =	sshll.u32 s11, $0x7;
	s12 =	sor.u32 $0x10, s8;
	s13 =	sor.u32 $0x20, s8;
	[tilespmem:$0x6620] =	vst v1  }
0x28: {  	s14 =	sor.u32 $0x30, s8;
	s15 =	sadd.s32 $0x40, s8;
	s16 =	sadd.s32 $0x50, s8;
	[tilespmem:$0x6630] =	vst v1  }
0x29: {  	s17 =	sadd.s32 $0x60, s8;
	s18 =	sadd.s32 $0x70, s8;
	s19 =	sadd.s32 $0x80, s8;
	[tilespmem:$0x6640] =	vst v1  }
0x2a: {  	s28 =	sadd.s32 $0xF0, s8;
	s29 =	sadd.s32 $0x100, s8;
	s0 =	sadd.s32 $0x1C00, s0;
	[tilespmem:$0x6650] =	vst v1  }
0x2b: {  	s30 =	sadd.s32 $0x110, s8;
	[dreg:$0x4] =	wrdreg s0;
	s0 =	smul.u32 $0x3000, s25;
	[tilespmem:$0x6660] =	vst v1  }
.Ltmp0:
0x2c: {  	s31 =	sadd.s32 $0x120, s8;
	s20 =	sadd.s32 $0x90, s8;
	[tilespmem:$0x6670] =	vst v1;
	(pc) =	sbr.rel .LBB2_1-.Ltmp0, $4  }
0x2d: {  	s21 =	sadd.s32 $0xA0, s8;
	s22 =	sadd.s32 $0xB0, s8;
	s0 =	sshrl.u32 s0, $0x2;
	[tilespmem:$0x6680] =	vst v1  }
0x2e: {  	s23 =	sadd.s32 $0xC0, s8;
	s1 =	sand.u32 $0x380, s26;
	s0 =	sadd.s32 s0, s5;
	[tilespmem:$0x6690] =	vst v1  }
0x2f: {  	v0 =	vlaneseq.u32;
	s26 =	sadd.s32 $0xE0, s8;
	s3 =	simm.s32 $0x0;
	[tilespmem:$0x66A0] =	vst v1;
	s0 =	sadd.s32 s1, s0  }
0x30: {  	v2 =	vadd.s32 $0xFFFFFFFF, v0;
	s25 =	sadd.s32 $0xD0, s8;
	[tilespmem:$0x66B0] =	vst v1;
	v1 =	vimm.f32 $0.0e+00;
	[dreg:$0x5] =	wrdreg s0;
	s0 =	sadd.s32 $0x130, s8  }
.LBB2_15:
0x31: {  	s3 =	rddreg [dreg:$0x6]  }
0x32: {  	s3 =	sadd.s32 $0x1, s3  }
0x33: {  	p0 =	sne.s32 s3, $0x10  }
.Ltmp1:
0x34: {  	_ = 	snop;
	(pc) =	sbr.rel @!p0 .LBB2_16-.Ltmp1, $1  }
0x35: {  	_ =	sdelay $0x3  }
.LBB2_1:
0x36: {  	s1 =	stileid.u32  }
0x37: {  	p0 =	sne.s32 s1, s3  }
.Ltmp2:
0x38: {  	_ = 	snop;
	(pc) =	sbr.rel @p0 .LBB2_8-.Ltmp2, $4  }
.Ltmp3:
0x39: {  	_ = 	snop;
	(pc) =	sbr.rel @!p0 .LBB2_2-.Ltmp3, $4  }
0x3a: {  	_ = 	snop  }
0x3b: {  	_ = 	snop  }
0x3c: {  	[dreg:$0x6] =	wrdreg s3;
	s11 =	simm.s32 $0x0  }
0x3d: {  	_ = 	snop  }
.LBB2_6:
0x3e: {  	s11 =	sadd.s32 $0x1, s11  }
0x3f: {  	p0 =	sne.s32 s11, $0x14  }
.Ltmp4:
0x40: {  	_ = 	snop;
	(pc) =	sbr.rel @!p0 .LBB2_7-.Ltmp4, $1  }
0x41: {  	_ =	sdelay $0x3  }
.LBB2_2:
0x42: {  	p0 =	seq.s32 s11, $0x13  }
0x43: {  	s1 =	simm.s32 @!p0 $0x0  }
0x44: {  	s1 =	simm.s32 @p0 $0x1;
	p0 =	slt.u32 s11, $0x12  }
0x45: {  	[smem:$0x7F1] =	sst s1;
	s1 =	simm.s32 @!p0 $0x0  }
0x46: {  	s1 =	simm.s32 @p0 $0x1;
	p0 =	slt.u32 s11, $0x11  }
0x47: {  	[smem:$0x7F2] =	sst s1;
	s1 =	simm.s32 @!p0 $0x0  }
0x48: {  	s1 =	simm.s32 @p0 $0x1;
	p0 =	slt.u32 s11, $0x10  }
0x49: {  	[smem:$0x7F3] =	sst s1;
	s1 =	simm.s32 @!p0 $0x0  }
0x4a: {  	s1 =	simm.s32 @p0 $0x1;
	p0 =	slt.u32 s11, $0xF  }
0x4b: {  	[smem:$0x7F4] =	sst s1;
	s1 =	simm.s32 @!p0 $0x0  }
0x4c: {  	s1 =	simm.s32 @p0 $0x1;
	p0 =	slt.u32 s11, $0xE  }
0x4d: {  	[smem:$0x7F5] =	sst s1;
	s1 =	simm.s32 @!p0 $0x0  }
0x4e: {  	s1 =	simm.s32 @p0 $0x1;
	p0 =	slt.u32 s11, $0xD  }
0x4f: {  	[smem:$0x7F6] =	sst s1;
	s1 =	simm.s32 @!p0 $0x0  }
0x50: {  	s1 =	simm.s32 @p0 $0x1;
	p0 =	slt.u32 s11, $0xC  }
0x51: {  	[smem:$0x7F7] =	sst s1;
	s1 =	simm.s32 @!p0 $0x0  }
0x52: {  	s1 =	simm.s32 @p0 $0x1;
	p0 =	slt.u32 s11, $0xB  }
0x53: {  	[smem:$0x7F8] =	sst s1;
	s1 =	simm.s32 @!p0 $0x0  }
0x54: {  	s1 =	simm.s32 @p0 $0x1;
	p0 =	slt.u32 s11, $0xA  }
0x55: {  	[smem:$0x7F9] =	sst s1;
	s1 =	simm.s32 @!p0 $0x0  }
0x56: {  	s10 =	sshll.u32 s11, $0x4;
	s1 =	simm.s32 @p0 $0x1;
	p0 =	slt.u32 s11, $0x9  }
0x57: {  	s5 =	simm.s32 $0x0;
	[smem:$0x7FA] =	sst s1;
	s1 =	simm.s32 @!p0 $0x0  }
0x58: {  	p6 =	slt.u32 s11, $0x6;
	s1 =	simm.s32 @p0 $0x1;
	p0 =	slt.u32 s11, $0x8  }
.Ltmp5:
0x59: {  	[smem:$0x7FB] =	sst s1;
	s1 =	simm.s32 @!p0 $0x0;
	(pc) =	sbr.rel .LBB2_3-.Ltmp5, $4  }
0x5a: {  	p1 =	slt.u32 s11, $0x4;
	s1 =	simm.s32 @p0 $0x1;
	p0 =	slt.u32 s11, $0x7  }
0x5b: {  	p2 =	slt.u32 s11, $0x3;
	[smem:$0x7FC] =	sst s1;
	s1 =	simm.s32 @!p0 $0x0  }
0x5c: {  	p3 =	slt.u32 s11, $0x2;
	p4 =	seq.s32 s11, $0x0;
	s1 =	simm.s32 @p0 $0x1  }
0x5d: {  	s24 =	sadd.s32 s8, s10;
	p0 =	slt.u32 s11, $0x5;
	[smem:$0x7FD] =	sst s1  }
.LBB2_5:
0x5e: {  	s5 =	sadd.s32 $0x1, s5  }
0x5f: {  	p5 =	sne.s32 s5, $0x10  }
.Ltmp6:
0x60: {  	_ = 	snop;
	(pc) =	sbr.rel @!p5 .LBB2_6-.Ltmp6, $1  }
0x61: {  	_ =	sdelay $0x3  }
.LBB2_3:
0x62: {  	v3 =	vld [tilespmem:s10+$0x6400];
	_ =	sdelay $0x3  }
0x63: {  	v8 =	vmov s5  }
0x64: {  	vm0 =	veq.s32 v8, v0;
	vm1 =	vne.s32 v3, $0x0  }
0x65: {  	vm1 =	vmand vm0, vm1  }
0x66: {  	v3 =	vsel vm1, $0x3F800000, v1  }
0x67: {  	(xrf0) =	vmax.scan.msk.f32 $0xffff, v3;
	_ =	sdelay $0x5  }
0x68: {  	v3, _, _ =	vpop (xrf0)  }
0x69: {  	(v2sf) =	vpush v3, $0xF;
	_ =	sdelay $0xe  }
0x6a: {  	s3 =	spop (v2sf)  }
0x6b: {  	p5 =	sgt.f32 s3, $0.0e+00  }
.Ltmp7:
0x6c: {  	_ = 	snop;
	(pc) =	sbr.rel @!p5 .LBB2_5-.Ltmp7, $1  }
0x6d: {  	_ =	sdelay $0x3  }
0x6e: {  	s3 =	sadd.s32 s24, s5  }
0x6f: {  	v3 =	vmov s3;
	_ =	sdelay $0x2  }
0x70: {  	v9 =	vld [tilespmem:s10+$0x6580];
	_ =	sdelay $0x1  }
0x71: {  	v4 =	vld.idx.msk [tilespmem:v3+s2+$0x0], $0xffff  }
0x72: {  	v5 =	vld.idx.msk [tilespmem:v3+s4+$0x0], $0xffff  }
0x73: {  	v6 =	vld.idx.msk [tilespmem:v3+s6+$0x0], $0xffff  }
0x74: {  	v9 =	vsel vm0, $0x1, v9;
	v7 =	vld.idx.msk [tilespmem:v3+s7+$0x0], $0xffff  }
0x75: {  	v3 =	vld.idx.msk [tilespmem:v3+s9+$0x0], $0xffff;
	[tilespmem:s10+$0x6580] =	vst v9  }
0x76: {  	v9 =	vld [tilespmem:s24+$0x0]  }
0x77: {  	v10 =	vld [tilespmem:s24+$0x1400]  }
0x78: {  	v11 =	vld [tilespmem:s24+$0x2800]  }
0x79: {  	v12 =	vld [tilespmem:s24+$0x3C00];
	_ =	sdelay $0x3  }
0x7a: {  	v9 =	vmax.f32 v9, v4  }
0x7b: {  	v10 =	vmax.f32 v10, v5;
	v11 =	vmin.f32 v11, v6;
	v12 =	vmin.f32 v12, v7  }
0x7c: {  	v13 =	vld [tilespmem:s24+$0x5000];
	v9 =	vsub.f32 v11, v9;
	v10 =	vsub.f32 v12, v10;
	_ =	sdelay $0x1  }
0x7d: {  	v9 =	vadd.f32 $1.000000000e+00, v9;
	v10 =	vadd.f32 $1.000000000e+00, v10;
	_ =	sdelay $0x1  }
0x7e: {  	v9 =	vmax.f32 v9, $0.0e+00;
	v10 =	vmax.f32 v10, $0.0e+00  }
0x7f: {  	v29 =	vadd.f32 v13, v3;
	v9 =	vmul.f32 v10, v9;
	_ =	sdelay $0x1  }
0x80: {  	v10 =	vsub.f32 v29, v9;
	_ =	sdelay $0x1  }
0x81: {  	(erf) = vrcp.f32 v10;
	_ =	sdelay $0x8  }
0x82: {  	v10 =	vpop (erf)  }
0x83: {  	v30 =	vld [tilespmem:s10+$0x6400];
	v9 =	vmul.f32 v10, v9;
	_ =	sdelay $0x1  }
0x84: {  	vm8 =	vgt.f32 v9, $3.000000120e-01  }
0x85: {  	vm1 =	vgt.s32 v8, v2;
	vm0 =	vmneg vm8  }
0x86: {  	vm0 =	vmor vm1, vm0  }
0x87: {  	v31 =	vnsel vm0, $0x0, v30  }
0x88: {  	[tilespmem:s10+$0x6400] =	vst v31  }
0x89: {  	v8 =	vld [tilespmem:s12+$0x0]  }
0x8a: {  	v32 =	vld [tilespmem:s12+$0x1400]  }
0x8b: {  	v33 =	vld [tilespmem:s12+$0x2800]  }
0x8c: {  	v34 =	vld [tilespmem:s12+$0x3C00];
	_ =	sdelay $0x3  }
0x8d: {  	v8 =	vmax.f32 v8, v4  }
0x8e: {  	v9 =	vmax.f32 v32, v5;
	v10 =	vmin.f32 v33, v6;
	v11 =	vmin.f32 v34, v7  }
0x8f: {  	v35 =	vld [tilespmem:s12+$0x5000];
	v8 =	vsub.f32 v10, v8;
	v9 =	vsub.f32 v11, v9;
	_ =	sdelay $0x1  }
0x90: {  	v8 =	vadd.f32 $1.000000000e+00, v8;
	v9 =	vadd.f32 $1.000000000e+00, v9;
	_ =	sdelay $0x1  }
0x91: {  	v8 =	vmax.f32 v8, $0.0e+00;
	v9 =	vmax.f32 v9, $0.0e+00  }
0x92: {  	v36 =	vadd.f32 v35, v3;
	v8 =	vmul.f32 v9, v8;
	_ =	sdelay $0x1  }
0x93: {  	v9 =	vsub.f32 v36, v8;
	_ =	sdelay $0x1  }
0x94: {  	(erf) = vrcp.f32 v9;
	_ =	sdelay $0x7  }
0x95: {  	v37 =	vld [tilespmem:$0x6410]  }
0x96: {  	v38 =	vpop (erf)  }
0x97: {  	v8 =	vmul.f32 v38, v8;
	_ =	sdelay $0x1  }
0x98: {  	vm9 =	vgt.f32 v8, $3.000000120e-01  }
0x99: {  	v8 =	vsel vm9, $0x0, v37  }
0x9a: {  	v8 =	vpsel p4, v8, v37  }
0x9b: {  	[tilespmem:$0x6410] =	vst v8  }
0x9c: {  	v8 =	vld [tilespmem:s13+$0x0]  }
0x9d: {  	v39 =	vld [tilespmem:s13+$0x1400]  }
0x9e: {  	v40 =	vld [tilespmem:s13+$0x2800]  }
0x9f: {  	v41 =	vld [tilespmem:s13+$0x3C00];
	_ =	sdelay $0x3  }
0xa0: {  	v8 =	vmax.f32 v8, v4  }
0xa1: {  	v9 =	vmax.f32 v39, v5;
	v10 =	vmin.f32 v40, v6;
	v11 =	vmin.f32 v41, v7  }
0xa2: {  	v42 =	vld [tilespmem:s13+$0x5000];
	v8 =	vsub.f32 v10, v8;
	v9 =	vsub.f32 v11, v9;
	_ =	sdelay $0x1  }
0xa3: {  	v8 =	vadd.f32 $1.000000000e+00, v8;
	v9 =	vadd.f32 $1.000000000e+00, v9;
	_ =	sdelay $0x1  }
0xa4: {  	v8 =	vmax.f32 v8, $0.0e+00;
	v9 =	vmax.f32 v9, $0.0e+00  }
0xa5: {  	v43 =	vadd.f32 v42, v3;
	v8 =	vmul.f32 v9, v8;
	_ =	sdelay $0x1  }
0xa6: {  	v9 =	vsub.f32 v43, v8;
	_ =	sdelay $0x1  }
0xa7: {  	(erf) = vrcp.f32 v9;
	_ =	sdelay $0x7  }
0xa8: {  	v44 =	vld [tilespmem:$0x6420]  }
0xa9: {  	v45 =	vpop (erf)  }
0xaa: {  	v8 =	vmul.f32 v45, v8;
	_ =	sdelay $0x1  }
0xab: {  	vm10 =	vgt.f32 v8, $3.000000120e-01  }
0xac: {  	v8 =	vsel vm10, $0x0, v44  }
0xad: {  	v8 =	vpsel p3, v8, v44  }
0xae: {  	[tilespmem:$0x6420] =	vst v8  }
0xaf: {  	v8 =	vld [tilespmem:s14+$0x0]  }
0xb0: {  	v46 =	vld [tilespmem:s14+$0x1400]  }
0xb1: {  	v47 =	vld [tilespmem:s14+$0x2800]  }
0xb2: {  	v48 =	vld [tilespmem:s14+$0x3C00];
	_ =	sdelay $0x3  }
0xb3: {  	v8 =	vmax.f32 v8, v4  }
0xb4: {  	v9 =	vmax.f32 v46, v5;
	v10 =	vmin.f32 v47, v6;
	v11 =	vmin.f32 v48, v7  }
0xb5: {  	v49 =	vld [tilespmem:s14+$0x5000];
	v8 =	vsub.f32 v10, v8;
	v9 =	vsub.f32 v11, v9;
	_ =	sdelay $0x1  }
0xb6: {  	v8 =	vadd.f32 $1.000000000e+00, v8;
	v9 =	vadd.f32 $1.000000000e+00, v9;
	_ =	sdelay $0x1  }
0xb7: {  	v8 =	vmax.f32 v8, $0.0e+00;
	v9 =	vmax.f32 v9, $0.0e+00  }
0xb8: {  	v50 =	vadd.f32 v49, v3;
	v8 =	vmul.f32 v9, v8;
	_ =	sdelay $0x1  }
0xb9: {  	v9 =	vsub.f32 v50, v8;
	_ =	sdelay $0x1  }
0xba: {  	(erf) = vrcp.f32 v9;
	_ =	sdelay $0x7  }
0xbb: {  	v51 =	vld [tilespmem:$0x6430]  }
0xbc: {  	v52 =	vpop (erf)  }
0xbd: {  	v8 =	vmul.f32 v52, v8;
	_ =	sdelay $0x1  }
0xbe: {  	vm11 =	vgt.f32 v8, $3.000000120e-01  }
0xbf: {  	v8 =	vsel vm11, $0x0, v51  }
0xc0: {  	v8 =	vpsel p2, v8, v51  }
0xc1: {  	[tilespmem:$0x6430] =	vst v8  }
0xc2: {  	v8 =	vld [tilespmem:s8+$0x40]  }
0xc3: {  	v53 =	vld [tilespmem:s15+$0x1400]  }
0xc4: {  	v54 =	vld [tilespmem:s15+$0x2800]  }
0xc5: {  	v55 =	vld [tilespmem:s15+$0x3C00];
	_ =	sdelay $0x3  }
0xc6: {  	v8 =	vmax.f32 v8, v4  }
0xc7: {  	v9 =	vmax.f32 v53, v5;
	v10 =	vmin.f32 v54, v6;
	v11 =	vmin.f32 v55, v7  }
0xc8: {  	v56 =	vld [tilespmem:s15+$0x5000];
	v8 =	vsub.f32 v10, v8;
	v9 =	vsub.f32 v11, v9;
	_ =	sdelay $0x1  }
0xc9: {  	v8 =	vadd.f32 $1.000000000e+00, v8;
	v9 =	vadd.f32 $1.000000000e+00, v9;
	_ =	sdelay $0x1  }
0xca: {  	v8 =	vmax.f32 v8, $0.0e+00;
	v9 =	vmax.f32 v9, $0.0e+00  }
0xcb: {  	v57 =	vadd.f32 v56, v3;
	v8 =	vmul.f32 v9, v8;
	_ =	sdelay $0x1  }
0xcc: {  	v9 =	vsub.f32 v57, v8;
	_ =	sdelay $0x1  }
0xcd: {  	(erf) = vrcp.f32 v9;
	_ =	sdelay $0x7  }
0xce: {  	v58 =	vld [tilespmem:$0x6440]  }
0xcf: {  	v59 =	vpop (erf)  }
0xd0: {  	v8 =	vmul.f32 v59, v8;
	_ =	sdelay $0x1  }
0xd1: {  	vm12 =	vgt.f32 v8, $3.000000120e-01  }
0xd2: {  	v8 =	vsel vm12, $0x0, v58  }
0xd3: {  	v8 =	vpsel p1, v8, v58  }
0xd4: {  	[tilespmem:$0x6440] =	vst v8  }
0xd5: {  	v8 =	vld [tilespmem:s8+$0x50]  }
0xd6: {  	v60 =	vld [tilespmem:s16+$0x1400]  }
0xd7: {  	v61 =	vld [tilespmem:s16+$0x2800]  }
0xd8: {  	v62 =	vld [tilespmem:s16+$0x3C00];
	_ =	sdelay $0x3  }
0xd9: {  	v8 =	vmax.f32 v8, v4  }
0xda: {  	v9 =	vmax.f32 v60, v5;
	v10 =	vmin.f32 v61, v6;
	v11 =	vmin.f32 v62, v7  }
0xdb: {  	v63 =	vld [tilespmem:s16+$0x5000];
	v8 =	vsub.f32 v10, v8;
	v9 =	vsub.f32 v11, v9;
	_ =	sdelay $0x1  }
0xdc: {  	v8 =	vadd.f32 $1.000000000e+00, v8;
	v9 =	vadd.f32 $1.000000000e+00, v9;
	_ =	sdelay $0x1  }
0xdd: {  	v8 =	vmax.f32 v8, $0.0e+00;
	v9 =	vmax.f32 v9, $0.0e+00  }
0xde: {  	v15 =	vadd.f32 v63, v3;
	v8 =	vmul.f32 v9, v8;
	_ =	sdelay $0x1  }
0xdf: {  	v9 =	vsub.f32 v15, v8;
	_ =	sdelay $0x1  }
0xe0: {  	(erf) = vrcp.f32 v9;
	_ =	sdelay $0x7  }
0xe1: {  	v16 =	vld [tilespmem:$0x6450]  }
0xe2: {  	v17 =	vpop (erf)  }
0xe3: {  	v8 =	vmul.f32 v17, v8;
	_ =	sdelay $0x1  }
0xe4: {  	vm13 =	vgt.f32 v8, $3.000000120e-01  }
0xe5: {  	v8 =	vsel vm13, $0x0, v16  }
0xe6: {  	v8 =	vpsel p0, v8, v16  }
0xe7: {  	[tilespmem:$0x6450] =	vst v8  }
0xe8: {  	v8 =	vld [tilespmem:s8+$0x60]  }
0xe9: {  	v18 =	vld [tilespmem:s17+$0x1400]  }
0xea: {  	v19 =	vld [tilespmem:s17+$0x2800]  }
0xeb: {  	v20 =	vld [tilespmem:s17+$0x3C00];
	_ =	sdelay $0x3  }
0xec: {  	v8 =	vmax.f32 v8, v4  }
0xed: {  	v9 =	vmax.f32 v18, v5;
	v10 =	vmin.f32 v19, v6;
	v11 =	vmin.f32 v20, v7  }
0xee: {  	v21 =	vld [tilespmem:s17+$0x5000];
	v8 =	vsub.f32 v10, v8;
	v9 =	vsub.f32 v11, v9;
	_ =	sdelay $0x1  }
0xef: {  	v8 =	vadd.f32 $1.000000000e+00, v8;
	v9 =	vadd.f32 $1.000000000e+00, v9;
	_ =	sdelay $0x1  }
0xf0: {  	v8 =	vmax.f32 v8, $0.0e+00;
	v9 =	vmax.f32 v9, $0.0e+00  }
0xf1: {  	v22 =	vadd.f32 v21, v3;
	v8 =	vmul.f32 v9, v8;
	_ =	sdelay $0x1  }
0xf2: {  	v9 =	vsub.f32 v22, v8;
	_ =	sdelay $0x1  }
0xf3: {  	(erf) = vrcp.f32 v9;
	_ =	sdelay $0x7  }
0xf4: {  	v23 =	vld [tilespmem:$0x6460]  }
0xf5: {  	v24 =	vpop (erf)  }
0xf6: {  	v8 =	vmul.f32 v24, v8;
	_ =	sdelay $0x1  }
0xf7: {  	vm14 =	vgt.f32 v8, $3.000000120e-01  }
0xf8: {  	v8 =	vsel vm14, $0x0, v23  }
0xf9: {  	v8 =	vpsel p6, v8, v23  }
0xfa: {  	[tilespmem:$0x6460] =	vst v8  }
0xfb: {  	v8 =	vld [tilespmem:s8+$0x70]  }
0xfc: {  	v25 =	vld [tilespmem:s18+$0x1400]  }
0xfd: {  	v26 =	vld [tilespmem:s18+$0x2800]  }
0xfe: {  	v27 =	vld [tilespmem:s18+$0x3C00];
	_ =	sdelay $0x3  }
0xff: {  	v8 =	vmax.f32 v8, v4  }
0x100: {  	v9 =	vmax.f32 v25, v5;
	v10 =	vmin.f32 v26, v6;
	v11 =	vmin.f32 v27, v7  }
0x101: {  	v28 =	vld [tilespmem:s18+$0x5000];
	v8 =	vsub.f32 v10, v8;
	v9 =	vsub.f32 v11, v9;
	_ =	sdelay $0x1  }
0x102: {  	v8 =	vadd.f32 $1.000000000e+00, v8;
	v9 =	vadd.f32 $1.000000000e+00, v9;
	_ =	sdelay $0x1  }
0x103: {  	v8 =	vmax.f32 v8, $0.0e+00;
	v9 =	vmax.f32 v9, $0.0e+00  }
0x104: {  	v29 =	vadd.f32 v28, v3;
	v8 =	vmul.f32 v9, v8;
	_ =	sdelay $0x1  }
0x105: {  	v9 =	vsub.f32 v29, v8;
	_ =	sdelay $0x1  }
0x106: {  	(erf) = vrcp.f32 v9;
	_ =	sdelay $0x7  }
0x107: {  	v30 =	vld [tilespmem:$0x6470]  }
0x108: {  	v31 =	vpop (erf)  }
0x109: {  	s1 =	sld [smem:$0x7FD];
	v8 =	vmul.f32 v31, v8;
	_ =	sdelay $0x1  }
0x10a: {  	vm15 =	vgt.f32 v8, $3.000000120e-01  }
0x10b: {  	p5 =	seq.s32 s1, $0x1;
	v8 =	vsel vm15, $0x0, v30  }
0x10c: {  	v8 =	vpsel p5, v8, v30  }
0x10d: {  	[tilespmem:$0x6470] =	vst v8  }
0x10e: {  	v8 =	vld [tilespmem:s8+$0x80]  }
0x10f: {  	v32 =	vld [tilespmem:s19+$0x1400]  }
0x110: {  	v33 =	vld [tilespmem:s19+$0x2800]  }
0x111: {  	v34 =	vld [tilespmem:s19+$0x3C00];
	_ =	sdelay $0x3  }
0x112: {  	v8 =	vmax.f32 v8, v4  }
0x113: {  	v9 =	vmax.f32 v32, v5;
	v10 =	vmin.f32 v33, v6;
	v11 =	vmin.f32 v34, v7  }
0x114: {  	v35 =	vld [tilespmem:s19+$0x5000];
	v8 =	vsub.f32 v10, v8;
	v9 =	vsub.f32 v11, v9;
	_ =	sdelay $0x1  }
0x115: {  	v8 =	vadd.f32 $1.000000000e+00, v8;
	v9 =	vadd.f32 $1.000000000e+00, v9;
	_ =	sdelay $0x1  }
0x116: {  	v8 =	vmax.f32 v8, $0.0e+00;
	v9 =	vmax.f32 v9, $0.0e+00  }
0x117: {  	v36 =	vadd.f32 v35, v3;
	v8 =	vmul.f32 v9, v8;
	_ =	sdelay $0x1  }
0x118: {  	v9 =	vsub.f32 v36, v8;
	_ =	sdelay $0x1  }
0x119: {  	(erf) = vrcp.f32 v9;
	_ =	sdelay $0x7  }
0x11a: {  	v37 =	vld [tilespmem:$0x6480]  }
0x11b: {  	v38 =	vpop (erf)  }
0x11c: {  	s3 =	sld [smem:$0x7FC];
	v8 =	vmul.f32 v38, v8;
	_ =	sdelay $0x1  }
0x11d: {  	vm4 =	vgt.f32 v8, $3.000000120e-01  }
0x11e: {  	p5 =	seq.s32 s3, $0x1;
	v8 =	vsel vm4, $0x0, v37  }
0x11f: {  	v8 =	vpsel p5, v8, v37  }
0x120: {  	[tilespmem:$0x6480] =	vst v8  }
0x121: {  	v8 =	vld [tilespmem:s8+$0x90]  }
0x122: {  	v39 =	vld [tilespmem:s20+$0x1400]  }
0x123: {  	v40 =	vld [tilespmem:s20+$0x2800]  }
0x124: {  	v41 =	vld [tilespmem:s20+$0x3C00];
	_ =	sdelay $0x3  }
0x125: {  	v8 =	vmax.f32 v8, v4  }
0x126: {  	v9 =	vmax.f32 v39, v5;
	v10 =	vmin.f32 v40, v6;
	v11 =	vmin.f32 v41, v7  }
0x127: {  	v42 =	vld [tilespmem:s20+$0x5000];
	v8 =	vsub.f32 v10, v8;
	v9 =	vsub.f32 v11, v9;
	_ =	sdelay $0x1  }
0x128: {  	v8 =	vadd.f32 $1.000000000e+00, v8;
	v9 =	vadd.f32 $1.000000000e+00, v9;
	_ =	sdelay $0x1  }
0x129: {  	v8 =	vmax.f32 v8, $0.0e+00;
	v9 =	vmax.f32 v9, $0.0e+00  }
0x12a: {  	v43 =	vadd.f32 v42, v3;
	v8 =	vmul.f32 v9, v8;
	_ =	sdelay $0x1  }
0x12b: {  	v9 =	vsub.f32 v43, v8;
	_ =	sdelay $0x1  }
0x12c: {  	(erf) = vrcp.f32 v9;
	_ =	sdelay $0x7  }
0x12d: {  	v44 =	vld [tilespmem:$0x6490]  }
0x12e: {  	v45 =	vpop (erf)  }
0x12f: {  	s3 =	sld [smem:$0x7FB];
	v8 =	vmul.f32 v45, v8;
	_ =	sdelay $0x1  }
0x130: {  	vm5 =	vgt.f32 v8, $3.000000120e-01  }
0x131: {  	p5 =	seq.s32 s3, $0x1;
	v8 =	vsel vm5, $0x0, v44  }
0x132: {  	v8 =	vpsel p5, v8, v44  }
0x133: {  	[tilespmem:$0x6490] =	vst v8  }
0x134: {  	v8 =	vld [tilespmem:s8+$0xA0]  }
0x135: {  	v46 =	vld [tilespmem:s21+$0x1400]  }
0x136: {  	v47 =	vld [tilespmem:s21+$0x2800]  }
0x137: {  	v48 =	vld [tilespmem:s21+$0x3C00];
	_ =	sdelay $0x3  }
0x138: {  	v8 =	vmax.f32 v8, v4  }
0x139: {  	v9 =	vmax.f32 v46, v5;
	v10 =	vmin.f32 v47, v6;
	v11 =	vmin.f32 v48, v7  }
0x13a: {  	v49 =	vld [tilespmem:s21+$0x5000];
	v8 =	vsub.f32 v10, v8;
	v9 =	vsub.f32 v11, v9;
	_ =	sdelay $0x1  }
0x13b: {  	v8 =	vadd.f32 $1.000000000e+00, v8;
	v9 =	vadd.f32 $1.000000000e+00, v9;
	_ =	sdelay $0x1  }
0x13c: {  	v8 =	vmax.f32 v8, $0.0e+00;
	v9 =	vmax.f32 v9, $0.0e+00  }
0x13d: {  	v50 =	vadd.f32 v49, v3;
	v8 =	vmul.f32 v9, v8;
	_ =	sdelay $0x1  }
0x13e: {  	v9 =	vsub.f32 v50, v8;
	_ =	sdelay $0x1  }
0x13f: {  	(erf) = vrcp.f32 v9;
	_ =	sdelay $0x7  }
0x140: {  	v51 =	vld [tilespmem:$0x64A0]  }
0x141: {  	v52 =	vpop (erf)  }
0x142: {  	s3 =	sld [smem:$0x7FA];
	v8 =	vmul.f32 v52, v8;
	_ =	sdelay $0x1  }
0x143: {  	vm6 =	vgt.f32 v8, $3.000000120e-01  }
0x144: {  	p5 =	seq.s32 s3, $0x1;
	v8 =	vsel vm6, $0x0, v51  }
0x145: {  	v8 =	vpsel p5, v8, v51  }
0x146: {  	[tilespmem:$0x64A0] =	vst v8  }
0x147: {  	v8 =	vld [tilespmem:s8+$0xB0]  }
0x148: {  	v53 =	vld [tilespmem:s22+$0x1400]  }
0x149: {  	v54 =	vld [tilespmem:s22+$0x2800]  }
0x14a: {  	v55 =	vld [tilespmem:s22+$0x3C00];
	_ =	sdelay $0x3  }
0x14b: {  	v8 =	vmax.f32 v8, v4  }
0x14c: {  	v9 =	vmax.f32 v53, v5;
	v10 =	vmin.f32 v54, v6;
	v11 =	vmin.f32 v55, v7  }
0x14d: {  	v56 =	vld [tilespmem:s22+$0x5000];
	v8 =	vsub.f32 v10, v8;
	v9 =	vsub.f32 v11, v9;
	_ =	sdelay $0x1  }
0x14e: {  	v8 =	vadd.f32 $1.000000000e+00, v8;
	v9 =	vadd.f32 $1.000000000e+00, v9;
	_ =	sdelay $0x1  }
0x14f: {  	v8 =	vmax.f32 v8, $0.0e+00;
	v9 =	vmax.f32 v9, $0.0e+00  }
0x150: {  	v57 =	vadd.f32 v56, v3;
	v8 =	vmul.f32 v9, v8;
	_ =	sdelay $0x1  }
0x151: {  	v9 =	vsub.f32 v57, v8;
	_ =	sdelay $0x1  }
0x152: {  	(erf) = vrcp.f32 v9;
	_ =	sdelay $0x7  }
0x153: {  	v58 =	vld [tilespmem:$0x64B0]  }
0x154: {  	v59 =	vpop (erf)  }
0x155: {  	s3 =	sld [smem:$0x7F9];
	v8 =	vmul.f32 v59, v8;
	_ =	sdelay $0x1  }
0x156: {  	vm7 =	vgt.f32 v8, $3.000000120e-01  }
0x157: {  	p5 =	seq.s32 s3, $0x1;
	v8 =	vsel vm7, $0x0, v58  }
0x158: {  	v8 =	vpsel p5, v8, v58  }
0x159: {  	[tilespmem:$0x64B0] =	vst v8  }
0x15a: {  	v8 =	vld [tilespmem:s8+$0xC0]  }
0x15b: {  	v60 =	vld [tilespmem:s23+$0x1400]  }
0x15c: {  	v61 =	vld [tilespmem:s23+$0x2800]  }
0x15d: {  	v62 =	vld [tilespmem:s23+$0x3C00];
	_ =	sdelay $0x3  }
0x15e: {  	v8 =	vmax.f32 v8, v4  }
0x15f: {  	v9 =	vmax.f32 v60, v5;
	v10 =	vmin.f32 v61, v6;
	v11 =	vmin.f32 v62, v7  }
0x160: {  	v63 =	vld [tilespmem:s23+$0x5000];
	v8 =	vsub.f32 v10, v8;
	v9 =	vsub.f32 v11, v9;
	_ =	sdelay $0x1  }
0x161: {  	v8 =	vadd.f32 $1.000000000e+00, v8;
	v9 =	vadd.f32 $1.000000000e+00, v9;
	_ =	sdelay $0x1  }
0x162: {  	v8 =	vmax.f32 v8, $0.0e+00;
	v9 =	vmax.f32 v9, $0.0e+00  }
0x163: {  	v14 =	vadd.f32 v63, v3;
	v8 =	vmul.f32 v9, v8;
	_ =	sdelay $0x1  }
0x164: {  	v9 =	vsub.f32 v14, v8;
	_ =	sdelay $0x1  }
0x165: {  	(erf) = vrcp.f32 v9;
	_ =	sdelay $0x7  }
0x166: {  	v15 =	vld [tilespmem:$0x64C0]  }
0x167: {  	v16 =	vpop (erf)  }
0x168: {  	s3 =	sld [smem:$0x7F8];
	v8 =	vmul.f32 v16, v8;
	_ =	sdelay $0x1  }
0x169: {  	vm8 =	vgt.f32 v8, $3.000000120e-01  }
0x16a: {  	p5 =	seq.s32 s3, $0x1;
	v8 =	vsel vm8, $0x0, v15  }
0x16b: {  	v8 =	vpsel p5, v8, v15  }
0x16c: {  	[tilespmem:$0x64C0] =	vst v8  }
0x16d: {  	v8 =	vld [tilespmem:s8+$0xD0]  }
0x16e: {  	v17 =	vld [tilespmem:s25+$0x1400]  }
0x16f: {  	v18 =	vld [tilespmem:s25+$0x2800]  }
0x170: {  	v19 =	vld [tilespmem:s25+$0x3C00];
	_ =	sdelay $0x3  }
0x171: {  	v8 =	vmax.f32 v8, v4  }
0x172: {  	v9 =	vmax.f32 v17, v5;
	v10 =	vmin.f32 v18, v6;
	v11 =	vmin.f32 v19, v7  }
0x173: {  	v20 =	vld [tilespmem:s25+$0x5000];
	v8 =	vsub.f32 v10, v8;
	v9 =	vsub.f32 v11, v9;
	_ =	sdelay $0x1  }
0x174: {  	v8 =	vadd.f32 $1.000000000e+00, v8;
	v9 =	vadd.f32 $1.000000000e+00, v9;
	_ =	sdelay $0x1  }
0x175: {  	v8 =	vmax.f32 v8, $0.0e+00;
	v9 =	vmax.f32 v9, $0.0e+00  }
0x176: {  	v21 =	vadd.f32 v20, v3;
	v8 =	vmul.f32 v9, v8;
	_ =	sdelay $0x1  }
0x177: {  	v9 =	vsub.f32 v21, v8;
	_ =	sdelay $0x1  }
0x178: {  	(erf) = vrcp.f32 v9;
	_ =	sdelay $0x7  }
0x179: {  	v22 =	vld [tilespmem:$0x64D0]  }
0x17a: {  	v23 =	vpop (erf)  }
0x17b: {  	s3 =	sld [smem:$0x7F7];
	v8 =	vmul.f32 v23, v8;
	_ =	sdelay $0x1  }
0x17c: {  	vm9 =	vgt.f32 v8, $3.000000120e-01  }
0x17d: {  	p5 =	seq.s32 s3, $0x1;
	v8 =	vsel vm9, $0x0, v22  }
0x17e: {  	v8 =	vpsel p5, v8, v22  }
0x17f: {  	[tilespmem:$0x64D0] =	vst v8  }
0x180: {  	v8 =	vld [tilespmem:s8+$0xE0]  }
0x181: {  	v24 =	vld [tilespmem:s26+$0x1400]  }
0x182: {  	v25 =	vld [tilespmem:s26+$0x2800]  }
0x183: {  	v26 =	vld [tilespmem:s26+$0x3C00];
	_ =	sdelay $0x3  }
0x184: {  	v8 =	vmax.f32 v8, v4  }
0x185: {  	v9 =	vmax.f32 v24, v5;
	v10 =	vmin.f32 v25, v6;
	v11 =	vmin.f32 v26, v7  }
0x186: {  	v27 =	vld [tilespmem:s26+$0x5000];
	v8 =	vsub.f32 v10, v8;
	v9 =	vsub.f32 v11, v9;
	_ =	sdelay $0x1  }
0x187: {  	v8 =	vadd.f32 $1.000000000e+00, v8;
	v9 =	vadd.f32 $1.000000000e+00, v9;
	_ =	sdelay $0x1  }
0x188: {  	v8 =	vmax.f32 v8, $0.0e+00;
	v9 =	vmax.f32 v9, $0.0e+00  }
0x189: {  	v28 =	vadd.f32 v27, v3;
	v8 =	vmul.f32 v9, v8;
	_ =	sdelay $0x1  }
0x18a: {  	v9 =	vsub.f32 v28, v8;
	_ =	sdelay $0x1  }
0x18b: {  	(erf) = vrcp.f32 v9;
	_ =	sdelay $0x7  }
0x18c: {  	v29 =	vld [tilespmem:$0x64E0]  }
0x18d: {  	v30 =	vpop (erf)  }
0x18e: {  	s3 =	sld [smem:$0x7F6];
	v8 =	vmul.f32 v30, v8;
	_ =	sdelay $0x1  }
0x18f: {  	vm10 =	vgt.f32 v8, $3.000000120e-01  }
0x190: {  	p5 =	seq.s32 s3, $0x1;
	v8 =	vsel vm10, $0x0, v29  }
0x191: {  	v8 =	vpsel p5, v8, v29  }
0x192: {  	[tilespmem:$0x64E0] =	vst v8  }
0x193: {  	v8 =	vld [tilespmem:s8+$0xF0]  }
0x194: {  	v31 =	vld [tilespmem:s28+$0x1400]  }
0x195: {  	v32 =	vld [tilespmem:s28+$0x2800]  }
0x196: {  	v33 =	vld [tilespmem:s28+$0x3C00];
	_ =	sdelay $0x3  }
0x197: {  	v8 =	vmax.f32 v8, v4  }
0x198: {  	v9 =	vmax.f32 v31, v5;
	v10 =	vmin.f32 v32, v6;
	v11 =	vmin.f32 v33, v7  }
0x199: {  	v34 =	vld [tilespmem:s28+$0x5000];
	v8 =	vsub.f32 v10, v8;
	v9 =	vsub.f32 v11, v9;
	_ =	sdelay $0x1  }
0x19a: {  	v8 =	vadd.f32 $1.000000000e+00, v8;
	v9 =	vadd.f32 $1.000000000e+00, v9;
	_ =	sdelay $0x1  }
0x19b: {  	v8 =	vmax.f32 v8, $0.0e+00;
	v9 =	vmax.f32 v9, $0.0e+00  }
0x19c: {  	v35 =	vadd.f32 v34, v3;
	v8 =	vmul.f32 v9, v8;
	_ =	sdelay $0x1  }
0x19d: {  	v9 =	vsub.f32 v35, v8;
	_ =	sdelay $0x1  }
0x19e: {  	(erf) = vrcp.f32 v9;
	_ =	sdelay $0x7  }
0x19f: {  	v36 =	vld [tilespmem:$0x64F0]  }
0x1a0: {  	v37 =	vpop (erf)  }
0x1a1: {  	s3 =	sld [smem:$0x7F5];
	v8 =	vmul.f32 v37, v8;
	_ =	sdelay $0x1  }
0x1a2: {  	vm11 =	vgt.f32 v8, $3.000000120e-01  }
0x1a3: {  	p5 =	seq.s32 s3, $0x1;
	v8 =	vsel vm11, $0x0, v36  }
0x1a4: {  	v8 =	vpsel p5, v8, v36  }
0x1a5: {  	[tilespmem:$0x64F0] =	vst v8  }
0x1a6: {  	v8 =	vld [tilespmem:s8+$0x100]  }
0x1a7: {  	v38 =	vld [tilespmem:s29+$0x1400]  }
0x1a8: {  	v39 =	vld [tilespmem:s29+$0x2800]  }
0x1a9: {  	v40 =	vld [tilespmem:s29+$0x3C00];
	_ =	sdelay $0x3  }
0x1aa: {  	v8 =	vmax.f32 v8, v4  }
0x1ab: {  	v9 =	vmax.f32 v38, v5;
	v10 =	vmin.f32 v39, v6;
	v11 =	vmin.f32 v40, v7  }
0x1ac: {  	v41 =	vld [tilespmem:s29+$0x5000];
	v8 =	vsub.f32 v10, v8;
	v9 =	vsub.f32 v11, v9;
	_ =	sdelay $0x1  }
0x1ad: {  	v8 =	vadd.f32 $1.000000000e+00, v8;
	v9 =	vadd.f32 $1.000000000e+00, v9;
	_ =	sdelay $0x1  }
0x1ae: {  	v8 =	vmax.f32 v8, $0.0e+00;
	v9 =	vmax.f32 v9, $0.0e+00  }
0x1af: {  	v42 =	vadd.f32 v41, v3;
	v8 =	vmul.f32 v9, v8;
	_ =	sdelay $0x1  }
0x1b0: {  	v9 =	vsub.f32 v42, v8;
	_ =	sdelay $0x1  }
0x1b1: {  	(erf) = vrcp.f32 v9;
	_ =	sdelay $0x7  }
0x1b2: {  	v43 =	vld [tilespmem:$0x6500]  }
0x1b3: {  	v44 =	vpop (erf)  }
0x1b4: {  	s3 =	sld [smem:$0x7F4];
	v8 =	vmul.f32 v44, v8;
	_ =	sdelay $0x1  }
0x1b5: {  	vm12 =	vgt.f32 v8, $3.000000120e-01  }
0x1b6: {  	p5 =	seq.s32 s3, $0x1;
	v8 =	vsel vm12, $0x0, v43  }
0x1b7: {  	v8 =	vpsel p5, v8, v43  }
0x1b8: {  	[tilespmem:$0x6500] =	vst v8  }
0x1b9: {  	v8 =	vld [tilespmem:s8+$0x110]  }
0x1ba: {  	v45 =	vld [tilespmem:s30+$0x1400]  }
0x1bb: {  	v46 =	vld [tilespmem:s30+$0x2800]  }
0x1bc: {  	v47 =	vld [tilespmem:s30+$0x3C00];
	_ =	sdelay $0x3  }
0x1bd: {  	v8 =	vmax.f32 v8, v4  }
0x1be: {  	v9 =	vmax.f32 v45, v5;
	v10 =	vmin.f32 v46, v6;
	v11 =	vmin.f32 v47, v7  }
0x1bf: {  	v48 =	vld [tilespmem:s30+$0x5000];
	v8 =	vsub.f32 v10, v8;
	v9 =	vsub.f32 v11, v9;
	_ =	sdelay $0x1  }
0x1c0: {  	v8 =	vadd.f32 $1.000000000e+00, v8;
	v9 =	vadd.f32 $1.000000000e+00, v9;
	_ =	sdelay $0x1  }
0x1c1: {  	v8 =	vmax.f32 v8, $0.0e+00;
	v9 =	vmax.f32 v9, $0.0e+00  }
0x1c2: {  	v49 =	vadd.f32 v48, v3;
	v8 =	vmul.f32 v9, v8;
	_ =	sdelay $0x1  }
0x1c3: {  	v9 =	vsub.f32 v49, v8;
	_ =	sdelay $0x1  }
0x1c4: {  	(erf) = vrcp.f32 v9;
	_ =	sdelay $0x7  }
0x1c5: {  	v50 =	vld [tilespmem:$0x6510]  }
0x1c6: {  	v51 =	vpop (erf)  }
0x1c7: {  	s3 =	sld [smem:$0x7F3];
	v8 =	vmul.f32 v51, v8;
	_ =	sdelay $0x1  }
0x1c8: {  	vm13 =	vgt.f32 v8, $3.000000120e-01  }
0x1c9: {  	p5 =	seq.s32 s3, $0x1;
	v8 =	vsel vm13, $0x0, v50  }
0x1ca: {  	v8 =	vpsel p5, v8, v50  }
0x1cb: {  	[tilespmem:$0x6510] =	vst v8  }
0x1cc: {  	v8 =	vld [tilespmem:s8+$0x120]  }
0x1cd: {  	v52 =	vld [tilespmem:s31+$0x1400]  }
0x1ce: {  	v53 =	vld [tilespmem:s31+$0x2800]  }
0x1cf: {  	v54 =	vld [tilespmem:s31+$0x3C00];
	_ =	sdelay $0x3  }
0x1d0: {  	v8 =	vmax.f32 v8, v4  }
0x1d1: {  	v9 =	vmax.f32 v52, v5;
	v10 =	vmin.f32 v53, v6;
	v11 =	vmin.f32 v54, v7  }
0x1d2: {  	v55 =	vld [tilespmem:s31+$0x5000];
	v8 =	vsub.f32 v10, v8;
	v9 =	vsub.f32 v11, v9;
	_ =	sdelay $0x1  }
0x1d3: {  	v8 =	vadd.f32 $1.000000000e+00, v8;
	v9 =	vadd.f32 $1.000000000e+00, v9;
	_ =	sdelay $0x1  }
0x1d4: {  	v8 =	vmax.f32 v8, $0.0e+00;
	v9 =	vmax.f32 v9, $0.0e+00  }
0x1d5: {  	v56 =	vadd.f32 v55, v3;
	v8 =	vmul.f32 v9, v8;
	_ =	sdelay $0x1  }
0x1d6: {  	v9 =	vsub.f32 v56, v8;
	_ =	sdelay $0x1  }
0x1d7: {  	(erf) = vrcp.f32 v9;
	_ =	sdelay $0x7  }
0x1d8: {  	v57 =	vld [tilespmem:$0x6520]  }
0x1d9: {  	v58 =	vpop (erf)  }
0x1da: {  	s3 =	sld [smem:$0x7F2];
	v8 =	vmul.f32 v58, v8;
	_ =	sdelay $0x1  }
0x1db: {  	vm14 =	vgt.f32 v8, $3.000000120e-01  }
0x1dc: {  	p5 =	seq.s32 s3, $0x1;
	v8 =	vsel vm14, $0x0, v57  }
0x1dd: {  	v8 =	vpsel p5, v8, v57  }
0x1de: {  	[tilespmem:$0x6520] =	vst v8  }
0x1df: {  	v8 =	vld [tilespmem:s8+$0x130]  }
0x1e0: {  	v59 =	vld [tilespmem:s0+$0x1400]  }
0x1e1: {  	v60 =	vld [tilespmem:s0+$0x2800]  }
0x1e2: {  	v61 =	vld [tilespmem:s0+$0x3C00];
	_ =	sdelay $0x3  }
0x1e3: {  	v4 =	vmax.f32 v8, v4  }
0x1e4: {  	v5 =	vmax.f32 v59, v5;
	v6 =	vmin.f32 v60, v6;
	v7 =	vmin.f32 v61, v7  }
0x1e5: {  	v62 =	vld [tilespmem:s0+$0x5000];
	v4 =	vsub.f32 v6, v4;
	v5 =	vsub.f32 v7, v5;
	_ =	sdelay $0x1  }
0x1e6: {  	v4 =	vadd.f32 $1.000000000e+00, v4;
	v5 =	vadd.f32 $1.000000000e+00, v5;
	_ =	sdelay $0x1  }
0x1e7: {  	v4 =	vmax.f32 v4, $0.0e+00;
	v5 =	vmax.f32 v5, $0.0e+00  }
0x1e8: {  	v3 =	vadd.f32 v62, v3;
	v4 =	vmul.f32 v5, v4;
	_ =	sdelay $0x1  }
0x1e9: {  	v3 =	vsub.f32 v3, v4;
	_ =	sdelay $0x1  }
0x1ea: {  	(erf) = vrcp.f32 v3;
	_ =	sdelay $0x7  }
0x1eb: {  	v3 =	vld [tilespmem:$0x6530]  }
0x1ec: {  	v63 =	vpop (erf)  }
0x1ed: {  	s3 =	sld [smem:$0x7F1];
	v4 =	vmul.f32 v63, v4  }
.Ltmp8:
0x1ee: {  	_ = 	snop;
	(pc) =	sbr.rel .LBB2_5-.Ltmp8, $4  }
0x1ef: {  	vm15 =	vgt.f32 v4, $3.000000120e-01  }
0x1f0: {  	p5 =	seq.s32 s3, $0x1;
	v4 =	vsel vm15, $0x0, v3  }
0x1f1: {  	v3 =	vpsel p5, v3, v4  }
0x1f2: {  	[tilespmem:$0x6530] =	vst v3  }
.LBB2_7:
0x1f3: {  	s1 =	rddreg [dreg:$0x5];
	s3 =	simm.s32 $0x80  }
0x1f4: {  	s5 =	simm.s32 $0x400;
	s10 =	simm.s32 $0x6580;
	s24 =	simm.s32 $0x1  }
0x1f5: {  	[spmem:s1] =	stream.strided.scatter [tilespmem:s10], [sflag:$0x1], $0x180, s5, s3, $0x38;
	[tilespmem:$0x69C0] =	vst v63  }
0x1f6: {  	_ =	swait.ge [sflag:s24], $0x180  }
0x1f7: {  	[sflag:s24] =	ssyncset.done $0x0  }
0x1f8: {  	[sflag:s24] =	ssyncadd.s32 $0xFFFFFE80  }
.LBB2_8:
0x1f9: {  	s1 =	stileid.u32;
	s3 =	rddreg [dreg:$0x6]  }
0x1fa: {  	p0 =	sle.u32 s1, s3  }
.Ltmp9:
0x1fb: {  	_ = 	snop;
	(pc) =	sbr.rel @p0 .LBB2_15-.Ltmp9, $2  }
0x1fc: {  	_ =	sdelay $0x1  }
0x1fd: {  	[bflag:$0x0] =	sbarrier.arrive $0xFFFF;
	_ =	sdelay $0x1  }
0x1fe: {  	s11 =	rddreg [dreg:$0x6]  }
0x1ff: {  	s3 =	sshrl.u32 s11, $0x3  }
0x200: {  	s3 =	smul.u32 $0x3000, s3;
	_ =	sdelay $0x1  }
0x201: {  	s1 =	rddreg [dreg:$0x1];
	s5 =	sshll.u32 s11, $0x7;
	s3 =	sshra.s32 s3, $0x2  }
0x202: {  	s24 =	simm.s32 $0x400;
	s5 =	sand.u32 $0x380, s5;
	s3 =	sadd.s32 s3, s1  }
0x203: {  	s10 =	simm.s32 $0x6700;
	s3 =	sadd.s32 s5, s3;
	s5 =	simm.s32 $0x80  }
0x204: {  	[tilespmem:s10], [sflag:$0x1] =	stream.strided.gather [spmem:s3], $0x180, s24, s5, $0x38;
	[tilespmem:$0x69C0] =	vst v63  }
.Ltmp10:
0x205: {  	_ = 	snop;
	(pc) =	sbr.rel .LBB2_10-.Ltmp10, $4  }
0x206: {  	s24 =	simm.s32 $0x1  }
0x207: {  	_ =	swait.ge [sflag:s24], $0x180  }
0x208: {  	[sflag:s24] =	ssyncset.done $0x0  }
0x209: {  	s5 =	smul.u32 $0x140, s11;
	s10 =	simm.s32 $0x0;
	[sflag:s24] =	ssyncadd.s32 $0xFFFFFE80  }
.LBB2_14:
0x20a: {  	s10 =	sadd.s32 $0x1, s10  }
0x20b: {  	p0 =	sne.s32 s10, $0x14  }
.Ltmp11:
0x20c: {  	_ = 	snop;
	(pc) =	sbr.rel @!p0 .LBB2_15-.Ltmp11, $1  }
0x20d: {  	_ =	sdelay $0x3  }
.LBB2_10:
.Ltmp12:
0x20e: {  	(pc) =	sbr.rel .LBB2_11-.Ltmp12, $3  }
0x20f: {  	_ =	sdelay $0x1  }
0x210: {  	s11 =	sshll.u32 s10, $0x4  }
0x211: {  	s3 =	simm.s32 $0x0;
	s24 =	sadd.s32 s5, s11  }
.LBB2_13:
0x212: {  	s3 =	sadd.s32 $0x1, s3  }
0x213: {  	p0 =	sne.s32 s3, $0x10  }
.Ltmp13:
0x214: {  	_ = 	snop;
	(pc) =	sbr.rel @!p0 .LBB2_14-.Ltmp13, $1  }
0x215: {  	_ =	sdelay $0x3  }
.LBB2_11:
0x216: {  	v3 =	vld [tilespmem:s11+$0x6700];
	_ =	sdelay $0x3  }
0x217: {  	v4 =	vmov s3  }
0x218: {  	vm1 =	veq.s32 v4, v0;
	vm0 =	vne.s32 v3, $0x0  }
0x219: {  	vm0 =	vmand vm1, vm0  }
0x21a: {  	v3 =	vsel vm0, $0x3F800000, v1  }
0x21b: {  	(xrf0) =	vmax.scan.msk.f32 $0xffff, v3;
	_ =	sdelay $0x5  }
0x21c: {  	v3, _, _ =	vpop (xrf0)  }
0x21d: {  	(v2sf) =	vpush v3, $0xF;
	_ =	sdelay $0xe  }
0x21e: {  	s1 =	spop (v2sf)  }
0x21f: {  	p0 =	sgt.f32 s1, $0.0e+00  }
.Ltmp14:
0x220: {  	_ = 	snop;
	(pc) =	sbr.rel @!p0 .LBB2_13-.Ltmp14, $1  }
0x221: {  	_ =	sdelay $0x3  }
0x222: {  	s1 =	sadd.s32 s24, s3  }
0x223: {  	v3 =	vmov s1  }
0x224: {  	v8 =	vld [tilespmem:s8+$0x0]  }
0x225: {  	v9 =	vld [tilespmem:s8+$0x1400]  }
0x226: {  	v10 =	vld [tilespmem:s8+$0x2800]  }
0x227: {  	v11 =	vld [tilespmem:s8+$0x3C00]  }
0x228: {  	v4 =	vld.idx.msk [tilespmem:v3+s2+$0x0], $0xffff  }
0x229: {  	v5 =	vld.idx.msk [tilespmem:v3+s4+$0x0], $0xffff  }
0x22a: {  	v6 =	vld.idx.msk [tilespmem:v3+s6+$0x0], $0xffff  }
0x22b: {  	v7 =	vld.idx.msk [tilespmem:v3+s7+$0x0], $0xffff;
	_ =	sdelay $0x3  }
0x22c: {  	v8 =	vmax.f32 v8, v4  }
0x22d: {  	v12 =	vld [tilespmem:s8+$0x5000];
	v9 =	vmax.f32 v9, v5;
	v10 =	vmin.f32 v10, v6;
	v11 =	vmin.f32 v11, v7  }
0x22e: {  	v3 =	vld.idx.msk [tilespmem:v3+s9+$0x0], $0xffff;
	v8 =	vsub.f32 v10, v8;
	v9 =	vsub.f32 v11, v9;
	_ =	sdelay $0x1  }
0x22f: {  	v8 =	vadd.f32 $1.000000000e+00, v8;
	v9 =	vadd.f32 $1.000000000e+00, v9;
	_ =	sdelay $0x1  }
0x230: {  	v8 =	vmax.f32 v8, $0.0e+00;
	v9 =	vmax.f32 v9, $0.0e+00  }
0x231: {  	v29 =	vadd.f32 v12, v3;
	v8 =	vmul.f32 v9, v8;
	_ =	sdelay $0x1  }
0x232: {  	v9 =	vsub.f32 v29, v8;
	_ =	sdelay $0x1  }
0x233: {  	(erf) = vrcp.f32 v9;
	_ =	sdelay $0x7  }
0x234: {  	v30 =	vld [tilespmem:$0x6400]  }
0x235: {  	v31 =	vpop (erf)  }
0x236: {  	v8 =	vmul.f32 v31, v8;
	_ =	sdelay $0x1  }
0x237: {  	vm0 =	vgt.f32 v8, $3.000000120e-01  }
0x238: {  	v8 =	vsel vm0, $0x0, v30  }
0x239: {  	[tilespmem:$0x6400] =	vst v8  }
0x23a: {  	v8 =	vld [tilespmem:s12+$0x0]  }
0x23b: {  	v32 =	vld [tilespmem:s12+$0x1400]  }
0x23c: {  	v33 =	vld [tilespmem:s12+$0x2800]  }
0x23d: {  	v34 =	vld [tilespmem:s12+$0x3C00];
	_ =	sdelay $0x3  }
0x23e: {  	v8 =	vmax.f32 v8, v4  }
0x23f: {  	v9 =	vmax.f32 v32, v5;
	v10 =	vmin.f32 v33, v6;
	v11 =	vmin.f32 v34, v7  }
0x240: {  	v35 =	vld [tilespmem:s12+$0x5000];
	v8 =	vsub.f32 v10, v8;
	v9 =	vsub.f32 v11, v9;
	_ =	sdelay $0x1  }
0x241: {  	v8 =	vadd.f32 $1.000000000e+00, v8;
	v9 =	vadd.f32 $1.000000000e+00, v9;
	_ =	sdelay $0x1  }
0x242: {  	v8 =	vmax.f32 v8, $0.0e+00;
	v9 =	vmax.f32 v9, $0.0e+00  }
0x243: {  	v36 =	vadd.f32 v35, v3;
	v8 =	vmul.f32 v9, v8;
	_ =	sdelay $0x1  }
0x244: {  	v9 =	vsub.f32 v36, v8;
	_ =	sdelay $0x1  }
0x245: {  	(erf) = vrcp.f32 v9;
	_ =	sdelay $0x7  }
0x246: {  	v37 =	vld [tilespmem:$0x6410]  }
0x247: {  	v38 =	vpop (erf)  }
0x248: {  	v8 =	vmul.f32 v38, v8;
	_ =	sdelay $0x1  }
0x249: {  	vm9 =	vgt.f32 v8, $3.000000120e-01  }
0x24a: {  	v8 =	vsel vm9, $0x0, v37  }
0x24b: {  	[tilespmem:$0x6410] =	vst v8  }
0x24c: {  	v8 =	vld [tilespmem:s13+$0x0]  }
0x24d: {  	v39 =	vld [tilespmem:s13+$0x1400]  }
0x24e: {  	v40 =	vld [tilespmem:s13+$0x2800]  }
0x24f: {  	v41 =	vld [tilespmem:s13+$0x3C00];
	_ =	sdelay $0x3  }
0x250: {  	v8 =	vmax.f32 v8, v4  }
0x251: {  	v9 =	vmax.f32 v39, v5;
	v10 =	vmin.f32 v40, v6;
	v11 =	vmin.f32 v41, v7  }
0x252: {  	v42 =	vld [tilespmem:s13+$0x5000];
	v8 =	vsub.f32 v10, v8;
	v9 =	vsub.f32 v11, v9;
	_ =	sdelay $0x1  }
0x253: {  	v8 =	vadd.f32 $1.000000000e+00, v8;
	v9 =	vadd.f32 $1.000000000e+00, v9;
	_ =	sdelay $0x1  }
0x254: {  	v8 =	vmax.f32 v8, $0.0e+00;
	v9 =	vmax.f32 v9, $0.0e+00  }
0x255: {  	v43 =	vadd.f32 v42, v3;
	v8 =	vmul.f32 v9, v8;
	_ =	sdelay $0x1  }
0x256: {  	v9 =	vsub.f32 v43, v8;
	_ =	sdelay $0x1  }
0x257: {  	(erf) = vrcp.f32 v9;
	_ =	sdelay $0x7  }
0x258: {  	v44 =	vld [tilespmem:$0x6420]  }
0x259: {  	v45 =	vpop (erf)  }
0x25a: {  	v8 =	vmul.f32 v45, v8;
	_ =	sdelay $0x1  }
0x25b: {  	vm10 =	vgt.f32 v8, $3.000000120e-01  }
0x25c: {  	v8 =	vsel vm10, $0x0, v44  }
0x25d: {  	[tilespmem:$0x6420] =	vst v8  }
0x25e: {  	v8 =	vld [tilespmem:s14+$0x0]  }
0x25f: {  	v46 =	vld [tilespmem:s14+$0x1400]  }
0x260: {  	v47 =	vld [tilespmem:s14+$0x2800]  }
0x261: {  	v48 =	vld [tilespmem:s14+$0x3C00];
	_ =	sdelay $0x3  }
0x262: {  	v8 =	vmax.f32 v8, v4  }
0x263: {  	v9 =	vmax.f32 v46, v5;
	v10 =	vmin.f32 v47, v6;
	v11 =	vmin.f32 v48, v7  }
0x264: {  	v49 =	vld [tilespmem:s14+$0x5000];
	v8 =	vsub.f32 v10, v8;
	v9 =	vsub.f32 v11, v9;
	_ =	sdelay $0x1  }
0x265: {  	v8 =	vadd.f32 $1.000000000e+00, v8;
	v9 =	vadd.f32 $1.000000000e+00, v9;
	_ =	sdelay $0x1  }
0x266: {  	v8 =	vmax.f32 v8, $0.0e+00;
	v9 =	vmax.f32 v9, $0.0e+00  }
0x267: {  	v50 =	vadd.f32 v49, v3;
	v8 =	vmul.f32 v9, v8;
	_ =	sdelay $0x1  }
0x268: {  	v9 =	vsub.f32 v50, v8;
	_ =	sdelay $0x1  }
0x269: {  	(erf) = vrcp.f32 v9;
	_ =	sdelay $0x7  }
0x26a: {  	v51 =	vld [tilespmem:$0x6430]  }
0x26b: {  	v52 =	vpop (erf)  }
0x26c: {  	v8 =	vmul.f32 v52, v8;
	_ =	sdelay $0x1  }
0x26d: {  	vm11 =	vgt.f32 v8, $3.000000120e-01  }
0x26e: {  	v8 =	vsel vm11, $0x0, v51  }
0x26f: {  	[tilespmem:$0x6430] =	vst v8  }
0x270: {  	v8 =	vld [tilespmem:s8+$0x40]  }
0x271: {  	v53 =	vld [tilespmem:s15+$0x1400]  }
0x272: {  	v54 =	vld [tilespmem:s15+$0x2800]  }
0x273: {  	v55 =	vld [tilespmem:s15+$0x3C00];
	_ =	sdelay $0x3  }
0x274: {  	v8 =	vmax.f32 v8, v4  }
0x275: {  	v9 =	vmax.f32 v53, v5;
	v10 =	vmin.f32 v54, v6;
	v11 =	vmin.f32 v55, v7  }
0x276: {  	v56 =	vld [tilespmem:s15+$0x5000];
	v8 =	vsub.f32 v10, v8;
	v9 =	vsub.f32 v11, v9;
	_ =	sdelay $0x1  }
0x277: {  	v8 =	vadd.f32 $1.000000000e+00, v8;
	v9 =	vadd.f32 $1.000000000e+00, v9;
	_ =	sdelay $0x1  }
0x278: {  	v8 =	vmax.f32 v8, $0.0e+00;
	v9 =	vmax.f32 v9, $0.0e+00  }
0x279: {  	v57 =	vadd.f32 v56, v3;
	v8 =	vmul.f32 v9, v8;
	_ =	sdelay $0x1  }
0x27a: {  	v9 =	vsub.f32 v57, v8;
	_ =	sdelay $0x1  }
0x27b: {  	(erf) = vrcp.f32 v9;
	_ =	sdelay $0x7  }
0x27c: {  	v58 =	vld [tilespmem:$0x6440]  }
0x27d: {  	v59 =	vpop (erf)  }
0x27e: {  	v8 =	vmul.f32 v59, v8;
	_ =	sdelay $0x1  }
0x27f: {  	vm12 =	vgt.f32 v8, $3.000000120e-01  }
0x280: {  	v8 =	vsel vm12, $0x0, v58  }
0x281: {  	[tilespmem:$0x6440] =	vst v8  }
0x282: {  	v8 =	vld [tilespmem:s8+$0x50]  }
0x283: {  	v60 =	vld [tilespmem:s16+$0x1400]  }
0x284: {  	v61 =	vld [tilespmem:s16+$0x2800]  }
0x285: {  	v62 =	vld [tilespmem:s16+$0x3C00];
	_ =	sdelay $0x3  }
0x286: {  	v8 =	vmax.f32 v8, v4  }
0x287: {  	v9 =	vmax.f32 v60, v5;
	v10 =	vmin.f32 v61, v6;
	v11 =	vmin.f32 v62, v7  }
0x288: {  	v63 =	vld [tilespmem:s16+$0x5000];
	v8 =	vsub.f32 v10, v8;
	v9 =	vsub.f32 v11, v9;
	_ =	sdelay $0x1  }
0x289: {  	v8 =	vadd.f32 $1.000000000e+00, v8;
	v9 =	vadd.f32 $1.000000000e+00, v9;
	_ =	sdelay $0x1  }
0x28a: {  	v8 =	vmax.f32 v8, $0.0e+00;
	v9 =	vmax.f32 v9, $0.0e+00  }
0x28b: {  	v15 =	vadd.f32 v63, v3;
	v8 =	vmul.f32 v9, v8;
	_ =	sdelay $0x1  }
0x28c: {  	v9 =	vsub.f32 v15, v8;
	_ =	sdelay $0x1  }
0x28d: {  	(erf) = vrcp.f32 v9;
	_ =	sdelay $0x7  }
0x28e: {  	v16 =	vld [tilespmem:$0x6450]  }
0x28f: {  	v17 =	vpop (erf)  }
0x290: {  	v8 =	vmul.f32 v17, v8;
	_ =	sdelay $0x1  }
0x291: {  	vm13 =	vgt.f32 v8, $3.000000120e-01  }
0x292: {  	v8 =	vsel vm13, $0x0, v16  }
0x293: {  	[tilespmem:$0x6450] =	vst v8  }
0x294: {  	v8 =	vld [tilespmem:s8+$0x60]  }
0x295: {  	v18 =	vld [tilespmem:s17+$0x1400]  }
0x296: {  	v19 =	vld [tilespmem:s17+$0x2800]  }
0x297: {  	v20 =	vld [tilespmem:s17+$0x3C00];
	_ =	sdelay $0x3  }
0x298: {  	v8 =	vmax.f32 v8, v4  }
0x299: {  	v9 =	vmax.f32 v18, v5;
	v10 =	vmin.f32 v19, v6;
	v11 =	vmin.f32 v20, v7  }
0x29a: {  	v21 =	vld [tilespmem:s17+$0x5000];
	v8 =	vsub.f32 v10, v8;
	v9 =	vsub.f32 v11, v9;
	_ =	sdelay $0x1  }
0x29b: {  	v8 =	vadd.f32 $1.000000000e+00, v8;
	v9 =	vadd.f32 $1.000000000e+00, v9;
	_ =	sdelay $0x1  }
0x29c: {  	v8 =	vmax.f32 v8, $0.0e+00;
	v9 =	vmax.f32 v9, $0.0e+00  }
0x29d: {  	v22 =	vadd.f32 v21, v3;
	v8 =	vmul.f32 v9, v8;
	_ =	sdelay $0x1  }
0x29e: {  	v9 =	vsub.f32 v22, v8;
	_ =	sdelay $0x1  }
0x29f: {  	(erf) = vrcp.f32 v9;
	_ =	sdelay $0x7  }
0x2a0: {  	v23 =	vld [tilespmem:$0x6460]  }
0x2a1: {  	v24 =	vpop (erf)  }
0x2a2: {  	v8 =	vmul.f32 v24, v8;
	_ =	sdelay $0x1  }
0x2a3: {  	vm14 =	vgt.f32 v8, $3.000000120e-01  }
0x2a4: {  	v8 =	vsel vm14, $0x0, v23  }
0x2a5: {  	[tilespmem:$0x6460] =	vst v8  }
0x2a6: {  	v8 =	vld [tilespmem:s8+$0x70]  }
0x2a7: {  	v25 =	vld [tilespmem:s18+$0x1400]  }
0x2a8: {  	v26 =	vld [tilespmem:s18+$0x2800]  }
0x2a9: {  	v27 =	vld [tilespmem:s18+$0x3C00];
	_ =	sdelay $0x3  }
0x2aa: {  	v8 =	vmax.f32 v8, v4  }
0x2ab: {  	v9 =	vmax.f32 v25, v5;
	v10 =	vmin.f32 v26, v6;
	v11 =	vmin.f32 v27, v7  }
0x2ac: {  	v28 =	vld [tilespmem:s18+$0x5000];
	v8 =	vsub.f32 v10, v8;
	v9 =	vsub.f32 v11, v9;
	_ =	sdelay $0x1  }
0x2ad: {  	v8 =	vadd.f32 $1.000000000e+00, v8;
	v9 =	vadd.f32 $1.000000000e+00, v9;
	_ =	sdelay $0x1  }
0x2ae: {  	v8 =	vmax.f32 v8, $0.0e+00;
	v9 =	vmax.f32 v9, $0.0e+00  }
0x2af: {  	v29 =	vadd.f32 v28, v3;
	v8 =	vmul.f32 v9, v8;
	_ =	sdelay $0x1  }
0x2b0: {  	v9 =	vsub.f32 v29, v8;
	_ =	sdelay $0x1  }
0x2b1: {  	(erf) = vrcp.f32 v9;
	_ =	sdelay $0x7  }
0x2b2: {  	v30 =	vld [tilespmem:$0x6470]  }
0x2b3: {  	v31 =	vpop (erf)  }
0x2b4: {  	v8 =	vmul.f32 v31, v8;
	_ =	sdelay $0x1  }
0x2b5: {  	vm15 =	vgt.f32 v8, $3.000000120e-01  }
0x2b6: {  	v8 =	vsel vm15, $0x0, v30  }
0x2b7: {  	[tilespmem:$0x6470] =	vst v8  }
0x2b8: {  	v8 =	vld [tilespmem:s8+$0x80]  }
0x2b9: {  	v32 =	vld [tilespmem:s19+$0x1400]  }
0x2ba: {  	v33 =	vld [tilespmem:s19+$0x2800]  }
0x2bb: {  	v34 =	vld [tilespmem:s19+$0x3C00];
	_ =	sdelay $0x3  }
0x2bc: {  	v8 =	vmax.f32 v8, v4  }
0x2bd: {  	v9 =	vmax.f32 v32, v5;
	v10 =	vmin.f32 v33, v6;
	v11 =	vmin.f32 v34, v7  }
0x2be: {  	v35 =	vld [tilespmem:s19+$0x5000];
	v8 =	vsub.f32 v10, v8;
	v9 =	vsub.f32 v11, v9;
	_ =	sdelay $0x1  }
0x2bf: {  	v8 =	vadd.f32 $1.000000000e+00, v8;
	v9 =	vadd.f32 $1.000000000e+00, v9;
	_ =	sdelay $0x1  }
0x2c0: {  	v8 =	vmax.f32 v8, $0.0e+00;
	v9 =	vmax.f32 v9, $0.0e+00  }
0x2c1: {  	v36 =	vadd.f32 v35, v3;
	v8 =	vmul.f32 v9, v8;
	_ =	sdelay $0x1  }
0x2c2: {  	v9 =	vsub.f32 v36, v8;
	_ =	sdelay $0x1  }
0x2c3: {  	(erf) = vrcp.f32 v9;
	_ =	sdelay $0x7  }
0x2c4: {  	v37 =	vld [tilespmem:$0x6480]  }
0x2c5: {  	v38 =	vpop (erf)  }
0x2c6: {  	v8 =	vmul.f32 v38, v8;
	_ =	sdelay $0x1  }
0x2c7: {  	vm4 =	vgt.f32 v8, $3.000000120e-01  }
0x2c8: {  	v8 =	vsel vm4, $0x0, v37  }
0x2c9: {  	[tilespmem:$0x6480] =	vst v8  }
0x2ca: {  	v8 =	vld [tilespmem:s8+$0x90]  }
0x2cb: {  	v39 =	vld [tilespmem:s20+$0x1400]  }
0x2cc: {  	v40 =	vld [tilespmem:s20+$0x2800]  }
0x2cd: {  	v41 =	vld [tilespmem:s20+$0x3C00];
	_ =	sdelay $0x3  }
0x2ce: {  	v8 =	vmax.f32 v8, v4  }
0x2cf: {  	v9 =	vmax.f32 v39, v5;
	v10 =	vmin.f32 v40, v6;
	v11 =	vmin.f32 v41, v7  }
0x2d0: {  	v42 =	vld [tilespmem:s20+$0x5000];
	v8 =	vsub.f32 v10, v8;
	v9 =	vsub.f32 v11, v9;
	_ =	sdelay $0x1  }
0x2d1: {  	v8 =	vadd.f32 $1.000000000e+00, v8;
	v9 =	vadd.f32 $1.000000000e+00, v9;
	_ =	sdelay $0x1  }
0x2d2: {  	v8 =	vmax.f32 v8, $0.0e+00;
	v9 =	vmax.f32 v9, $0.0e+00  }
0x2d3: {  	v43 =	vadd.f32 v42, v3;
	v8 =	vmul.f32 v9, v8;
	_ =	sdelay $0x1  }
0x2d4: {  	v9 =	vsub.f32 v43, v8;
	_ =	sdelay $0x1  }
0x2d5: {  	(erf) = vrcp.f32 v9;
	_ =	sdelay $0x7  }
0x2d6: {  	v44 =	vld [tilespmem:$0x6490]  }
0x2d7: {  	v45 =	vpop (erf)  }
0x2d8: {  	v8 =	vmul.f32 v45, v8;
	_ =	sdelay $0x1  }
0x2d9: {  	vm5 =	vgt.f32 v8, $3.000000120e-01  }
0x2da: {  	v8 =	vsel vm5, $0x0, v44  }
0x2db: {  	[tilespmem:$0x6490] =	vst v8  }
0x2dc: {  	v8 =	vld [tilespmem:s8+$0xA0]  }
0x2dd: {  	v46 =	vld [tilespmem:s21+$0x1400]  }
0x2de: {  	v47 =	vld [tilespmem:s21+$0x2800]  }
0x2df: {  	v48 =	vld [tilespmem:s21+$0x3C00];
	_ =	sdelay $0x3  }
0x2e0: {  	v8 =	vmax.f32 v8, v4  }
0x2e1: {  	v9 =	vmax.f32 v46, v5;
	v10 =	vmin.f32 v47, v6;
	v11 =	vmin.f32 v48, v7  }
0x2e2: {  	v49 =	vld [tilespmem:s21+$0x5000];
	v8 =	vsub.f32 v10, v8;
	v9 =	vsub.f32 v11, v9;
	_ =	sdelay $0x1  }
0x2e3: {  	v8 =	vadd.f32 $1.000000000e+00, v8;
	v9 =	vadd.f32 $1.000000000e+00, v9;
	_ =	sdelay $0x1  }
0x2e4: {  	v8 =	vmax.f32 v8, $0.0e+00;
	v9 =	vmax.f32 v9, $0.0e+00  }
0x2e5: {  	v50 =	vadd.f32 v49, v3;
	v8 =	vmul.f32 v9, v8;
	_ =	sdelay $0x1  }
0x2e6: {  	v9 =	vsub.f32 v50, v8;
	_ =	sdelay $0x1  }
0x2e7: {  	(erf) = vrcp.f32 v9;
	_ =	sdelay $0x7  }
0x2e8: {  	v51 =	vld [tilespmem:$0x64A0]  }
0x2e9: {  	v52 =	vpop (erf)  }
0x2ea: {  	v8 =	vmul.f32 v52, v8;
	_ =	sdelay $0x1  }
0x2eb: {  	vm6 =	vgt.f32 v8, $3.000000120e-01  }
0x2ec: {  	v8 =	vsel vm6, $0x0, v51  }
0x2ed: {  	[tilespmem:$0x64A0] =	vst v8  }
0x2ee: {  	v8 =	vld [tilespmem:s8+$0xB0]  }
0x2ef: {  	v53 =	vld [tilespmem:s22+$0x1400]  }
0x2f0: {  	v54 =	vld [tilespmem:s22+$0x2800]  }
0x2f1: {  	v55 =	vld [tilespmem:s22+$0x3C00];
	_ =	sdelay $0x3  }
0x2f2: {  	v8 =	vmax.f32 v8, v4  }
0x2f3: {  	v9 =	vmax.f32 v53, v5;
	v10 =	vmin.f32 v54, v6;
	v11 =	vmin.f32 v55, v7  }
0x2f4: {  	v56 =	vld [tilespmem:s22+$0x5000];
	v8 =	vsub.f32 v10, v8;
	v9 =	vsub.f32 v11, v9;
	_ =	sdelay $0x1  }
0x2f5: {  	v8 =	vadd.f32 $1.000000000e+00, v8;
	v9 =	vadd.f32 $1.000000000e+00, v9;
	_ =	sdelay $0x1  }
0x2f6: {  	v8 =	vmax.f32 v8, $0.0e+00;
	v9 =	vmax.f32 v9, $0.0e+00  }
0x2f7: {  	v57 =	vadd.f32 v56, v3;
	v8 =	vmul.f32 v9, v8;
	_ =	sdelay $0x1  }
0x2f8: {  	v9 =	vsub.f32 v57, v8;
	_ =	sdelay $0x1  }
0x2f9: {  	(erf) = vrcp.f32 v9;
	_ =	sdelay $0x7  }
0x2fa: {  	v58 =	vld [tilespmem:$0x64B0]  }
0x2fb: {  	v59 =	vpop (erf)  }
0x2fc: {  	v8 =	vmul.f32 v59, v8;
	_ =	sdelay $0x1  }
0x2fd: {  	vm7 =	vgt.f32 v8, $3.000000120e-01  }
0x2fe: {  	v8 =	vsel vm7, $0x0, v58  }
0x2ff: {  	[tilespmem:$0x64B0] =	vst v8  }
0x300: {  	v8 =	vld [tilespmem:s8+$0xC0]  }
0x301: {  	v60 =	vld [tilespmem:s23+$0x1400]  }
0x302: {  	v61 =	vld [tilespmem:s23+$0x2800]  }
0x303: {  	v62 =	vld [tilespmem:s23+$0x3C00];
	_ =	sdelay $0x3  }
0x304: {  	v8 =	vmax.f32 v8, v4  }
0x305: {  	v9 =	vmax.f32 v60, v5;
	v10 =	vmin.f32 v61, v6;
	v11 =	vmin.f32 v62, v7  }
0x306: {  	v63 =	vld [tilespmem:s23+$0x5000];
	v8 =	vsub.f32 v10, v8;
	v9 =	vsub.f32 v11, v9;
	_ =	sdelay $0x1  }
0x307: {  	v8 =	vadd.f32 $1.000000000e+00, v8;
	v9 =	vadd.f32 $1.000000000e+00, v9;
	_ =	sdelay $0x1  }
0x308: {  	v8 =	vmax.f32 v8, $0.0e+00;
	v9 =	vmax.f32 v9, $0.0e+00  }
0x309: {  	v14 =	vadd.f32 v63, v3;
	v8 =	vmul.f32 v9, v8;
	_ =	sdelay $0x1  }
0x30a: {  	v9 =	vsub.f32 v14, v8;
	_ =	sdelay $0x1  }
0x30b: {  	(erf) = vrcp.f32 v9;
	_ =	sdelay $0x7  }
0x30c: {  	v15 =	vld [tilespmem:$0x64C0]  }
0x30d: {  	v16 =	vpop (erf)  }
0x30e: {  	v8 =	vmul.f32 v16, v8;
	_ =	sdelay $0x1  }
0x30f: {  	vm8 =	vgt.f32 v8, $3.000000120e-01  }
0x310: {  	v8 =	vsel vm8, $0x0, v15  }
0x311: {  	[tilespmem:$0x64C0] =	vst v8  }
0x312: {  	v8 =	vld [tilespmem:s8+$0xD0]  }
0x313: {  	v17 =	vld [tilespmem:s25+$0x1400]  }
0x314: {  	v18 =	vld [tilespmem:s25+$0x2800]  }
0x315: {  	v19 =	vld [tilespmem:s25+$0x3C00];
	_ =	sdelay $0x3  }
0x316: {  	v8 =	vmax.f32 v8, v4  }
0x317: {  	v9 =	vmax.f32 v17, v5;
	v10 =	vmin.f32 v18, v6;
	v11 =	vmin.f32 v19, v7  }
0x318: {  	v20 =	vld [tilespmem:s25+$0x5000];
	v8 =	vsub.f32 v10, v8;
	v9 =	vsub.f32 v11, v9;
	_ =	sdelay $0x1  }
0x319: {  	v8 =	vadd.f32 $1.000000000e+00, v8;
	v9 =	vadd.f32 $1.000000000e+00, v9;
	_ =	sdelay $0x1  }
0x31a: {  	v8 =	vmax.f32 v8, $0.0e+00;
	v9 =	vmax.f32 v9, $0.0e+00  }
0x31b: {  	v21 =	vadd.f32 v20, v3;
	v8 =	vmul.f32 v9, v8;
	_ =	sdelay $0x1  }
0x31c: {  	v9 =	vsub.f32 v21, v8;
	_ =	sdelay $0x1  }
0x31d: {  	(erf) = vrcp.f32 v9;
	_ =	sdelay $0x7  }
0x31e: {  	v22 =	vld [tilespmem:$0x64D0]  }
0x31f: {  	v23 =	vpop (erf)  }
0x320: {  	v8 =	vmul.f32 v23, v8;
	_ =	sdelay $0x1  }
0x321: {  	vm9 =	vgt.f32 v8, $3.000000120e-01  }
0x322: {  	v8 =	vsel vm9, $0x0, v22  }
0x323: {  	[tilespmem:$0x64D0] =	vst v8  }
0x324: {  	v8 =	vld [tilespmem:s8+$0xE0]  }
0x325: {  	v24 =	vld [tilespmem:s26+$0x1400]  }
0x326: {  	v25 =	vld [tilespmem:s26+$0x2800]  }
0x327: {  	v26 =	vld [tilespmem:s26+$0x3C00];
	_ =	sdelay $0x3  }
0x328: {  	v8 =	vmax.f32 v8, v4  }
0x329: {  	v9 =	vmax.f32 v24, v5;
	v10 =	vmin.f32 v25, v6;
	v11 =	vmin.f32 v26, v7  }
0x32a: {  	v27 =	vld [tilespmem:s26+$0x5000];
	v8 =	vsub.f32 v10, v8;
	v9 =	vsub.f32 v11, v9;
	_ =	sdelay $0x1  }
0x32b: {  	v8 =	vadd.f32 $1.000000000e+00, v8;
	v9 =	vadd.f32 $1.000000000e+00, v9;
	_ =	sdelay $0x1  }
0x32c: {  	v8 =	vmax.f32 v8, $0.0e+00;
	v9 =	vmax.f32 v9, $0.0e+00  }
0x32d: {  	v28 =	vadd.f32 v27, v3;
	v8 =	vmul.f32 v9, v8;
	_ =	sdelay $0x1  }
0x32e: {  	v9 =	vsub.f32 v28, v8;
	_ =	sdelay $0x1  }
0x32f: {  	(erf) = vrcp.f32 v9;
	_ =	sdelay $0x7  }
0x330: {  	v29 =	vld [tilespmem:$0x64E0]  }
0x331: {  	v30 =	vpop (erf)  }
0x332: {  	v8 =	vmul.f32 v30, v8;
	_ =	sdelay $0x1  }
0x333: {  	vm10 =	vgt.f32 v8, $3.000000120e-01  }
0x334: {  	v8 =	vsel vm10, $0x0, v29  }
0x335: {  	[tilespmem:$0x64E0] =	vst v8  }
0x336: {  	v8 =	vld [tilespmem:s8+$0xF0]  }
0x337: {  	v31 =	vld [tilespmem:s28+$0x1400]  }
0x338: {  	v32 =	vld [tilespmem:s28+$0x2800]  }
0x339: {  	v33 =	vld [tilespmem:s28+$0x3C00];
	_ =	sdelay $0x3  }
0x33a: {  	v8 =	vmax.f32 v8, v4  }
0x33b: {  	v9 =	vmax.f32 v31, v5;
	v10 =	vmin.f32 v32, v6;
	v11 =	vmin.f32 v33, v7  }
0x33c: {  	v34 =	vld [tilespmem:s28+$0x5000];
	v8 =	vsub.f32 v10, v8;
	v9 =	vsub.f32 v11, v9;
	_ =	sdelay $0x1  }
0x33d: {  	v8 =	vadd.f32 $1.000000000e+00, v8;
	v9 =	vadd.f32 $1.000000000e+00, v9;
	_ =	sdelay $0x1  }
0x33e: {  	v8 =	vmax.f32 v8, $0.0e+00;
	v9 =	vmax.f32 v9, $0.0e+00  }
0x33f: {  	v35 =	vadd.f32 v34, v3;
	v8 =	vmul.f32 v9, v8;
	_ =	sdelay $0x1  }
0x340: {  	v9 =	vsub.f32 v35, v8;
	_ =	sdelay $0x1  }
0x341: {  	(erf) = vrcp.f32 v9;
	_ =	sdelay $0x7  }
0x342: {  	v36 =	vld [tilespmem:$0x64F0]  }
0x343: {  	v37 =	vpop (erf)  }
0x344: {  	v8 =	vmul.f32 v37, v8;
	_ =	sdelay $0x1  }
0x345: {  	vm11 =	vgt.f32 v8, $3.000000120e-01  }
0x346: {  	v8 =	vsel vm11, $0x0, v36  }
0x347: {  	[tilespmem:$0x64F0] =	vst v8  }
0x348: {  	v8 =	vld [tilespmem:s8+$0x100]  }
0x349: {  	v38 =	vld [tilespmem:s29+$0x1400]  }
0x34a: {  	v39 =	vld [tilespmem:s29+$0x2800]  }
0x34b: {  	v40 =	vld [tilespmem:s29+$0x3C00];
	_ =	sdelay $0x3  }
0x34c: {  	v8 =	vmax.f32 v8, v4  }
0x34d: {  	v9 =	vmax.f32 v38, v5;
	v10 =	vmin.f32 v39, v6;
	v11 =	vmin.f32 v40, v7  }
0x34e: {  	v41 =	vld [tilespmem:s29+$0x5000];
	v8 =	vsub.f32 v10, v8;
	v9 =	vsub.f32 v11, v9;
	_ =	sdelay $0x1  }
0x34f: {  	v8 =	vadd.f32 $1.000000000e+00, v8;
	v9 =	vadd.f32 $1.000000000e+00, v9;
	_ =	sdelay $0x1  }
0x350: {  	v8 =	vmax.f32 v8, $0.0e+00;
	v9 =	vmax.f32 v9, $0.0e+00  }
0x351: {  	v42 =	vadd.f32 v41, v3;
	v8 =	vmul.f32 v9, v8;
	_ =	sdelay $0x1  }
0x352: {  	v9 =	vsub.f32 v42, v8;
	_ =	sdelay $0x1  }
0x353: {  	(erf) = vrcp.f32 v9;
	_ =	sdelay $0x7  }
0x354: {  	v43 =	vld [tilespmem:$0x6500]  }
0x355: {  	v44 =	vpop (erf)  }
0x356: {  	v8 =	vmul.f32 v44, v8;
	_ =	sdelay $0x1  }
0x357: {  	vm12 =	vgt.f32 v8, $3.000000120e-01  }
0x358: {  	v8 =	vsel vm12, $0x0, v43  }
0x359: {  	[tilespmem:$0x6500] =	vst v8  }
0x35a: {  	v8 =	vld [tilespmem:s8+$0x110]  }
0x35b: {  	v45 =	vld [tilespmem:s30+$0x1400]  }
0x35c: {  	v46 =	vld [tilespmem:s30+$0x2800]  }
0x35d: {  	v47 =	vld [tilespmem:s30+$0x3C00];
	_ =	sdelay $0x3  }
0x35e: {  	v8 =	vmax.f32 v8, v4  }
0x35f: {  	v9 =	vmax.f32 v45, v5;
	v10 =	vmin.f32 v46, v6;
	v11 =	vmin.f32 v47, v7  }
0x360: {  	v48 =	vld [tilespmem:s30+$0x5000];
	v8 =	vsub.f32 v10, v8;
	v9 =	vsub.f32 v11, v9;
	_ =	sdelay $0x1  }
0x361: {  	v8 =	vadd.f32 $1.000000000e+00, v8;
	v9 =	vadd.f32 $1.000000000e+00, v9;
	_ =	sdelay $0x1  }
0x362: {  	v8 =	vmax.f32 v8, $0.0e+00;
	v9 =	vmax.f32 v9, $0.0e+00  }
0x363: {  	v49 =	vadd.f32 v48, v3;
	v8 =	vmul.f32 v9, v8;
	_ =	sdelay $0x1  }
0x364: {  	v9 =	vsub.f32 v49, v8;
	_ =	sdelay $0x1  }
0x365: {  	(erf) = vrcp.f32 v9;
	_ =	sdelay $0x7  }
0x366: {  	v50 =	vld [tilespmem:$0x6510]  }
0x367: {  	v51 =	vpop (erf)  }
0x368: {  	v8 =	vmul.f32 v51, v8;
	_ =	sdelay $0x1  }
0x369: {  	vm13 =	vgt.f32 v8, $3.000000120e-01  }
0x36a: {  	v8 =	vsel vm13, $0x0, v50  }
0x36b: {  	[tilespmem:$0x6510] =	vst v8  }
0x36c: {  	v8 =	vld [tilespmem:s8+$0x120]  }
0x36d: {  	v52 =	vld [tilespmem:s31+$0x1400]  }
0x36e: {  	v53 =	vld [tilespmem:s31+$0x2800]  }
0x36f: {  	v54 =	vld [tilespmem:s31+$0x3C00];
	_ =	sdelay $0x3  }
0x370: {  	v8 =	vmax.f32 v8, v4  }
0x371: {  	v9 =	vmax.f32 v52, v5;
	v10 =	vmin.f32 v53, v6;
	v11 =	vmin.f32 v54, v7  }
0x372: {  	v55 =	vld [tilespmem:s31+$0x5000];
	v8 =	vsub.f32 v10, v8;
	v9 =	vsub.f32 v11, v9;
	_ =	sdelay $0x1  }
0x373: {  	v8 =	vadd.f32 $1.000000000e+00, v8;
	v9 =	vadd.f32 $1.000000000e+00, v9;
	_ =	sdelay $0x1  }
0x374: {  	v8 =	vmax.f32 v8, $0.0e+00;
	v9 =	vmax.f32 v9, $0.0e+00  }
0x375: {  	v56 =	vadd.f32 v55, v3;
	v8 =	vmul.f32 v9, v8;
	_ =	sdelay $0x1  }
0x376: {  	v9 =	vsub.f32 v56, v8;
	_ =	sdelay $0x1  }
0x377: {  	(erf) = vrcp.f32 v9;
	_ =	sdelay $0x7  }
0x378: {  	v57 =	vld [tilespmem:$0x6520]  }
0x379: {  	v58 =	vpop (erf)  }
0x37a: {  	v8 =	vmul.f32 v58, v8;
	_ =	sdelay $0x1  }
0x37b: {  	vm14 =	vgt.f32 v8, $3.000000120e-01  }
0x37c: {  	v8 =	vsel vm14, $0x0, v57  }
0x37d: {  	[tilespmem:$0x6520] =	vst v8  }
0x37e: {  	v8 =	vld [tilespmem:s8+$0x130]  }
0x37f: {  	v59 =	vld [tilespmem:s0+$0x1400]  }
0x380: {  	v60 =	vld [tilespmem:s0+$0x2800]  }
0x381: {  	v61 =	vld [tilespmem:s0+$0x3C00];
	_ =	sdelay $0x3  }
0x382: {  	v4 =	vmax.f32 v8, v4  }
0x383: {  	v5 =	vmax.f32 v59, v5;
	v6 =	vmin.f32 v60, v6;
	v7 =	vmin.f32 v61, v7  }
0x384: {  	v62 =	vld [tilespmem:s0+$0x5000];
	v4 =	vsub.f32 v6, v4;
	v5 =	vsub.f32 v7, v5;
	_ =	sdelay $0x1  }
0x385: {  	v4 =	vadd.f32 $1.000000000e+00, v4;
	v5 =	vadd.f32 $1.000000000e+00, v5;
	_ =	sdelay $0x1  }
0x386: {  	v4 =	vmax.f32 v4, $0.0e+00;
	v5 =	vmax.f32 v5, $0.0e+00  }
0x387: {  	v3 =	vadd.f32 v62, v3;
	v4 =	vmul.f32 v5, v4;
	_ =	sdelay $0x1  }
0x388: {  	v3 =	vsub.f32 v3, v4;
	_ =	sdelay $0x1  }
0x389: {  	(erf) = vrcp.f32 v3;
	_ =	sdelay $0x7  }
0x38a: {  	v3 =	vld [tilespmem:$0x6530]  }
0x38b: {  	v63 =	vpop (erf)  }
.Ltmp15:
0x38c: {  	v4 =	vmul.f32 v63, v4;
	(pc) =	sbr.rel .LBB2_13-.Ltmp15, $4  }
0x38d: {  	_ = 	snop  }
0x38e: {  	vm15 =	vgt.f32 v4, $3.000000120e-01  }
0x38f: {  	v3 =	vsel vm15, $0x0, v3  }
0x390: {  	[tilespmem:$0x6530] =	vst v3  }
.LBB2_16:
0x391: {  	s0 =	rddreg [dreg:$0x3]  }
0x392: {  	s1 =	rddreg [dreg:$0x4];
	s29 =	simm.s32 $0x0  }
0x393: {  	s2 =	simm.s32 $0x6580;
	s30 =	simm.s32 $0x1;
	s0 =	sadd.s32 s1, s0  }
0x394: {  	[hbm4b:s0+s29] =	stream.linear.scatter [tilespmem:s2], [sflag:$0x1], $0x140, $0x38;
	[tilespmem:$0x69C0] =	vst v63  }
0x395: {  	_ =	swait.ge [sflag:s30], $0x140  }
0x396: {  	[sflag:s30] =	ssyncset.done $0x0  }
0x397: {  	[sflag:s30] =	ssyncadd.s32 $0xFFFFFEC0  }
0x398: {  	_ =	sfence.sel $0x180000  }
0x399: {  	[bflag:$0x0] =	sbarrier.arrive $0xFFFF  }
0x39a: {  	_ =	strace $0x90000050  }
0x39b: {  	s31 =	stileid.u32;
	[bflag:$0x2] =	sbarrier.arrive $0xFFFF  }
0x39c: {  	p0 =	sne.s32 s31, $0x0;
	s0 =	rddreg [dreg:$0x2]  }
0x39d: {  	s0 =	sadd.s32 @!p0 $0x100000, s0  }
0x39e: {  	[sflag:s0] =	ssyncadd.tile.s32 @!p0 $0x1;
	_ =	shalt  }
.Lfunc_end2:
_tile_overlayer_lowered:
.L_overlay_start_2:
0x39f: {  	(tag) =	ssettag $0x2  }
0x3a0: {  	s0 =	rddreg [dreg:$0x0];
	s2 =	stileid.u32  }
0x3a1: {  	s1 =	rddreg [dreg:$0x1];
	p0 =	sne.s32 s2, $0x0  }
0x3a2: {  	s3 =	rddreg [dreg:$0x2];
	[bflag:$0x3] =	sbarrier.arrive $0xFFFF;
	s2 =	simm.s32 @!p0 $0x1C01  }
0x3a3: {  	[timem:s3], [sflag:s2] =	dma.local @!p0 [hbm:s0], s1  }
0x3a4: {  	s0 =	simm.s32 @!p0 $0x1  }
0x3a5: {  	_ =	swait.ge @!p0 [sflag:s0], s1  }
0x3a6: {  	s1 =	ssub.s32 @!p0 $0x0, s1;
	[sflag:s0] =	ssyncset.done @!p0 $0x0  }
0x3a7: {  	[sflag:s0] =	ssyncadd.s32 @!p0 s1  }
0x3a8: {  	[bflag:$0x3] =	sbarrier.arrive $0xFFFF  }
0x3a9: {  	_ =	shalt  }

</sc_bundles>
